<compile_context>
chip_gen: v7x
topology: tpu7x:2x2x1
jax: 0.10.2.dev20260603
libtpu: 0.0.44.dev20260713+nightly
codegen_flags: <defaults>
</compile_context>

<pallas_src>
import dataclasses

import jax
import jax.numpy as jnp
from jax import lax
from jax.experimental import pallas as pl
from jax.experimental.pallas import tpu as pltpu
from jax.experimental.pallas import tpu_sc as plsc

D = 128
L = 16
NC, NS = 2, 16
NW = NC * NS
C = 80
B = 400


def _normalize_body(z_ref, zn_ref):
    z = z_ref[...]
    norm = jnp.sqrt(jnp.sum(z * z, axis=1, keepdims=True))
    zn_ref[...] = (z / jnp.maximum(norm, 1e-12)).astype(jnp.bfloat16)


def _sc_body(zn_bf_hbm, zn_i32_hbm, src_hbm, dst_hbm, out_hbm,
             table, idx_src, idx_dst, s0, d0, s1, d1, scores, accbuf,
             stage_bf, stage_i32, sem0, sem1):
    n = zn_i32_hbm.shape[0]
    per_w = out_hbm.shape[0] // NW
    cid = lax.axis_index("c")
    sid = lax.axis_index("s")
    wid = sid * NC + cid
    base = wid * per_w
    lane = lax.iota(jnp.int32, L)

    sc_rows = stage_bf.shape[0]
    slab = ((n // NS) // 16 + 1) * 16
    start = sid * slab

    @pl.loop(0, slab // sc_rows)
    def _stage(si):
        r0 = start + si * sc_rows

        @pl.when(r0 < n)
        def _do():
            pltpu.sync_copy(zn_bf_hbm.at[pl.ds(r0, sc_rows)], stage_bf)

            @pl.loop(0, sc_rows)
            def _row(r):
                for c in range(D // (2 * L)):
                    v = stage_bf[r, pl.ds(c * 2 * L, 2 * L)]
                    stage_i32[r, pl.ds(c * L, L)] = plsc.bitcast(v, jnp.int32)

            pltpu.sync_copy(stage_i32, table.at[pl.ds(r0, sc_rows)])
    plsc.subcore_barrier()

    def issue(ci, sbuf, dbuf, sem):
        o = ci * C
        pltpu.async_copy(table.at[idx_src.at[pl.ds(o, C)]], sbuf, sem)
        pltpu.async_copy(table.at[idx_dst.at[pl.ds(o, C)]], dbuf, sem)

    def wait(ci_buf, sem):
        sbuf, dbuf = ci_buf
        pltpu.make_async_copy(zn_i32_hbm.at[pl.ds(0, C)], sbuf, sem).wait()
        pltpu.make_async_copy(zn_i32_hbm.at[pl.ds(0, C)], dbuf, sem).wait()

    def compute(ci, sbuf, dbuf):
        @pl.loop(0, C // L)
        def _group(g):
            for j in range(L):
                e = g * L + j
                acc = None
                for c in range(D // (2 * L)):
                    a = plsc.bitcast(sbuf[e, pl.ds(c * L, L)], jnp.bfloat16)
                    b = plsc.bitcast(dbuf[e, pl.ds(c * L, L)], jnp.bfloat16)
                    p = a * b
                    acc = p if acc is None else acc + p
                lo, hi = plsc.unpack(acc, format=plsc.PackFormat.INTERLEAVED)
                accbuf[j, pl.ds(0, L)] = lo + hi
            cols = [
                plsc.load_gather(
                    accbuf, [lane, jnp.full((L,), c, jnp.int32)])
                for c in range(L)
            ]
            while len(cols) > 1:
                cols = [a + b for a, b in zip(cols[::2], cols[1::2])]
            scores[pl.ds(ci * C + g * L, L)] = jnp.exp(2.0 * cols[0] - 2.0)

    nch = B // C

    @pl.loop(0, per_w // B)
    def _block(blk):
        bbase = base + blk * B
        pltpu.sync_copy(src_hbm.at[pl.ds(bbase, B)], idx_src)
        pltpu.sync_copy(dst_hbm.at[pl.ds(bbase, B)], idx_dst)

        issue(0, s0, d0, sem0)

        @pl.loop(0, nch // 2)
        def _pair(it):
            i = 2 * it
            issue(i + 1, s1, d1, sem1)
            wait((s0, d0), sem0)
            compute(i, s0, d0)
            issue(i + 2, s0, d0, sem0)
            wait((s1, d1), sem1)
            compute(i + 1, s1, d1)

        wait((s0, d0), sem0)
        compute(nch - 1, s0, d0)

        pltpu.sync_copy(scores, out_hbm.at[pl.ds(bbase, B)])


def kernel(z, edge_index):
    n, d = z.shape
    e = edge_index.shape[1]
    assert d == D and e % (NW * B) == 0 and (B // C) % 2 == 1 and n % C == 0

    zn = pl.pallas_call(
        _normalize_body,
        out_shape=jax.ShapeDtypeStruct((n, d), jnp.bfloat16),
    )(z)
    zn_i32 = jax.lax.bitcast_convert_type(
        zn.reshape(n, d // 2, 2), jnp.int32)

    idx = edge_index.astype(jnp.int32)
    src = idx[0]
    dst = idx[1]

    cp = pltpu.CompilerParams(use_tc_tiling_on_sc=False)
    if "needs_layout_passes" in pltpu.CompilerParams.__dataclass_fields__:
        cp = dataclasses.replace(cp, needs_layout_passes=False)

    mesh = plsc.VectorSubcoreMesh(core_axis_name="c", subcore_axis_name="s")
    sc_kernel = pl.kernel(
        _sc_body,
        out_type=jax.ShapeDtypeStruct((e,), jnp.float32),
        mesh=mesh,
        scratch_types=[
            pltpu.VMEM_SHARED((n, D // 2), jnp.int32),
            pltpu.VMEM((B,), jnp.int32),
            pltpu.VMEM((B,), jnp.int32),
            pltpu.VMEM((C, D // 2), jnp.int32),
            pltpu.VMEM((C, D // 2), jnp.int32),
            pltpu.VMEM((C, D // 2), jnp.int32),
            pltpu.VMEM((C, D // 2), jnp.int32),
            pltpu.VMEM((B,), jnp.float32),
            pltpu.VMEM((L, L), jnp.float32),
            pltpu.VMEM((C, D), jnp.bfloat16),
            pltpu.VMEM((C, D // 2), jnp.int32),
            pltpu.SemaphoreType.DMA,
            pltpu.SemaphoreType.DMA,
        ],
        compiler_params=cp,
    )
    return sc_kernel(zn, zn_i32, src, dst)

# --- scband reference (transcript-rebuilt; emitter-appended) ---
"""Pipeline reference for scband-link-prediction-decoder-14637248545241 (READ-ONLY COPY).

The authoritative reference and input builder live on the scoring server;
editing this copy changes nothing except your own understanding.
"""

import jax, jax.numpy as jnp
import numpy as np

GAMMA = 1.0

def setup_inputs(seed: int = 0) -> dict:
    key = jax.random.key(seed)
    k1, k2 = jax.random.split(key)
    z = jax.random.normal(k1, (10000, 128), dtype=jnp.float32)
    edge_index = jax.random.randint(k2, (2, 320000), 0, 10000, dtype=jnp.int64)
    return {"z": z, "edge_index": edge_index}

def reference(z, edge_index):
    source = edge_index[0]
    target = edge_index[1]
    # F.normalize(z, p=2, dim=1, eps=1e-12): divide by norm clamped to min eps
    norm = jnp.linalg.norm(z, ord=2, axis=1, keepdims=True)
    zn = z / jnp.maximum(norm, 1e-12)
    z_source = jnp.take(zn, source, axis=0)
    z_target = jnp.take(zn, target, axis=0)
    # rbf_kernel(a, b) = exp(-gamma * ||a - b||^2)
    sq_dist = jnp.sum((z_source - z_target) ** 2, axis=1)
    score = jnp.exp(-GAMMA * sq_dist)
    return score

if __name__ == "__main__":
    import jax
    _d = setup_inputs()
    print(jax.jit(kernel)(*tuple(_d.values())))

</pallas_src>

<mosaic_0001>
#map = affine_map<(d0, d1) -> (0, 0)>
#map1 = affine_map<(d0, d1) -> (0)>
module attributes {stable_mosaic.version = 14 : i64} {
  func.func @_sc_body(%arg0: i32, %arg1: i32, %arg2: memref<10000x128xbf16, #tpu.memory_space<hbm>>, %arg3: memref<10000x64xi32, #tpu.memory_space<hbm>>, %arg4: memref<320000xi32, #tpu.memory_space<hbm>>, %arg5: memref<320000xi32, #tpu.memory_space<hbm>>, %arg6: memref<320000xf32, #tpu.memory_space<hbm>>, %arg7: memref<10000x64xi32, #tpu.memory_space<vmem_shared>>, %arg8: memref<400xi32, #tpu.memory_space<vmem>>, %arg9: memref<400xi32, #tpu.memory_space<vmem>>, %arg10: memref<80x64xi32, #tpu.memory_space<vmem>>, %arg11: memref<80x64xi32, #tpu.memory_space<vmem>>, %arg12: memref<80x64xi32, #tpu.memory_space<vmem>>, %arg13: memref<80x64xi32, #tpu.memory_space<vmem>>, %arg14: memref<400xf32, #tpu.memory_space<vmem>>, %arg15: memref<16x16xf32, #tpu.memory_space<vmem>>, %arg16: memref<80x128xbf16, #tpu.memory_space<vmem>>, %arg17: memref<80x64xi32, #tpu.memory_space<vmem>>, %arg18: memref<!tpu.dma_semaphore, #tpu.memory_space<semaphore_mem>>, %arg19: memref<!tpu.dma_semaphore, #tpu.memory_space<semaphore_mem>>) attributes {dimension_semantics = [#tpu.dimension_semantics<core_parallel>, #tpu.dimension_semantics<subcore_parallel>], iteration_bounds = array<i64: 2, 16>, scalar_prefetch = 0 : i64, scratch_operands = 13 : i64, tpu.core_type = #tpu.core_type<sc_vector_subcore>, window_params = [{transform_indices = #map}, {transform_indices = #map}, {transform_indices = #map1}, {transform_indices = #map1}, {transform_indices = #map1}]} {
    %mul3A = arith.constant 2 : i32
    %mul3A_0 = arith.muli %arg1, %mul3A : i32
    %add3A = arith.addi %mul3A_0, %arg0 : i32
    %mul3A_1 = arith.constant 10000 : i32
    %mul3A_2 = arith.muli %add3A, %mul3A_1 : i32
    %iota3A = tpu.iota {dimensions = array<i32: 0>} : vector<16xi32>
    %mul3A_3 = arith.constant 640 : i32
    %mul3A_4 = arith.muli %arg1, %mul3A_3 : i32
    %scan3A = arith.constant 0 : i32
    %scan3A_5 = arith.constant 8 : i32
    %scan3A_6 = arith.addi %scan3A, %scan3A_5 : i32
    %scan3A_7 = arith.constant 1 : i32
    scf.for %scan3A_14 = %scan3A to %scan3A_6 step %scan3A_7  : i32 {
      %mul3A_15 = arith.constant 1 : i32
      %mul3A_16 = arith.muli %scan3A_14, %mul3A_15 : i32
      %add3A_17 = arith.constant 0 : i32
      %add3A_18 = arith.addi %add3A_17, %mul3A_16 : i32
      %mul3A_19 = arith.constant 80 : i32
      %mul3A_20 = arith.muli %add3A_18, %mul3A_19 : i32
      %add3A_21 = arith.addi %mul3A_4, %mul3A_20 : i32
      %lt3A = arith.constant 10000 : i32
      %lt3A_22 = arith.cmpi slt, %add3A_21, %lt3A : i32
      %convert_element_type3A = arith.extui %lt3A_22 : i1 to i32
      %cond3A = arith.constant 0 : i32
      %cond3A_23 = arith.cmpi ne, %convert_element_type3A, %cond3A : i32
      scf.if %cond3A_23 {
        "tpu.region"() ({
          %run_scoped3A = tpu.sem_alloc : memref<!tpu.dma_semaphore, #tpu.memory_space<semaphore_mem>>
          %dma_start3A = arith.constant 0 : i32
          %dma_start3A_29 = tpu.memref_slice %arg2[%add3A_21, %dma_start3A] : memref<10000x128xbf16, #tpu.memory_space<hbm>> -> memref<80x128xbf16, #tpu.memory_space<hbm>>
          %dma_start3A_30 = arith.constant 0 : i32
          %dma_start3A_31 = tpu.memref_slice %arg2[%add3A_21, %dma_start3A_30] : memref<10000x128xbf16, #tpu.memory_space<hbm>> -> memref<80x128xbf16, #tpu.memory_space<hbm>>
          tpu.enqueue_dma source(%dma_start3A_31 : memref<80x128xbf16, #tpu.memory_space<hbm>>) target(%arg16 : memref<80x128xbf16, #tpu.memory_space<vmem>>) target_semaphore(%run_scoped3A : memref<!tpu.dma_semaphore, #tpu.memory_space<semaphore_mem>>)
          %dma_wait3A = arith.constant 0 : i32
          %dma_wait3A_32 = tpu.memref_slice %arg2[%add3A_21, %dma_wait3A] : memref<10000x128xbf16, #tpu.memory_space<hbm>> -> memref<80x128xbf16, #tpu.memory_space<hbm>>
          %dma_wait3A_33 = arith.constant 0 : i32
          %dma_wait3A_34 = tpu.memref_slice %arg2[%add3A_21, %dma_wait3A_33] : memref<10000x128xbf16, #tpu.memory_space<hbm>> -> memref<80x128xbf16, #tpu.memory_space<hbm>>
          tpu.wait_dma2 semaphore(%run_scoped3A : memref<!tpu.dma_semaphore, #tpu.memory_space<semaphore_mem>>) src(%dma_wait3A_34 : memref<80x128xbf16, #tpu.memory_space<hbm>>) dst(%arg16 : memref<80x128xbf16, #tpu.memory_space<vmem>>)
          tpu.yield
        }) : () -> ()
        %scan3A_24 = arith.constant 0 : i32
        %scan3A_25 = arith.constant 80 : i32
        %scan3A_26 = arith.addi %scan3A_24, %scan3A_25 : i32
        %scan3A_27 = arith.constant 1 : i32
        scf.for %scan3A_29 = %scan3A_24 to %scan3A_26 step %scan3A_27  : i32 {
          %mul3A_30 = arith.constant 1 : i32
          %mul3A_31 = arith.muli %scan3A_29, %mul3A_30 : i32
          %add3A_32 = arith.constant 0 : i32
          %add3A_33 = arith.addi %add3A_32, %mul3A_31 : i32
          %get3A = arith.index_cast %add3A_33 : i32 to index
          %get3A_34 = arith.constant 0 : index
          %get3A_35 = tpu.vector_load %arg16[%get3A, %get3A_34] {strides = array<i32>} : memref<80x128xbf16, #tpu.memory_space<vmem>>, vector<32xbf16>,
          %bitcast3A = vector.bitcast %get3A_35 : vector<32xbf16> to vector<16xi32>
          %swap3A = arith.index_cast %add3A_33 : i32 to index
          %swap3A_36 = arith.constant 0 : index
          %swap3A_37 = tpu.vector_load %arg17[%swap3A, %swap3A_36] {strides = array<i32>} : memref<80x64xi32, #tpu.memory_space<vmem>>, vector<16xi32>,
          tpu.vector_store %arg17[%swap3A, %swap3A_36], %bitcast3A {strides = array<i32>} : memref<80x64xi32, #tpu.memory_space<vmem>>, vector<16xi32>,
          %get3A_38 = arith.index_cast %add3A_33 : i32 to index
          %get3A_39 = arith.constant 32 : index
          %get3A_40 = tpu.vector_load %arg16[%get3A_38, %get3A_39] {strides = array<i32>} : memref<80x128xbf16, #tpu.memory_space<vmem>>, vector<32xbf16>,
          %bitcast3A_41 = vector.bitcast %get3A_40 : vector<32xbf16> to vector<16xi32>
          %swap3A_42 = arith.index_cast %add3A_33 : i32 to index
          %swap3A_43 = arith.constant 16 : index
          %swap3A_44 = tpu.vector_load %arg17[%swap3A_42, %swap3A_43] {strides = array<i32>} : memref<80x64xi32, #tpu.memory_space<vmem>>, vector<16xi32>,
          tpu.vector_store %arg17[%swap3A_42, %swap3A_43], %bitcast3A_41 {strides = array<i32>} : memref<80x64xi32, #tpu.memory_space<vmem>>, vector<16xi32>,
          %get3A_45 = arith.index_cast %add3A_33 : i32 to index
          %get3A_46 = arith.constant 64 : index
          %get3A_47 = tpu.vector_load %arg16[%get3A_45, %get3A_46] {strides = array<i32>} : memref<80x128xbf16, #tpu.memory_space<vmem>>, vector<32xbf16>,
          %bitcast3A_48 = vector.bitcast %get3A_47 : vector<32xbf16> to vector<16xi32>
          %swap3A_49 = arith.index_cast %add3A_33 : i32 to index
          %swap3A_50 = arith.constant 32 : index
          %swap3A_51 = tpu.vector_load %arg17[%swap3A_49, %swap3A_50] {strides = array<i32>} : memref<80x64xi32, #tpu.memory_space<vmem>>, vector<16xi32>,
          tpu.vector_store %arg17[%swap3A_49, %swap3A_50], %bitcast3A_48 {strides = array<i32>} : memref<80x64xi32, #tpu.memory_space<vmem>>, vector<16xi32>,
          %get3A_52 = arith.index_cast %add3A_33 : i32 to index
          %get3A_53 = arith.constant 96 : index
          %get3A_54 = tpu.vector_load %arg16[%get3A_52, %get3A_53] {strides = array<i32>} : memref<80x128xbf16, #tpu.memory_space<vmem>>, vector<32xbf16>,
          %bitcast3A_55 = vector.bitcast %get3A_54 : vector<32xbf16> to vector<16xi32>
          %swap3A_56 = arith.index_cast %add3A_33 : i32 to index
          %swap3A_57 = arith.constant 48 : index
          %swap3A_58 = tpu.vector_load %arg17[%swap3A_56, %swap3A_57] {strides = array<i32>} : memref<80x64xi32, #tpu.memory_space<vmem>>, vector<16xi32>,
          tpu.vector_store %arg17[%swap3A_56, %swap3A_57], %bitcast3A_55 {strides = array<i32>} : memref<80x64xi32, #tpu.memory_space<vmem>>, vector<16xi32>,
        }
        %scan3A_28 = arith.constant 80 : i32
        "tpu.region"() ({
          %run_scoped3A = tpu.sem_alloc : memref<!tpu.dma_semaphore, #tpu.memory_space<semaphore_mem>>
          %dma_start3A = arith.constant 0 : i32
          %dma_start3A_29 = tpu.memref_slice %arg7[%add3A_21, %dma_start3A] : memref<10000x64xi32, #tpu.memory_space<vmem_shared>> -> memref<80x64xi32, #tpu.memory_space<vmem_shared>>
          %dma_start3A_30 = arith.constant 0 : i32
          %dma_start3A_31 = tpu.memref_slice %arg7[%add3A_21, %dma_start3A_30] : memref<10000x64xi32, #tpu.memory_space<vmem_shared>> -> memref<80x64xi32, #tpu.memory_space<vmem_shared>>
          tpu.enqueue_dma source(%arg17 : memref<80x64xi32, #tpu.memory_space<vmem>>) target(%dma_start3A_31 : memref<80x64xi32, #tpu.memory_space<vmem_shared>>) target_semaphore(%run_scoped3A : memref<!tpu.dma_semaphore, #tpu.memory_space<semaphore_mem>>)
          %dma_wait3A = arith.constant 0 : i32
          %dma_wait3A_32 = tpu.memref_slice %arg7[%add3A_21, %dma_wait3A] : memref<10000x64xi32, #tpu.memory_space<vmem_shared>> -> memref<80x64xi32, #tpu.memory_space<vmem_shared>>
          %dma_wait3A_33 = arith.constant 0 : i32
          %dma_wait3A_34 = tpu.memref_slice %arg7[%add3A_21, %dma_wait3A_33] : memref<10000x64xi32, #tpu.memory_space<vmem_shared>> -> memref<80x64xi32, #tpu.memory_space<vmem_shared>>
          tpu.wait_dma2 semaphore(%run_scoped3A : memref<!tpu.dma_semaphore, #tpu.memory_space<semaphore_mem>>) src(%arg17 : memref<80x64xi32, #tpu.memory_space<vmem>>) dst(%dma_wait3A_34 : memref<80x64xi32, #tpu.memory_space<vmem_shared>>)
          tpu.yield
        }) : () -> ()
      } else {
      }
    }
    %scan3A_8 = arith.constant 8 : i32
    %barrier3A = arith.constant 0 : index
    tpu.barrier barrier_id(%barrier3A)
    %scan3A_9 = arith.constant 0 : i32
    %scan3A_10 = arith.constant 25 : i32
    %scan3A_11 = arith.addi %scan3A_9, %scan3A_10 : i32
    %scan3A_12 = arith.constant 1 : i32
    scf.for %scan3A_14 = %scan3A_9 to %scan3A_11 step %scan3A_12  : i32 {
      %mul3A_15 = arith.constant 1 : i32
      %mul3A_16 = arith.muli %scan3A_14, %mul3A_15 : i32
      %add3A_17 = arith.constant 0 : i32
      %add3A_18 = arith.addi %add3A_17, %mul3A_16 : i32
      %mul3A_19 = arith.constant 400 : i32
      %mul3A_20 = arith.muli %add3A_18, %mul3A_19 : i32
      %add3A_21 = arith.addi %mul3A_2, %mul3A_20 : i32
      "tpu.region"() ({
        %run_scoped3A = tpu.sem_alloc : memref<!tpu.dma_semaphore, #tpu.memory_space<semaphore_mem>>
        %dma_start3A_52 = tpu.memref_slice %arg4[%add3A_21] : memref<320000xi32, #tpu.memory_space<hbm>> -> memref<400xi32, #tpu.memory_space<hbm>>
        %dma_start3A_53 = tpu.memref_slice %arg4[%add3A_21] : memref<320000xi32, #tpu.memory_space<hbm>> -> memref<400xi32, #tpu.memory_space<hbm>>
        tpu.enqueue_dma source(%dma_start3A_53 : memref<400xi32, #tpu.memory_space<hbm>>) target(%arg8 : memref<400xi32, #tpu.memory_space<vmem>>) target_semaphore(%run_scoped3A : memref<!tpu.dma_semaphore, #tpu.memory_space<semaphore_mem>>)
        %dma_wait3A_54 = tpu.memref_slice %arg4[%add3A_21] : memref<320000xi32, #tpu.memory_space<hbm>> -> memref<400xi32, #tpu.memory_space<hbm>>
        %dma_wait3A_55 = tpu.memref_slice %arg4[%add3A_21] : memref<320000xi32, #tpu.memory_space<hbm>> -> memref<400xi32, #tpu.memory_space<hbm>>
        tpu.wait_dma2 semaphore(%run_scoped3A : memref<!tpu.dma_semaphore, #tpu.memory_space<semaphore_mem>>) src(%dma_wait3A_55 : memref<400xi32, #tpu.memory_space<hbm>>) dst(%arg8 : memref<400xi32, #tpu.memory_space<vmem>>)
        tpu.yield
      }) : () -> ()
      "tpu.region"() ({
        %run_scoped3A = tpu.sem_alloc : memref<!tpu.dma_semaphore, #tpu.memory_space<semaphore_mem>>
        %dma_start3A_52 = tpu.memref_slice %arg5[%add3A_21] : memref<320000xi32, #tpu.memory_space<hbm>> -> memref<400xi32, #tpu.memory_space<hbm>>
        %dma_start3A_53 = tpu.memref_slice %arg5[%add3A_21] : memref<320000xi32, #tpu.memory_space<hbm>> -> memref<400xi32, #tpu.memory_space<hbm>>
        tpu.enqueue_dma source(%dma_start3A_53 : memref<400xi32, #tpu.memory_space<hbm>>) target(%arg9 : memref<400xi32, #tpu.memory_space<vmem>>) target_semaphore(%run_scoped3A : memref<!tpu.dma_semaphore, #tpu.memory_space<semaphore_mem>>)
        %dma_wait3A_54 = tpu.memref_slice %arg5[%add3A_21] : memref<320000xi32, #tpu.memory_space<hbm>> -> memref<400xi32, #tpu.memory_space<hbm>>
        %dma_wait3A_55 = tpu.memref_slice %arg5[%add3A_21] : memref<320000xi32, #tpu.memory_space<hbm>> -> memref<400xi32, #tpu.memory_space<hbm>>
        tpu.wait_dma2 semaphore(%run_scoped3A : memref<!tpu.dma_semaphore, #tpu.memory_space<semaphore_mem>>) src(%dma_wait3A_55 : memref<400xi32, #tpu.memory_space<hbm>>) dst(%arg9 : memref<400xi32, #tpu.memory_space<vmem>>)
        tpu.yield
      }) : () -> ()
      %dma_start3A = arith.constant 0 : i32
      %dma_start3A_22 = tpu.memref_slice %arg8[%dma_start3A] : memref<400xi32, #tpu.memory_space<vmem>> -> memref<80xi32, #tpu.memory_space<vmem>>
      %dma_start3A_23 = arith.constant 0 : i32
      %dma_start3A_24 = arith.constant 0 : i32
      %dma_start3A_25 = tpu.memref_slice %arg7[%dma_start3A_23, %dma_start3A_24] : memref<10000x64xi32, #tpu.memory_space<vmem_shared>> -> memref<10000x64xi32, #tpu.memory_space<vmem_shared>>
      tpu.enqueue_indirect_dma source(%dma_start3A_25 : memref<10000x64xi32, #tpu.memory_space<vmem_shared>>) target(%arg10 : memref<80x64xi32, #tpu.memory_space<vmem>>) offsets(%dma_start3A_22 : memref<80xi32, #tpu.memory_space<vmem>>) semaphore(%arg18 : memref<!tpu.dma_semaphore, #tpu.memory_space<semaphore_mem>>)
      %dma_start3A_26 = arith.constant 0 : i32
      %dma_start3A_27 = tpu.memref_slice %arg9[%dma_start3A_26] : memref<400xi32, #tpu.memory_space<vmem>> -> memref<80xi32, #tpu.memory_space<vmem>>
      %dma_start3A_28 = arith.constant 0 : i32
      %dma_start3A_29 = arith.constant 0 : i32
      %dma_start3A_30 = tpu.memref_slice %arg7[%dma_start3A_28, %dma_start3A_29] : memref<10000x64xi32, #tpu.memory_space<vmem_shared>> -> memref<10000x64xi32, #tpu.memory_space<vmem_shared>>
      tpu.enqueue_indirect_dma source(%dma_start3A_30 : memref<10000x64xi32, #tpu.memory_space<vmem_shared>>) target(%arg11 : memref<80x64xi32, #tpu.memory_space<vmem>>) offsets(%dma_start3A_27 : memref<80xi32, #tpu.memory_space<vmem>>) semaphore(%arg18 : memref<!tpu.dma_semaphore, #tpu.memory_space<semaphore_mem>>)
      %scan3A_31 = arith.constant 0 : i32
      %scan3A_32 = arith.constant 2 : i32
      %scan3A_33 = arith.addi %scan3A_31, %scan3A_32 : i32
      %scan3A_34 = arith.constant 1 : i32
      scf.for %scan3A_52 = %scan3A_31 to %scan3A_33 step %scan3A_34  : i32 {
        %mul3A_53 = arith.constant 1 : i32
        %mul3A_54 = arith.muli %scan3A_52, %mul3A_53 : i32
        %add3A_55 = arith.constant 0 : i32
        %add3A_56 = arith.addi %add3A_55, %mul3A_54 : i32
        %mul3A_57 = arith.constant 2 : i32
        %mul3A_58 = arith.muli %mul3A_57, %add3A_56 : i32
        %add3A_59 = arith.constant 1 : i32
        %add3A_60 = arith.addi %mul3A_58, %add3A_59 : i32
        %mul3A_61 = arith.constant 80 : i32
        %mul3A_62 = arith.muli %add3A_60, %mul3A_61 : i32
        %dma_start3A_63 = tpu.memref_slice %arg8[%mul3A_62] : memref<400xi32, #tpu.memory_space<vmem>> -> memref<80xi32, #tpu.memory_space<vmem>>
        %dma_start3A_64 = arith.constant 0 : i32
        %dma_start3A_65 = arith.constant 0 : i32
        %dma_start3A_66 = tpu.memref_slice %arg7[%dma_start3A_64, %dma_start3A_65] : memref<10000x64xi32, #tpu.memory_space<vmem_shared>> -> memref<10000x64xi32, #tpu.memory_space<vmem_shared>>
        tpu.enqueue_indirect_dma source(%dma_start3A_66 : memref<10000x64xi32, #tpu.memory_space<vmem_shared>>) target(%arg12 : memref<80x64xi32, #tpu.memory_space<vmem>>) offsets(%dma_start3A_63 : memref<80xi32, #tpu.memory_space<vmem>>) semaphore(%arg19 : memref<!tpu.dma_semaphore, #tpu.memory_space<semaphore_mem>>)
        %dma_start3A_67 = tpu.memref_slice %arg9[%mul3A_62] : memref<400xi32, #tpu.memory_space<vmem>> -> memref<80xi32, #tpu.memory_space<vmem>>
        %dma_start3A_68 = arith.constant 0 : i32
        %dma_start3A_69 = arith.constant 0 : i32
        %dma_start3A_70 = tpu.memref_slice %arg7[%dma_start3A_68, %dma_start3A_69] : memref<10000x64xi32, #tpu.memory_space<vmem_shared>> -> memref<10000x64xi32, #tpu.memory_space<vmem_shared>>
        tpu.enqueue_indirect_dma source(%dma_start3A_70 : memref<10000x64xi32, #tpu.memory_space<vmem_shared>>) target(%arg13 : memref<80x64xi32, #tpu.memory_space<vmem>>) offsets(%dma_start3A_67 : memref<80xi32, #tpu.memory_space<vmem>>) semaphore(%arg19 : memref<!tpu.dma_semaphore, #tpu.memory_space<semaphore_mem>>)
        %dma_wait3A_71 = arith.constant 0 : i32
        %dma_wait3A_72 = arith.constant 0 : i32
        %dma_wait3A_73 = tpu.memref_slice %arg3[%dma_wait3A_71, %dma_wait3A_72] : memref<10000x64xi32, #tpu.memory_space<hbm>> -> memref<80x64xi32, #tpu.memory_space<hbm>>
        %dma_wait3A_74 = arith.constant 0 : i32
        %dma_wait3A_75 = arith.constant 0 : i32
        %dma_wait3A_76 = tpu.memref_slice %arg3[%dma_wait3A_74, %dma_wait3A_75] : memref<10000x64xi32, #tpu.memory_space<hbm>> -> memref<80x64xi32, #tpu.memory_space<hbm>>
        tpu.wait_dma2 semaphore(%arg18 : memref<!tpu.dma_semaphore, #tpu.memory_space<semaphore_mem>>) src(%dma_wait3A_76 : memref<80x64xi32, #tpu.memory_space<hbm>>) dst(%arg10 : memref<80x64xi32, #tpu.memory_space<vmem>>)
        %dma_wait3A_77 = arith.constant 0 : i32
        %dma_wait3A_78 = arith.constant 0 : i32
        %dma_wait3A_79 = tpu.memref_slice %arg3[%dma_wait3A_77, %dma_wait3A_78] : memref<10000x64xi32, #tpu.memory_space<hbm>> -> memref<80x64xi32, #tpu.memory_space<hbm>>
        %dma_wait3A_80 = arith.constant 0 : i32
        %dma_wait3A_81 = arith.constant 0 : i32
        %dma_wait3A_82 = tpu.memref_slice %arg3[%dma_wait3A_80, %dma_wait3A_81] : memref<10000x64xi32, #tpu.memory_space<hbm>> -> memref<80x64xi32, #tpu.memory_space<hbm>>
        tpu.wait_dma2 semaphore(%arg18 : memref<!tpu.dma_semaphore, #tpu.memory_space<semaphore_mem>>) src(%dma_wait3A_82 : memref<80x64xi32, #tpu.memory_space<hbm>>) dst(%arg11 : memref<80x64xi32, #tpu.memory_space<vmem>>)
        %scan3A_83 = arith.constant 0 : i32
        %scan3A_84 = arith.constant 5 : i32
        %scan3A_85 = arith.addi %scan3A_83, %scan3A_84 : i32
        %scan3A_86 = arith.constant 1 : i32
        scf.for %scan3A_119 = %scan3A_83 to %scan3A_85 step %scan3A_86  : i32 {
          %mul3A_120 = arith.constant 1 : i32
          %mul3A_121 = arith.muli %scan3A_119, %mul3A_120 : i32
          %add3A_122 = arith.constant 0 : i32
          %add3A_123 = arith.addi %add3A_122, %mul3A_121 : i32
          %mul3A_124 = arith.constant 16 : i32
          %mul3A_125 = arith.muli %add3A_123, %mul3A_124 : i32
          %add3A_126 = arith.constant 0 : i32
          %add3A_127 = arith.addi %mul3A_125, %add3A_126 : i32
          %get3A = arith.index_cast %add3A_127 : i32 to index
          %get3A_128 = arith.constant 0 : index
          %get3A_129 = tpu.vector_load %arg10[%get3A, %get3A_128] {strides = array<i32>} : memref<80x64xi32, #tpu.memory_space<vmem>>, vector<16xi32>,
          %bitcast3A = vector.bitcast %get3A_129 : vector<16xi32> to vector<32xbf16>
          %get3A_130 = arith.index_cast %add3A_127 : i32 to index
          %get3A_131 = arith.constant 0 : index
          %get3A_132 = tpu.vector_load %arg11[%get3A_130, %get3A_131] {strides = array<i32>} : memref<80x64xi32, #tpu.memory_space<vmem>>, vector<16xi32>,
          %bitcast3A_133 = vector.bitcast %get3A_132 : vector<16xi32> to vector<32xbf16>
          %mul3A_134 = arith.mulf %bitcast3A, %bitcast3A_133 : vector<32xbf16>
          %get3A_135 = arith.index_cast %add3A_127 : i32 to index
          %get3A_136 = arith.constant 16 : index
          %get3A_137 = tpu.vector_load %arg10[%get3A_135, %get3A_136] {strides = array<i32>} : memref<80x64xi32, #tpu.memory_space<vmem>>, vector<16xi32>,
          %bitcast3A_138 = vector.bitcast %get3A_137 : vector<16xi32> to vector<32xbf16>
          %get3A_139 = arith.index_cast %add3A_127 : i32 to index
          %get3A_140 = arith.constant 16 : index
          %get3A_141 = tpu.vector_load %arg11[%get3A_139, %get3A_140] {strides = array<i32>} : memref<80x64xi32, #tpu.memory_space<vmem>>, vector<16xi32>,
          %bitcast3A_142 = vector.bitcast %get3A_141 : vector<16xi32> to vector<32xbf16>
          %mul3A_143 = arith.mulf %bitcast3A_138, %bitcast3A_142 : vector<32xbf16>
          %add3A_144 = arith.addf %mul3A_134, %mul3A_143 : vector<32xbf16>
          %get3A_145 = arith.index_cast %add3A_127 : i32 to index
          %get3A_146 = arith.constant 32 : index
          %get3A_147 = tpu.vector_load %arg10[%get3A_145, %get3A_146] {strides = array<i32>} : memref<80x64xi32, #tpu.memory_space<vmem>>, vector<16xi32>,
          %bitcast3A_148 = vector.bitcast %get3A_147 : vector<16xi32> to vector<32xbf16>
          %get3A_149 = arith.index_cast %add3A_127 : i32 to index
          %get3A_150 = arith.constant 32 : index
          %get3A_151 = tpu.vector_load %arg11[%get3A_149, %get3A_150] {strides = array<i32>} : memref<80x64xi32, #tpu.memory_space<vmem>>, vector<16xi32>,
          %bitcast3A_152 = vector.bitcast %get3A_151 : vector<16xi32> to vector<32xbf16>
          %mul3A_153 = arith.mulf %bitcast3A_148, %bitcast3A_152 : vector<32xbf16>
          %add3A_154 = arith.addf %add3A_144, %mul3A_153 : vector<32xbf16>
          %get3A_155 = arith.index_cast %add3A_127 : i32 to index
          %get3A_156 = arith.constant 48 : index
          %get3A_157 = tpu.vector_load %arg10[%get3A_155, %get3A_156] {strides = array<i32>} : memref<80x64xi32, #tpu.memory_space<vmem>>, vector<16xi32>,
          %bitcast3A_158 = vector.bitcast %get3A_157 : vector<16xi32> to vector<32xbf16>
          %get3A_159 = arith.index_cast %add3A_127 : i32 to index
          %get3A_160 = arith.constant 48 : index
          %get3A_161 = tpu.vector_load %arg11[%get3A_159, %get3A_160] {strides = array<i32>} : memref<80x64xi32, #tpu.memory_space<vmem>>, vector<16xi32>,
          %bitcast3A_162 = vector.bitcast %get3A_161 : vector<16xi32> to vector<32xbf16>
          %mul3A_163 = arith.mulf %bitcast3A_158, %bitcast3A_162 : vector<32xbf16>
          %add3A_164 = arith.addf %add3A_154, %mul3A_163 : vector<32xbf16>
          %unpack3A = tpu.unpack_subelements %add3A_164, 0 {pack_format = #tpu.pack_format<interleaved>} : vector<32xbf16> -> vector<16xf32>
          %unpack3A_165 = tpu.unpack_subelements %add3A_164, 1 {pack_format = #tpu.pack_format<interleaved>} : vector<32xbf16> -> vector<16xf32>
          %add3A_166 = arith.addf %unpack3A, %unpack3A_165 : vector<16xf32>
          %swap3A = arith.constant 0 : i32
          %swap3A_167 = arith.index_cast %swap3A : i32 to index
          %swap3A_168 = arith.constant 0 : index
          %swap3A_169 = tpu.vector_load %arg15[%swap3A_167, %swap3A_168] {strides = array<i32>} : memref<16x16xf32, #tpu.memory_space<vmem>>, vector<16xf32>,
          tpu.vector_store %arg15[%swap3A_167, %swap3A_168], %add3A_166 {strides = array<i32>} : memref<16x16xf32, #tpu.memory_space<vmem>>, vector<16xf32>,
          %mul3A_170 = arith.constant 16 : i32
          %mul3A_171 = arith.muli %add3A_123, %mul3A_170 : i32
          %add3A_172 = arith.constant 1 : i32
          %add3A_173 = arith.addi %mul3A_171, %add3A_172 : i32
          %get3A_174 = arith.index_cast %add3A_173 : i32 to index
          %get3A_175 = arith.constant 0 : index
          %get3A_176 = tpu.vector_load %arg10[%get3A_174, %get3A_175] {strides = array<i32>} : memref<80x64xi32, #tpu.memory_space<vmem>>, vector<16xi32>,
          %bitcast3A_177 = vector.bitcast %get3A_176 : vector<16xi32> to vector<32xbf16>
          %get3A_178 = arith.index_cast %add3A_173 : i32 to index
          %get3A_179 = arith.constant 0 : index
          %get3A_180 = tpu.vector_load %arg11[%get3A_178, %get3A_179] {strides = array<i32>} : memref<80x64xi32, #tpu.memory_space<vmem>>, vector<16xi32>,
          %bitcast3A_181 = vector.bitcast %get3A_180 : vector<16xi32> to vector<32xbf16>
          %mul3A_182 = arith.mulf %bitcast3A_177, %bitcast3A_181 : vector<32xbf16>
          %get3A_183 = arith.index_cast %add3A_173 : i32 to index
          %get3A_184 = arith.constant 16 : index
          %get3A_185 = tpu.vector_load %arg10[%get3A_183, %get3A_184] {strides = array<i32>} : memref<80x64xi32, #tpu.memory_space<vmem>>, vector<16xi32>,
          %bitcast3A_186 = vector.bitcast %get3A_185 : vector<16xi32> to vector<32xbf16>
          %get3A_187 = arith.index_cast %add3A_173 : i32 to index
          %get3A_188 = arith.constant 16 : index
          %get3A_189 = tpu.vector_load %arg11[%get3A_187, %get3A_188] {strides = array<i32>} : memref<80x64xi32, #tpu.memory_space<vmem>>, vector<16xi32>,
          %bitcast3A_190 = vector.bitcast %get3A_189 : vector<16xi32> to vector<32xbf16>
          %mul3A_191 = arith.mulf %bitcast3A_186, %bitcast3A_190 : vector<32xbf16>
          %add3A_192 = arith.addf %mul3A_182, %mul3A_191 : vector<32xbf16>
          %get3A_193 = arith.index_cast %add3A_173 : i32 to index
          %get3A_194 = arith.constant 32 : index
          %get3A_195 = tpu.vector_load %arg10[%get3A_193, %get3A_194] {strides = array<i32>} : memref<80x64xi32, #tpu.memory_space<vmem>>, vector<16xi32>,
          %bitcast3A_196 = vector.bitcast %get3A_195 : vector<16xi32> to vector<32xbf16>
          %get3A_197 = arith.index_cast %add3A_173 : i32 to index
          %get3A_198 = arith.constant 32 : index
          %get3A_199 = tpu.vector_load %arg11[%get3A_197, %get3A_198] {strides = array<i32>} : memref<80x64xi32, #tpu.memory_space<vmem>>, vector<16xi32>,
          %bitcast3A_200 = vector.bitcast %get3A_199 : vector<16xi32> to vector<32xbf16>
          %mul3A_201 = arith.mulf %bitcast3A_196, %bitcast3A_200 : vector<32xbf16>
          %add3A_202 = arith.addf %add3A_192, %mul3A_201 : vector<32xbf16>
          %get3A_203 = arith.index_cast %add3A_173 : i32 to index
          %get3A_204 = arith.constant 48 : index
          %get3A_205 = tpu.vector_load %arg10[%get3A_203, %get3A_204] {strides = array<i32>} : memref<80x64xi32, #tpu.memory_space<vmem>>, vector<16xi32>,
          %bitcast3A_206 = vector.bitcast %get3A_205 : vector<16xi32> to vector<32xbf16>
          %get3A_207 = arith.index_cast %add3A_173 : i32 to index
          %get3A_208 = arith.constant 48 : index
          %get3A_209 = tpu.vector_load %arg11[%get3A_207, %get3A_208] {strides = array<i32>} : memref<80x64xi32, #tpu.memory_space<vmem>>, vector<16xi32>,
          %bitcast3A_210 = vector.bitcast %get3A_209 : vector<16xi32> to vector<32xbf16>
          %mul3A_211 = arith.mulf %bitcast3A_206, %bitcast3A_210 : vector<32xbf16>
          %add3A_212 = arith.addf %add3A_202, %mul3A_211 : vector<32xbf16>
          %unpack3A_213 = tpu.unpack_subelements %add3A_212, 0 {pack_format = #tpu.pack_format<interleaved>} : vector<32xbf16> -> vector<16xf32>
          %unpack3A_214 = tpu.unpack_subelements %add3A_212, 1 {pack_format = #tpu.pack_format<interleaved>} : vector<32xbf16> -> vector<16xf32>
          %add3A_215 = arith.addf %unpack3A_213, %unpack3A_214 : vector<16xf32>
          %swap3A_216 = arith.constant 1 : i32
          %swap3A_217 = arith.index_cast %swap3A_216 : i32 to index
          %swap3A_218 = arith.constant 0 : index
          %swap3A_219 = tpu.vector_load %arg15[%swap3A_217, %swap3A_218] {strides = array<i32>} : memref<16x16xf32, #tpu.memory_space<vmem>>, vector<16xf32>,
          tpu.vector_store %arg15[%swap3A_217, %swap3A_218], %add3A_215 {strides = array<i32>} : memref<16x16xf32, #tpu.memory_space<vmem>>, vector<16xf32>,
          %mul3A_220 = arith.constant 16 : i32
          %mul3A_221 = arith.muli %add3A_123, %mul3A_220 : i32
          %add3A_222 = arith.constant 2 : i32
          %add3A_223 = arith.addi %mul3A_221, %add3A_222 : i32
          %get3A_224 = arith.index_cast %add3A_223 : i32 to index
          %get3A_225 = arith.constant 0 : index
          %get3A_226 = tpu.vector_load %arg10[%get3A_224, %get3A_225] {strides = array<i32>} : memref<80x64xi32, #tpu.memory_space<vmem>>, vector<16xi32>,
          %bitcast3A_227 = vector.bitcast %get3A_226 : vector<16xi32> to vector<32xbf16>
          %get3A_228 = arith.index_cast %add3A_223 : i32 to index
          %get3A_229 = arith.constant 0 : index
          %get3A_230 = tpu.vector_load %arg11[%get3A_228, %get3A_229] {strides = array<i32>} : memref<80x64xi32, #tpu.memory_space<vmem>>, vector<16xi32>,
          %bitcast3A_231 = vector.bitcast %get3A_230 : vector<16xi32> to vector<32xbf16>
          %mul3A_232 = arith.mulf %bitcast3A_227, %bitcast3A_231 : vector<32xbf16>
          %get3A_233 = arith.index_cast %add3A_223 : i32 to index
          %get3A_234 = arith.constant 16 : index
          %get3A_235 = tpu.vector_load %arg10[%get3A_233, %get3A_234] {strides = array<i32>} : memref<80x64xi32, #tpu.memory_space<vmem>>, vector<16xi32>,
          %bitcast3A_236 = vector.bitcast %get3A_235 : vector<16xi32> to vector<32xbf16>
          %get3A_237 = arith.index_cast %add3A_223 : i32 to index
          %get3A_238 = arith.constant 16 : index
          %get3A_239 = tpu.vector_load %arg11[%get3A_237, %get3A_238] {strides = array<i32>} : memref<80x64xi32, #tpu.memory_space<vmem>>, vector<16xi32>,
          %bitcast3A_240 = vector.bitcast %get3A_239 : vector<16xi32> to vector<32xbf16>
          %mul3A_241 = arith.mulf %bitcast3A_236, %bitcast3A_240 : vector<32xbf16>
          %add3A_242 = arith.addf %mul3A_232, %mul3A_241 : vector<32xbf16>
          %get3A_243 = arith.index_cast %add3A_223 : i32 to index
          %get3A_244 = arith.constant 32 : index
          %get3A_245 = tpu.vector_load %arg10[%get3A_243, %get3A_244] {strides = array<i32>} : memref<80x64xi32, #tpu.memory_space<vmem>>, vector<16xi32>,
          %bitcast3A_246 = vector.bitcast %get3A_245 : vector<16xi32> to vector<32xbf16>
          %get3A_247 = arith.index_cast %add3A_223 : i32 to index
          %get3A_248 = arith.constant 32 : index
          %get3A_249 = tpu.vector_load %arg11[%get3A_247, %get3A_248] {strides = array<i32>} : memref<80x64xi32, #tpu.memory_space<vmem>>, vector<16xi32>,
          %bitcast3A_250 = vector.bitcast %get3A_249 : vector<16xi32> to vector<32xbf16>
          %mul3A_251 = arith.mulf %bitcast3A_246, %bitcast3A_250 : vector<32xbf16>
          %add3A_252 = arith.addf %add3A_242, %mul3A_251 : vector<32xbf16>
          %get3A_253 = arith.index_cast %add3A_223 : i32 to index
          %get3A_254 = arith.constant 48 : index
          %get3A_255 = tpu.vector_load %arg10[%get3A_253, %get3A_254] {strides = array<i32>} : memref<80x64xi32, #tpu.memory_space<vmem>>, vector<16xi32>,
          %bitcast3A_256 = vector.bitcast %get3A_255 : vector<16xi32> to vector<32xbf16>
          %get3A_257 = arith.index_cast %add3A_223 : i32 to index
          %get3A_258 = arith.constant 48 : index
          %get3A_259 = tpu.vector_load %arg11[%get3A_257, %get3A_258] {strides = array<i32>} : memref<80x64xi32, #tpu.memory_space<vmem>>, vector<16xi32>,
          %bitcast3A_260 = vector.bitcast %get3A_259 : vector<16xi32> to vector<32xbf16>
          %mul3A_261 = arith.mulf %bitcast3A_256, %bitcast3A_260 : vector<32xbf16>
          %add3A_262 = arith.addf %add3A_252, %mul3A_261 : vector<32xbf16>
          %unpack3A_263 = tpu.unpack_subelements %add3A_262, 0 {pack_format = #tpu.pack_format<interleaved>} : vector<32xbf16> -> vector<16xf32>
          %unpack3A_264 = tpu.unpack_subelements %add3A_262, 1 {pack_format = #tpu.pack_format<interleaved>} : vector<32xbf16> -> vector<16xf32>
          %add3A_265 = arith.addf %unpack3A_263, %unpack3A_264 : vector<16xf32>
          %swap3A_266 = arith.constant 2 : i32
          %swap3A_267 = arith.index_cast %swap3A_266 : i32 to index
          %swap3A_268 = arith.constant 0 : index
          %swap3A_269 = tpu.vector_load %arg15[%swap3A_267, %swap3A_268] {strides = array<i32>} : memref<16x16xf32, #tpu.memory_space<vmem>>, vector<16xf32>,
          tpu.vector_store %arg15[%swap3A_267, %swap3A_268], %add3A_265 {strides = array<i32>} : memref<16x16xf32, #tpu.memory_space<vmem>>, vector<16xf32>,
          %mul3A_270 = arith.constant 16 : i32
          %mul3A_271 = arith.muli %add3A_123, %mul3A_270 : i32
          %add3A_272 = arith.constant 3 : i32
          %add3A_273 = arith.addi %mul3A_271, %add3A_272 : i32
          %get3A_274 = arith.index_cast %add3A_273 : i32 to index
          %get3A_275 = arith.constant 0 : index
          %get3A_276 = tpu.vector_load %arg10[%get3A_274, %get3A_275] {strides = array<i32>} : memref<80x64xi32, #tpu.memory_space<vmem>>, vector<16xi32>,
          %bitcast3A_277 = vector.bitcast %get3A_276 : vector<16xi32> to vector<32xbf16>
          %get3A_278 = arith.index_cast %add3A_273 : i32 to index
          %get3A_279 = arith.constant 0 : index
          %get3A_280 = tpu.vector_load %arg11[%get3A_278, %get3A_279] {strides = array<i32>} : memref<80x64xi32, #tpu.memory_space<vmem>>, vector<16xi32>,
          %bitcast3A_281 = vector.bitcast %get3A_280 : vector<16xi32> to vector<32xbf16>
          %mul3A_282 = arith.mulf %bitcast3A_277, %bitcast3A_281 : vector<32xbf16>
          %get3A_283 = arith.index_cast %add3A_273 : i32 to index
          %get3A_284 = arith.constant 16 : index
          %get3A_285 = tpu.vector_load %arg10[%get3A_283, %get3A_284] {strides = array<i32>} : memref<80x64xi32, #tpu.memory_space<vmem>>, vector<16xi32>,
          %bitcast3A_286 = vector.bitcast %get3A_285 : vector<16xi32> to vector<32xbf16>
          %get3A_287 = arith.index_cast %add3A_273 : i32 to index
          %get3A_288 = arith.constant 16 : index
          %get3A_289 = tpu.vector_load %arg11[%get3A_287, %get3A_288] {strides = array<i32>} : memref<80x64xi32, #tpu.memory_space<vmem>>, vector<16xi32>,
          %bitcast3A_290 = vector.bitcast %get3A_289 : vector<16xi32> to vector<32xbf16>
          %mul3A_291 = arith.mulf %bitcast3A_286, %bitcast3A_290 : vector<32xbf16>
          %add3A_292 = arith.addf %mul3A_282, %mul3A_291 : vector<32xbf16>
          %get3A_293 = arith.index_cast %add3A_273 : i32 to index
          %get3A_294 = arith.constant 32 : index
          %get3A_295 = tpu.vector_load %arg10[%get3A_293, %get3A_294] {strides = array<i32>} : memref<80x64xi32, #tpu.memory_space<vmem>>, vector<16xi32>,
          %bitcast3A_296 = vector.bitcast %get3A_295 : vector<16xi32> to vector<32xbf16>
          %get3A_297 = arith.index_cast %add3A_273 : i32 to index
          %get3A_298 = arith.constant 32 : index
          %get3A_299 = tpu.vector_load %arg11[%get3A_297, %get3A_298] {strides = array<i32>} : memref<80x64xi32, #tpu.memory_space<vmem>>, vector<16xi32>,
          %bitcast3A_300 = vector.bitcast %get3A_299 : vector<16xi32> to vector<32xbf16>
          %mul3A_301 = arith.mulf %bitcast3A_296, %bitcast3A_300 : vector<32xbf16>
          %add3A_302 = arith.addf %add3A_292, %mul3A_301 : vector<32xbf16>
          %get3A_303 = arith.index_cast %add3A_273 : i32 to index
          %get3A_304 = arith.constant 48 : index
          %get3A_305 = tpu.vector_load %arg10[%get3A_303, %get3A_304] {strides = array<i32>} : memref<80x64xi32, #tpu.memory_space<vmem>>, vector<16xi32>,
          %bitcast3A_306 = vector.bitcast %get3A_305 : vector<16xi32> to vector<32xbf16>
          %get3A_307 = arith.index_cast %add3A_273 : i32 to index
          %get3A_308 = arith.constant 48 : index
          %get3A_309 = tpu.vector_load %arg11[%get3A_307, %get3A_308] {strides = array<i32>} : memref<80x64xi32, #tpu.memory_space<vmem>>, vector<16xi32>,
          %bitcast3A_310 = vector.bitcast %get3A_309 : vector<16xi32> to vector<32xbf16>
          %mul3A_311 = arith.mulf %bitcast3A_306, %bitcast3A_310 : vector<32xbf16>
          %add3A_312 = arith.addf %add3A_302, %mul3A_311 : vector<32xbf16>
          %unpack3A_313 = tpu.unpack_subelements %add3A_312, 0 {pack_format = #tpu.pack_format<interleaved>} : vector<32xbf16> -> vector<16xf32>
          %unpack3A_314 = tpu.unpack_subelements %add3A_312, 1 {pack_format = #tpu.pack_format<interleaved>} : vector<32xbf16> -> vector<16xf32>
          %add3A_315 = arith.addf %unpack3A_313, %unpack3A_314 : vector<16xf32>
          %swap3A_316 = arith.constant 3 : i32
          %swap3A_317 = arith.index_cast %swap3A_316 : i32 to index
          %swap3A_318 = arith.constant 0 : index
          %swap3A_319 = tpu.vector_load %arg15[%swap3A_317, %swap3A_318] {strides = array<i32>} : memref<16x16xf32, #tpu.memory_space<vmem>>, vector<16xf32>,
          tpu.vector_store %arg15[%swap3A_317, %swap3A_318], %add3A_315 {strides = array<i32>} : memref<16x16xf32, #tpu.memory_space<vmem>>, vector<16xf32>,
          %mul3A_320 = arith.constant 16 : i32
          %mul3A_321 = arith.muli %add3A_123, %mul3A_320 : i32
          %add3A_322 = arith.constant 4 : i32
          %add3A_323 = arith.addi %mul3A_321, %add3A_322 : i32
          %get3A_324 = arith.index_cast %add3A_323 : i32 to index
          %get3A_325 = arith.constant 0 : index
          %get3A_326 = tpu.vector_load %arg10[%get3A_324, %get3A_325] {strides = array<i32>} : memref<80x64xi32, #tpu.memory_space<vmem>>, vector<16xi32>,
          %bitcast3A_327 = vector.bitcast %get3A_326 : vector<16xi32> to vector<32xbf16>
          %get3A_328 = arith.index_cast %add3A_323 : i32 to index
          %get3A_329 = arith.constant 0 : index
          %get3A_330 = tpu.vector_load %arg11[%get3A_328, %get3A_329] {strides = array<i32>} : memref<80x64xi32, #tpu.memory_space<vmem>>, vector<16xi32>,
          %bitcast3A_331 = vector.bitcast %get3A_330 : vector<16xi32> to vector<32xbf16>
          %mul3A_332 = arith.mulf %bitcast3A_327, %bitcast3A_331 : vector<32xbf16>
          %get3A_333 = arith.index_cast %add3A_323 : i32 to index
          %get3A_334 = arith.constant 16 : index
          %get3A_335 = tpu.vector_load %arg10[%get3A_333, %get3A_334] {strides = array<i32>} : memref<80x64xi32, #tpu.memory_space<vmem>>, vector<16xi32>,
          %bitcast3A_336 = vector.bitcast %get3A_335 : vector<16xi32> to vector<32xbf16>
          %get3A_337 = arith.index_cast %add3A_323 : i32 to index
          %get3A_338 = arith.constant 16 : index
          %get3A_339 = tpu.vector_load %arg11[%get3A_337, %get3A_338] {strides = array<i32>} : memref<80x64xi32, #tpu.memory_space<vmem>>, vector<16xi32>,
          %bitcast3A_340 = vector.bitcast %get3A_339 : vector<16xi32> to vector<32xbf16>
          %mul3A_341 = arith.mulf %bitcast3A_336, %bitcast3A_340 : vector<32xbf16>
          %add3A_342 = arith.addf %mul3A_332, %mul3A_341 : vector<32xbf16>
          %get3A_343 = arith.index_cast %add3A_323 : i32 to index
          %get3A_344 = arith.constant 32 : index
          %get3A_345 = tpu.vector_load %arg10[%get3A_343, %get3A_344] {strides = array<i32>} : memref<80x64xi32, #tpu.memory_space<vmem>>, vector<16xi32>,
          %bitcast3A_346 = vector.bitcast %get3A_345 : vector<16xi32> to vector<32xbf16>
          %get3A_347 = arith.index_cast %add3A_323 : i32 to index
          %get3A_348 = arith.constant 32 : index
          %get3A_349 = tpu.vector_load %arg11[%get3A_347, %get3A_348] {strides = array<i32>} : memref<80x64xi32, #tpu.memory_space<vmem>>, vector<16xi32>,
          %bitcast3A_350 = vector.bitcast %get3A_349 : vector<16xi32> to vector<32xbf16>
          %mul3A_351 = arith.mulf %bitcast3A_346, %bitcast3A_350 : vector<32xbf16>
          %add3A_352 = arith.addf %add3A_342, %mul3A_351 : vector<32xbf16>
          %get3A_353 = arith.index_cast %add3A_323 : i32 to index
          %get3A_354 = arith.constant 48 : index
          %get3A_355 = tpu.vector_load %arg10[%get3A_353, %get3A_354] {strides = array<i32>} : memref<80x64xi32, #tpu.memory_space<vmem>>, vector<16xi32>,
          %bitcast3A_356 = vector.bitcast %get3A_355 : vector<16xi32> to vector<32xbf16>
          %get3A_357 = arith.index_cast %add3A_323 : i32 to index
          %get3A_358 = arith.constant 48 : index
          %get3A_359 = tpu.vector_load %arg11[%get3A_357, %get3A_358] {strides = array<i32>} : memref<80x64xi32, #tpu.memory_space<vmem>>, vector<16xi32>,
          %bitcast3A_360 = vector.bitcast %get3A_359 : vector<16xi32> to vector<32xbf16>
          %mul3A_361 = arith.mulf %bitcast3A_356, %bitcast3A_360 : vector<32xbf16>
          %add3A_362 = arith.addf %add3A_352, %mul3A_361 : vector<32xbf16>
          %unpack3A_363 = tpu.unpack_subelements %add3A_362, 0 {pack_format = #tpu.pack_format<interleaved>} : vector<32xbf16> -> vector<16xf32>
          %unpack3A_364 = tpu.unpack_subelements %add3A_362, 1 {pack_format = #tpu.pack_format<interleaved>} : vector<32xbf16> -> vector<16xf32>
          %add3A_365 = arith.addf %unpack3A_363, %unpack3A_364 : vector<16xf32>
          %swap3A_366 = arith.constant 4 : i32
          %swap3A_367 = arith.index_cast %swap3A_366 : i32 to index
          %swap3A_368 = arith.constant 0 : index
          %swap3A_369 = tpu.vector_load %arg15[%swap3A_367, %swap3A_368] {strides = array<i32>} : memref<16x16xf32, #tpu.memory_space<vmem>>, vector<16xf32>,
          tpu.vector_store %arg15[%swap3A_367, %swap3A_368], %add3A_365 {strides = array<i32>} : memref<16x16xf32, #tpu.memory_space<vmem>>, vector<16xf32>,
          %mul3A_370 = arith.constant 16 : i32
          %mul3A_371 = arith.muli %add3A_123, %mul3A_370 : i32
          %add3A_372 = arith.constant 5 : i32
          %add3A_373 = arith.addi %mul3A_371, %add3A_372 : i32
          %get3A_374 = arith.index_cast %add3A_373 : i32 to index
          %get3A_375 = arith.constant 0 : index
          %get3A_376 = tpu.vector_load %arg10[%get3A_374, %get3A_375] {strides = array<i32>} : memref<80x64xi32, #tpu.memory_space<vmem>>, vector<16xi32>,
          %bitcast3A_377 = vector.bitcast %get3A_376 : vector<16xi32> to vector<32xbf16>
          %get3A_378 = arith.index_cast %add3A_373 : i32 to index
          %get3A_379 = arith.constant 0 : index
          %get3A_380 = tpu.vector_load %arg11[%get3A_378, %get3A_379] {strides = array<i32>} : memref<80x64xi32, #tpu.memory_space<vmem>>, vector<16xi32>,
          %bitcast3A_381 = vector.bitcast %get3A_380 : vector<16xi32> to vector<32xbf16>
          %mul3A_382 = arith.mulf %bitcast3A_377, %bitcast3A_381 : vector<32xbf16>
          %get3A_383 = arith.index_cast %add3A_373 : i32 to index
          %get3A_384 = arith.constant 16 : index
          %get3A_385 = tpu.vector_load %arg10[%get3A_383, %get3A_384] {strides = array<i32>} : memref<80x64xi32, #tpu.memory_space<vmem>>, vector<16xi32>,
          %bitcast3A_386 = vector.bitcast %get3A_385 : vector<16xi32> to vector<32xbf16>
          %get3A_387 = arith.index_cast %add3A_373 : i32 to index
          %get3A_388 = arith.constant 16 : index
          %get3A_389 = tpu.vector_load %arg11[%get3A_387, %get3A_388] {strides = array<i32>} : memref<80x64xi32, #tpu.memory_space<vmem>>, vector<16xi32>,
          %bitcast3A_390 = vector.bitcast %get3A_389 : vector<16xi32> to vector<32xbf16>
          %mul3A_391 = arith.mulf %bitcast3A_386, %bitcast3A_390 : vector<32xbf16>
          %add3A_392 = arith.addf %mul3A_382, %mul3A_391 : vector<32xbf16>
          %get3A_393 = arith.index_cast %add3A_373 : i32 to index
          %get3A_394 = arith.constant 32 : index
          %get3A_395 = tpu.vector_load %arg10[%get3A_393, %get3A_394] {strides = array<i32>} : memref<80x64xi32, #tpu.memory_space<vmem>>, vector<16xi32>,
          %bitcast3A_396 = vector.bitcast %get3A_395 : vector<16xi32> to vector<32xbf16>
          %get3A_397 = arith.index_cast %add3A_373 : i32 to index
          %get3A_398 = arith.constant 32 : index
          %get3A_399 = tpu.vector_load %arg11[%get3A_397, %get3A_398] {strides = array<i32>} : memref<80x64xi32, #tpu.memory_space<vmem>>, vector<16xi32>,
          %bitcast3A_400 = vector.bitcast %get3A_399 : vector<16xi32> to vector<32xbf16>
          %mul3A_401 = arith.mulf %bitcast3A_396, %bitcast3A_400 : vector<32xbf16>
          %add3A_402 = arith.addf %add3A_392, %mul3A_401 : vector<32xbf16>
          %get3A_403 = arith.index_cast %add3A_373 : i32 to index
          %get3A_404 = arith.constant 48 : index
          %get3A_405 = tpu.vector_load %arg10[%get3A_403, %get3A_404] {strides = array<i32>} : memref<80x64xi32, #tpu.memory_space<vmem>>, vector<16xi32>,
          %bitcast3A_406 = vector.bitcast %get3A_405 : vector<16xi32> to vector<32xbf16>
          %get3A_407 = arith.index_cast %add3A_373 : i32 to index
          %get3A_408 = arith.constant 48 : index
          %get3A_409 = tpu.vector_load %arg11[%get3A_407, %get3A_408] {strides = array<i32>} : memref<80x64xi32, #tpu.memory_space<vmem>>, vector<16xi32>,
          %bitcast3A_410 = vector.bitcast %get3A_409 : vector<16xi32> to vector<32xbf16>
          %mul3A_411 = arith.mulf %bitcast3A_406, %bitcast3A_410 : vector<32xbf16>
          %add3A_412 = arith.addf %add3A_402, %mul3A_411 : vector<32xbf16>
          %unpack3A_413 = tpu.unpack_subelements %add3A_412, 0 {pack_format = #tpu.pack_format<interleaved>} : vector<32xbf16> -> vector<16xf32>
          %unpack3A_414 = tpu.unpack_subelements %add3A_412, 1 {pack_format = #tpu.pack_format<interleaved>} : vector<32xbf16> -> vector<16xf32>
          %add3A_415 = arith.addf %unpack3A_413, %unpack3A_414 : vector<16xf32>
          %swap3A_416 = arith.constant 5 : i32
          %swap3A_417 = arith.index_cast %swap3A_416 : i32 to index
          %swap3A_418 = arith.constant 0 : index
          %swap3A_419 = tpu.vector_load %arg15[%swap3A_417, %swap3A_418] {strides = array<i32>} : memref<16x16xf32, #tpu.memory_space<vmem>>, vector<16xf32>,
          tpu.vector_store %arg15[%swap3A_417, %swap3A_418], %add3A_415 {strides = array<i32>} : memref<16x16xf32, #tpu.memory_space<vmem>>, vector<16xf32>,
          %mul3A_420 = arith.constant 16 : i32
          %mul3A_421 = arith.muli %add3A_123, %mul3A_420 : i32
          %add3A_422 = arith.constant 6 : i32
          %add3A_423 = arith.addi %mul3A_421, %add3A_422 : i32
          %get3A_424 = arith.index_cast %add3A_423 : i32 to index
          %get3A_425 = arith.constant 0 : index
          %get3A_426 = tpu.vector_load %arg10[%get3A_424, %get3A_425] {strides = array<i32>} : memref<80x64xi32, #tpu.memory_space<vmem>>, vector<16xi32>,
          %bitcast3A_427 = vector.bitcast %get3A_426 : vector<16xi32> to vector<32xbf16>
          %get3A_428 = arith.index_cast %add3A_423 : i32 to index
          %get3A_429 = arith.constant 0 : index
          %get3A_430 = tpu.vector_load %arg11[%get3A_428, %get3A_429] {strides = array<i32>} : memref<80x64xi32, #tpu.memory_space<vmem>>, vector<16xi32>,
          %bitcast3A_431 = vector.bitcast %get3A_430 : vector<16xi32> to vector<32xbf16>
          %mul3A_432 = arith.mulf %bitcast3A_427, %bitcast3A_431 : vector<32xbf16>
          %get3A_433 = arith.index_cast %add3A_423 : i32 to index
          %get3A_434 = arith.constant 16 : index
          %get3A_435 = tpu.vector_load %arg10[%get3A_433, %get3A_434] {strides = array<i32>} : memref<80x64xi32, #tpu.memory_space<vmem>>, vector<16xi32>,
          %bitcast3A_436 = vector.bitcast %get3A_435 : vector<16xi32> to vector<32xbf16>
          %get3A_437 = arith.index_cast %add3A_423 : i32 to index
          %get3A_438 = arith.constant 16 : index
          %get3A_439 = tpu.vector_load %arg11[%get3A_437, %get3A_438] {strides = array<i32>} : memref<80x64xi32, #tpu.memory_space<vmem>>, vector<16xi32>,
          %bitcast3A_440 = vector.bitcast %get3A_439 : vector<16xi32> to vector<32xbf16>
          %mul3A_441 = arith.mulf %bitcast3A_436, %bitcast3A_440 : vector<32xbf16>
          %add3A_442 = arith.addf %mul3A_432, %mul3A_441 : vector<32xbf16>
          %get3A_443 = arith.index_cast %add3A_423 : i32 to index
          %get3A_444 = arith.constant 32 : index
          %get3A_445 = tpu.vector_load %arg10[%get3A_443, %get3A_444] {strides = array<i32>} : memref<80x64xi32, #tpu.memory_space<vmem>>, vector<16xi32>,
          %bitcast3A_446 = vector.bitcast %get3A_445 : vector<16xi32> to vector<32xbf16>
          %get3A_447 = arith.index_cast %add3A_423 : i32 to index
          %get3A_448 = arith.constant 32 : index
          %get3A_449 = tpu.vector_load %arg11[%get3A_447, %get3A_448] {strides = array<i32>} : memref<80x64xi32, #tpu.memory_space<vmem>>, vector<16xi32>,
          %bitcast3A_450 = vector.bitcast %get3A_449 : vector<16xi32> to vector<32xbf16>
          %mul3A_451 = arith.mulf %bitcast3A_446, %bitcast3A_450 : vector<32xbf16>
          %add3A_452 = arith.addf %add3A_442, %mul3A_451 : vector<32xbf16>
          %get3A_453 = arith.index_cast %add3A_423 : i32 to index
          %get3A_454 = arith.constant 48 : index
          %get3A_455 = tpu.vector_load %arg10[%get3A_453, %get3A_454] {strides = array<i32>} : memref<80x64xi32, #tpu.memory_space<vmem>>, vector<16xi32>,
          %bitcast3A_456 = vector.bitcast %get3A_455 : vector<16xi32> to vector<32xbf16>
          %get3A_457 = arith.index_cast %add3A_423 : i32 to index
          %get3A_458 = arith.constant 48 : index
          %get3A_459 = tpu.vector_load %arg11[%get3A_457, %get3A_458] {strides = array<i32>} : memref<80x64xi32, #tpu.memory_space<vmem>>, vector<16xi32>,
          %bitcast3A_460 = vector.bitcast %get3A_459 : vector<16xi32> to vector<32xbf16>
          %mul3A_461 = arith.mulf %bitcast3A_456, %bitcast3A_460 : vector<32xbf16>
          %add3A_462 = arith.addf %add3A_452, %mul3A_461 : vector<32xbf16>
          %unpack3A_463 = tpu.unpack_subelements %add3A_462, 0 {pack_format = #tpu.pack_format<interleaved>} : vector<32xbf16> -> vector<16xf32>
          %unpack3A_464 = tpu.unpack_subelements %add3A_462, 1 {pack_format = #tpu.pack_format<interleaved>} : vector<32xbf16> -> vector<16xf32>
          %add3A_465 = arith.addf %unpack3A_463, %unpack3A_464 : vector<16xf32>
          %swap3A_466 = arith.constant 6 : i32
          %swap3A_467 = arith.index_cast %swap3A_466 : i32 to index
          %swap3A_468 = arith.constant 0 : index
          %swap3A_469 = tpu.vector_load %arg15[%swap3A_467, %swap3A_468] {strides = array<i32>} : memref<16x16xf32, #tpu.memory_space<vmem>>, vector<16xf32>,
          tpu.vector_store %arg15[%swap3A_467, %swap3A_468], %add3A_465 {strides = array<i32>} : memref<16x16xf32, #tpu.memory_space<vmem>>, vector<16xf32>,
          %mul3A_470 = arith.constant 16 : i32
          %mul3A_471 = arith.muli %add3A_123, %mul3A_470 : i32
          %add3A_472 = arith.constant 7 : i32
          %add3A_473 = arith.addi %mul3A_471, %add3A_472 : i32
          %get3A_474 = arith.index_cast %add3A_473 : i32 to index
          %get3A_475 = arith.constant 0 : index
          %get3A_476 = tpu.vector_load %arg10[%get3A_474, %get3A_475] {strides = array<i32>} : memref<80x64xi32, #tpu.memory_space<vmem>>, vector<16xi32>,
          %bitcast3A_477 = vector.bitcast %get3A_476 : vector<16xi32> to vector<32xbf16>
          %get3A_478 = arith.index_cast %add3A_473 : i32 to index
          %get3A_479 = arith.constant 0 : index
          %get3A_480 = tpu.vector_load %arg11[%get3A_478, %get3A_479] {strides = array<i32>} : memref<80x64xi32, #tpu.memory_space<vmem>>, vector<16xi32>,
          %bitcast3A_481 = vector.bitcast %get3A_480 : vector<16xi32> to vector<32xbf16>
          %mul3A_482 = arith.mulf %bitcast3A_477, %bitcast3A_481 : vector<32xbf16>
          %get3A_483 = arith.index_cast %add3A_473 : i32 to index
          %get3A_484 = arith.constant 16 : index
          %get3A_485 = tpu.vector_load %arg10[%get3A_483, %get3A_484] {strides = array<i32>} : memref<80x64xi32, #tpu.memory_space<vmem>>, vector<16xi32>,
          %bitcast3A_486 = vector.bitcast %get3A_485 : vector<16xi32> to vector<32xbf16>
          %get3A_487 = arith.index_cast %add3A_473 : i32 to index
          %get3A_488 = arith.constant 16 : index
          %get3A_489 = tpu.vector_load %arg11[%get3A_487, %get3A_488] {strides = array<i32>} : memref<80x64xi32, #tpu.memory_space<vmem>>, vector<16xi32>,
          %bitcast3A_490 = vector.bitcast %get3A_489 : vector<16xi32> to vector<32xbf16>
          %mul3A_491 = arith.mulf %bitcast3A_486, %bitcast3A_490 : vector<32xbf16>
          %add3A_492 = arith.addf %mul3A_482, %mul3A_491 : vector<32xbf16>
          %get3A_493 = arith.index_cast %add3A_473 : i32 to index
          %get3A_494 = arith.constant 32 : index
          %get3A_495 = tpu.vector_load %arg10[%get3A_493, %get3A_494] {strides = array<i32>} : memref<80x64xi32, #tpu.memory_space<vmem>>, vector<16xi32>,
          %bitcast3A_496 = vector.bitcast %get3A_495 : vector<16xi32> to vector<32xbf16>
          %get3A_497 = arith.index_cast %add3A_473 : i32 to index
          %get3A_498 = arith.constant 32 : index
          %get3A_499 = tpu.vector_load %arg11[%get3A_497, %get3A_498] {strides = array<i32>} : memref<80x64xi32, #tpu.memory_space<vmem>>, vector<16xi32>,
          %bitcast3A_500 = vector.bitcast %get3A_499 : vector<16xi32> to vector<32xbf16>
          %mul3A_501 = arith.mulf %bitcast3A_496, %bitcast3A_500 : vector<32xbf16>
          %add3A_502 = arith.addf %add3A_492, %mul3A_501 : vector<32xbf16>
          %get3A_503 = arith.index_cast %add3A_473 : i32 to index
          %get3A_504 = arith.constant 48 : index
          %get3A_505 = tpu.vector_load %arg10[%get3A_503, %get3A_504] {strides = array<i32>} : memref<80x64xi32, #tpu.memory_space<vmem>>, vector<16xi32>,
          %bitcast3A_506 = vector.bitcast %get3A_505 : vector<16xi32> to vector<32xbf16>
          %get3A_507 = arith.index_cast %add3A_473 : i32 to index
          %get3A_508 = arith.constant 48 : index
          %get3A_509 = tpu.vector_load %arg11[%get3A_507, %get3A_508] {strides = array<i32>} : memref<80x64xi32, #tpu.memory_space<vmem>>, vector<16xi32>,
          %bitcast3A_510 = vector.bitcast %get3A_509 : vector<16xi32> to vector<32xbf16>
          %mul3A_511 = arith.mulf %bitcast3A_506, %bitcast3A_510 : vector<32xbf16>
          %add3A_512 = arith.addf %add3A_502, %mul3A_511 : vector<32xbf16>
          %unpack3A_513 = tpu.unpack_subelements %add3A_512, 0 {pack_format = #tpu.pack_format<interleaved>} : vector<32xbf16> -> vector<16xf32>
          %unpack3A_514 = tpu.unpack_subelements %add3A_512, 1 {pack_format = #tpu.pack_format<interleaved>} : vector<32xbf16> -> vector<16xf32>
          %add3A_515 = arith.addf %unpack3A_513, %unpack3A_514 : vector<16xf32>
          %swap3A_516 = arith.constant 7 : i32
          %swap3A_517 = arith.index_cast %swap3A_516 : i32 to index
          %swap3A_518 = arith.constant 0 : index
          %swap3A_519 = tpu.vector_load %arg15[%swap3A_517, %swap3A_518] {strides = array<i32>} : memref<16x16xf32, #tpu.memory_space<vmem>>, vector<16xf32>,
          tpu.vector_store %arg15[%swap3A_517, %swap3A_518], %add3A_515 {strides = array<i32>} : memref<16x16xf32, #tpu.memory_space<vmem>>, vector<16xf32>,
          %mul3A_520 = arith.constant 16 : i32
          %mul3A_521 = arith.muli %add3A_123, %mul3A_520 : i32
          %add3A_522 = arith.constant 8 : i32
          %add3A_523 = arith.addi %mul3A_521, %add3A_522 : i32
          %get3A_524 = arith.index_cast %add3A_523 : i32 to index
          %get3A_525 = arith.constant 0 : index
          %get3A_526 = tpu.vector_load %arg10[%get3A_524, %get3A_525] {strides = array<i32>} : memref<80x64xi32, #tpu.memory_space<vmem>>, vector<16xi32>,
          %bitcast3A_527 = vector.bitcast %get3A_526 : vector<16xi32> to vector<32xbf16>
          %get3A_528 = arith.index_cast %add3A_523 : i32 to index
          %get3A_529 = arith.constant 0 : index
          %get3A_530 = tpu.vector_load %arg11[%get3A_528, %get3A_529] {strides = array<i32>} : memref<80x64xi32, #tpu.memory_space<vmem>>, vector<16xi32>,
          %bitcast3A_531 = vector.bitcast %get3A_530 : vector<16xi32> to vector<32xbf16>
          %mul3A_532 = arith.mulf %bitcast3A_527, %bitcast3A_531 : vector<32xbf16>
          %get3A_533 = arith.index_cast %add3A_523 : i32 to index
          %get3A_534 = arith.constant 16 : index
          %get3A_535 = tpu.vector_load %arg10[%get3A_533, %get3A_534] {strides = array<i32>} : memref<80x64xi32, #tpu.memory_space<vmem>>, vector<16xi32>,
          %bitcast3A_536 = vector.bitcast %get3A_535 : vector<16xi32> to vector<32xbf16>
          %get3A_537 = arith.index_cast %add3A_523 : i32 to index
          %get3A_538 = arith.constant 16 : index
          %get3A_539 = tpu.vector_load %arg11[%get3A_537, %get3A_538] {strides = array<i32>} : memref<80x64xi32, #tpu.memory_space<vmem>>, vector<16xi32>,
          %bitcast3A_540 = vector.bitcast %get3A_539 : vector<16xi32> to vector<32xbf16>
          %mul3A_541 = arith.mulf %bitcast3A_536, %bitcast3A_540 : vector<32xbf16>
          %add3A_542 = arith.addf %mul3A_532, %mul3A_541 : vector<32xbf16>
          %get3A_543 = arith.index_cast %add3A_523 : i32 to index
          %get3A_544 = arith.constant 32 : index
          %get3A_545 = tpu.vector_load %arg10[%get3A_543, %get3A_544] {strides = array<i32>} : memref<80x64xi32, #tpu.memory_space<vmem>>, vector<16xi32>,
          %bitcast3A_546 = vector.bitcast %get3A_545 : vector<16xi32> to vector<32xbf16>
          %get3A_547 = arith.index_cast %add3A_523 : i32 to index
          %get3A_548 = arith.constant 32 : index
          %get3A_549 = tpu.vector_load %arg11[%get3A_547, %get3A_548] {strides = array<i32>} : memref<80x64xi32, #tpu.memory_space<vmem>>, vector<16xi32>,
          %bitcast3A_550 = vector.bitcast %get3A_549 : vector<16xi32> to vector<32xbf16>
          %mul3A_551 = arith.mulf %bitcast3A_546, %bitcast3A_550 : vector<32xbf16>
          %add3A_552 = arith.addf %add3A_542, %mul3A_551 : vector<32xbf16>
          %get3A_553 = arith.index_cast %add3A_523 : i32 to index
          %get3A_554 = arith.constant 48 : index
          %get3A_555 = tpu.vector_load %arg10[%get3A_553, %get3A_554] {strides = array<i32>} : memref<80x64xi32, #tpu.memory_space<vmem>>, vector<16xi32>,
          %bitcast3A_556 = vector.bitcast %get3A_555 : vector<16xi32> to vector<32xbf16>
          %get3A_557 = arith.index_cast %add3A_523 : i32 to index
          %get3A_558 = arith.constant 48 : index
          %get3A_559 = tpu.vector_load %arg11[%get3A_557, %get3A_558] {strides = array<i32>} : memref<80x64xi32, #tpu.memory_space<vmem>>, vector<16xi32>,
          %bitcast3A_560 = vector.bitcast %get3A_559 : vector<16xi32> to vector<32xbf16>
          %mul3A_561 = arith.mulf %bitcast3A_556, %bitcast3A_560 : vector<32xbf16>
          %add3A_562 = arith.addf %add3A_552, %mul3A_561 : vector<32xbf16>
          %unpack3A_563 = tpu.unpack_subelements %add3A_562, 0 {pack_format = #tpu.pack_format<interleaved>} : vector<32xbf16> -> vector<16xf32>
          %unpack3A_564 = tpu.unpack_subelements %add3A_562, 1 {pack_format = #tpu.pack_format<interleaved>} : vector<32xbf16> -> vector<16xf32>
          %add3A_565 = arith.addf %unpack3A_563, %unpack3A_564 : vector<16xf32>
          %swap3A_566 = arith.constant 8 : i32
          %swap3A_567 = arith.index_cast %swap3A_566 : i32 to index
          %swap3A_568 = arith.constant 0 : index
          %swap3A_569 = tpu.vector_load %arg15[%swap3A_567, %swap3A_568] {strides = array<i32>} : memref<16x16xf32, #tpu.memory_space<vmem>>, vector<16xf32>,
          tpu.vector_store %arg15[%swap3A_567, %swap3A_568], %add3A_565 {strides = array<i32>} : memref<16x16xf32, #tpu.memory_space<vmem>>, vector<16xf32>,
          %mul3A_570 = arith.constant 16 : i32
          %mul3A_571 = arith.muli %add3A_123, %mul3A_570 : i32
          %add3A_572 = arith.constant 9 : i32
          %add3A_573 = arith.addi %mul3A_571, %add3A_572 : i32
          %get3A_574 = arith.index_cast %add3A_573 : i32 to index
          %get3A_575 = arith.constant 0 : index
          %get3A_576 = tpu.vector_load %arg10[%get3A_574, %get3A_575] {strides = array<i32>} : memref<80x64xi32, #tpu.memory_space<vmem>>, vector<16xi32>,
          %bitcast3A_577 = vector.bitcast %get3A_576 : vector<16xi32> to vector<32xbf16>
          %get3A_578 = arith.index_cast %add3A_573 : i32 to index
          %get3A_579 = arith.constant 0 : index
          %get3A_580 = tpu.vector_load %arg11[%get3A_578, %get3A_579] {strides = array<i32>} : memref<80x64xi32, #tpu.memory_space<vmem>>, vector<16xi32>,
          %bitcast3A_581 = vector.bitcast %get3A_580 : vector<16xi32> to vector<32xbf16>
          %mul3A_582 = arith.mulf %bitcast3A_577, %bitcast3A_581 : vector<32xbf16>
          %get3A_583 = arith.index_cast %add3A_573 : i32 to index
          %get3A_584 = arith.constant 16 : index
          %get3A_585 = tpu.vector_load %arg10[%get3A_583, %get3A_584] {strides = array<i32>} : memref<80x64xi32, #tpu.memory_space<vmem>>, vector<16xi32>,
          %bitcast3A_586 = vector.bitcast %get3A_585 : vector<16xi32> to vector<32xbf16>
          %get3A_587 = arith.index_cast %add3A_573 : i32 to index
          %get3A_588 = arith.constant 16 : index
          %get3A_589 = tpu.vector_load %arg11[%get3A_587, %get3A_588] {strides = array<i32>} : memref<80x64xi32, #tpu.memory_space<vmem>>, vector<16xi32>,
          %bitcast3A_590 = vector.bitcast %get3A_589 : vector<16xi32> to vector<32xbf16>
          %mul3A_591 = arith.mulf %bitcast3A_586, %bitcast3A_590 : vector<32xbf16>
          %add3A_592 = arith.addf %mul3A_582, %mul3A_591 : vector<32xbf16>
          %get3A_593 = arith.index_cast %add3A_573 : i32 to index
          %get3A_594 = arith.constant 32 : index
          %get3A_595 = tpu.vector_load %arg10[%get3A_593, %get3A_594] {strides = array<i32>} : memref<80x64xi32, #tpu.memory_space<vmem>>, vector<16xi32>,
          %bitcast3A_596 = vector.bitcast %get3A_595 : vector<16xi32> to vector<32xbf16>
          %get3A_597 = arith.index_cast %add3A_573 : i32 to index
          %get3A_598 = arith.constant 32 : index
          %get3A_599 = tpu.vector_load %arg11[%get3A_597, %get3A_598] {strides = array<i32>} : memref<80x64xi32, #tpu.memory_space<vmem>>, vector<16xi32>,
          %bitcast3A_600 = vector.bitcast %get3A_599 : vector<16xi32> to vector<32xbf16>
          %mul3A_601 = arith.mulf %bitcast3A_596, %bitcast3A_600 : vector<32xbf16>
          %add3A_602 = arith.addf %add3A_592, %mul3A_601 : vector<32xbf16>
          %get3A_603 = arith.index_cast %add3A_573 : i32 to index
          %get3A_604 = arith.constant 48 : index
          %get3A_605 = tpu.vector_load %arg10[%get3A_603, %get3A_604] {strides = array<i32>} : memref<80x64xi32, #tpu.memory_space<vmem>>, vector<16xi32>,
          %bitcast3A_606 = vector.bitcast %get3A_605 : vector<16xi32> to vector<32xbf16>
          %get3A_607 = arith.index_cast %add3A_573 : i32 to index
          %get3A_608 = arith.constant 48 : index
          %get3A_609 = tpu.vector_load %arg11[%get3A_607, %get3A_608] {strides = array<i32>} : memref<80x64xi32, #tpu.memory_space<vmem>>, vector<16xi32>,
          %bitcast3A_610 = vector.bitcast %get3A_609 : vector<16xi32> to vector<32xbf16>
          %mul3A_611 = arith.mulf %bitcast3A_606, %bitcast3A_610 : vector<32xbf16>
          %add3A_612 = arith.addf %add3A_602, %mul3A_611 : vector<32xbf16>
          %unpack3A_613 = tpu.unpack_subelements %add3A_612, 0 {pack_format = #tpu.pack_format<interleaved>} : vector<32xbf16> -> vector<16xf32>
          %unpack3A_614 = tpu.unpack_subelements %add3A_612, 1 {pack_format = #tpu.pack_format<interleaved>} : vector<32xbf16> -> vector<16xf32>
          %add3A_615 = arith.addf %unpack3A_613, %unpack3A_614 : vector<16xf32>
          %swap3A_616 = arith.constant 9 : i32
          %swap3A_617 = arith.index_cast %swap3A_616 : i32 to index
          %swap3A_618 = arith.constant 0 : index
          %swap3A_619 = tpu.vector_load %arg15[%swap3A_617, %swap3A_618] {strides = array<i32>} : memref<16x16xf32, #tpu.memory_space<vmem>>, vector<16xf32>,
          tpu.vector_store %arg15[%swap3A_617, %swap3A_618], %add3A_615 {strides = array<i32>} : memref<16x16xf32, #tpu.memory_space<vmem>>, vector<16xf32>,
          %mul3A_620 = arith.constant 16 : i32
          %mul3A_621 = arith.muli %add3A_123, %mul3A_620 : i32
          %add3A_622 = arith.constant 10 : i32
          %add3A_623 = arith.addi %mul3A_621, %add3A_622 : i32
          %get3A_624 = arith.index_cast %add3A_623 : i32 to index
          %get3A_625 = arith.constant 0 : index
          %get3A_626 = tpu.vector_load %arg10[%get3A_624, %get3A_625] {strides = array<i32>} : memref<80x64xi32, #tpu.memory_space<vmem>>, vector<16xi32>,
          %bitcast3A_627 = vector.bitcast %get3A_626 : vector<16xi32> to vector<32xbf16>
          %get3A_628 = arith.index_cast %add3A_623 : i32 to index
          %get3A_629 = arith.constant 0 : index
          %get3A_630 = tpu.vector_load %arg11[%get3A_628, %get3A_629] {strides = array<i32>} : memref<80x64xi32, #tpu.memory_space<vmem>>, vector<16xi32>,
          %bitcast3A_631 = vector.bitcast %get3A_630 : vector<16xi32> to vector<32xbf16>
          %mul3A_632 = arith.mulf %bitcast3A_627, %bitcast3A_631 : vector<32xbf16>
          %get3A_633 = arith.index_cast %add3A_623 : i32 to index
          %get3A_634 = arith.constant 16 : index
          %get3A_635 = tpu.vector_load %arg10[%get3A_633, %get3A_634] {strides = array<i32>} : memref<80x64xi32, #tpu.memory_space<vmem>>, vector<16xi32>,
          %bitcast3A_636 = vector.bitcast %get3A_635 : vector<16xi32> to vector<32xbf16>
          %get3A_637 = arith.index_cast %add3A_623 : i32 to index
          %get3A_638 = arith.constant 16 : index
          %get3A_639 = tpu.vector_load %arg11[%get3A_637, %get3A_638] {strides = array<i32>} : memref<80x64xi32, #tpu.memory_space<vmem>>, vector<16xi32>,
          %bitcast3A_640 = vector.bitcast %get3A_639 : vector<16xi32> to vector<32xbf16>
          %mul3A_641 = arith.mulf %bitcast3A_636, %bitcast3A_640 : vector<32xbf16>
          %add3A_642 = arith.addf %mul3A_632, %mul3A_641 : vector<32xbf16>
          %get3A_643 = arith.index_cast %add3A_623 : i32 to index
          %get3A_644 = arith.constant 32 : index
          %get3A_645 = tpu.vector_load %arg10[%get3A_643, %get3A_644] {strides = array<i32>} : memref<80x64xi32, #tpu.memory_space<vmem>>, vector<16xi32>,
          %bitcast3A_646 = vector.bitcast %get3A_645 : vector<16xi32> to vector<32xbf16>
          %get3A_647 = arith.index_cast %add3A_623 : i32 to index
          %get3A_648 = arith.constant 32 : index
          %get3A_649 = tpu.vector_load %arg11[%get3A_647, %get3A_648] {strides = array<i32>} : memref<80x64xi32, #tpu.memory_space<vmem>>, vector<16xi32>,
          %bitcast3A_650 = vector.bitcast %get3A_649 : vector<16xi32> to vector<32xbf16>
          %mul3A_651 = arith.mulf %bitcast3A_646, %bitcast3A_650 : vector<32xbf16>
          %add3A_652 = arith.addf %add3A_642, %mul3A_651 : vector<32xbf16>
          %get3A_653 = arith.index_cast %add3A_623 : i32 to index
          %get3A_654 = arith.constant 48 : index
          %get3A_655 = tpu.vector_load %arg10[%get3A_653, %get3A_654] {strides = array<i32>} : memref<80x64xi32, #tpu.memory_space<vmem>>, vector<16xi32>,
          %bitcast3A_656 = vector.bitcast %get3A_655 : vector<16xi32> to vector<32xbf16>
          %get3A_657 = arith.index_cast %add3A_623 : i32 to index
          %get3A_658 = arith.constant 48 : index
          %get3A_659 = tpu.vector_load %arg11[%get3A_657, %get3A_658] {strides = array<i32>} : memref<80x64xi32, #tpu.memory_space<vmem>>, vector<16xi32>,
          %bitcast3A_660 = vector.bitcast %get3A_659 : vector<16xi32> to vector<32xbf16>
          %mul3A_661 = arith.mulf %bitcast3A_656, %bitcast3A_660 : vector<32xbf16>
          %add3A_662 = arith.addf %add3A_652, %mul3A_661 : vector<32xbf16>
          %unpack3A_663 = tpu.unpack_subelements %add3A_662, 0 {pack_format = #tpu.pack_format<interleaved>} : vector<32xbf16> -> vector<16xf32>
          %unpack3A_664 = tpu.unpack_subelements %add3A_662, 1 {pack_format = #tpu.pack_format<interleaved>} : vector<32xbf16> -> vector<16xf32>
          %add3A_665 = arith.addf %unpack3A_663, %unpack3A_664 : vector<16xf32>
          %swap3A_666 = arith.constant 10 : i32
          %swap3A_667 = arith.index_cast %swap3A_666 : i32 to index
          %swap3A_668 = arith.constant 0 : index
          %swap3A_669 = tpu.vector_load %arg15[%swap3A_667, %swap3A_668] {strides = array<i32>} : memref<16x16xf32, #tpu.memory_space<vmem>>, vector<16xf32>,
          tpu.vector_store %arg15[%swap3A_667, %swap3A_668], %add3A_665 {strides = array<i32>} : memref<16x16xf32, #tpu.memory_space<vmem>>, vector<16xf32>,
          %mul3A_670 = arith.constant 16 : i32
          %mul3A_671 = arith.muli %add3A_123, %mul3A_670 : i32
          %add3A_672 = arith.constant 11 : i32
          %add3A_673 = arith.addi %mul3A_671, %add3A_672 : i32
          %get3A_674 = arith.index_cast %add3A_673 : i32 to index
          %get3A_675 = arith.constant 0 : index
          %get3A_676 = tpu.vector_load %arg10[%get3A_674, %get3A_675] {strides = array<i32>} : memref<80x64xi32, #tpu.memory_space<vmem>>, vector<16xi32>,
          %bitcast3A_677 = vector.bitcast %get3A_676 : vector<16xi32> to vector<32xbf16>
          %get3A_678 = arith.index_cast %add3A_673 : i32 to index
          %get3A_679 = arith.constant 0 : index
          %get3A_680 = tpu.vector_load %arg11[%get3A_678, %get3A_679] {strides = array<i32>} : memref<80x64xi32, #tpu.memory_space<vmem>>, vector<16xi32>,
          %bitcast3A_681 = vector.bitcast %get3A_680 : vector<16xi32> to vector<32xbf16>
          %mul3A_682 = arith.mulf %bitcast3A_677, %bitcast3A_681 : vector<32xbf16>
          %get3A_683 = arith.index_cast %add3A_673 : i32 to index
          %get3A_684 = arith.constant 16 : index
          %get3A_685 = tpu.vector_load %arg10[%get3A_683, %get3A_684] {strides = array<i32>} : memref<80x64xi32, #tpu.memory_space<vmem>>, vector<16xi32>,
          %bitcast3A_686 = vector.bitcast %get3A_685 : vector<16xi32> to vector<32xbf16>
          %get3A_687 = arith.index_cast %add3A_673 : i32 to index
          %get3A_688 = arith.constant 16 : index
          %get3A_689 = tpu.vector_load %arg11[%get3A_687, %get3A_688] {strides = array<i32>} : memref<80x64xi32, #tpu.memory_space<vmem>>, vector<16xi32>,
          %bitcast3A_690 = vector.bitcast %get3A_689 : vector<16xi32> to vector<32xbf16>
          %mul3A_691 = arith.mulf %bitcast3A_686, %bitcast3A_690 : vector<32xbf16>
          %add3A_692 = arith.addf %mul3A_682, %mul3A_691 : vector<32xbf16>
          %get3A_693 = arith.index_cast %add3A_673 : i32 to index
          %get3A_694 = arith.constant 32 : index
          %get3A_695 = tpu.vector_load %arg10[%get3A_693, %get3A_694] {strides = array<i32>} : memref<80x64xi32, #tpu.memory_space<vmem>>, vector<16xi32>,
          %bitcast3A_696 = vector.bitcast %get3A_695 : vector<16xi32> to vector<32xbf16>
          %get3A_697 = arith.index_cast %add3A_673 : i32 to index
          %get3A_698 = arith.constant 32 : index
          %get3A_699 = tpu.vector_load %arg11[%get3A_697, %get3A_698] {strides = array<i32>} : memref<80x64xi32, #tpu.memory_space<vmem>>, vector<16xi32>,
          %bitcast3A_700 = vector.bitcast %get3A_699 : vector<16xi32> to vector<32xbf16>
          %mul3A_701 = arith.mulf %bitcast3A_696, %bitcast3A_700 : vector<32xbf16>
          %add3A_702 = arith.addf %add3A_692, %mul3A_701 : vector<32xbf16>
          %get3A_703 = arith.index_cast %add3A_673 : i32 to index
          %get3A_704 = arith.constant 48 : index
          %get3A_705 = tpu.vector_load %arg10[%get3A_703, %get3A_704] {strides = array<i32>} : memref<80x64xi32, #tpu.memory_space<vmem>>, vector<16xi32>,
          %bitcast3A_706 = vector.bitcast %get3A_705 : vector<16xi32> to vector<32xbf16>
          %get3A_707 = arith.index_cast %add3A_673 : i32 to index
          %get3A_708 = arith.constant 48 : index
          %get3A_709 = tpu.vector_load %arg11[%get3A_707, %get3A_708] {strides = array<i32>} : memref<80x64xi32, #tpu.memory_space<vmem>>, vector<16xi32>,
          %bitcast3A_710 = vector.bitcast %get3A_709 : vector<16xi32> to vector<32xbf16>
          %mul3A_711 = arith.mulf %bitcast3A_706, %bitcast3A_710 : vector<32xbf16>
          %add3A_712 = arith.addf %add3A_702, %mul3A_711 : vector<32xbf16>
          %unpack3A_713 = tpu.unpack_subelements %add3A_712, 0 {pack_format = #tpu.pack_format<interleaved>} : vector<32xbf16> -> vector<16xf32>
          %unpack3A_714 = tpu.unpack_subelements %add3A_712, 1 {pack_format = #tpu.pack_format<interleaved>} : vector<32xbf16> -> vector<16xf32>
          %add3A_715 = arith.addf %unpack3A_713, %unpack3A_714 : vector<16xf32>
          %swap3A_716 = arith.constant 11 : i32
          %swap3A_717 = arith.index_cast %swap3A_716 : i32 to index
          %swap3A_718 = arith.constant 0 : index
          %swap3A_719 = tpu.vector_load %arg15[%swap3A_717, %swap3A_718] {strides = array<i32>} : memref<16x16xf32, #tpu.memory_space<vmem>>, vector<16xf32>,
          tpu.vector_store %arg15[%swap3A_717, %swap3A_718], %add3A_715 {strides = array<i32>} : memref<16x16xf32, #tpu.memory_space<vmem>>, vector<16xf32>,
          %mul3A_720 = arith.constant 16 : i32
          %mul3A_721 = arith.muli %add3A_123, %mul3A_720 : i32
          %add3A_722 = arith.constant 12 : i32
          %add3A_723 = arith.addi %mul3A_721, %add3A_722 : i32
          %get3A_724 = arith.index_cast %add3A_723 : i32 to index
          %get3A_725 = arith.constant 0 : index
          %get3A_726 = tpu.vector_load %arg10[%get3A_724, %get3A_725] {strides = array<i32>} : memref<80x64xi32, #tpu.memory_space<vmem>>, vector<16xi32>,
          %bitcast3A_727 = vector.bitcast %get3A_726 : vector<16xi32> to vector<32xbf16>
          %get3A_728 = arith.index_cast %add3A_723 : i32 to index
          %get3A_729 = arith.constant 0 : index
          %get3A_730 = tpu.vector_load %arg11[%get3A_728, %get3A_729] {strides = array<i32>} : memref<80x64xi32, #tpu.memory_space<vmem>>, vector<16xi32>,
          %bitcast3A_731 = vector.bitcast %get3A_730 : vector<16xi32> to vector<32xbf16>
          %mul3A_732 = arith.mulf %bitcast3A_727, %bitcast3A_731 : vector<32xbf16>
          %get3A_733 = arith.index_cast %add3A_723 : i32 to index
          %get3A_734 = arith.constant 16 : index
          %get3A_735 = tpu.vector_load %arg10[%get3A_733, %get3A_734] {strides = array<i32>} : memref<80x64xi32, #tpu.memory_space<vmem>>, vector<16xi32>,
          %bitcast3A_736 = vector.bitcast %get3A_735 : vector<16xi32> to vector<32xbf16>
          %get3A_737 = arith.index_cast %add3A_723 : i32 to index
          %get3A_738 = arith.constant 16 : index
          %get3A_739 = tpu.vector_load %arg11[%get3A_737, %get3A_738] {strides = array<i32>} : memref<80x64xi32, #tpu.memory_space<vmem>>, vector<16xi32>,
          %bitcast3A_740 = vector.bitcast %get3A_739 : vector<16xi32> to vector<32xbf16>
          %mul3A_741 = arith.mulf %bitcast3A_736, %bitcast3A_740 : vector<32xbf16>
          %add3A_742 = arith.addf %mul3A_732, %mul3A_741 : vector<32xbf16>
          %get3A_743 = arith.index_cast %add3A_723 : i32 to index
          %get3A_744 = arith.constant 32 : index
          %get3A_745 = tpu.vector_load %arg10[%get3A_743, %get3A_744] {strides = array<i32>} : memref<80x64xi32, #tpu.memory_space<vmem>>, vector<16xi32>,
          %bitcast3A_746 = vector.bitcast %get3A_745 : vector<16xi32> to vector<32xbf16>
          %get3A_747 = arith.index_cast %add3A_723 : i32 to index
          %get3A_748 = arith.constant 32 : index
          %get3A_749 = tpu.vector_load %arg11[%get3A_747, %get3A_748] {strides = array<i32>} : memref<80x64xi32, #tpu.memory_space<vmem>>, vector<16xi32>,
          %bitcast3A_750 = vector.bitcast %get3A_749 : vector<16xi32> to vector<32xbf16>
          %mul3A_751 = arith.mulf %bitcast3A_746, %bitcast3A_750 : vector<32xbf16>
          %add3A_752 = arith.addf %add3A_742, %mul3A_751 : vector<32xbf16>
          %get3A_753 = arith.index_cast %add3A_723 : i32 to index
          %get3A_754 = arith.constant 48 : index
          %get3A_755 = tpu.vector_load %arg10[%get3A_753, %get3A_754] {strides = array<i32>} : memref<80x64xi32, #tpu.memory_space<vmem>>, vector<16xi32>,
          %bitcast3A_756 = vector.bitcast %get3A_755 : vector<16xi32> to vector<32xbf16>
          %get3A_757 = arith.index_cast %add3A_723 : i32 to index
          %get3A_758 = arith.constant 48 : index
          %get3A_759 = tpu.vector_load %arg11[%get3A_757, %get3A_758] {strides = array<i32>} : memref<80x64xi32, #tpu.memory_space<vmem>>, vector<16xi32>,
          %bitcast3A_760 = vector.bitcast %get3A_759 : vector<16xi32> to vector<32xbf16>
          %mul3A_761 = arith.mulf %bitcast3A_756, %bitcast3A_760 : vector<32xbf16>
          %add3A_762 = arith.addf %add3A_752, %mul3A_761 : vector<32xbf16>
          %unpack3A_763 = tpu.unpack_subelements %add3A_762, 0 {pack_format = #tpu.pack_format<interleaved>} : vector<32xbf16> -> vector<16xf32>
          %unpack3A_764 = tpu.unpack_subelements %add3A_762, 1 {pack_format = #tpu.pack_format<interleaved>} : vector<32xbf16> -> vector<16xf32>
          %add3A_765 = arith.addf %unpack3A_763, %unpack3A_764 : vector<16xf32>
          %swap3A_766 = arith.constant 12 : i32
          %swap3A_767 = arith.index_cast %swap3A_766 : i32 to index
          %swap3A_768 = arith.constant 0 : index
          %swap3A_769 = tpu.vector_load %arg15[%swap3A_767, %swap3A_768] {strides = array<i32>} : memref<16x16xf32, #tpu.memory_space<vmem>>, vector<16xf32>,
          tpu.vector_store %arg15[%swap3A_767, %swap3A_768], %add3A_765 {strides = array<i32>} : memref<16x16xf32, #tpu.memory_space<vmem>>, vector<16xf32>,
          %mul3A_770 = arith.constant 16 : i32
          %mul3A_771 = arith.muli %add3A_123, %mul3A_770 : i32
          %add3A_772 = arith.constant 13 : i32
          %add3A_773 = arith.addi %mul3A_771, %add3A_772 : i32
          %get3A_774 = arith.index_cast %add3A_773 : i32 to index
          %get3A_775 = arith.constant 0 : index
          %get3A_776 = tpu.vector_load %arg10[%get3A_774, %get3A_775] {strides = array<i32>} : memref<80x64xi32, #tpu.memory_space<vmem>>, vector<16xi32>,
          %bitcast3A_777 = vector.bitcast %get3A_776 : vector<16xi32> to vector<32xbf16>
          %get3A_778 = arith.index_cast %add3A_773 : i32 to index
          %get3A_779 = arith.constant 0 : index
          %get3A_780 = tpu.vector_load %arg11[%get3A_778, %get3A_779] {strides = array<i32>} : memref<80x64xi32, #tpu.memory_space<vmem>>, vector<16xi32>,
          %bitcast3A_781 = vector.bitcast %get3A_780 : vector<16xi32> to vector<32xbf16>
          %mul3A_782 = arith.mulf %bitcast3A_777, %bitcast3A_781 : vector<32xbf16>
          %get3A_783 = arith.index_cast %add3A_773 : i32 to index
          %get3A_784 = arith.constant 16 : index
          %get3A_785 = tpu.vector_load %arg10[%get3A_783, %get3A_784] {strides = array<i32>} : memref<80x64xi32, #tpu.memory_space<vmem>>, vector<16xi32>,
          %bitcast3A_786 = vector.bitcast %get3A_785 : vector<16xi32> to vector<32xbf16>
          %get3A_787 = arith.index_cast %add3A_773 : i32 to index
          %get3A_788 = arith.constant 16 : index
          %get3A_789 = tpu.vector_load %arg11[%get3A_787, %get3A_788] {strides = array<i32>} : memref<80x64xi32, #tpu.memory_space<vmem>>, vector<16xi32>,
          %bitcast3A_790 = vector.bitcast %get3A_789 : vector<16xi32> to vector<32xbf16>
          %mul3A_791 = arith.mulf %bitcast3A_786, %bitcast3A_790 : vector<32xbf16>
          %add3A_792 = arith.addf %mul3A_782, %mul3A_791 : vector<32xbf16>
          %get3A_793 = arith.index_cast %add3A_773 : i32 to index
          %get3A_794 = arith.constant 32 : index
          %get3A_795 = tpu.vector_load %arg10[%get3A_793, %get3A_794] {strides = array<i32>} : memref<80x64xi32, #tpu.memory_space<vmem>>, vector<16xi32>,
          %bitcast3A_796 = vector.bitcast %get3A_795 : vector<16xi32> to vector<32xbf16>
          %get3A_797 = arith.index_cast %add3A_773 : i32 to index
          %get3A_798 = arith.constant 32 : index
          %get3A_799 = tpu.vector_load %arg11[%get3A_797, %get3A_798] {strides = array<i32>} : memref<80x64xi32, #tpu.memory_space<vmem>>, vector<16xi32>,
          %bitcast3A_800 = vector.bitcast %get3A_799 : vector<16xi32> to vector<32xbf16>
          %mul3A_801 = arith.mulf %bitcast3A_796, %bitcast3A_800 : vector<32xbf16>
          %add3A_802 = arith.addf %add3A_792, %mul3A_801 : vector<32xbf16>
          %get3A_803 = arith.index_cast %add3A_773 : i32 to index
          %get3A_804 = arith.constant 48 : index
          %get3A_805 = tpu.vector_load %arg10[%get3A_803, %get3A_804] {strides = array<i32>} : memref<80x64xi32, #tpu.memory_space<vmem>>, vector<16xi32>,
          %bitcast3A_806 = vector.bitcast %get3A_805 : vector<16xi32> to vector<32xbf16>
          %get3A_807 = arith.index_cast %add3A_773 : i32 to index
          %get3A_808 = arith.constant 48 : index
          %get3A_809 = tpu.vector_load %arg11[%get3A_807, %get3A_808] {strides = array<i32>} : memref<80x64xi32, #tpu.memory_space<vmem>>, vector<16xi32>,
          %bitcast3A_810 = vector.bitcast %get3A_809 : vector<16xi32> to vector<32xbf16>
          %mul3A_811 = arith.mulf %bitcast3A_806, %bitcast3A_810 : vector<32xbf16>
          %add3A_812 = arith.addf %add3A_802, %mul3A_811 : vector<32xbf16>
          %unpack3A_813 = tpu.unpack_subelements %add3A_812, 0 {pack_format = #tpu.pack_format<interleaved>} : vector<32xbf16> -> vector<16xf32>
          %unpack3A_814 = tpu.unpack_subelements %add3A_812, 1 {pack_format = #tpu.pack_format<interleaved>} : vector<32xbf16> -> vector<16xf32>
          %add3A_815 = arith.addf %unpack3A_813, %unpack3A_814 : vector<16xf32>
          %swap3A_816 = arith.constant 13 : i32
          %swap3A_817 = arith.index_cast %swap3A_816 : i32 to index
          %swap3A_818 = arith.constant 0 : index
          %swap3A_819 = tpu.vector_load %arg15[%swap3A_817, %swap3A_818] {strides = array<i32>} : memref<16x16xf32, #tpu.memory_space<vmem>>, vector<16xf32>,
          tpu.vector_store %arg15[%swap3A_817, %swap3A_818], %add3A_815 {strides = array<i32>} : memref<16x16xf32, #tpu.memory_space<vmem>>, vector<16xf32>,
          %mul3A_820 = arith.constant 16 : i32
          %mul3A_821 = arith.muli %add3A_123, %mul3A_820 : i32
          %add3A_822 = arith.constant 14 : i32
          %add3A_823 = arith.addi %mul3A_821, %add3A_822 : i32
          %get3A_824 = arith.index_cast %add3A_823 : i32 to index
          %get3A_825 = arith.constant 0 : index
          %get3A_826 = tpu.vector_load %arg10[%get3A_824, %get3A_825] {strides = array<i32>} : memref<80x64xi32, #tpu.memory_space<vmem>>, vector<16xi32>,
          %bitcast3A_827 = vector.bitcast %get3A_826 : vector<16xi32> to vector<32xbf16>
          %get3A_828 = arith.index_cast %add3A_823 : i32 to index
          %get3A_829 = arith.constant 0 : index
          %get3A_830 = tpu.vector_load %arg11[%get3A_828, %get3A_829] {strides = array<i32>} : memref<80x64xi32, #tpu.memory_space<vmem>>, vector<16xi32>,
          %bitcast3A_831 = vector.bitcast %get3A_830 : vector<16xi32> to vector<32xbf16>
          %mul3A_832 = arith.mulf %bitcast3A_827, %bitcast3A_831 : vector<32xbf16>
          %get3A_833 = arith.index_cast %add3A_823 : i32 to index
          %get3A_834 = arith.constant 16 : index
          %get3A_835 = tpu.vector_load %arg10[%get3A_833, %get3A_834] {strides = array<i32>} : memref<80x64xi32, #tpu.memory_space<vmem>>, vector<16xi32>,
          %bitcast3A_836 = vector.bitcast %get3A_835 : vector<16xi32> to vector<32xbf16>
          %get3A_837 = arith.index_cast %add3A_823 : i32 to index
          %get3A_838 = arith.constant 16 : index
          %get3A_839 = tpu.vector_load %arg11[%get3A_837, %get3A_838] {strides = array<i32>} : memref<80x64xi32, #tpu.memory_space<vmem>>, vector<16xi32>,
          %bitcast3A_840 = vector.bitcast %get3A_839 : vector<16xi32> to vector<32xbf16>
          %mul3A_841 = arith.mulf %bitcast3A_836, %bitcast3A_840 : vector<32xbf16>
          %add3A_842 = arith.addf %mul3A_832, %mul3A_841 : vector<32xbf16>
          %get3A_843 = arith.index_cast %add3A_823 : i32 to index
          %get3A_844 = arith.constant 32 : index
          %get3A_845 = tpu.vector_load %arg10[%get3A_843, %get3A_844] {strides = array<i32>} : memref<80x64xi32, #tpu.memory_space<vmem>>, vector<16xi32>,
          %bitcast3A_846 = vector.bitcast %get3A_845 : vector<16xi32> to vector<32xbf16>
          %get3A_847 = arith.index_cast %add3A_823 : i32 to index
          %get3A_848 = arith.constant 32 : index
          %get3A_849 = tpu.vector_load %arg11[%get3A_847, %get3A_848] {strides = array<i32>} : memref<80x64xi32, #tpu.memory_space<vmem>>, vector<16xi32>,
          %bitcast3A_850 = vector.bitcast %get3A_849 : vector<16xi32> to vector<32xbf16>
          %mul3A_851 = arith.mulf %bitcast3A_846, %bitcast3A_850 : vector<32xbf16>
          %add3A_852 = arith.addf %add3A_842, %mul3A_851 : vector<32xbf16>
          %get3A_853 = arith.index_cast %add3A_823 : i32 to index
          %get3A_854 = arith.constant 48 : index
          %get3A_855 = tpu.vector_load %arg10[%get3A_853, %get3A_854] {strides = array<i32>} : memref<80x64xi32, #tpu.memory_space<vmem>>, vector<16xi32>,
          %bitcast3A_856 = vector.bitcast %get3A_855 : vector<16xi32> to vector<32xbf16>
          %get3A_857 = arith.index_cast %add3A_823 : i32 to index
          %get3A_858 = arith.constant 48 : index
          %get3A_859 = tpu.vector_load %arg11[%get3A_857, %get3A_858] {strides = array<i32>} : memref<80x64xi32, #tpu.memory_space<vmem>>, vector<16xi32>,
          %bitcast3A_860 = vector.bitcast %get3A_859 : vector<16xi32> to vector<32xbf16>
          %mul3A_861 = arith.mulf %bitcast3A_856, %bitcast3A_860 : vector<32xbf16>
          %add3A_862 = arith.addf %add3A_852, %mul3A_861 : vector<32xbf16>
          %unpack3A_863 = tpu.unpack_subelements %add3A_862, 0 {pack_format = #tpu.pack_format<interleaved>} : vector<32xbf16> -> vector<16xf32>
          %unpack3A_864 = tpu.unpack_subelements %add3A_862, 1 {pack_format = #tpu.pack_format<interleaved>} : vector<32xbf16> -> vector<16xf32>
          %add3A_865 = arith.addf %unpack3A_863, %unpack3A_864 : vector<16xf32>
          %swap3A_866 = arith.constant 14 : i32
          %swap3A_867 = arith.index_cast %swap3A_866 : i32 to index
          %swap3A_868 = arith.constant 0 : index
          %swap3A_869 = tpu.vector_load %arg15[%swap3A_867, %swap3A_868] {strides = array<i32>} : memref<16x16xf32, #tpu.memory_space<vmem>>, vector<16xf32>,
          tpu.vector_store %arg15[%swap3A_867, %swap3A_868], %add3A_865 {strides = array<i32>} : memref<16x16xf32, #tpu.memory_space<vmem>>, vector<16xf32>,
          %mul3A_870 = arith.constant 16 : i32
          %mul3A_871 = arith.muli %add3A_123, %mul3A_870 : i32
          %add3A_872 = arith.constant 15 : i32
          %add3A_873 = arith.addi %mul3A_871, %add3A_872 : i32
          %get3A_874 = arith.index_cast %add3A_873 : i32 to index
          %get3A_875 = arith.constant 0 : index
          %get3A_876 = tpu.vector_load %arg10[%get3A_874, %get3A_875] {strides = array<i32>} : memref<80x64xi32, #tpu.memory_space<vmem>>, vector<16xi32>,
          %bitcast3A_877 = vector.bitcast %get3A_876 : vector<16xi32> to vector<32xbf16>
          %get3A_878 = arith.index_cast %add3A_873 : i32 to index
          %get3A_879 = arith.constant 0 : index
          %get3A_880 = tpu.vector_load %arg11[%get3A_878, %get3A_879] {strides = array<i32>} : memref<80x64xi32, #tpu.memory_space<vmem>>, vector<16xi32>,
          %bitcast3A_881 = vector.bitcast %get3A_880 : vector<16xi32> to vector<32xbf16>
          %mul3A_882 = arith.mulf %bitcast3A_877, %bitcast3A_881 : vector<32xbf16>
          %get3A_883 = arith.index_cast %add3A_873 : i32 to index
          %get3A_884 = arith.constant 16 : index
          %get3A_885 = tpu.vector_load %arg10[%get3A_883, %get3A_884] {strides = array<i32>} : memref<80x64xi32, #tpu.memory_space<vmem>>, vector<16xi32>,
          %bitcast3A_886 = vector.bitcast %get3A_885 : vector<16xi32> to vector<32xbf16>
          %get3A_887 = arith.index_cast %add3A_873 : i32 to index
          %get3A_888 = arith.constant 16 : index
          %get3A_889 = tpu.vector_load %arg11[%get3A_887, %get3A_888] {strides = array<i32>} : memref<80x64xi32, #tpu.memory_space<vmem>>, vector<16xi32>,
          %bitcast3A_890 = vector.bitcast %get3A_889 : vector<16xi32> to vector<32xbf16>
          %mul3A_891 = arith.mulf %bitcast3A_886, %bitcast3A_890 : vector<32xbf16>
          %add3A_892 = arith.addf %mul3A_882, %mul3A_891 : vector<32xbf16>
          %get3A_893 = arith.index_cast %add3A_873 : i32 to index
          %get3A_894 = arith.constant 32 : index
          %get3A_895 = tpu.vector_load %arg10[%get3A_893, %get3A_894] {strides = array<i32>} : memref<80x64xi32, #tpu.memory_space<vmem>>, vector<16xi32>,
          %bitcast3A_896 = vector.bitcast %get3A_895 : vector<16xi32> to vector<32xbf16>
          %get3A_897 = arith.index_cast %add3A_873 : i32 to index
          %get3A_898 = arith.constant 32 : index
          %get3A_899 = tpu.vector_load %arg11[%get3A_897, %get3A_898] {strides = array<i32>} : memref<80x64xi32, #tpu.memory_space<vmem>>, vector<16xi32>,
          %bitcast3A_900 = vector.bitcast %get3A_899 : vector<16xi32> to vector<32xbf16>
          %mul3A_901 = arith.mulf %bitcast3A_896, %bitcast3A_900 : vector<32xbf16>
          %add3A_902 = arith.addf %add3A_892, %mul3A_901 : vector<32xbf16>
          %get3A_903 = arith.index_cast %add3A_873 : i32 to index
          %get3A_904 = arith.constant 48 : index
          %get3A_905 = tpu.vector_load %arg10[%get3A_903, %get3A_904] {strides = array<i32>} : memref<80x64xi32, #tpu.memory_space<vmem>>, vector<16xi32>,
          %bitcast3A_906 = vector.bitcast %get3A_905 : vector<16xi32> to vector<32xbf16>
          %get3A_907 = arith.index_cast %add3A_873 : i32 to index
          %get3A_908 = arith.constant 48 : index
          %get3A_909 = tpu.vector_load %arg11[%get3A_907, %get3A_908] {strides = array<i32>} : memref<80x64xi32, #tpu.memory_space<vmem>>, vector<16xi32>,
          %bitcast3A_910 = vector.bitcast %get3A_909 : vector<16xi32> to vector<32xbf16>
          %mul3A_911 = arith.mulf %bitcast3A_906, %bitcast3A_910 : vector<32xbf16>
          %add3A_912 = arith.addf %add3A_902, %mul3A_911 : vector<32xbf16>
          %unpack3A_913 = tpu.unpack_subelements %add3A_912, 0 {pack_format = #tpu.pack_format<interleaved>} : vector<32xbf16> -> vector<16xf32>
          %unpack3A_914 = tpu.unpack_subelements %add3A_912, 1 {pack_format = #tpu.pack_format<interleaved>} : vector<32xbf16> -> vector<16xf32>
          %add3A_915 = arith.addf %unpack3A_913, %unpack3A_914 : vector<16xf32>
          %swap3A_916 = arith.constant 15 : i32
          %swap3A_917 = arith.index_cast %swap3A_916 : i32 to index
          %swap3A_918 = arith.constant 0 : index
          %swap3A_919 = tpu.vector_load %arg15[%swap3A_917, %swap3A_918] {strides = array<i32>} : memref<16x16xf32, #tpu.memory_space<vmem>>, vector<16xf32>,
          tpu.vector_store %arg15[%swap3A_917, %swap3A_918], %add3A_915 {strides = array<i32>} : memref<16x16xf32, #tpu.memory_space<vmem>>, vector<16xf32>,
          %broadcast_in_dim3A = arith.constant 0 : i32
          %broadcast_in_dim3A_920 = vector.broadcast %broadcast_in_dim3A : i32 to vector<16xi32>
          %gather3A = tpu.vector_load_idx %arg15[%iota3A, %broadcast_in_dim3A_920] : memref<16x16xf32, #tpu.memory_space<vmem>>[vector<16xi32>, vector<16xi32>], vector<16xf32>,
          %broadcast_in_dim3A_921 = arith.constant 1 : i32
          %broadcast_in_dim3A_922 = vector.broadcast %broadcast_in_dim3A_921 : i32 to vector<16xi32>
          %gather3A_923 = tpu.vector_load_idx %arg15[%iota3A, %broadcast_in_dim3A_922] : memref<16x16xf32, #tpu.memory_space<vmem>>[vector<16xi32>, vector<16xi32>], vector<16xf32>,
          %broadcast_in_dim3A_924 = arith.constant 2 : i32
          %broadcast_in_dim3A_925 = vector.broadcast %broadcast_in_dim3A_924 : i32 to vector<16xi32>
          %gather3A_926 = tpu.vector_load_idx %arg15[%iota3A, %broadcast_in_dim3A_925] : memref<16x16xf32, #tpu.memory_space<vmem>>[vector<16xi32>, vector<16xi32>], vector<16xf32>,
          %broadcast_in_dim3A_927 = arith.constant 3 : i32
          %broadcast_in_dim3A_928 = vector.broadcast %broadcast_in_dim3A_927 : i32 to vector<16xi32>
          %gather3A_929 = tpu.vector_load_idx %arg15[%iota3A, %broadcast_in_dim3A_928] : memref<16x16xf32, #tpu.memory_space<vmem>>[vector<16xi32>, vector<16xi32>], vector<16xf32>,
          %broadcast_in_dim3A_930 = arith.constant 4 : i32
          %broadcast_in_dim3A_931 = vector.broadcast %broadcast_in_dim3A_930 : i32 to vector<16xi32>
          %gather3A_932 = tpu.vector_load_idx %arg15[%iota3A, %broadcast_in_dim3A_931] : memref<16x16xf32, #tpu.memory_space<vmem>>[vector<16xi32>, vector<16xi32>], vector<16xf32>,
          %broadcast_in_dim3A_933 = arith.constant 5 : i32
          %broadcast_in_dim3A_934 = vector.broadcast %broadcast_in_dim3A_933 : i32 to vector<16xi32>
          %gather3A_935 = tpu.vector_load_idx %arg15[%iota3A, %broadcast_in_dim3A_934] : memref<16x16xf32, #tpu.memory_space<vmem>>[vector<16xi32>, vector<16xi32>], vector<16xf32>,
          %broadcast_in_dim3A_936 = arith.constant 6 : i32
          %broadcast_in_dim3A_937 = vector.broadcast %broadcast_in_dim3A_936 : i32 to vector<16xi32>
          %gather3A_938 = tpu.vector_load_idx %arg15[%iota3A, %broadcast_in_dim3A_937] : memref<16x16xf32, #tpu.memory_space<vmem>>[vector<16xi32>, vector<16xi32>], vector<16xf32>,
          %broadcast_in_dim3A_939 = arith.constant 7 : i32
          %broadcast_in_dim3A_940 = vector.broadcast %broadcast_in_dim3A_939 : i32 to vector<16xi32>
          %gather3A_941 = tpu.vector_load_idx %arg15[%iota3A, %broadcast_in_dim3A_940] : memref<16x16xf32, #tpu.memory_space<vmem>>[vector<16xi32>, vector<16xi32>], vector<16xf32>,
          %broadcast_in_dim3A_942 = arith.constant 8 : i32
          %broadcast_in_dim3A_943 = vector.broadcast %broadcast_in_dim3A_942 : i32 to vector<16xi32>
          %gather3A_944 = tpu.vector_load_idx %arg15[%iota3A, %broadcast_in_dim3A_943] : memref<16x16xf32, #tpu.memory_space<vmem>>[vector<16xi32>, vector<16xi32>], vector<16xf32>,
          %broadcast_in_dim3A_945 = arith.constant 9 : i32
          %broadcast_in_dim3A_946 = vector.broadcast %broadcast_in_dim3A_945 : i32 to vector<16xi32>
          %gather3A_947 = tpu.vector_load_idx %arg15[%iota3A, %broadcast_in_dim3A_946] : memref<16x16xf32, #tpu.memory_space<vmem>>[vector<16xi32>, vector<16xi32>], vector<16xf32>,
          %broadcast_in_dim3A_948 = arith.constant 10 : i32
          %broadcast_in_dim3A_949 = vector.broadcast %broadcast_in_dim3A_948 : i32 to vector<16xi32>
          %gather3A_950 = tpu.vector_load_idx %arg15[%iota3A, %broadcast_in_dim3A_949] : memref<16x16xf32, #tpu.memory_space<vmem>>[vector<16xi32>, vector<16xi32>], vector<16xf32>,
          %broadcast_in_dim3A_951 = arith.constant 11 : i32
          %broadcast_in_dim3A_952 = vector.broadcast %broadcast_in_dim3A_951 : i32 to vector<16xi32>
          %gather3A_953 = tpu.vector_load_idx %arg15[%iota3A, %broadcast_in_dim3A_952] : memref<16x16xf32, #tpu.memory_space<vmem>>[vector<16xi32>, vector<16xi32>], vector<16xf32>,
          %broadcast_in_dim3A_954 = arith.constant 12 : i32
          %broadcast_in_dim3A_955 = vector.broadcast %broadcast_in_dim3A_954 : i32 to vector<16xi32>
          %gather3A_956 = tpu.vector_load_idx %arg15[%iota3A, %broadcast_in_dim3A_955] : memref<16x16xf32, #tpu.memory_space<vmem>>[vector<16xi32>, vector<16xi32>], vector<16xf32>,
          %broadcast_in_dim3A_957 = arith.constant 13 : i32
          %broadcast_in_dim3A_958 = vector.broadcast %broadcast_in_dim3A_957 : i32 to vector<16xi32>
          %gather3A_959 = tpu.vector_load_idx %arg15[%iota3A, %broadcast_in_dim3A_958] : memref<16x16xf32, #tpu.memory_space<vmem>>[vector<16xi32>, vector<16xi32>], vector<16xf32>,
          %broadcast_in_dim3A_960 = arith.constant 14 : i32
          %broadcast_in_dim3A_961 = vector.broadcast %broadcast_in_dim3A_960 : i32 to vector<16xi32>
          %gather3A_962 = tpu.vector_load_idx %arg15[%iota3A, %broadcast_in_dim3A_961] : memref<16x16xf32, #tpu.memory_space<vmem>>[vector<16xi32>, vector<16xi32>], vector<16xf32>,
          %broadcast_in_dim3A_963 = arith.constant 15 : i32
          %broadcast_in_dim3A_964 = vector.broadcast %broadcast_in_dim3A_963 : i32 to vector<16xi32>
          %gather3A_965 = tpu.vector_load_idx %arg15[%iota3A, %broadcast_in_dim3A_964] : memref<16x16xf32, #tpu.memory_space<vmem>>[vector<16xi32>, vector<16xi32>], vector<16xf32>,
          %add3A_966 = arith.addf %gather3A, %gather3A_923 : vector<16xf32>
          %add3A_967 = arith.addf %gather3A_926, %gather3A_929 : vector<16xf32>
          %add3A_968 = arith.addf %gather3A_932, %gather3A_935 : vector<16xf32>
          %add3A_969 = arith.addf %gather3A_938, %gather3A_941 : vector<16xf32>
          %add3A_970 = arith.addf %gather3A_944, %gather3A_947 : vector<16xf32>
          %add3A_971 = arith.addf %gather3A_950, %gather3A_953 : vector<16xf32>
          %add3A_972 = arith.addf %gather3A_956, %gather3A_959 : vector<16xf32>
          %add3A_973 = arith.addf %gather3A_962, %gather3A_965 : vector<16xf32>
          %add3A_974 = arith.addf %add3A_966, %add3A_967 : vector<16xf32>
          %add3A_975 = arith.addf %add3A_968, %add3A_969 : vector<16xf32>
          %add3A_976 = arith.addf %add3A_970, %add3A_971 : vector<16xf32>
          %add3A_977 = arith.addf %add3A_972, %add3A_973 : vector<16xf32>
          %add3A_978 = arith.addf %add3A_974, %add3A_975 : vector<16xf32>
          %add3A_979 = arith.addf %add3A_976, %add3A_977 : vector<16xf32>
          %add3A_980 = arith.addf %add3A_978, %add3A_979 : vector<16xf32>
          %mul3A_981 = arith.constant 2.000000e+00 : f32
          %mul3A_982 = vector.broadcast %mul3A_981 : f32 to vector<16xf32>
          %mul3A_983 = arith.mulf %mul3A_982, %add3A_980 : vector<16xf32>
          %sub3A = arith.constant 2.000000e+00 : f32
          %sub3A_984 = vector.broadcast %sub3A : f32 to vector<16xf32>
          %sub3A_985 = arith.subf %mul3A_983, %sub3A_984 : vector<16xf32>
          %exp3A = math.exp %sub3A_985 : vector<16xf32>
          %mul3A_986 = arith.constant 80 : i32
          %mul3A_987 = arith.muli %mul3A_58, %mul3A_986 : i32
          %mul3A_988 = arith.constant 16 : i32
          %mul3A_989 = arith.muli %add3A_123, %mul3A_988 : i32
          %add3A_990 = arith.addi %mul3A_987, %mul3A_989 : i32
          %swap3A_991 = arith.index_cast %add3A_990 : i32 to index
          %swap3A_992 = tpu.vector_load %arg14[%swap3A_991] {strides = array<i32>} : memref<400xf32, #tpu.memory_space<vmem>>, vector<16xf32>,
          tpu.vector_store %arg14[%swap3A_991], %exp3A {strides = array<i32>} : memref<400xf32, #tpu.memory_space<vmem>>, vector<16xf32>,
        }
        %scan3A_87 = arith.constant 5 : i32
        %add3A_88 = arith.constant 2 : i32
        %add3A_89 = arith.addi %mul3A_58, %add3A_88 : i32
        %mul3A_90 = arith.constant 80 : i32
        %mul3A_91 = arith.muli %add3A_89, %mul3A_90 : i32
        %dma_start3A_92 = tpu.memref_slice %arg8[%mul3A_91] : memref<400xi32, #tpu.memory_space<vmem>> -> memref<80xi32, #tpu.memory_space<vmem>>
        %dma_start3A_93 = arith.constant 0 : i32
        %dma_start3A_94 = arith.constant 0 : i32
        %dma_start3A_95 = tpu.memref_slice %arg7[%dma_start3A_93, %dma_start3A_94] : memref<10000x64xi32, #tpu.memory_space<vmem_shared>> -> memref<10000x64xi32, #tpu.memory_space<vmem_shared>>
        tpu.enqueue_indirect_dma source(%dma_start3A_95 : memref<10000x64xi32, #tpu.memory_space<vmem_shared>>) target(%arg10 : memref<80x64xi32, #tpu.memory_space<vmem>>) offsets(%dma_start3A_92 : memref<80xi32, #tpu.memory_space<vmem>>) semaphore(%arg18 : memref<!tpu.dma_semaphore, #tpu.memory_space<semaphore_mem>>)
        %dma_start3A_96 = tpu.memref_slice %arg9[%mul3A_91] : memref<400xi32, #tpu.memory_space<vmem>> -> memref<80xi32, #tpu.memory_space<vmem>>
        %dma_start3A_97 = arith.constant 0 : i32
        %dma_start3A_98 = arith.constant 0 : i32
        %dma_start3A_99 = tpu.memref_slice %arg7[%dma_start3A_97, %dma_start3A_98] : memref<10000x64xi32, #tpu.memory_space<vmem_shared>> -> memref<10000x64xi32, #tpu.memory_space<vmem_shared>>
        tpu.enqueue_indirect_dma source(%dma_start3A_99 : memref<10000x64xi32, #tpu.memory_space<vmem_shared>>) target(%arg11 : memref<80x64xi32, #tpu.memory_space<vmem>>) offsets(%dma_start3A_96 : memref<80xi32, #tpu.memory_space<vmem>>) semaphore(%arg18 : memref<!tpu.dma_semaphore, #tpu.memory_space<semaphore_mem>>)
        %dma_wait3A_100 = arith.constant 0 : i32
        %dma_wait3A_101 = arith.constant 0 : i32
        %dma_wait3A_102 = tpu.memref_slice %arg3[%dma_wait3A_100, %dma_wait3A_101] : memref<10000x64xi32, #tpu.memory_space<hbm>> -> memref<80x64xi32, #tpu.memory_space<hbm>>
        %dma_wait3A_103 = arith.constant 0 : i32
        %dma_wait3A_104 = arith.constant 0 : i32
        %dma_wait3A_105 = tpu.memref_slice %arg3[%dma_wait3A_103, %dma_wait3A_104] : memref<10000x64xi32, #tpu.memory_space<hbm>> -> memref<80x64xi32, #tpu.memory_space<hbm>>
        tpu.wait_dma2 semaphore(%arg19 : memref<!tpu.dma_semaphore, #tpu.memory_space<semaphore_mem>>) src(%dma_wait3A_105 : memref<80x64xi32, #tpu.memory_space<hbm>>) dst(%arg12 : memref<80x64xi32, #tpu.memory_space<vmem>>)
        %dma_wait3A_106 = arith.constant 0 : i32
        %dma_wait3A_107 = arith.constant 0 : i32
        %dma_wait3A_108 = tpu.memref_slice %arg3[%dma_wait3A_106, %dma_wait3A_107] : memref<10000x64xi32, #tpu.memory_space<hbm>> -> memref<80x64xi32, #tpu.memory_space<hbm>>
        %dma_wait3A_109 = arith.constant 0 : i32
        %dma_wait3A_110 = arith.constant 0 : i32
        %dma_wait3A_111 = tpu.memref_slice %arg3[%dma_wait3A_109, %dma_wait3A_110] : memref<10000x64xi32, #tpu.memory_space<hbm>> -> memref<80x64xi32, #tpu.memory_space<hbm>>
        tpu.wait_dma2 semaphore(%arg19 : memref<!tpu.dma_semaphore, #tpu.memory_space<semaphore_mem>>) src(%dma_wait3A_111 : memref<80x64xi32, #tpu.memory_space<hbm>>) dst(%arg13 : memref<80x64xi32, #tpu.memory_space<vmem>>)
        %add3A_112 = arith.constant 1 : i32
        %add3A_113 = arith.addi %mul3A_58, %add3A_112 : i32
        %scan3A_114 = arith.constant 0 : i32
        %scan3A_115 = arith.constant 5 : i32
        %scan3A_116 = arith.addi %scan3A_114, %scan3A_115 : i32
        %scan3A_117 = arith.constant 1 : i32
        scf.for %scan3A_119 = %scan3A_114 to %scan3A_116 step %scan3A_117  : i32 {
          %mul3A_120 = arith.constant 1 : i32
          %mul3A_121 = arith.muli %scan3A_119, %mul3A_120 : i32
          %add3A_122 = arith.constant 0 : i32
          %add3A_123 = arith.addi %add3A_122, %mul3A_121 : i32
          %mul3A_124 = arith.constant 16 : i32
          %mul3A_125 = arith.muli %add3A_123, %mul3A_124 : i32
          %add3A_126 = arith.constant 0 : i32
          %add3A_127 = arith.addi %mul3A_125, %add3A_126 : i32
          %get3A = arith.index_cast %add3A_127 : i32 to index
          %get3A_128 = arith.constant 0 : index
          %get3A_129 = tpu.vector_load %arg12[%get3A, %get3A_128] {strides = array<i32>} : memref<80x64xi32, #tpu.memory_space<vmem>>, vector<16xi32>,
          %bitcast3A = vector.bitcast %get3A_129 : vector<16xi32> to vector<32xbf16>
          %get3A_130 = arith.index_cast %add3A_127 : i32 to index
          %get3A_131 = arith.constant 0 : index
          %get3A_132 = tpu.vector_load %arg13[%get3A_130, %get3A_131] {strides = array<i32>} : memref<80x64xi32, #tpu.memory_space<vmem>>, vector<16xi32>,
          %bitcast3A_133 = vector.bitcast %get3A_132 : vector<16xi32> to vector<32xbf16>
          %mul3A_134 = arith.mulf %bitcast3A, %bitcast3A_133 : vector<32xbf16>
          %get3A_135 = arith.index_cast %add3A_127 : i32 to index
          %get3A_136 = arith.constant 16 : index
          %get3A_137 = tpu.vector_load %arg12[%get3A_135, %get3A_136] {strides = array<i32>} : memref<80x64xi32, #tpu.memory_space<vmem>>, vector<16xi32>,
          %bitcast3A_138 = vector.bitcast %get3A_137 : vector<16xi32> to vector<32xbf16>
          %get3A_139 = arith.index_cast %add3A_127 : i32 to index
          %get3A_140 = arith.constant 16 : index
          %get3A_141 = tpu.vector_load %arg13[%get3A_139, %get3A_140] {strides = array<i32>} : memref<80x64xi32, #tpu.memory_space<vmem>>, vector<16xi32>,
          %bitcast3A_142 = vector.bitcast %get3A_141 : vector<16xi32> to vector<32xbf16>
          %mul3A_143 = arith.mulf %bitcast3A_138, %bitcast3A_142 : vector<32xbf16>
          %add3A_144 = arith.addf %mul3A_134, %mul3A_143 : vector<32xbf16>
          %get3A_145 = arith.index_cast %add3A_127 : i32 to index
          %get3A_146 = arith.constant 32 : index
          %get3A_147 = tpu.vector_load %arg12[%get3A_145, %get3A_146] {strides = array<i32>} : memref<80x64xi32, #tpu.memory_space<vmem>>, vector<16xi32>,
          %bitcast3A_148 = vector.bitcast %get3A_147 : vector<16xi32> to vector<32xbf16>
          %get3A_149 = arith.index_cast %add3A_127 : i32 to index
          %get3A_150 = arith.constant 32 : index
          %get3A_151 = tpu.vector_load %arg13[%get3A_149, %get3A_150] {strides = array<i32>} : memref<80x64xi32, #tpu.memory_space<vmem>>, vector<16xi32>,
          %bitcast3A_152 = vector.bitcast %get3A_151 : vector<16xi32> to vector<32xbf16>
          %mul3A_153 = arith.mulf %bitcast3A_148, %bitcast3A_152 : vector<32xbf16>
          %add3A_154 = arith.addf %add3A_144, %mul3A_153 : vector<32xbf16>
          %get3A_155 = arith.index_cast %add3A_127 : i32 to index
          %get3A_156 = arith.constant 48 : index
          %get3A_157 = tpu.vector_load %arg12[%get3A_155, %get3A_156] {strides = array<i32>} : memref<80x64xi32, #tpu.memory_space<vmem>>, vector<16xi32>,
          %bitcast3A_158 = vector.bitcast %get3A_157 : vector<16xi32> to vector<32xbf16>
          %get3A_159 = arith.index_cast %add3A_127 : i32 to index
          %get3A_160 = arith.constant 48 : index
          %get3A_161 = tpu.vector_load %arg13[%get3A_159, %get3A_160] {strides = array<i32>} : memref<80x64xi32, #tpu.memory_space<vmem>>, vector<16xi32>,
          %bitcast3A_162 = vector.bitcast %get3A_161 : vector<16xi32> to vector<32xbf16>
          %mul3A_163 = arith.mulf %bitcast3A_158, %bitcast3A_162 : vector<32xbf16>
          %add3A_164 = arith.addf %add3A_154, %mul3A_163 : vector<32xbf16>
          %unpack3A = tpu.unpack_subelements %add3A_164, 0 {pack_format = #tpu.pack_format<interleaved>} : vector<32xbf16> -> vector<16xf32>
          %unpack3A_165 = tpu.unpack_subelements %add3A_164, 1 {pack_format = #tpu.pack_format<interleaved>} : vector<32xbf16> -> vector<16xf32>
          %add3A_166 = arith.addf %unpack3A, %unpack3A_165 : vector<16xf32>
          %swap3A = arith.constant 0 : i32
          %swap3A_167 = arith.index_cast %swap3A : i32 to index
          %swap3A_168 = arith.constant 0 : index
          %swap3A_169 = tpu.vector_load %arg15[%swap3A_167, %swap3A_168] {strides = array<i32>} : memref<16x16xf32, #tpu.memory_space<vmem>>, vector<16xf32>,
          tpu.vector_store %arg15[%swap3A_167, %swap3A_168], %add3A_166 {strides = array<i32>} : memref<16x16xf32, #tpu.memory_space<vmem>>, vector<16xf32>,
          %mul3A_170 = arith.constant 16 : i32
          %mul3A_171 = arith.muli %add3A_123, %mul3A_170 : i32
          %add3A_172 = arith.constant 1 : i32
          %add3A_173 = arith.addi %mul3A_171, %add3A_172 : i32
          %get3A_174 = arith.index_cast %add3A_173 : i32 to index
          %get3A_175 = arith.constant 0 : index
          %get3A_176 = tpu.vector_load %arg12[%get3A_174, %get3A_175] {strides = array<i32>} : memref<80x64xi32, #tpu.memory_space<vmem>>, vector<16xi32>,
          %bitcast3A_177 = vector.bitcast %get3A_176 : vector<16xi32> to vector<32xbf16>
          %get3A_178 = arith.index_cast %add3A_173 : i32 to index
          %get3A_179 = arith.constant 0 : index
          %get3A_180 = tpu.vector_load %arg13[%get3A_178, %get3A_179] {strides = array<i32>} : memref<80x64xi32, #tpu.memory_space<vmem>>, vector<16xi32>,
          %bitcast3A_181 = vector.bitcast %get3A_180 : vector<16xi32> to vector<32xbf16>
          %mul3A_182 = arith.mulf %bitcast3A_177, %bitcast3A_181 : vector<32xbf16>
          %get3A_183 = arith.index_cast %add3A_173 : i32 to index
          %get3A_184 = arith.constant 16 : index
          %get3A_185 = tpu.vector_load %arg12[%get3A_183, %get3A_184] {strides = array<i32>} : memref<80x64xi32, #tpu.memory_space<vmem>>, vector<16xi32>,
          %bitcast3A_186 = vector.bitcast %get3A_185 : vector<16xi32> to vector<32xbf16>
          %get3A_187 = arith.index_cast %add3A_173 : i32 to index
          %get3A_188 = arith.constant 16 : index
          %get3A_189 = tpu.vector_load %arg13[%get3A_187, %get3A_188] {strides = array<i32>} : memref<80x64xi32, #tpu.memory_space<vmem>>, vector<16xi32>,
          %bitcast3A_190 = vector.bitcast %get3A_189 : vector<16xi32> to vector<32xbf16>
          %mul3A_191 = arith.mulf %bitcast3A_186, %bitcast3A_190 : vector<32xbf16>
          %add3A_192 = arith.addf %mul3A_182, %mul3A_191 : vector<32xbf16>
          %get3A_193 = arith.index_cast %add3A_173 : i32 to index
          %get3A_194 = arith.constant 32 : index
          %get3A_195 = tpu.vector_load %arg12[%get3A_193, %get3A_194] {strides = array<i32>} : memref<80x64xi32, #tpu.memory_space<vmem>>, vector<16xi32>,
          %bitcast3A_196 = vector.bitcast %get3A_195 : vector<16xi32> to vector<32xbf16>
          %get3A_197 = arith.index_cast %add3A_173 : i32 to index
          %get3A_198 = arith.constant 32 : index
          %get3A_199 = tpu.vector_load %arg13[%get3A_197, %get3A_198] {strides = array<i32>} : memref<80x64xi32, #tpu.memory_space<vmem>>, vector<16xi32>,
          %bitcast3A_200 = vector.bitcast %get3A_199 : vector<16xi32> to vector<32xbf16>
          %mul3A_201 = arith.mulf %bitcast3A_196, %bitcast3A_200 : vector<32xbf16>
          %add3A_202 = arith.addf %add3A_192, %mul3A_201 : vector<32xbf16>
          %get3A_203 = arith.index_cast %add3A_173 : i32 to index
          %get3A_204 = arith.constant 48 : index
          %get3A_205 = tpu.vector_load %arg12[%get3A_203, %get3A_204] {strides = array<i32>} : memref<80x64xi32, #tpu.memory_space<vmem>>, vector<16xi32>,
          %bitcast3A_206 = vector.bitcast %get3A_205 : vector<16xi32> to vector<32xbf16>
          %get3A_207 = arith.index_cast %add3A_173 : i32 to index
          %get3A_208 = arith.constant 48 : index
          %get3A_209 = tpu.vector_load %arg13[%get3A_207, %get3A_208] {strides = array<i32>} : memref<80x64xi32, #tpu.memory_space<vmem>>, vector<16xi32>,
          %bitcast3A_210 = vector.bitcast %get3A_209 : vector<16xi32> to vector<32xbf16>
          %mul3A_211 = arith.mulf %bitcast3A_206, %bitcast3A_210 : vector<32xbf16>
          %add3A_212 = arith.addf %add3A_202, %mul3A_211 : vector<32xbf16>
          %unpack3A_213 = tpu.unpack_subelements %add3A_212, 0 {pack_format = #tpu.pack_format<interleaved>} : vector<32xbf16> -> vector<16xf32>
          %unpack3A_214 = tpu.unpack_subelements %add3A_212, 1 {pack_format = #tpu.pack_format<interleaved>} : vector<32xbf16> -> vector<16xf32>
          %add3A_215 = arith.addf %unpack3A_213, %unpack3A_214 : vector<16xf32>
          %swap3A_216 = arith.constant 1 : i32
          %swap3A_217 = arith.index_cast %swap3A_216 : i32 to index
          %swap3A_218 = arith.constant 0 : index
          %swap3A_219 = tpu.vector_load %arg15[%swap3A_217, %swap3A_218] {strides = array<i32>} : memref<16x16xf32, #tpu.memory_space<vmem>>, vector<16xf32>,
          tpu.vector_store %arg15[%swap3A_217, %swap3A_218], %add3A_215 {strides = array<i32>} : memref<16x16xf32, #tpu.memory_space<vmem>>, vector<16xf32>,
          %mul3A_220 = arith.constant 16 : i32
          %mul3A_221 = arith.muli %add3A_123, %mul3A_220 : i32
          %add3A_222 = arith.constant 2 : i32
          %add3A_223 = arith.addi %mul3A_221, %add3A_222 : i32
          %get3A_224 = arith.index_cast %add3A_223 : i32 to index
          %get3A_225 = arith.constant 0 : index
          %get3A_226 = tpu.vector_load %arg12[%get3A_224, %get3A_225] {strides = array<i32>} : memref<80x64xi32, #tpu.memory_space<vmem>>, vector<16xi32>,
          %bitcast3A_227 = vector.bitcast %get3A_226 : vector<16xi32> to vector<32xbf16>
          %get3A_228 = arith.index_cast %add3A_223 : i32 to index
          %get3A_229 = arith.constant 0 : index
          %get3A_230 = tpu.vector_load %arg13[%get3A_228, %get3A_229] {strides = array<i32>} : memref<80x64xi32, #tpu.memory_space<vmem>>, vector<16xi32>,
          %bitcast3A_231 = vector.bitcast %get3A_230 : vector<16xi32> to vector<32xbf16>
          %mul3A_232 = arith.mulf %bitcast3A_227, %bitcast3A_231 : vector<32xbf16>
          %get3A_233 = arith.index_cast %add3A_223 : i32 to index
          %get3A_234 = arith.constant 16 : index
          %get3A_235 = tpu.vector_load %arg12[%get3A_233, %get3A_234] {strides = array<i32>} : memref<80x64xi32, #tpu.memory_space<vmem>>, vector<16xi32>,
          %bitcast3A_236 = vector.bitcast %get3A_235 : vector<16xi32> to vector<32xbf16>
          %get3A_237 = arith.index_cast %add3A_223 : i32 to index
          %get3A_238 = arith.constant 16 : index
          %get3A_239 = tpu.vector_load %arg13[%get3A_237, %get3A_238] {strides = array<i32>} : memref<80x64xi32, #tpu.memory_space<vmem>>, vector<16xi32>,
          %bitcast3A_240 = vector.bitcast %get3A_239 : vector<16xi32> to vector<32xbf16>
          %mul3A_241 = arith.mulf %bitcast3A_236, %bitcast3A_240 : vector<32xbf16>
          %add3A_242 = arith.addf %mul3A_232, %mul3A_241 : vector<32xbf16>
          %get3A_243 = arith.index_cast %add3A_223 : i32 to index
          %get3A_244 = arith.constant 32 : index
          %get3A_245 = tpu.vector_load %arg12[%get3A_243, %get3A_244] {strides = array<i32>} : memref<80x64xi32, #tpu.memory_space<vmem>>, vector<16xi32>,
          %bitcast3A_246 = vector.bitcast %get3A_245 : vector<16xi32> to vector<32xbf16>
          %get3A_247 = arith.index_cast %add3A_223 : i32 to index
          %get3A_248 = arith.constant 32 : index
          %get3A_249 = tpu.vector_load %arg13[%get3A_247, %get3A_248] {strides = array<i32>} : memref<80x64xi32, #tpu.memory_space<vmem>>, vector<16xi32>,
          %bitcast3A_250 = vector.bitcast %get3A_249 : vector<16xi32> to vector<32xbf16>
          %mul3A_251 = arith.mulf %bitcast3A_246, %bitcast3A_250 : vector<32xbf16>
          %add3A_252 = arith.addf %add3A_242, %mul3A_251 : vector<32xbf16>
          %get3A_253 = arith.index_cast %add3A_223 : i32 to index
          %get3A_254 = arith.constant 48 : index
          %get3A_255 = tpu.vector_load %arg12[%get3A_253, %get3A_254] {strides = array<i32>} : memref<80x64xi32, #tpu.memory_space<vmem>>, vector<16xi32>,
          %bitcast3A_256 = vector.bitcast %get3A_255 : vector<16xi32> to vector<32xbf16>
          %get3A_257 = arith.index_cast %add3A_223 : i32 to index
          %get3A_258 = arith.constant 48 : index
          %get3A_259 = tpu.vector_load %arg13[%get3A_257, %get3A_258] {strides = array<i32>} : memref<80x64xi32, #tpu.memory_space<vmem>>, vector<16xi32>,
          %bitcast3A_260 = vector.bitcast %get3A_259 : vector<16xi32> to vector<32xbf16>
          %mul3A_261 = arith.mulf %bitcast3A_256, %bitcast3A_260 : vector<32xbf16>
          %add3A_262 = arith.addf %add3A_252, %mul3A_261 : vector<32xbf16>
          %unpack3A_263 = tpu.unpack_subelements %add3A_262, 0 {pack_format = #tpu.pack_format<interleaved>} : vector<32xbf16> -> vector<16xf32>
          %unpack3A_264 = tpu.unpack_subelements %add3A_262, 1 {pack_format = #tpu.pack_format<interleaved>} : vector<32xbf16> -> vector<16xf32>
          %add3A_265 = arith.addf %unpack3A_263, %unpack3A_264 : vector<16xf32>
          %swap3A_266 = arith.constant 2 : i32
          %swap3A_267 = arith.index_cast %swap3A_266 : i32 to index
          %swap3A_268 = arith.constant 0 : index
          %swap3A_269 = tpu.vector_load %arg15[%swap3A_267, %swap3A_268] {strides = array<i32>} : memref<16x16xf32, #tpu.memory_space<vmem>>, vector<16xf32>,
          tpu.vector_store %arg15[%swap3A_267, %swap3A_268], %add3A_265 {strides = array<i32>} : memref<16x16xf32, #tpu.memory_space<vmem>>, vector<16xf32>,
          %mul3A_270 = arith.constant 16 : i32
          %mul3A_271 = arith.muli %add3A_123, %mul3A_270 : i32
          %add3A_272 = arith.constant 3 : i32
          %add3A_273 = arith.addi %mul3A_271, %add3A_272 : i32
          %get3A_274 = arith.index_cast %add3A_273 : i32 to index
          %get3A_275 = arith.constant 0 : index
          %get3A_276 = tpu.vector_load %arg12[%get3A_274, %get3A_275] {strides = array<i32>} : memref<80x64xi32, #tpu.memory_space<vmem>>, vector<16xi32>,
          %bitcast3A_277 = vector.bitcast %get3A_276 : vector<16xi32> to vector<32xbf16>
          %get3A_278 = arith.index_cast %add3A_273 : i32 to index
          %get3A_279 = arith.constant 0 : index
          %get3A_280 = tpu.vector_load %arg13[%get3A_278, %get3A_279] {strides = array<i32>} : memref<80x64xi32, #tpu.memory_space<vmem>>, vector<16xi32>,
          %bitcast3A_281 = vector.bitcast %get3A_280 : vector<16xi32> to vector<32xbf16>
          %mul3A_282 = arith.mulf %bitcast3A_277, %bitcast3A_281 : vector<32xbf16>
          %get3A_283 = arith.index_cast %add3A_273 : i32 to index
          %get3A_284 = arith.constant 16 : index
          %get3A_285 = tpu.vector_load %arg12[%get3A_283, %get3A_284] {strides = array<i32>} : memref<80x64xi32, #tpu.memory_space<vmem>>, vector<16xi32>,
          %bitcast3A_286 = vector.bitcast %get3A_285 : vector<16xi32> to vector<32xbf16>
          %get3A_287 = arith.index_cast %add3A_273 : i32 to index
          %get3A_288 = arith.constant 16 : index
          %get3A_289 = tpu.vector_load %arg13[%get3A_287, %get3A_288] {strides = array<i32>} : memref<80x64xi32, #tpu.memory_space<vmem>>, vector<16xi32>,
          %bitcast3A_290 = vector.bitcast %get3A_289 : vector<16xi32> to vector<32xbf16>
          %mul3A_291 = arith.mulf %bitcast3A_286, %bitcast3A_290 : vector<32xbf16>
          %add3A_292 = arith.addf %mul3A_282, %mul3A_291 : vector<32xbf16>
          %get3A_293 = arith.index_cast %add3A_273 : i32 to index
          %get3A_294 = arith.constant 32 : index
          %get3A_295 = tpu.vector_load %arg12[%get3A_293, %get3A_294] {strides = array<i32>} : memref<80x64xi32, #tpu.memory_space<vmem>>, vector<16xi32>,
          %bitcast3A_296 = vector.bitcast %get3A_295 : vector<16xi32> to vector<32xbf16>
          %get3A_297 = arith.index_cast %add3A_273 : i32 to index
          %get3A_298 = arith.constant 32 : index
          %get3A_299 = tpu.vector_load %arg13[%get3A_297, %get3A_298] {strides = array<i32>} : memref<80x64xi32, #tpu.memory_space<vmem>>, vector<16xi32>,
          %bitcast3A_300 = vector.bitcast %get3A_299 : vector<16xi32> to vector<32xbf16>
          %mul3A_301 = arith.mulf %bitcast3A_296, %bitcast3A_300 : vector<32xbf16>
          %add3A_302 = arith.addf %add3A_292, %mul3A_301 : vector<32xbf16>
          %get3A_303 = arith.index_cast %add3A_273 : i32 to index
          %get3A_304 = arith.constant 48 : index
          %get3A_305 = tpu.vector_load %arg12[%get3A_303, %get3A_304] {strides = array<i32>} : memref<80x64xi32, #tpu.memory_space<vmem>>, vector<16xi32>,
          %bitcast3A_306 = vector.bitcast %get3A_305 : vector<16xi32> to vector<32xbf16>
          %get3A_307 = arith.index_cast %add3A_273 : i32 to index
          %get3A_308 = arith.constant 48 : index
          %get3A_309 = tpu.vector_load %arg13[%get3A_307, %get3A_308] {strides = array<i32>} : memref<80x64xi32, #tpu.memory_space<vmem>>, vector<16xi32>,
          %bitcast3A_310 = vector.bitcast %get3A_309 : vector<16xi32> to vector<32xbf16>
          %mul3A_311 = arith.mulf %bitcast3A_306, %bitcast3A_310 : vector<32xbf16>
          %add3A_312 = arith.addf %add3A_302, %mul3A_311 : vector<32xbf16>
          %unpack3A_313 = tpu.unpack_subelements %add3A_312, 0 {pack_format = #tpu.pack_format<interleaved>} : vector<32xbf16> -> vector<16xf32>
          %unpack3A_314 = tpu.unpack_subelements %add3A_312, 1 {pack_format = #tpu.pack_format<interleaved>} : vector<32xbf16> -> vector<16xf32>
          %add3A_315 = arith.addf %unpack3A_313, %unpack3A_314 : vector<16xf32>
          %swap3A_316 = arith.constant 3 : i32
          %swap3A_317 = arith.index_cast %swap3A_316 : i32 to index
          %swap3A_318 = arith.constant 0 : index
          %swap3A_319 = tpu.vector_load %arg15[%swap3A_317, %swap3A_318] {strides = array<i32>} : memref<16x16xf32, #tpu.memory_space<vmem>>, vector<16xf32>,
          tpu.vector_store %arg15[%swap3A_317, %swap3A_318], %add3A_315 {strides = array<i32>} : memref<16x16xf32, #tpu.memory_space<vmem>>, vector<16xf32>,
          %mul3A_320 = arith.constant 16 : i32
          %mul3A_321 = arith.muli %add3A_123, %mul3A_320 : i32
          %add3A_322 = arith.constant 4 : i32
          %add3A_323 = arith.addi %mul3A_321, %add3A_322 : i32
          %get3A_324 = arith.index_cast %add3A_323 : i32 to index
          %get3A_325 = arith.constant 0 : index
          %get3A_326 = tpu.vector_load %arg12[%get3A_324, %get3A_325] {strides = array<i32>} : memref<80x64xi32, #tpu.memory_space<vmem>>, vector<16xi32>,
          %bitcast3A_327 = vector.bitcast %get3A_326 : vector<16xi32> to vector<32xbf16>
          %get3A_328 = arith.index_cast %add3A_323 : i32 to index
          %get3A_329 = arith.constant 0 : index
          %get3A_330 = tpu.vector_load %arg13[%get3A_328, %get3A_329] {strides = array<i32>} : memref<80x64xi32, #tpu.memory_space<vmem>>, vector<16xi32>,
          %bitcast3A_331 = vector.bitcast %get3A_330 : vector<16xi32> to vector<32xbf16>
          %mul3A_332 = arith.mulf %bitcast3A_327, %bitcast3A_331 : vector<32xbf16>
          %get3A_333 = arith.index_cast %add3A_323 : i32 to index
          %get3A_334 = arith.constant 16 : index
          %get3A_335 = tpu.vector_load %arg12[%get3A_333, %get3A_334] {strides = array<i32>} : memref<80x64xi32, #tpu.memory_space<vmem>>, vector<16xi32>,
          %bitcast3A_336 = vector.bitcast %get3A_335 : vector<16xi32> to vector<32xbf16>
          %get3A_337 = arith.index_cast %add3A_323 : i32 to index
          %get3A_338 = arith.constant 16 : index
          %get3A_339 = tpu.vector_load %arg13[%get3A_337, %get3A_338] {strides = array<i32>} : memref<80x64xi32, #tpu.memory_space<vmem>>, vector<16xi32>,
          %bitcast3A_340 = vector.bitcast %get3A_339 : vector<16xi32> to vector<32xbf16>
          %mul3A_341 = arith.mulf %bitcast3A_336, %bitcast3A_340 : vector<32xbf16>
          %add3A_342 = arith.addf %mul3A_332, %mul3A_341 : vector<32xbf16>
          %get3A_343 = arith.index_cast %add3A_323 : i32 to index
          %get3A_344 = arith.constant 32 : index
          %get3A_345 = tpu.vector_load %arg12[%get3A_343, %get3A_344] {strides = array<i32>} : memref<80x64xi32, #tpu.memory_space<vmem>>, vector<16xi32>,
          %bitcast3A_346 = vector.bitcast %get3A_345 : vector<16xi32> to vector<32xbf16>
          %get3A_347 = arith.index_cast %add3A_323 : i32 to index
          %get3A_348 = arith.constant 32 : index
          %get3A_349 = tpu.vector_load %arg13[%get3A_347, %get3A_348] {strides = array<i32>} : memref<80x64xi32, #tpu.memory_space<vmem>>, vector<16xi32>,
          %bitcast3A_350 = vector.bitcast %get3A_349 : vector<16xi32> to vector<32xbf16>
          %mul3A_351 = arith.mulf %bitcast3A_346, %bitcast3A_350 : vector<32xbf16>
          %add3A_352 = arith.addf %add3A_342, %mul3A_351 : vector<32xbf16>
          %get3A_353 = arith.index_cast %add3A_323 : i32 to index
          %get3A_354 = arith.constant 48 : index
          %get3A_355 = tpu.vector_load %arg12[%get3A_353, %get3A_354] {strides = array<i32>} : memref<80x64xi32, #tpu.memory_space<vmem>>, vector<16xi32>,
          %bitcast3A_356 = vector.bitcast %get3A_355 : vector<16xi32> to vector<32xbf16>
          %get3A_357 = arith.index_cast %add3A_323 : i32 to index
          %get3A_358 = arith.constant 48 : index
          %get3A_359 = tpu.vector_load %arg13[%get3A_357, %get3A_358] {strides = array<i32>} : memref<80x64xi32, #tpu.memory_space<vmem>>, vector<16xi32>,
          %bitcast3A_360 = vector.bitcast %get3A_359 : vector<16xi32> to vector<32xbf16>
          %mul3A_361 = arith.mulf %bitcast3A_356, %bitcast3A_360 : vector<32xbf16>
          %add3A_362 = arith.addf %add3A_352, %mul3A_361 : vector<32xbf16>
          %unpack3A_363 = tpu.unpack_subelements %add3A_362, 0 {pack_format = #tpu.pack_format<interleaved>} : vector<32xbf16> -> vector<16xf32>
          %unpack3A_364 = tpu.unpack_subelements %add3A_362, 1 {pack_format = #tpu.pack_format<interleaved>} : vector<32xbf16> -> vector<16xf32>
          %add3A_365 = arith.addf %unpack3A_363, %unpack3A_364 : vector<16xf32>
          %swap3A_366 = arith.constant 4 : i32
          %swap3A_367 = arith.index_cast %swap3A_366 : i32 to index
          %swap3A_368 = arith.constant 0 : index
          %swap3A_369 = tpu.vector_load %arg15[%swap3A_367, %swap3A_368] {strides = array<i32>} : memref<16x16xf32, #tpu.memory_space<vmem>>, vector<16xf32>,
          tpu.vector_store %arg15[%swap3A_367, %swap3A_368], %add3A_365 {strides = array<i32>} : memref<16x16xf32, #tpu.memory_space<vmem>>, vector<16xf32>,
          %mul3A_370 = arith.constant 16 : i32
          %mul3A_371 = arith.muli %add3A_123, %mul3A_370 : i32
          %add3A_372 = arith.constant 5 : i32
          %add3A_373 = arith.addi %mul3A_371, %add3A_372 : i32
          %get3A_374 = arith.index_cast %add3A_373 : i32 to index
          %get3A_375 = arith.constant 0 : index
          %get3A_376 = tpu.vector_load %arg12[%get3A_374, %get3A_375] {strides = array<i32>} : memref<80x64xi32, #tpu.memory_space<vmem>>, vector<16xi32>,
          %bitcast3A_377 = vector.bitcast %get3A_376 : vector<16xi32> to vector<32xbf16>
          %get3A_378 = arith.index_cast %add3A_373 : i32 to index
          %get3A_379 = arith.constant 0 : index
          %get3A_380 = tpu.vector_load %arg13[%get3A_378, %get3A_379] {strides = array<i32>} : memref<80x64xi32, #tpu.memory_space<vmem>>, vector<16xi32>,
          %bitcast3A_381 = vector.bitcast %get3A_380 : vector<16xi32> to vector<32xbf16>
          %mul3A_382 = arith.mulf %bitcast3A_377, %bitcast3A_381 : vector<32xbf16>
          %get3A_383 = arith.index_cast %add3A_373 : i32 to index
          %get3A_384 = arith.constant 16 : index
          %get3A_385 = tpu.vector_load %arg12[%get3A_383, %get3A_384] {strides = array<i32>} : memref<80x64xi32, #tpu.memory_space<vmem>>, vector<16xi32>,
          %bitcast3A_386 = vector.bitcast %get3A_385 : vector<16xi32> to vector<32xbf16>
          %get3A_387 = arith.index_cast %add3A_373 : i32 to index
          %get3A_388 = arith.constant 16 : index
          %get3A_389 = tpu.vector_load %arg13[%get3A_387, %get3A_388] {strides = array<i32>} : memref<80x64xi32, #tpu.memory_space<vmem>>, vector<16xi32>,
          %bitcast3A_390 = vector.bitcast %get3A_389 : vector<16xi32> to vector<32xbf16>
          %mul3A_391 = arith.mulf %bitcast3A_386, %bitcast3A_390 : vector<32xbf16>
          %add3A_392 = arith.addf %mul3A_382, %mul3A_391 : vector<32xbf16>
          %get3A_393 = arith.index_cast %add3A_373 : i32 to index
          %get3A_394 = arith.constant 32 : index
          %get3A_395 = tpu.vector_load %arg12[%get3A_393, %get3A_394] {strides = array<i32>} : memref<80x64xi32, #tpu.memory_space<vmem>>, vector<16xi32>,
          %bitcast3A_396 = vector.bitcast %get3A_395 : vector<16xi32> to vector<32xbf16>
          %get3A_397 = arith.index_cast %add3A_373 : i32 to index
          %get3A_398 = arith.constant 32 : index
          %get3A_399 = tpu.vector_load %arg13[%get3A_397, %get3A_398] {strides = array<i32>} : memref<80x64xi32, #tpu.memory_space<vmem>>, vector<16xi32>,
          %bitcast3A_400 = vector.bitcast %get3A_399 : vector<16xi32> to vector<32xbf16>
          %mul3A_401 = arith.mulf %bitcast3A_396, %bitcast3A_400 : vector<32xbf16>
          %add3A_402 = arith.addf %add3A_392, %mul3A_401 : vector<32xbf16>
          %get3A_403 = arith.index_cast %add3A_373 : i32 to index
          %get3A_404 = arith.constant 48 : index
          %get3A_405 = tpu.vector_load %arg12[%get3A_403, %get3A_404] {strides = array<i32>} : memref<80x64xi32, #tpu.memory_space<vmem>>, vector<16xi32>,
          %bitcast3A_406 = vector.bitcast %get3A_405 : vector<16xi32> to vector<32xbf16>
          %get3A_407 = arith.index_cast %add3A_373 : i32 to index
          %get3A_408 = arith.constant 48 : index
          %get3A_409 = tpu.vector_load %arg13[%get3A_407, %get3A_408] {strides = array<i32>} : memref<80x64xi32, #tpu.memory_space<vmem>>, vector<16xi32>,
          %bitcast3A_410 = vector.bitcast %get3A_409 : vector<16xi32> to vector<32xbf16>
          %mul3A_411 = arith.mulf %bitcast3A_406, %bitcast3A_410 : vector<32xbf16>
          %add3A_412 = arith.addf %add3A_402, %mul3A_411 : vector<32xbf16>
          %unpack3A_413 = tpu.unpack_subelements %add3A_412, 0 {pack_format = #tpu.pack_format<interleaved>} : vector<32xbf16> -> vector<16xf32>
          %unpack3A_414 = tpu.unpack_subelements %add3A_412, 1 {pack_format = #tpu.pack_format<interleaved>} : vector<32xbf16> -> vector<16xf32>
          %add3A_415 = arith.addf %unpack3A_413, %unpack3A_414 : vector<16xf32>
          %swap3A_416 = arith.constant 5 : i32
          %swap3A_417 = arith.index_cast %swap3A_416 : i32 to index
          %swap3A_418 = arith.constant 0 : index
          %swap3A_419 = tpu.vector_load %arg15[%swap3A_417, %swap3A_418] {strides = array<i32>} : memref<16x16xf32, #tpu.memory_space<vmem>>, vector<16xf32>,
          tpu.vector_store %arg15[%swap3A_417, %swap3A_418], %add3A_415 {strides = array<i32>} : memref<16x16xf32, #tpu.memory_space<vmem>>, vector<16xf32>,
          %mul3A_420 = arith.constant 16 : i32
          %mul3A_421 = arith.muli %add3A_123, %mul3A_420 : i32
          %add3A_422 = arith.constant 6 : i32
          %add3A_423 = arith.addi %mul3A_421, %add3A_422 : i32
          %get3A_424 = arith.index_cast %add3A_423 : i32 to index
          %get3A_425 = arith.constant 0 : index
          %get3A_426 = tpu.vector_load %arg12[%get3A_424, %get3A_425] {strides = array<i32>} : memref<80x64xi32, #tpu.memory_space<vmem>>, vector<16xi32>,
          %bitcast3A_427 = vector.bitcast %get3A_426 : vector<16xi32> to vector<32xbf16>
          %get3A_428 = arith.index_cast %add3A_423 : i32 to index
          %get3A_429 = arith.constant 0 : index
          %get3A_430 = tpu.vector_load %arg13[%get3A_428, %get3A_429] {strides = array<i32>} : memref<80x64xi32, #tpu.memory_space<vmem>>, vector<16xi32>,
          %bitcast3A_431 = vector.bitcast %get3A_430 : vector<16xi32> to vector<32xbf16>
          %mul3A_432 = arith.mulf %bitcast3A_427, %bitcast3A_431 : vector<32xbf16>
          %get3A_433 = arith.index_cast %add3A_423 : i32 to index
          %get3A_434 = arith.constant 16 : index
          %get3A_435 = tpu.vector_load %arg12[%get3A_433, %get3A_434] {strides = array<i32>} : memref<80x64xi32, #tpu.memory_space<vmem>>, vector<16xi32>,
          %bitcast3A_436 = vector.bitcast %get3A_435 : vector<16xi32> to vector<32xbf16>
          %get3A_437 = arith.index_cast %add3A_423 : i32 to index
          %get3A_438 = arith.constant 16 : index
          %get3A_439 = tpu.vector_load %arg13[%get3A_437, %get3A_438] {strides = array<i32>} : memref<80x64xi32, #tpu.memory_space<vmem>>, vector<16xi32>,
          %bitcast3A_440 = vector.bitcast %get3A_439 : vector<16xi32> to vector<32xbf16>
          %mul3A_441 = arith.mulf %bitcast3A_436, %bitcast3A_440 : vector<32xbf16>
          %add3A_442 = arith.addf %mul3A_432, %mul3A_441 : vector<32xbf16>
          %get3A_443 = arith.index_cast %add3A_423 : i32 to index
          %get3A_444 = arith.constant 32 : index
          %get3A_445 = tpu.vector_load %arg12[%get3A_443, %get3A_444] {strides = array<i32>} : memref<80x64xi32, #tpu.memory_space<vmem>>, vector<16xi32>,
          %bitcast3A_446 = vector.bitcast %get3A_445 : vector<16xi32> to vector<32xbf16>
          %get3A_447 = arith.index_cast %add3A_423 : i32 to index
          %get3A_448 = arith.constant 32 : index
          %get3A_449 = tpu.vector_load %arg13[%get3A_447, %get3A_448] {strides = array<i32>} : memref<80x64xi32, #tpu.memory_space<vmem>>, vector<16xi32>,
          %bitcast3A_450 = vector.bitcast %get3A_449 : vector<16xi32> to vector<32xbf16>
          %mul3A_451 = arith.mulf %bitcast3A_446, %bitcast3A_450 : vector<32xbf16>
          %add3A_452 = arith.addf %add3A_442, %mul3A_451 : vector<32xbf16>
          %get3A_453 = arith.index_cast %add3A_423 : i32 to index
          %get3A_454 = arith.constant 48 : index
          %get3A_455 = tpu.vector_load %arg12[%get3A_453, %get3A_454] {strides = array<i32>} : memref<80x64xi32, #tpu.memory_space<vmem>>, vector<16xi32>,
          %bitcast3A_456 = vector.bitcast %get3A_455 : vector<16xi32> to vector<32xbf16>
          %get3A_457 = arith.index_cast %add3A_423 : i32 to index
          %get3A_458 = arith.constant 48 : index
          %get3A_459 = tpu.vector_load %arg13[%get3A_457, %get3A_458] {strides = array<i32>} : memref<80x64xi32, #tpu.memory_space<vmem>>, vector<16xi32>,
          %bitcast3A_460 = vector.bitcast %get3A_459 : vector<16xi32> to vector<32xbf16>
          %mul3A_461 = arith.mulf %bitcast3A_456, %bitcast3A_460 : vector<32xbf16>
          %add3A_462 = arith.addf %add3A_452, %mul3A_461 : vector<32xbf16>
          %unpack3A_463 = tpu.unpack_subelements %add3A_462, 0 {pack_format = #tpu.pack_format<interleaved>} : vector<32xbf16> -> vector<16xf32>
          %unpack3A_464 = tpu.unpack_subelements %add3A_462, 1 {pack_format = #tpu.pack_format<interleaved>} : vector<32xbf16> -> vector<16xf32>
          %add3A_465 = arith.addf %unpack3A_463, %unpack3A_464 : vector<16xf32>
          %swap3A_466 = arith.constant 6 : i32
          %swap3A_467 = arith.index_cast %swap3A_466 : i32 to index
          %swap3A_468 = arith.constant 0 : index
          %swap3A_469 = tpu.vector_load %arg15[%swap3A_467, %swap3A_468] {strides = array<i32>} : memref<16x16xf32, #tpu.memory_space<vmem>>, vector<16xf32>,
          tpu.vector_store %arg15[%swap3A_467, %swap3A_468], %add3A_465 {strides = array<i32>} : memref<16x16xf32, #tpu.memory_space<vmem>>, vector<16xf32>,
          %mul3A_470 = arith.constant 16 : i32
          %mul3A_471 = arith.muli %add3A_123, %mul3A_470 : i32
          %add3A_472 = arith.constant 7 : i32
          %add3A_473 = arith.addi %mul3A_471, %add3A_472 : i32
          %get3A_474 = arith.index_cast %add3A_473 : i32 to index
          %get3A_475 = arith.constant 0 : index
          %get3A_476 = tpu.vector_load %arg12[%get3A_474, %get3A_475] {strides = array<i32>} : memref<80x64xi32, #tpu.memory_space<vmem>>, vector<16xi32>,
          %bitcast3A_477 = vector.bitcast %get3A_476 : vector<16xi32> to vector<32xbf16>
          %get3A_478 = arith.index_cast %add3A_473 : i32 to index
          %get3A_479 = arith.constant 0 : index
          %get3A_480 = tpu.vector_load %arg13[%get3A_478, %get3A_479] {strides = array<i32>} : memref<80x64xi32, #tpu.memory_space<vmem>>, vector<16xi32>,
          %bitcast3A_481 = vector.bitcast %get3A_480 : vector<16xi32> to vector<32xbf16>
          %mul3A_482 = arith.mulf %bitcast3A_477, %bitcast3A_481 : vector<32xbf16>
          %get3A_483 = arith.index_cast %add3A_473 : i32 to index
          %get3A_484 = arith.constant 16 : index
          %get3A_485 = tpu.vector_load %arg12[%get3A_483, %get3A_484] {strides = array<i32>} : memref<80x64xi32, #tpu.memory_space<vmem>>, vector<16xi32>,
          %bitcast3A_486 = vector.bitcast %get3A_485 : vector<16xi32> to vector<32xbf16>
          %get3A_487 = arith.index_cast %add3A_473 : i32 to index
          %get3A_488 = arith.constant 16 : index
          %get3A_489 = tpu.vector_load %arg13[%get3A_487, %get3A_488] {strides = array<i32>} : memref<80x64xi32, #tpu.memory_space<vmem>>, vector<16xi32>,
          %bitcast3A_490 = vector.bitcast %get3A_489 : vector<16xi32> to vector<32xbf16>
          %mul3A_491 = arith.mulf %bitcast3A_486, %bitcast3A_490 : vector<32xbf16>
          %add3A_492 = arith.addf %mul3A_482, %mul3A_491 : vector<32xbf16>
          %get3A_493 = arith.index_cast %add3A_473 : i32 to index
          %get3A_494 = arith.constant 32 : index
          %get3A_495 = tpu.vector_load %arg12[%get3A_493, %get3A_494] {strides = array<i32>} : memref<80x64xi32, #tpu.memory_space<vmem>>, vector<16xi32>,
          %bitcast3A_496 = vector.bitcast %get3A_495 : vector<16xi32> to vector<32xbf16>
          %get3A_497 = arith.index_cast %add3A_473 : i32 to index
          %get3A_498 = arith.constant 32 : index
          %get3A_499 = tpu.vector_load %arg13[%get3A_497, %get3A_498] {strides = array<i32>} : memref<80x64xi32, #tpu.memory_space<vmem>>, vector<16xi32>,
          %bitcast3A_500 = vector.bitcast %get3A_499 : vector<16xi32> to vector<32xbf16>
          %mul3A_501 = arith.mulf %bitcast3A_496, %bitcast3A_500 : vector<32xbf16>
          %add3A_502 = arith.addf %add3A_492, %mul3A_501 : vector<32xbf16>
          %get3A_503 = arith.index_cast %add3A_473 : i32 to index
          %get3A_504 = arith.constant 48 : index
          %get3A_505 = tpu.vector_load %arg12[%get3A_503, %get3A_504] {strides = array<i32>} : memref<80x64xi32, #tpu.memory_space<vmem>>, vector<16xi32>,
          %bitcast3A_506 = vector.bitcast %get3A_505 : vector<16xi32> to vector<32xbf16>
          %get3A_507 = arith.index_cast %add3A_473 : i32 to index
          %get3A_508 = arith.constant 48 : index
          %get3A_509 = tpu.vector_load %arg13[%get3A_507, %get3A_508] {strides = array<i32>} : memref<80x64xi32, #tpu.memory_space<vmem>>, vector<16xi32>,
          %bitcast3A_510 = vector.bitcast %get3A_509 : vector<16xi32> to vector<32xbf16>
          %mul3A_511 = arith.mulf %bitcast3A_506, %bitcast3A_510 : vector<32xbf16>
          %add3A_512 = arith.addf %add3A_502, %mul3A_511 : vector<32xbf16>
          %unpack3A_513 = tpu.unpack_subelements %add3A_512, 0 {pack_format = #tpu.pack_format<interleaved>} : vector<32xbf16> -> vector<16xf32>
          %unpack3A_514 = tpu.unpack_subelements %add3A_512, 1 {pack_format = #tpu.pack_format<interleaved>} : vector<32xbf16> -> vector<16xf32>
          %add3A_515 = arith.addf %unpack3A_513, %unpack3A_514 : vector<16xf32>
          %swap3A_516 = arith.constant 7 : i32
          %swap3A_517 = arith.index_cast %swap3A_516 : i32 to index
          %swap3A_518 = arith.constant 0 : index
          %swap3A_519 = tpu.vector_load %arg15[%swap3A_517, %swap3A_518] {strides = array<i32>} : memref<16x16xf32, #tpu.memory_space<vmem>>, vector<16xf32>,
          tpu.vector_store %arg15[%swap3A_517, %swap3A_518], %add3A_515 {strides = array<i32>} : memref<16x16xf32, #tpu.memory_space<vmem>>, vector<16xf32>,
          %mul3A_520 = arith.constant 16 : i32
          %mul3A_521 = arith.muli %add3A_123, %mul3A_520 : i32
          %add3A_522 = arith.constant 8 : i32
          %add3A_523 = arith.addi %mul3A_521, %add3A_522 : i32
          %get3A_524 = arith.index_cast %add3A_523 : i32 to index
          %get3A_525 = arith.constant 0 : index
          %get3A_526 = tpu.vector_load %arg12[%get3A_524, %get3A_525] {strides = array<i32>} : memref<80x64xi32, #tpu.memory_space<vmem>>, vector<16xi32>,
          %bitcast3A_527 = vector.bitcast %get3A_526 : vector<16xi32> to vector<32xbf16>
          %get3A_528 = arith.index_cast %add3A_523 : i32 to index
          %get3A_529 = arith.constant 0 : index
          %get3A_530 = tpu.vector_load %arg13[%get3A_528, %get3A_529] {strides = array<i32>} : memref<80x64xi32, #tpu.memory_space<vmem>>, vector<16xi32>,
          %bitcast3A_531 = vector.bitcast %get3A_530 : vector<16xi32> to vector<32xbf16>
          %mul3A_532 = arith.mulf %bitcast3A_527, %bitcast3A_531 : vector<32xbf16>
          %get3A_533 = arith.index_cast %add3A_523 : i32 to index
          %get3A_534 = arith.constant 16 : index
          %get3A_535 = tpu.vector_load %arg12[%get3A_533, %get3A_534] {strides = array<i32>} : memref<80x64xi32, #tpu.memory_space<vmem>>, vector<16xi32>,
          %bitcast3A_536 = vector.bitcast %get3A_535 : vector<16xi32> to vector<32xbf16>
          %get3A_537 = arith.index_cast %add3A_523 : i32 to index
          %get3A_538 = arith.constant 16 : index
          %get3A_539 = tpu.vector_load %arg13[%get3A_537, %get3A_538] {strides = array<i32>} : memref<80x64xi32, #tpu.memory_space<vmem>>, vector<16xi32>,
          %bitcast3A_540 = vector.bitcast %get3A_539 : vector<16xi32> to vector<32xbf16>
          %mul3A_541 = arith.mulf %bitcast3A_536, %bitcast3A_540 : vector<32xbf16>
          %add3A_542 = arith.addf %mul3A_532, %mul3A_541 : vector<32xbf16>
          %get3A_543 = arith.index_cast %add3A_523 : i32 to index
          %get3A_544 = arith.constant 32 : index
          %get3A_545 = tpu.vector_load %arg12[%get3A_543, %get3A_544] {strides = array<i32>} : memref<80x64xi32, #tpu.memory_space<vmem>>, vector<16xi32>,
          %bitcast3A_546 = vector.bitcast %get3A_545 : vector<16xi32> to vector<32xbf16>
          %get3A_547 = arith.index_cast %add3A_523 : i32 to index
          %get3A_548 = arith.constant 32 : index
          %get3A_549 = tpu.vector_load %arg13[%get3A_547, %get3A_548] {strides = array<i32>} : memref<80x64xi32, #tpu.memory_space<vmem>>, vector<16xi32>,
          %bitcast3A_550 = vector.bitcast %get3A_549 : vector<16xi32> to vector<32xbf16>
          %mul3A_551 = arith.mulf %bitcast3A_546, %bitcast3A_550 : vector<32xbf16>
          %add3A_552 = arith.addf %add3A_542, %mul3A_551 : vector<32xbf16>
          %get3A_553 = arith.index_cast %add3A_523 : i32 to index
          %get3A_554 = arith.constant 48 : index
          %get3A_555 = tpu.vector_load %arg12[%get3A_553, %get3A_554] {strides = array<i32>} : memref<80x64xi32, #tpu.memory_space<vmem>>, vector<16xi32>,
          %bitcast3A_556 = vector.bitcast %get3A_555 : vector<16xi32> to vector<32xbf16>
          %get3A_557 = arith.index_cast %add3A_523 : i32 to index
          %get3A_558 = arith.constant 48 : index
          %get3A_559 = tpu.vector_load %arg13[%get3A_557, %get3A_558] {strides = array<i32>} : memref<80x64xi32, #tpu.memory_space<vmem>>, vector<16xi32>,
          %bitcast3A_560 = vector.bitcast %get3A_559 : vector<16xi32> to vector<32xbf16>
          %mul3A_561 = arith.mulf %bitcast3A_556, %bitcast3A_560 : vector<32xbf16>
          %add3A_562 = arith.addf %add3A_552, %mul3A_561 : vector<32xbf16>
          %unpack3A_563 = tpu.unpack_subelements %add3A_562, 0 {pack_format = #tpu.pack_format<interleaved>} : vector<32xbf16> -> vector<16xf32>
          %unpack3A_564 = tpu.unpack_subelements %add3A_562, 1 {pack_format = #tpu.pack_format<interleaved>} : vector<32xbf16> -> vector<16xf32>
          %add3A_565 = arith.addf %unpack3A_563, %unpack3A_564 : vector<16xf32>
          %swap3A_566 = arith.constant 8 : i32
          %swap3A_567 = arith.index_cast %swap3A_566 : i32 to index
          %swap3A_568 = arith.constant 0 : index
          %swap3A_569 = tpu.vector_load %arg15[%swap3A_567, %swap3A_568] {strides = array<i32>} : memref<16x16xf32, #tpu.memory_space<vmem>>, vector<16xf32>,
          tpu.vector_store %arg15[%swap3A_567, %swap3A_568], %add3A_565 {strides = array<i32>} : memref<16x16xf32, #tpu.memory_space<vmem>>, vector<16xf32>,
          %mul3A_570 = arith.constant 16 : i32
          %mul3A_571 = arith.muli %add3A_123, %mul3A_570 : i32
          %add3A_572 = arith.constant 9 : i32
          %add3A_573 = arith.addi %mul3A_571, %add3A_572 : i32
          %get3A_574 = arith.index_cast %add3A_573 : i32 to index
          %get3A_575 = arith.constant 0 : index
          %get3A_576 = tpu.vector_load %arg12[%get3A_574, %get3A_575] {strides = array<i32>} : memref<80x64xi32, #tpu.memory_space<vmem>>, vector<16xi32>,
          %bitcast3A_577 = vector.bitcast %get3A_576 : vector<16xi32> to vector<32xbf16>
          %get3A_578 = arith.index_cast %add3A_573 : i32 to index
          %get3A_579 = arith.constant 0 : index
          %get3A_580 = tpu.vector_load %arg13[%get3A_578, %get3A_579] {strides = array<i32>} : memref<80x64xi32, #tpu.memory_space<vmem>>, vector<16xi32>,
          %bitcast3A_581 = vector.bitcast %get3A_580 : vector<16xi32> to vector<32xbf16>
          %mul3A_582 = arith.mulf %bitcast3A_577, %bitcast3A_581 : vector<32xbf16>
          %get3A_583 = arith.index_cast %add3A_573 : i32 to index
          %get3A_584 = arith.constant 16 : index
          %get3A_585 = tpu.vector_load %arg12[%get3A_583, %get3A_584] {strides = array<i32>} : memref<80x64xi32, #tpu.memory_space<vmem>>, vector<16xi32>,
          %bitcast3A_586 = vector.bitcast %get3A_585 : vector<16xi32> to vector<32xbf16>
          %get3A_587 = arith.index_cast %add3A_573 : i32 to index
          %get3A_588 = arith.constant 16 : index
          %get3A_589 = tpu.vector_load %arg13[%get3A_587, %get3A_588] {strides = array<i32>} : memref<80x64xi32, #tpu.memory_space<vmem>>, vector<16xi32>,
          %bitcast3A_590 = vector.bitcast %get3A_589 : vector<16xi32> to vector<32xbf16>
          %mul3A_591 = arith.mulf %bitcast3A_586, %bitcast3A_590 : vector<32xbf16>
          %add3A_592 = arith.addf %mul3A_582, %mul3A_591 : vector<32xbf16>
          %get3A_593 = arith.index_cast %add3A_573 : i32 to index
          %get3A_594 = arith.constant 32 : index
          %get3A_595 = tpu.vector_load %arg12[%get3A_593, %get3A_594] {strides = array<i32>} : memref<80x64xi32, #tpu.memory_space<vmem>>, vector<16xi32>,
          %bitcast3A_596 = vector.bitcast %get3A_595 : vector<16xi32> to vector<32xbf16>
          %get3A_597 = arith.index_cast %add3A_573 : i32 to index
          %get3A_598 = arith.constant 32 : index
          %get3A_599 = tpu.vector_load %arg13[%get3A_597, %get3A_598] {strides = array<i32>} : memref<80x64xi32, #tpu.memory_space<vmem>>, vector<16xi32>,
          %bitcast3A_600 = vector.bitcast %get3A_599 : vector<16xi32> to vector<32xbf16>
          %mul3A_601 = arith.mulf %bitcast3A_596, %bitcast3A_600 : vector<32xbf16>
          %add3A_602 = arith.addf %add3A_592, %mul3A_601 : vector<32xbf16>
          %get3A_603 = arith.index_cast %add3A_573 : i32 to index
          %get3A_604 = arith.constant 48 : index
          %get3A_605 = tpu.vector_load %arg12[%get3A_603, %get3A_604] {strides = array<i32>} : memref<80x64xi32, #tpu.memory_space<vmem>>, vector<16xi32>,
          %bitcast3A_606 = vector.bitcast %get3A_605 : vector<16xi32> to vector<32xbf16>
          %get3A_607 = arith.index_cast %add3A_573 : i32 to index
          %get3A_608 = arith.constant 48 : index
          %get3A_609 = tpu.vector_load %arg13[%get3A_607, %get3A_608] {strides = array<i32>} : memref<80x64xi32, #tpu.memory_space<vmem>>, vector<16xi32>,
          %bitcast3A_610 = vector.bitcast %get3A_609 : vector<16xi32> to vector<32xbf16>
          %mul3A_611 = arith.mulf %bitcast3A_606, %bitcast3A_610 : vector<32xbf16>
          %add3A_612 = arith.addf %add3A_602, %mul3A_611 : vector<32xbf16>
          %unpack3A_613 = tpu.unpack_subelements %add3A_612, 0 {pack_format = #tpu.pack_format<interleaved>} : vector<32xbf16> -> vector<16xf32>
          %unpack3A_614 = tpu.unpack_subelements %add3A_612, 1 {pack_format = #tpu.pack_format<interleaved>} : vector<32xbf16> -> vector<16xf32>
          %add3A_615 = arith.addf %unpack3A_613, %unpack3A_614 : vector<16xf32>
          %swap3A_616 = arith.constant 9 : i32
          %swap3A_617 = arith.index_cast %swap3A_616 : i32 to index
          %swap3A_618 = arith.constant 0 : index
          %swap3A_619 = tpu.vector_load %arg15[%swap3A_617, %swap3A_618] {strides = array<i32>} : memref<16x16xf32, #tpu.memory_space<vmem>>, vector<16xf32>,
          tpu.vector_store %arg15[%swap3A_617, %swap3A_618], %add3A_615 {strides = array<i32>} : memref<16x16xf32, #tpu.memory_space<vmem>>, vector<16xf32>,
          %mul3A_620 = arith.constant 16 : i32
          %mul3A_621 = arith.muli %add3A_123, %mul3A_620 : i32
          %add3A_622 = arith.constant 10 : i32
          %add3A_623 = arith.addi %mul3A_621, %add3A_622 : i32
          %get3A_624 = arith.index_cast %add3A_623 : i32 to index
          %get3A_625 = arith.constant 0 : index
          %get3A_626 = tpu.vector_load %arg12[%get3A_624, %get3A_625] {strides = array<i32>} : memref<80x64xi32, #tpu.memory_space<vmem>>, vector<16xi32>,
          %bitcast3A_627 = vector.bitcast %get3A_626 : vector<16xi32> to vector<32xbf16>
          %get3A_628 = arith.index_cast %add3A_623 : i32 to index
          %get3A_629 = arith.constant 0 : index
          %get3A_630 = tpu.vector_load %arg13[%get3A_628, %get3A_629] {strides = array<i32>} : memref<80x64xi32, #tpu.memory_space<vmem>>, vector<16xi32>,
          %bitcast3A_631 = vector.bitcast %get3A_630 : vector<16xi32> to vector<32xbf16>
          %mul3A_632 = arith.mulf %bitcast3A_627, %bitcast3A_631 : vector<32xbf16>
          %get3A_633 = arith.index_cast %add3A_623 : i32 to index
          %get3A_634 = arith.constant 16 : index
          %get3A_635 = tpu.vector_load %arg12[%get3A_633, %get3A_634] {strides = array<i32>} : memref<80x64xi32, #tpu.memory_space<vmem>>, vector<16xi32>,
          %bitcast3A_636 = vector.bitcast %get3A_635 : vector<16xi32> to vector<32xbf16>
          %get3A_637 = arith.index_cast %add3A_623 : i32 to index
          %get3A_638 = arith.constant 16 : index
          %get3A_639 = tpu.vector_load %arg13[%get3A_637, %get3A_638] {strides = array<i32>} : memref<80x64xi32, #tpu.memory_space<vmem>>, vector<16xi32>,
          %bitcast3A_640 = vector.bitcast %get3A_639 : vector<16xi32> to vector<32xbf16>
          %mul3A_641 = arith.mulf %bitcast3A_636, %bitcast3A_640 : vector<32xbf16>
          %add3A_642 = arith.addf %mul3A_632, %mul3A_641 : vector<32xbf16>
          %get3A_643 = arith.index_cast %add3A_623 : i32 to index
          %get3A_644 = arith.constant 32 : index
          %get3A_645 = tpu.vector_load %arg12[%get3A_643, %get3A_644] {strides = array<i32>} : memref<80x64xi32, #tpu.memory_space<vmem>>, vector<16xi32>,
          %bitcast3A_646 = vector.bitcast %get3A_645 : vector<16xi32> to vector<32xbf16>
          %get3A_647 = arith.index_cast %add3A_623 : i32 to index
          %get3A_648 = arith.constant 32 : index
          %get3A_649 = tpu.vector_load %arg13[%get3A_647, %get3A_648] {strides = array<i32>} : memref<80x64xi32, #tpu.memory_space<vmem>>, vector<16xi32>,
          %bitcast3A_650 = vector.bitcast %get3A_649 : vector<16xi32> to vector<32xbf16>
          %mul3A_651 = arith.mulf %bitcast3A_646, %bitcast3A_650 : vector<32xbf16>
          %add3A_652 = arith.addf %add3A_642, %mul3A_651 : vector<32xbf16>
          %get3A_653 = arith.index_cast %add3A_623 : i32 to index
          %get3A_654 = arith.constant 48 : index
          %get3A_655 = tpu.vector_load %arg12[%get3A_653, %get3A_654] {strides = array<i32>} : memref<80x64xi32, #tpu.memory_space<vmem>>, vector<16xi32>,
          %bitcast3A_656 = vector.bitcast %get3A_655 : vector<16xi32> to vector<32xbf16>
          %get3A_657 = arith.index_cast %add3A_623 : i32 to index
          %get3A_658 = arith.constant 48 : index
          %get3A_659 = tpu.vector_load %arg13[%get3A_657, %get3A_658] {strides = array<i32>} : memref<80x64xi32, #tpu.memory_space<vmem>>, vector<16xi32>,
          %bitcast3A_660 = vector.bitcast %get3A_659 : vector<16xi32> to vector<32xbf16>
          %mul3A_661 = arith.mulf %bitcast3A_656, %bitcast3A_660 : vector<32xbf16>
          %add3A_662 = arith.addf %add3A_652, %mul3A_661 : vector<32xbf16>
          %unpack3A_663 = tpu.unpack_subelements %add3A_662, 0 {pack_format = #tpu.pack_format<interleaved>} : vector<32xbf16> -> vector<16xf32>
          %unpack3A_664 = tpu.unpack_subelements %add3A_662, 1 {pack_format = #tpu.pack_format<interleaved>} : vector<32xbf16> -> vector<16xf32>
          %add3A_665 = arith.addf %unpack3A_663, %unpack3A_664 : vector<16xf32>
          %swap3A_666 = arith.constant 10 : i32
          %swap3A_667 = arith.index_cast %swap3A_666 : i32 to index
          %swap3A_668 = arith.constant 0 : index
          %swap3A_669 = tpu.vector_load %arg15[%swap3A_667, %swap3A_668] {strides = array<i32>} : memref<16x16xf32, #tpu.memory_space<vmem>>, vector<16xf32>,
          tpu.vector_store %arg15[%swap3A_667, %swap3A_668], %add3A_665 {strides = array<i32>} : memref<16x16xf32, #tpu.memory_space<vmem>>, vector<16xf32>,
          %mul3A_670 = arith.constant 16 : i32
          %mul3A_671 = arith.muli %add3A_123, %mul3A_670 : i32
          %add3A_672 = arith.constant 11 : i32
          %add3A_673 = arith.addi %mul3A_671, %add3A_672 : i32
          %get3A_674 = arith.index_cast %add3A_673 : i32 to index
          %get3A_675 = arith.constant 0 : index
          %get3A_676 = tpu.vector_load %arg12[%get3A_674, %get3A_675] {strides = array<i32>} : memref<80x64xi32, #tpu.memory_space<vmem>>, vector<16xi32>,
          %bitcast3A_677 = vector.bitcast %get3A_676 : vector<16xi32> to vector<32xbf16>
          %get3A_678 = arith.index_cast %add3A_673 : i32 to index
          %get3A_679 = arith.constant 0 : index
          %get3A_680 = tpu.vector_load %arg13[%get3A_678, %get3A_679] {strides = array<i32>} : memref<80x64xi32, #tpu.memory_space<vmem>>, vector<16xi32>,
          %bitcast3A_681 = vector.bitcast %get3A_680 : vector<16xi32> to vector<32xbf16>
          %mul3A_682 = arith.mulf %bitcast3A_677, %bitcast3A_681 : vector<32xbf16>
          %get3A_683 = arith.index_cast %add3A_673 : i32 to index
          %get3A_684 = arith.constant 16 : index
          %get3A_685 = tpu.vector_load %arg12[%get3A_683, %get3A_684] {strides = array<i32>} : memref<80x64xi32, #tpu.memory_space<vmem>>, vector<16xi32>,
          %bitcast3A_686 = vector.bitcast %get3A_685 : vector<16xi32> to vector<32xbf16>
          %get3A_687 = arith.index_cast %add3A_673 : i32 to index
          %get3A_688 = arith.constant 16 : index
          %get3A_689 = tpu.vector_load %arg13[%get3A_687, %get3A_688] {strides = array<i32>} : memref<80x64xi32, #tpu.memory_space<vmem>>, vector<16xi32>,
          %bitcast3A_690 = vector.bitcast %get3A_689 : vector<16xi32> to vector<32xbf16>
          %mul3A_691 = arith.mulf %bitcast3A_686, %bitcast3A_690 : vector<32xbf16>
          %add3A_692 = arith.addf %mul3A_682, %mul3A_691 : vector<32xbf16>
          %get3A_693 = arith.index_cast %add3A_673 : i32 to index
          %get3A_694 = arith.constant 32 : index
          %get3A_695 = tpu.vector_load %arg12[%get3A_693, %get3A_694] {strides = array<i32>} : memref<80x64xi32, #tpu.memory_space<vmem>>, vector<16xi32>,
          %bitcast3A_696 = vector.bitcast %get3A_695 : vector<16xi32> to vector<32xbf16>
          %get3A_697 = arith.index_cast %add3A_673 : i32 to index
          %get3A_698 = arith.constant 32 : index
          %get3A_699 = tpu.vector_load %arg13[%get3A_697, %get3A_698] {strides = array<i32>} : memref<80x64xi32, #tpu.memory_space<vmem>>, vector<16xi32>,
          %bitcast3A_700 = vector.bitcast %get3A_699 : vector<16xi32> to vector<32xbf16>
          %mul3A_701 = arith.mulf %bitcast3A_696, %bitcast3A_700 : vector<32xbf16>
          %add3A_702 = arith.addf %add3A_692, %mul3A_701 : vector<32xbf16>
          %get3A_703 = arith.index_cast %add3A_673 : i32 to index
          %get3A_704 = arith.constant 48 : index
          %get3A_705 = tpu.vector_load %arg12[%get3A_703, %get3A_704] {strides = array<i32>} : memref<80x64xi32, #tpu.memory_space<vmem>>, vector<16xi32>,
          %bitcast3A_706 = vector.bitcast %get3A_705 : vector<16xi32> to vector<32xbf16>
          %get3A_707 = arith.index_cast %add3A_673 : i32 to index
          %get3A_708 = arith.constant 48 : index
          %get3A_709 = tpu.vector_load %arg13[%get3A_707, %get3A_708] {strides = array<i32>} : memref<80x64xi32, #tpu.memory_space<vmem>>, vector<16xi32>,
          %bitcast3A_710 = vector.bitcast %get3A_709 : vector<16xi32> to vector<32xbf16>
          %mul3A_711 = arith.mulf %bitcast3A_706, %bitcast3A_710 : vector<32xbf16>
          %add3A_712 = arith.addf %add3A_702, %mul3A_711 : vector<32xbf16>
          %unpack3A_713 = tpu.unpack_subelements %add3A_712, 0 {pack_format = #tpu.pack_format<interleaved>} : vector<32xbf16> -> vector<16xf32>
          %unpack3A_714 = tpu.unpack_subelements %add3A_712, 1 {pack_format = #tpu.pack_format<interleaved>} : vector<32xbf16> -> vector<16xf32>
          %add3A_715 = arith.addf %unpack3A_713, %unpack3A_714 : vector<16xf32>
          %swap3A_716 = arith.constant 11 : i32
          %swap3A_717 = arith.index_cast %swap3A_716 : i32 to index
          %swap3A_718 = arith.constant 0 : index
          %swap3A_719 = tpu.vector_load %arg15[%swap3A_717, %swap3A_718] {strides = array<i32>} : memref<16x16xf32, #tpu.memory_space<vmem>>, vector<16xf32>,
          tpu.vector_store %arg15[%swap3A_717, %swap3A_718], %add3A_715 {strides = array<i32>} : memref<16x16xf32, #tpu.memory_space<vmem>>, vector<16xf32>,
          %mul3A_720 = arith.constant 16 : i32
          %mul3A_721 = arith.muli %add3A_123, %mul3A_720 : i32
          %add3A_722 = arith.constant 12 : i32
          %add3A_723 = arith.addi %mul3A_721, %add3A_722 : i32
          %get3A_724 = arith.index_cast %add3A_723 : i32 to index
          %get3A_725 = arith.constant 0 : index
          %get3A_726 = tpu.vector_load %arg12[%get3A_724, %get3A_725] {strides = array<i32>} : memref<80x64xi32, #tpu.memory_space<vmem>>, vector<16xi32>,
          %bitcast3A_727 = vector.bitcast %get3A_726 : vector<16xi32> to vector<32xbf16>
          %get3A_728 = arith.index_cast %add3A_723 : i32 to index
          %get3A_729 = arith.constant 0 : index
          %get3A_730 = tpu.vector_load %arg13[%get3A_728, %get3A_729] {strides = array<i32>} : memref<80x64xi32, #tpu.memory_space<vmem>>, vector<16xi32>,
          %bitcast3A_731 = vector.bitcast %get3A_730 : vector<16xi32> to vector<32xbf16>
          %mul3A_732 = arith.mulf %bitcast3A_727, %bitcast3A_731 : vector<32xbf16>
          %get3A_733 = arith.index_cast %add3A_723 : i32 to index
          %get3A_734 = arith.constant 16 : index
          %get3A_735 = tpu.vector_load %arg12[%get3A_733, %get3A_734] {strides = array<i32>} : memref<80x64xi32, #tpu.memory_space<vmem>>, vector<16xi32>,
          %bitcast3A_736 = vector.bitcast %get3A_735 : vector<16xi32> to vector<32xbf16>
          %get3A_737 = arith.index_cast %add3A_723 : i32 to index
          %get3A_738 = arith.constant 16 : index
          %get3A_739 = tpu.vector_load %arg13[%get3A_737, %get3A_738] {strides = array<i32>} : memref<80x64xi32, #tpu.memory_space<vmem>>, vector<16xi32>,
          %bitcast3A_740 = vector.bitcast %get3A_739 : vector<16xi32> to vector<32xbf16>
          %mul3A_741 = arith.mulf %bitcast3A_736, %bitcast3A_740 : vector<32xbf16>
          %add3A_742 = arith.addf %mul3A_732, %mul3A_741 : vector<32xbf16>
          %get3A_743 = arith.index_cast %add3A_723 : i32 to index
          %get3A_744 = arith.constant 32 : index
          %get3A_745 = tpu.vector_load %arg12[%get3A_743, %get3A_744] {strides = array<i32>} : memref<80x64xi32, #tpu.memory_space<vmem>>, vector<16xi32>,
          %bitcast3A_746 = vector.bitcast %get3A_745 : vector<16xi32> to vector<32xbf16>
          %get3A_747 = arith.index_cast %add3A_723 : i32 to index
          %get3A_748 = arith.constant 32 : index
          %get3A_749 = tpu.vector_load %arg13[%get3A_747, %get3A_748] {strides = array<i32>} : memref<80x64xi32, #tpu.memory_space<vmem>>, vector<16xi32>,
          %bitcast3A_750 = vector.bitcast %get3A_749 : vector<16xi32> to vector<32xbf16>
          %mul3A_751 = arith.mulf %bitcast3A_746, %bitcast3A_750 : vector<32xbf16>
          %add3A_752 = arith.addf %add3A_742, %mul3A_751 : vector<32xbf16>
          %get3A_753 = arith.index_cast %add3A_723 : i32 to index
          %get3A_754 = arith.constant 48 : index
          %get3A_755 = tpu.vector_load %arg12[%get3A_753, %get3A_754] {strides = array<i32>} : memref<80x64xi32, #tpu.memory_space<vmem>>, vector<16xi32>,
          %bitcast3A_756 = vector.bitcast %get3A_755 : vector<16xi32> to vector<32xbf16>
          %get3A_757 = arith.index_cast %add3A_723 : i32 to index
          %get3A_758 = arith.constant 48 : index
          %get3A_759 = tpu.vector_load %arg13[%get3A_757, %get3A_758] {strides = array<i32>} : memref<80x64xi32, #tpu.memory_space<vmem>>, vector<16xi32>,
          %bitcast3A_760 = vector.bitcast %get3A_759 : vector<16xi32> to vector<32xbf16>
          %mul3A_761 = arith.mulf %bitcast3A_756, %bitcast3A_760 : vector<32xbf16>
          %add3A_762 = arith.addf %add3A_752, %mul3A_761 : vector<32xbf16>
          %unpack3A_763 = tpu.unpack_subelements %add3A_762, 0 {pack_format = #tpu.pack_format<interleaved>} : vector<32xbf16> -> vector<16xf32>
          %unpack3A_764 = tpu.unpack_subelements %add3A_762, 1 {pack_format = #tpu.pack_format<interleaved>} : vector<32xbf16> -> vector<16xf32>
          %add3A_765 = arith.addf %unpack3A_763, %unpack3A_764 : vector<16xf32>
          %swap3A_766 = arith.constant 12 : i32
          %swap3A_767 = arith.index_cast %swap3A_766 : i32 to index
          %swap3A_768 = arith.constant 0 : index
          %swap3A_769 = tpu.vector_load %arg15[%swap3A_767, %swap3A_768] {strides = array<i32>} : memref<16x16xf32, #tpu.memory_space<vmem>>, vector<16xf32>,
          tpu.vector_store %arg15[%swap3A_767, %swap3A_768], %add3A_765 {strides = array<i32>} : memref<16x16xf32, #tpu.memory_space<vmem>>, vector<16xf32>,
          %mul3A_770 = arith.constant 16 : i32
          %mul3A_771 = arith.muli %add3A_123, %mul3A_770 : i32
          %add3A_772 = arith.constant 13 : i32
          %add3A_773 = arith.addi %mul3A_771, %add3A_772 : i32
          %get3A_774 = arith.index_cast %add3A_773 : i32 to index
          %get3A_775 = arith.constant 0 : index
          %get3A_776 = tpu.vector_load %arg12[%get3A_774, %get3A_775] {strides = array<i32>} : memref<80x64xi32, #tpu.memory_space<vmem>>, vector<16xi32>,
          %bitcast3A_777 = vector.bitcast %get3A_776 : vector<16xi32> to vector<32xbf16>
          %get3A_778 = arith.index_cast %add3A_773 : i32 to index
          %get3A_779 = arith.constant 0 : index
          %get3A_780 = tpu.vector_load %arg13[%get3A_778, %get3A_779] {strides = array<i32>} : memref<80x64xi32, #tpu.memory_space<vmem>>, vector<16xi32>,
          %bitcast3A_781 = vector.bitcast %get3A_780 : vector<16xi32> to vector<32xbf16>
          %mul3A_782 = arith.mulf %bitcast3A_777, %bitcast3A_781 : vector<32xbf16>
          %get3A_783 = arith.index_cast %add3A_773 : i32 to index
          %get3A_784 = arith.constant 16 : index
          %get3A_785 = tpu.vector_load %arg12[%get3A_783, %get3A_784] {strides = array<i32>} : memref<80x64xi32, #tpu.memory_space<vmem>>, vector<16xi32>,
          %bitcast3A_786 = vector.bitcast %get3A_785 : vector<16xi32> to vector<32xbf16>
          %get3A_787 = arith.index_cast %add3A_773 : i32 to index
          %get3A_788 = arith.constant 16 : index
          %get3A_789 = tpu.vector_load %arg13[%get3A_787, %get3A_788] {strides = array<i32>} : memref<80x64xi32, #tpu.memory_space<vmem>>, vector<16xi32>,
          %bitcast3A_790 = vector.bitcast %get3A_789 : vector<16xi32> to vector<32xbf16>
          %mul3A_791 = arith.mulf %bitcast3A_786, %bitcast3A_790 : vector<32xbf16>
          %add3A_792 = arith.addf %mul3A_782, %mul3A_791 : vector<32xbf16>
          %get3A_793 = arith.index_cast %add3A_773 : i32 to index
          %get3A_794 = arith.constant 32 : index
          %get3A_795 = tpu.vector_load %arg12[%get3A_793, %get3A_794] {strides = array<i32>} : memref<80x64xi32, #tpu.memory_space<vmem>>, vector<16xi32>,
          %bitcast3A_796 = vector.bitcast %get3A_795 : vector<16xi32> to vector<32xbf16>
          %get3A_797 = arith.index_cast %add3A_773 : i32 to index
          %get3A_798 = arith.constant 32 : index
          %get3A_799 = tpu.vector_load %arg13[%get3A_797, %get3A_798] {strides = array<i32>} : memref<80x64xi32, #tpu.memory_space<vmem>>, vector<16xi32>,
          %bitcast3A_800 = vector.bitcast %get3A_799 : vector<16xi32> to vector<32xbf16>
          %mul3A_801 = arith.mulf %bitcast3A_796, %bitcast3A_800 : vector<32xbf16>
          %add3A_802 = arith.addf %add3A_792, %mul3A_801 : vector<32xbf16>
          %get3A_803 = arith.index_cast %add3A_773 : i32 to index
          %get3A_804 = arith.constant 48 : index
          %get3A_805 = tpu.vector_load %arg12[%get3A_803, %get3A_804] {strides = array<i32>} : memref<80x64xi32, #tpu.memory_space<vmem>>, vector<16xi32>,
          %bitcast3A_806 = vector.bitcast %get3A_805 : vector<16xi32> to vector<32xbf16>
          %get3A_807 = arith.index_cast %add3A_773 : i32 to index
          %get3A_808 = arith.constant 48 : index
          %get3A_809 = tpu.vector_load %arg13[%get3A_807, %get3A_808] {strides = array<i32>} : memref<80x64xi32, #tpu.memory_space<vmem>>, vector<16xi32>,
          %bitcast3A_810 = vector.bitcast %get3A_809 : vector<16xi32> to vector<32xbf16>
          %mul3A_811 = arith.mulf %bitcast3A_806, %bitcast3A_810 : vector<32xbf16>
          %add3A_812 = arith.addf %add3A_802, %mul3A_811 : vector<32xbf16>
          %unpack3A_813 = tpu.unpack_subelements %add3A_812, 0 {pack_format = #tpu.pack_format<interleaved>} : vector<32xbf16> -> vector<16xf32>
          %unpack3A_814 = tpu.unpack_subelements %add3A_812, 1 {pack_format = #tpu.pack_format<interleaved>} : vector<32xbf16> -> vector<16xf32>
          %add3A_815 = arith.addf %unpack3A_813, %unpack3A_814 : vector<16xf32>
          %swap3A_816 = arith.constant 13 : i32
          %swap3A_817 = arith.index_cast %swap3A_816 : i32 to index
          %swap3A_818 = arith.constant 0 : index
          %swap3A_819 = tpu.vector_load %arg15[%swap3A_817, %swap3A_818] {strides = array<i32>} : memref<16x16xf32, #tpu.memory_space<vmem>>, vector<16xf32>,
          tpu.vector_store %arg15[%swap3A_817, %swap3A_818], %add3A_815 {strides = array<i32>} : memref<16x16xf32, #tpu.memory_space<vmem>>, vector<16xf32>,
          %mul3A_820 = arith.constant 16 : i32
          %mul3A_821 = arith.muli %add3A_123, %mul3A_820 : i32
          %add3A_822 = arith.constant 14 : i32
          %add3A_823 = arith.addi %mul3A_821, %add3A_822 : i32
          %get3A_824 = arith.index_cast %add3A_823 : i32 to index
          %get3A_825 = arith.constant 0 : index
          %get3A_826 = tpu.vector_load %arg12[%get3A_824, %get3A_825] {strides = array<i32>} : memref<80x64xi32, #tpu.memory_space<vmem>>, vector<16xi32>,
          %bitcast3A_827 = vector.bitcast %get3A_826 : vector<16xi32> to vector<32xbf16>
          %get3A_828 = arith.index_cast %add3A_823 : i32 to index
          %get3A_829 = arith.constant 0 : index
          %get3A_830 = tpu.vector_load %arg13[%get3A_828, %get3A_829] {strides = array<i32>} : memref<80x64xi32, #tpu.memory_space<vmem>>, vector<16xi32>,
          %bitcast3A_831 = vector.bitcast %get3A_830 : vector<16xi32> to vector<32xbf16>
          %mul3A_832 = arith.mulf %bitcast3A_827, %bitcast3A_831 : vector<32xbf16>
          %get3A_833 = arith.index_cast %add3A_823 : i32 to index
          %get3A_834 = arith.constant 16 : index
          %get3A_835 = tpu.vector_load %arg12[%get3A_833, %get3A_834] {strides = array<i32>} : memref<80x64xi32, #tpu.memory_space<vmem>>, vector<16xi32>,
          %bitcast3A_836 = vector.bitcast %get3A_835 : vector<16xi32> to vector<32xbf16>
          %get3A_837 = arith.index_cast %add3A_823 : i32 to index
          %get3A_838 = arith.constant 16 : index
          %get3A_839 = tpu.vector_load %arg13[%get3A_837, %get3A_838] {strides = array<i32>} : memref<80x64xi32, #tpu.memory_space<vmem>>, vector<16xi32>,
          %bitcast3A_840 = vector.bitcast %get3A_839 : vector<16xi32> to vector<32xbf16>
          %mul3A_841 = arith.mulf %bitcast3A_836, %bitcast3A_840 : vector<32xbf16>
          %add3A_842 = arith.addf %mul3A_832, %mul3A_841 : vector<32xbf16>
          %get3A_843 = arith.index_cast %add3A_823 : i32 to index
          %get3A_844 = arith.constant 32 : index
          %get3A_845 = tpu.vector_load %arg12[%get3A_843, %get3A_844] {strides = array<i32>} : memref<80x64xi32, #tpu.memory_space<vmem>>, vector<16xi32>,
          %bitcast3A_846 = vector.bitcast %get3A_845 : vector<16xi32> to vector<32xbf16>
          %get3A_847 = arith.index_cast %add3A_823 : i32 to index
          %get3A_848 = arith.constant 32 : index
          %get3A_849 = tpu.vector_load %arg13[%get3A_847, %get3A_848] {strides = array<i32>} : memref<80x64xi32, #tpu.memory_space<vmem>>, vector<16xi32>,
          %bitcast3A_850 = vector.bitcast %get3A_849 : vector<16xi32> to vector<32xbf16>
          %mul3A_851 = arith.mulf %bitcast3A_846, %bitcast3A_850 : vector<32xbf16>
          %add3A_852 = arith.addf %add3A_842, %mul3A_851 : vector<32xbf16>
          %get3A_853 = arith.index_cast %add3A_823 : i32 to index
          %get3A_854 = arith.constant 48 : index
          %get3A_855 = tpu.vector_load %arg12[%get3A_853, %get3A_854] {strides = array<i32>} : memref<80x64xi32, #tpu.memory_space<vmem>>, vector<16xi32>,
          %bitcast3A_856 = vector.bitcast %get3A_855 : vector<16xi32> to vector<32xbf16>
          %get3A_857 = arith.index_cast %add3A_823 : i32 to index
          %get3A_858 = arith.constant 48 : index
          %get3A_859 = tpu.vector_load %arg13[%get3A_857, %get3A_858] {strides = array<i32>} : memref<80x64xi32, #tpu.memory_space<vmem>>, vector<16xi32>,
          %bitcast3A_860 = vector.bitcast %get3A_859 : vector<16xi32> to vector<32xbf16>
          %mul3A_861 = arith.mulf %bitcast3A_856, %bitcast3A_860 : vector<32xbf16>
          %add3A_862 = arith.addf %add3A_852, %mul3A_861 : vector<32xbf16>
          %unpack3A_863 = tpu.unpack_subelements %add3A_862, 0 {pack_format = #tpu.pack_format<interleaved>} : vector<32xbf16> -> vector<16xf32>
          %unpack3A_864 = tpu.unpack_subelements %add3A_862, 1 {pack_format = #tpu.pack_format<interleaved>} : vector<32xbf16> -> vector<16xf32>
          %add3A_865 = arith.addf %unpack3A_863, %unpack3A_864 : vector<16xf32>
          %swap3A_866 = arith.constant 14 : i32
          %swap3A_867 = arith.index_cast %swap3A_866 : i32 to index
          %swap3A_868 = arith.constant 0 : index
          %swap3A_869 = tpu.vector_load %arg15[%swap3A_867, %swap3A_868] {strides = array<i32>} : memref<16x16xf32, #tpu.memory_space<vmem>>, vector<16xf32>,
          tpu.vector_store %arg15[%swap3A_867, %swap3A_868], %add3A_865 {strides = array<i32>} : memref<16x16xf32, #tpu.memory_space<vmem>>, vector<16xf32>,
          %mul3A_870 = arith.constant 16 : i32
          %mul3A_871 = arith.muli %add3A_123, %mul3A_870 : i32
          %add3A_872 = arith.constant 15 : i32
          %add3A_873 = arith.addi %mul3A_871, %add3A_872 : i32
          %get3A_874 = arith.index_cast %add3A_873 : i32 to index
          %get3A_875 = arith.constant 0 : index
          %get3A_876 = tpu.vector_load %arg12[%get3A_874, %get3A_875] {strides = array<i32>} : memref<80x64xi32, #tpu.memory_space<vmem>>, vector<16xi32>,
          %bitcast3A_877 = vector.bitcast %get3A_876 : vector<16xi32> to vector<32xbf16>
          %get3A_878 = arith.index_cast %add3A_873 : i32 to index
          %get3A_879 = arith.constant 0 : index
          %get3A_880 = tpu.vector_load %arg13[%get3A_878, %get3A_879] {strides = array<i32>} : memref<80x64xi32, #tpu.memory_space<vmem>>, vector<16xi32>,
          %bitcast3A_881 = vector.bitcast %get3A_880 : vector<16xi32> to vector<32xbf16>
          %mul3A_882 = arith.mulf %bitcast3A_877, %bitcast3A_881 : vector<32xbf16>
          %get3A_883 = arith.index_cast %add3A_873 : i32 to index
          %get3A_884 = arith.constant 16 : index
          %get3A_885 = tpu.vector_load %arg12[%get3A_883, %get3A_884] {strides = array<i32>} : memref<80x64xi32, #tpu.memory_space<vmem>>, vector<16xi32>,
          %bitcast3A_886 = vector.bitcast %get3A_885 : vector<16xi32> to vector<32xbf16>
          %get3A_887 = arith.index_cast %add3A_873 : i32 to index
          %get3A_888 = arith.constant 16 : index
          %get3A_889 = tpu.vector_load %arg13[%get3A_887, %get3A_888] {strides = array<i32>} : memref<80x64xi32, #tpu.memory_space<vmem>>, vector<16xi32>,
          %bitcast3A_890 = vector.bitcast %get3A_889 : vector<16xi32> to vector<32xbf16>
          %mul3A_891 = arith.mulf %bitcast3A_886, %bitcast3A_890 : vector<32xbf16>
          %add3A_892 = arith.addf %mul3A_882, %mul3A_891 : vector<32xbf16>
          %get3A_893 = arith.index_cast %add3A_873 : i32 to index
          %get3A_894 = arith.constant 32 : index
          %get3A_895 = tpu.vector_load %arg12[%get3A_893, %get3A_894] {strides = array<i32>} : memref<80x64xi32, #tpu.memory_space<vmem>>, vector<16xi32>,
          %bitcast3A_896 = vector.bitcast %get3A_895 : vector<16xi32> to vector<32xbf16>
          %get3A_897 = arith.index_cast %add3A_873 : i32 to index
          %get3A_898 = arith.constant 32 : index
          %get3A_899 = tpu.vector_load %arg13[%get3A_897, %get3A_898] {strides = array<i32>} : memref<80x64xi32, #tpu.memory_space<vmem>>, vector<16xi32>,
          %bitcast3A_900 = vector.bitcast %get3A_899 : vector<16xi32> to vector<32xbf16>
          %mul3A_901 = arith.mulf %bitcast3A_896, %bitcast3A_900 : vector<32xbf16>
          %add3A_902 = arith.addf %add3A_892, %mul3A_901 : vector<32xbf16>
          %get3A_903 = arith.index_cast %add3A_873 : i32 to index
          %get3A_904 = arith.constant 48 : index
          %get3A_905 = tpu.vector_load %arg12[%get3A_903, %get3A_904] {strides = array<i32>} : memref<80x64xi32, #tpu.memory_space<vmem>>, vector<16xi32>,
          %bitcast3A_906 = vector.bitcast %get3A_905 : vector<16xi32> to vector<32xbf16>
          %get3A_907 = arith.index_cast %add3A_873 : i32 to index
          %get3A_908 = arith.constant 48 : index
          %get3A_909 = tpu.vector_load %arg13[%get3A_907, %get3A_908] {strides = array<i32>} : memref<80x64xi32, #tpu.memory_space<vmem>>, vector<16xi32>,
          %bitcast3A_910 = vector.bitcast %get3A_909 : vector<16xi32> to vector<32xbf16>
          %mul3A_911 = arith.mulf %bitcast3A_906, %bitcast3A_910 : vector<32xbf16>
          %add3A_912 = arith.addf %add3A_902, %mul3A_911 : vector<32xbf16>
          %unpack3A_913 = tpu.unpack_subelements %add3A_912, 0 {pack_format = #tpu.pack_format<interleaved>} : vector<32xbf16> -> vector<16xf32>
          %unpack3A_914 = tpu.unpack_subelements %add3A_912, 1 {pack_format = #tpu.pack_format<interleaved>} : vector<32xbf16> -> vector<16xf32>
          %add3A_915 = arith.addf %unpack3A_913, %unpack3A_914 : vector<16xf32>
          %swap3A_916 = arith.constant 15 : i32
          %swap3A_917 = arith.index_cast %swap3A_916 : i32 to index
          %swap3A_918 = arith.constant 0 : index
          %swap3A_919 = tpu.vector_load %arg15[%swap3A_917, %swap3A_918] {strides = array<i32>} : memref<16x16xf32, #tpu.memory_space<vmem>>, vector<16xf32>,
          tpu.vector_store %arg15[%swap3A_917, %swap3A_918], %add3A_915 {strides = array<i32>} : memref<16x16xf32, #tpu.memory_space<vmem>>, vector<16xf32>,
          %broadcast_in_dim3A = arith.constant 0 : i32
          %broadcast_in_dim3A_920 = vector.broadcast %broadcast_in_dim3A : i32 to vector<16xi32>
          %gather3A = tpu.vector_load_idx %arg15[%iota3A, %broadcast_in_dim3A_920] : memref<16x16xf32, #tpu.memory_space<vmem>>[vector<16xi32>, vector<16xi32>], vector<16xf32>,
          %broadcast_in_dim3A_921 = arith.constant 1 : i32
          %broadcast_in_dim3A_922 = vector.broadcast %broadcast_in_dim3A_921 : i32 to vector<16xi32>
          %gather3A_923 = tpu.vector_load_idx %arg15[%iota3A, %broadcast_in_dim3A_922] : memref<16x16xf32, #tpu.memory_space<vmem>>[vector<16xi32>, vector<16xi32>], vector<16xf32>,
          %broadcast_in_dim3A_924 = arith.constant 2 : i32
          %broadcast_in_dim3A_925 = vector.broadcast %broadcast_in_dim3A_924 : i32 to vector<16xi32>
          %gather3A_926 = tpu.vector_load_idx %arg15[%iota3A, %broadcast_in_dim3A_925] : memref<16x16xf32, #tpu.memory_space<vmem>>[vector<16xi32>, vector<16xi32>], vector<16xf32>,
          %broadcast_in_dim3A_927 = arith.constant 3 : i32
          %broadcast_in_dim3A_928 = vector.broadcast %broadcast_in_dim3A_927 : i32 to vector<16xi32>
          %gather3A_929 = tpu.vector_load_idx %arg15[%iota3A, %broadcast_in_dim3A_928] : memref<16x16xf32, #tpu.memory_space<vmem>>[vector<16xi32>, vector<16xi32>], vector<16xf32>,
          %broadcast_in_dim3A_930 = arith.constant 4 : i32
          %broadcast_in_dim3A_931 = vector.broadcast %broadcast_in_dim3A_930 : i32 to vector<16xi32>
          %gather3A_932 = tpu.vector_load_idx %arg15[%iota3A, %broadcast_in_dim3A_931] : memref<16x16xf32, #tpu.memory_space<vmem>>[vector<16xi32>, vector<16xi32>], vector<16xf32>,
          %broadcast_in_dim3A_933 = arith.constant 5 : i32
          %broadcast_in_dim3A_934 = vector.broadcast %broadcast_in_dim3A_933 : i32 to vector<16xi32>
          %gather3A_935 = tpu.vector_load_idx %arg15[%iota3A, %broadcast_in_dim3A_934] : memref<16x16xf32, #tpu.memory_space<vmem>>[vector<16xi32>, vector<16xi32>], vector<16xf32>,
          %broadcast_in_dim3A_936 = arith.constant 6 : i32
          %broadcast_in_dim3A_937 = vector.broadcast %broadcast_in_dim3A_936 : i32 to vector<16xi32>
          %gather3A_938 = tpu.vector_load_idx %arg15[%iota3A, %broadcast_in_dim3A_937] : memref<16x16xf32, #tpu.memory_space<vmem>>[vector<16xi32>, vector<16xi32>], vector<16xf32>,
          %broadcast_in_dim3A_939 = arith.constant 7 : i32
          %broadcast_in_dim3A_940 = vector.broadcast %broadcast_in_dim3A_939 : i32 to vector<16xi32>
          %gather3A_941 = tpu.vector_load_idx %arg15[%iota3A, %broadcast_in_dim3A_940] : memref<16x16xf32, #tpu.memory_space<vmem>>[vector<16xi32>, vector<16xi32>], vector<16xf32>,
          %broadcast_in_dim3A_942 = arith.constant 8 : i32
          %broadcast_in_dim3A_943 = vector.broadcast %broadcast_in_dim3A_942 : i32 to vector<16xi32>
          %gather3A_944 = tpu.vector_load_idx %arg15[%iota3A, %broadcast_in_dim3A_943] : memref<16x16xf32, #tpu.memory_space<vmem>>[vector<16xi32>, vector<16xi32>], vector<16xf32>,
          %broadcast_in_dim3A_945 = arith.constant 9 : i32
          %broadcast_in_dim3A_946 = vector.broadcast %broadcast_in_dim3A_945 : i32 to vector<16xi32>
          %gather3A_947 = tpu.vector_load_idx %arg15[%iota3A, %broadcast_in_dim3A_946] : memref<16x16xf32, #tpu.memory_space<vmem>>[vector<16xi32>, vector<16xi32>], vector<16xf32>,
          %broadcast_in_dim3A_948 = arith.constant 10 : i32
          %broadcast_in_dim3A_949 = vector.broadcast %broadcast_in_dim3A_948 : i32 to vector<16xi32>
          %gather3A_950 = tpu.vector_load_idx %arg15[%iota3A, %broadcast_in_dim3A_949] : memref<16x16xf32, #tpu.memory_space<vmem>>[vector<16xi32>, vector<16xi32>], vector<16xf32>,
          %broadcast_in_dim3A_951 = arith.constant 11 : i32
          %broadcast_in_dim3A_952 = vector.broadcast %broadcast_in_dim3A_951 : i32 to vector<16xi32>
          %gather3A_953 = tpu.vector_load_idx %arg15[%iota3A, %broadcast_in_dim3A_952] : memref<16x16xf32, #tpu.memory_space<vmem>>[vector<16xi32>, vector<16xi32>], vector<16xf32>,
          %broadcast_in_dim3A_954 = arith.constant 12 : i32
          %broadcast_in_dim3A_955 = vector.broadcast %broadcast_in_dim3A_954 : i32 to vector<16xi32>
          %gather3A_956 = tpu.vector_load_idx %arg15[%iota3A, %broadcast_in_dim3A_955] : memref<16x16xf32, #tpu.memory_space<vmem>>[vector<16xi32>, vector<16xi32>], vector<16xf32>,
          %broadcast_in_dim3A_957 = arith.constant 13 : i32
          %broadcast_in_dim3A_958 = vector.broadcast %broadcast_in_dim3A_957 : i32 to vector<16xi32>
          %gather3A_959 = tpu.vector_load_idx %arg15[%iota3A, %broadcast_in_dim3A_958] : memref<16x16xf32, #tpu.memory_space<vmem>>[vector<16xi32>, vector<16xi32>], vector<16xf32>,
          %broadcast_in_dim3A_960 = arith.constant 14 : i32
          %broadcast_in_dim3A_961 = vector.broadcast %broadcast_in_dim3A_960 : i32 to vector<16xi32>
          %gather3A_962 = tpu.vector_load_idx %arg15[%iota3A, %broadcast_in_dim3A_961] : memref<16x16xf32, #tpu.memory_space<vmem>>[vector<16xi32>, vector<16xi32>], vector<16xf32>,
          %broadcast_in_dim3A_963 = arith.constant 15 : i32
          %broadcast_in_dim3A_964 = vector.broadcast %broadcast_in_dim3A_963 : i32 to vector<16xi32>
          %gather3A_965 = tpu.vector_load_idx %arg15[%iota3A, %broadcast_in_dim3A_964] : memref<16x16xf32, #tpu.memory_space<vmem>>[vector<16xi32>, vector<16xi32>], vector<16xf32>,
          %add3A_966 = arith.addf %gather3A, %gather3A_923 : vector<16xf32>
          %add3A_967 = arith.addf %gather3A_926, %gather3A_929 : vector<16xf32>
          %add3A_968 = arith.addf %gather3A_932, %gather3A_935 : vector<16xf32>
          %add3A_969 = arith.addf %gather3A_938, %gather3A_941 : vector<16xf32>
          %add3A_970 = arith.addf %gather3A_944, %gather3A_947 : vector<16xf32>
          %add3A_971 = arith.addf %gather3A_950, %gather3A_953 : vector<16xf32>
          %add3A_972 = arith.addf %gather3A_956, %gather3A_959 : vector<16xf32>
          %add3A_973 = arith.addf %gather3A_962, %gather3A_965 : vector<16xf32>
          %add3A_974 = arith.addf %add3A_966, %add3A_967 : vector<16xf32>
          %add3A_975 = arith.addf %add3A_968, %add3A_969 : vector<16xf32>
          %add3A_976 = arith.addf %add3A_970, %add3A_971 : vector<16xf32>
          %add3A_977 = arith.addf %add3A_972, %add3A_973 : vector<16xf32>
          %add3A_978 = arith.addf %add3A_974, %add3A_975 : vector<16xf32>
          %add3A_979 = arith.addf %add3A_976, %add3A_977 : vector<16xf32>
          %add3A_980 = arith.addf %add3A_978, %add3A_979 : vector<16xf32>
          %mul3A_981 = arith.constant 2.000000e+00 : f32
          %mul3A_982 = vector.broadcast %mul3A_981 : f32 to vector<16xf32>
          %mul3A_983 = arith.mulf %mul3A_982, %add3A_980 : vector<16xf32>
          %sub3A = arith.constant 2.000000e+00 : f32
          %sub3A_984 = vector.broadcast %sub3A : f32 to vector<16xf32>
          %sub3A_985 = arith.subf %mul3A_983, %sub3A_984 : vector<16xf32>
          %exp3A = math.exp %sub3A_985 : vector<16xf32>
          %mul3A_986 = arith.constant 80 : i32
          %mul3A_987 = arith.muli %add3A_113, %mul3A_986 : i32
          %mul3A_988 = arith.constant 16 : i32
          %mul3A_989 = arith.muli %add3A_123, %mul3A_988 : i32
          %add3A_990 = arith.addi %mul3A_987, %mul3A_989 : i32
          %swap3A_991 = arith.index_cast %add3A_990 : i32 to index
          %swap3A_992 = tpu.vector_load %arg14[%swap3A_991] {strides = array<i32>} : memref<400xf32, #tpu.memory_space<vmem>>, vector<16xf32>,
          tpu.vector_store %arg14[%swap3A_991], %exp3A {strides = array<i32>} : memref<400xf32, #tpu.memory_space<vmem>>, vector<16xf32>,
        }
        %scan3A_118 = arith.constant 5 : i32
      }
      %scan3A_35 = arith.constant 2 : i32
      %dma_wait3A = arith.constant 0 : i32
      %dma_wait3A_36 = arith.constant 0 : i32
      %dma_wait3A_37 = tpu.memref_slice %arg3[%dma_wait3A, %dma_wait3A_36] : memref<10000x64xi32, #tpu.memory_space<hbm>> -> memref<80x64xi32, #tpu.memory_space<hbm>>
      %dma_wait3A_38 = arith.constant 0 : i32
      %dma_wait3A_39 = arith.constant 0 : i32
      %dma_wait3A_40 = tpu.memref_slice %arg3[%dma_wait3A_38, %dma_wait3A_39] : memref<10000x64xi32, #tpu.memory_space<hbm>> -> memref<80x64xi32, #tpu.memory_space<hbm>>
      tpu.wait_dma2 semaphore(%arg18 : memref<!tpu.dma_semaphore, #tpu.memory_space<semaphore_mem>>) src(%dma_wait3A_40 : memref<80x64xi32, #tpu.memory_space<hbm>>) dst(%arg10 : memref<80x64xi32, #tpu.memory_space<vmem>>)
      %dma_wait3A_41 = arith.constant 0 : i32
      %dma_wait3A_42 = arith.constant 0 : i32
      %dma_wait3A_43 = tpu.memref_slice %arg3[%dma_wait3A_41, %dma_wait3A_42] : memref<10000x64xi32, #tpu.memory_space<hbm>> -> memref<80x64xi32, #tpu.memory_space<hbm>>
      %dma_wait3A_44 = arith.constant 0 : i32
      %dma_wait3A_45 = arith.constant 0 : i32
      %dma_wait3A_46 = tpu.memref_slice %arg3[%dma_wait3A_44, %dma_wait3A_45] : memref<10000x64xi32, #tpu.memory_space<hbm>> -> memref<80x64xi32, #tpu.memory_space<hbm>>
      tpu.wait_dma2 semaphore(%arg18 : memref<!tpu.dma_semaphore, #tpu.memory_space<semaphore_mem>>) src(%dma_wait3A_46 : memref<80x64xi32, #tpu.memory_space<hbm>>) dst(%arg11 : memref<80x64xi32, #tpu.memory_space<vmem>>)
      %scan3A_47 = arith.constant 0 : i32
      %scan3A_48 = arith.constant 5 : i32
      %scan3A_49 = arith.addi %scan3A_47, %scan3A_48 : i32
      %scan3A_50 = arith.constant 1 : i32
      scf.for %scan3A_52 = %scan3A_47 to %scan3A_49 step %scan3A_50  : i32 {
        %mul3A_53 = arith.constant 1 : i32
        %mul3A_54 = arith.muli %scan3A_52, %mul3A_53 : i32
        %add3A_55 = arith.constant 0 : i32
        %add3A_56 = arith.addi %add3A_55, %mul3A_54 : i32
        %mul3A_57 = arith.constant 16 : i32
        %mul3A_58 = arith.muli %add3A_56, %mul3A_57 : i32
        %add3A_59 = arith.constant 0 : i32
        %add3A_60 = arith.addi %mul3A_58, %add3A_59 : i32
        %get3A = arith.index_cast %add3A_60 : i32 to index
        %get3A_61 = arith.constant 0 : index
        %get3A_62 = tpu.vector_load %arg10[%get3A, %get3A_61] {strides = array<i32>} : memref<80x64xi32, #tpu.memory_space<vmem>>, vector<16xi32>,
        %bitcast3A = vector.bitcast %get3A_62 : vector<16xi32> to vector<32xbf16>
        %get3A_63 = arith.index_cast %add3A_60 : i32 to index
        %get3A_64 = arith.constant 0 : index
        %get3A_65 = tpu.vector_load %arg11[%get3A_63, %get3A_64] {strides = array<i32>} : memref<80x64xi32, #tpu.memory_space<vmem>>, vector<16xi32>,
        %bitcast3A_66 = vector.bitcast %get3A_65 : vector<16xi32> to vector<32xbf16>
        %mul3A_67 = arith.mulf %bitcast3A, %bitcast3A_66 : vector<32xbf16>
        %get3A_68 = arith.index_cast %add3A_60 : i32 to index
        %get3A_69 = arith.constant 16 : index
        %get3A_70 = tpu.vector_load %arg10[%get3A_68, %get3A_69] {strides = array<i32>} : memref<80x64xi32, #tpu.memory_space<vmem>>, vector<16xi32>,
        %bitcast3A_71 = vector.bitcast %get3A_70 : vector<16xi32> to vector<32xbf16>
        %get3A_72 = arith.index_cast %add3A_60 : i32 to index
        %get3A_73 = arith.constant 16 : index
        %get3A_74 = tpu.vector_load %arg11[%get3A_72, %get3A_73] {strides = array<i32>} : memref<80x64xi32, #tpu.memory_space<vmem>>, vector<16xi32>,
        %bitcast3A_75 = vector.bitcast %get3A_74 : vector<16xi32> to vector<32xbf16>
        %mul3A_76 = arith.mulf %bitcast3A_71, %bitcast3A_75 : vector<32xbf16>
        %add3A_77 = arith.addf %mul3A_67, %mul3A_76 : vector<32xbf16>
        %get3A_78 = arith.index_cast %add3A_60 : i32 to index
        %get3A_79 = arith.constant 32 : index
        %get3A_80 = tpu.vector_load %arg10[%get3A_78, %get3A_79] {strides = array<i32>} : memref<80x64xi32, #tpu.memory_space<vmem>>, vector<16xi32>,
        %bitcast3A_81 = vector.bitcast %get3A_80 : vector<16xi32> to vector<32xbf16>
        %get3A_82 = arith.index_cast %add3A_60 : i32 to index
        %get3A_83 = arith.constant 32 : index
        %get3A_84 = tpu.vector_load %arg11[%get3A_82, %get3A_83] {strides = array<i32>} : memref<80x64xi32, #tpu.memory_space<vmem>>, vector<16xi32>,
        %bitcast3A_85 = vector.bitcast %get3A_84 : vector<16xi32> to vector<32xbf16>
        %mul3A_86 = arith.mulf %bitcast3A_81, %bitcast3A_85 : vector<32xbf16>
        %add3A_87 = arith.addf %add3A_77, %mul3A_86 : vector<32xbf16>
        %get3A_88 = arith.index_cast %add3A_60 : i32 to index
        %get3A_89 = arith.constant 48 : index
        %get3A_90 = tpu.vector_load %arg10[%get3A_88, %get3A_89] {strides = array<i32>} : memref<80x64xi32, #tpu.memory_space<vmem>>, vector<16xi32>,
        %bitcast3A_91 = vector.bitcast %get3A_90 : vector<16xi32> to vector<32xbf16>
        %get3A_92 = arith.index_cast %add3A_60 : i32 to index
        %get3A_93 = arith.constant 48 : index
        %get3A_94 = tpu.vector_load %arg11[%get3A_92, %get3A_93] {strides = array<i32>} : memref<80x64xi32, #tpu.memory_space<vmem>>, vector<16xi32>,
        %bitcast3A_95 = vector.bitcast %get3A_94 : vector<16xi32> to vector<32xbf16>
        %mul3A_96 = arith.mulf %bitcast3A_91, %bitcast3A_95 : vector<32xbf16>
        %add3A_97 = arith.addf %add3A_87, %mul3A_96 : vector<32xbf16>
        %unpack3A = tpu.unpack_subelements %add3A_97, 0 {pack_format = #tpu.pack_format<interleaved>} : vector<32xbf16> -> vector<16xf32>
        %unpack3A_98 = tpu.unpack_subelements %add3A_97, 1 {pack_format = #tpu.pack_format<interleaved>} : vector<32xbf16> -> vector<16xf32>
        %add3A_99 = arith.addf %unpack3A, %unpack3A_98 : vector<16xf32>
        %swap3A = arith.constant 0 : i32
        %swap3A_100 = arith.index_cast %swap3A : i32 to index
        %swap3A_101 = arith.constant 0 : index
        %swap3A_102 = tpu.vector_load %arg15[%swap3A_100, %swap3A_101] {strides = array<i32>} : memref<16x16xf32, #tpu.memory_space<vmem>>, vector<16xf32>,
        tpu.vector_store %arg15[%swap3A_100, %swap3A_101], %add3A_99 {strides = array<i32>} : memref<16x16xf32, #tpu.memory_space<vmem>>, vector<16xf32>,
        %mul3A_103 = arith.constant 16 : i32
        %mul3A_104 = arith.muli %add3A_56, %mul3A_103 : i32
        %add3A_105 = arith.constant 1 : i32
        %add3A_106 = arith.addi %mul3A_104, %add3A_105 : i32
        %get3A_107 = arith.index_cast %add3A_106 : i32 to index
        %get3A_108 = arith.constant 0 : index
        %get3A_109 = tpu.vector_load %arg10[%get3A_107, %get3A_108] {strides = array<i32>} : memref<80x64xi32, #tpu.memory_space<vmem>>, vector<16xi32>,
        %bitcast3A_110 = vector.bitcast %get3A_109 : vector<16xi32> to vector<32xbf16>
        %get3A_111 = arith.index_cast %add3A_106 : i32 to index
        %get3A_112 = arith.constant 0 : index
        %get3A_113 = tpu.vector_load %arg11[%get3A_111, %get3A_112] {strides = array<i32>} : memref<80x64xi32, #tpu.memory_space<vmem>>, vector<16xi32>,
        %bitcast3A_114 = vector.bitcast %get3A_113 : vector<16xi32> to vector<32xbf16>
        %mul3A_115 = arith.mulf %bitcast3A_110, %bitcast3A_114 : vector<32xbf16>
        %get3A_116 = arith.index_cast %add3A_106 : i32 to index
        %get3A_117 = arith.constant 16 : index
        %get3A_118 = tpu.vector_load %arg10[%get3A_116, %get3A_117] {strides = array<i32>} : memref<80x64xi32, #tpu.memory_space<vmem>>, vector<16xi32>,
        %bitcast3A_119 = vector.bitcast %get3A_118 : vector<16xi32> to vector<32xbf16>
        %get3A_120 = arith.index_cast %add3A_106 : i32 to index
        %get3A_121 = arith.constant 16 : index
        %get3A_122 = tpu.vector_load %arg11[%get3A_120, %get3A_121] {strides = array<i32>} : memref<80x64xi32, #tpu.memory_space<vmem>>, vector<16xi32>,
        %bitcast3A_123 = vector.bitcast %get3A_122 : vector<16xi32> to vector<32xbf16>
        %mul3A_124 = arith.mulf %bitcast3A_119, %bitcast3A_123 : vector<32xbf16>
        %add3A_125 = arith.addf %mul3A_115, %mul3A_124 : vector<32xbf16>
        %get3A_126 = arith.index_cast %add3A_106 : i32 to index
        %get3A_127 = arith.constant 32 : index
        %get3A_128 = tpu.vector_load %arg10[%get3A_126, %get3A_127] {strides = array<i32>} : memref<80x64xi32, #tpu.memory_space<vmem>>, vector<16xi32>,
        %bitcast3A_129 = vector.bitcast %get3A_128 : vector<16xi32> to vector<32xbf16>
        %get3A_130 = arith.index_cast %add3A_106 : i32 to index
        %get3A_131 = arith.constant 32 : index
        %get3A_132 = tpu.vector_load %arg11[%get3A_130, %get3A_131] {strides = array<i32>} : memref<80x64xi32, #tpu.memory_space<vmem>>, vector<16xi32>,
        %bitcast3A_133 = vector.bitcast %get3A_132 : vector<16xi32> to vector<32xbf16>
        %mul3A_134 = arith.mulf %bitcast3A_129, %bitcast3A_133 : vector<32xbf16>
        %add3A_135 = arith.addf %add3A_125, %mul3A_134 : vector<32xbf16>
        %get3A_136 = arith.index_cast %add3A_106 : i32 to index
        %get3A_137 = arith.constant 48 : index
        %get3A_138 = tpu.vector_load %arg10[%get3A_136, %get3A_137] {strides = array<i32>} : memref<80x64xi32, #tpu.memory_space<vmem>>, vector<16xi32>,
        %bitcast3A_139 = vector.bitcast %get3A_138 : vector<16xi32> to vector<32xbf16>
        %get3A_140 = arith.index_cast %add3A_106 : i32 to index
        %get3A_141 = arith.constant 48 : index
        %get3A_142 = tpu.vector_load %arg11[%get3A_140, %get3A_141] {strides = array<i32>} : memref<80x64xi32, #tpu.memory_space<vmem>>, vector<16xi32>,
        %bitcast3A_143 = vector.bitcast %get3A_142 : vector<16xi32> to vector<32xbf16>
        %mul3A_144 = arith.mulf %bitcast3A_139, %bitcast3A_143 : vector<32xbf16>
        %add3A_145 = arith.addf %add3A_135, %mul3A_144 : vector<32xbf16>
        %unpack3A_146 = tpu.unpack_subelements %add3A_145, 0 {pack_format = #tpu.pack_format<interleaved>} : vector<32xbf16> -> vector<16xf32>
        %unpack3A_147 = tpu.unpack_subelements %add3A_145, 1 {pack_format = #tpu.pack_format<interleaved>} : vector<32xbf16> -> vector<16xf32>
        %add3A_148 = arith.addf %unpack3A_146, %unpack3A_147 : vector<16xf32>
        %swap3A_149 = arith.constant 1 : i32
        %swap3A_150 = arith.index_cast %swap3A_149 : i32 to index
        %swap3A_151 = arith.constant 0 : index
        %swap3A_152 = tpu.vector_load %arg15[%swap3A_150, %swap3A_151] {strides = array<i32>} : memref<16x16xf32, #tpu.memory_space<vmem>>, vector<16xf32>,
        tpu.vector_store %arg15[%swap3A_150, %swap3A_151], %add3A_148 {strides = array<i32>} : memref<16x16xf32, #tpu.memory_space<vmem>>, vector<16xf32>,
        %mul3A_153 = arith.constant 16 : i32
        %mul3A_154 = arith.muli %add3A_56, %mul3A_153 : i32
        %add3A_155 = arith.constant 2 : i32
        %add3A_156 = arith.addi %mul3A_154, %add3A_155 : i32
        %get3A_157 = arith.index_cast %add3A_156 : i32 to index
        %get3A_158 = arith.constant 0 : index
        %get3A_159 = tpu.vector_load %arg10[%get3A_157, %get3A_158] {strides = array<i32>} : memref<80x64xi32, #tpu.memory_space<vmem>>, vector<16xi32>,
        %bitcast3A_160 = vector.bitcast %get3A_159 : vector<16xi32> to vector<32xbf16>
        %get3A_161 = arith.index_cast %add3A_156 : i32 to index
        %get3A_162 = arith.constant 0 : index
        %get3A_163 = tpu.vector_load %arg11[%get3A_161, %get3A_162] {strides = array<i32>} : memref<80x64xi32, #tpu.memory_space<vmem>>, vector<16xi32>,
        %bitcast3A_164 = vector.bitcast %get3A_163 : vector<16xi32> to vector<32xbf16>
        %mul3A_165 = arith.mulf %bitcast3A_160, %bitcast3A_164 : vector<32xbf16>
        %get3A_166 = arith.index_cast %add3A_156 : i32 to index
        %get3A_167 = arith.constant 16 : index
        %get3A_168 = tpu.vector_load %arg10[%get3A_166, %get3A_167] {strides = array<i32>} : memref<80x64xi32, #tpu.memory_space<vmem>>, vector<16xi32>,
        %bitcast3A_169 = vector.bitcast %get3A_168 : vector<16xi32> to vector<32xbf16>
        %get3A_170 = arith.index_cast %add3A_156 : i32 to index
        %get3A_171 = arith.constant 16 : index
        %get3A_172 = tpu.vector_load %arg11[%get3A_170, %get3A_171] {strides = array<i32>} : memref<80x64xi32, #tpu.memory_space<vmem>>, vector<16xi32>,
        %bitcast3A_173 = vector.bitcast %get3A_172 : vector<16xi32> to vector<32xbf16>
        %mul3A_174 = arith.mulf %bitcast3A_169, %bitcast3A_173 : vector<32xbf16>
        %add3A_175 = arith.addf %mul3A_165, %mul3A_174 : vector<32xbf16>
        %get3A_176 = arith.index_cast %add3A_156 : i32 to index
        %get3A_177 = arith.constant 32 : index
        %get3A_178 = tpu.vector_load %arg10[%get3A_176, %get3A_177] {strides = array<i32>} : memref<80x64xi32, #tpu.memory_space<vmem>>, vector<16xi32>,
        %bitcast3A_179 = vector.bitcast %get3A_178 : vector<16xi32> to vector<32xbf16>
        %get3A_180 = arith.index_cast %add3A_156 : i32 to index
        %get3A_181 = arith.constant 32 : index
        %get3A_182 = tpu.vector_load %arg11[%get3A_180, %get3A_181] {strides = array<i32>} : memref<80x64xi32, #tpu.memory_space<vmem>>, vector<16xi32>,
        %bitcast3A_183 = vector.bitcast %get3A_182 : vector<16xi32> to vector<32xbf16>
        %mul3A_184 = arith.mulf %bitcast3A_179, %bitcast3A_183 : vector<32xbf16>
        %add3A_185 = arith.addf %add3A_175, %mul3A_184 : vector<32xbf16>
        %get3A_186 = arith.index_cast %add3A_156 : i32 to index
        %get3A_187 = arith.constant 48 : index
        %get3A_188 = tpu.vector_load %arg10[%get3A_186, %get3A_187] {strides = array<i32>} : memref<80x64xi32, #tpu.memory_space<vmem>>, vector<16xi32>,
        %bitcast3A_189 = vector.bitcast %get3A_188 : vector<16xi32> to vector<32xbf16>
        %get3A_190 = arith.index_cast %add3A_156 : i32 to index
        %get3A_191 = arith.constant 48 : index
        %get3A_192 = tpu.vector_load %arg11[%get3A_190, %get3A_191] {strides = array<i32>} : memref<80x64xi32, #tpu.memory_space<vmem>>, vector<16xi32>,
        %bitcast3A_193 = vector.bitcast %get3A_192 : vector<16xi32> to vector<32xbf16>
        %mul3A_194 = arith.mulf %bitcast3A_189, %bitcast3A_193 : vector<32xbf16>
        %add3A_195 = arith.addf %add3A_185, %mul3A_194 : vector<32xbf16>
        %unpack3A_196 = tpu.unpack_subelements %add3A_195, 0 {pack_format = #tpu.pack_format<interleaved>} : vector<32xbf16> -> vector<16xf32>
        %unpack3A_197 = tpu.unpack_subelements %add3A_195, 1 {pack_format = #tpu.pack_format<interleaved>} : vector<32xbf16> -> vector<16xf32>
        %add3A_198 = arith.addf %unpack3A_196, %unpack3A_197 : vector<16xf32>
        %swap3A_199 = arith.constant 2 : i32
        %swap3A_200 = arith.index_cast %swap3A_199 : i32 to index
        %swap3A_201 = arith.constant 0 : index
        %swap3A_202 = tpu.vector_load %arg15[%swap3A_200, %swap3A_201] {strides = array<i32>} : memref<16x16xf32, #tpu.memory_space<vmem>>, vector<16xf32>,
        tpu.vector_store %arg15[%swap3A_200, %swap3A_201], %add3A_198 {strides = array<i32>} : memref<16x16xf32, #tpu.memory_space<vmem>>, vector<16xf32>,
        %mul3A_203 = arith.constant 16 : i32
        %mul3A_204 = arith.muli %add3A_56, %mul3A_203 : i32
        %add3A_205 = arith.constant 3 : i32
        %add3A_206 = arith.addi %mul3A_204, %add3A_205 : i32
        %get3A_207 = arith.index_cast %add3A_206 : i32 to index
        %get3A_208 = arith.constant 0 : index
        %get3A_209 = tpu.vector_load %arg10[%get3A_207, %get3A_208] {strides = array<i32>} : memref<80x64xi32, #tpu.memory_space<vmem>>, vector<16xi32>,
        %bitcast3A_210 = vector.bitcast %get3A_209 : vector<16xi32> to vector<32xbf16>
        %get3A_211 = arith.index_cast %add3A_206 : i32 to index
        %get3A_212 = arith.constant 0 : index
        %get3A_213 = tpu.vector_load %arg11[%get3A_211, %get3A_212] {strides = array<i32>} : memref<80x64xi32, #tpu.memory_space<vmem>>, vector<16xi32>,
        %bitcast3A_214 = vector.bitcast %get3A_213 : vector<16xi32> to vector<32xbf16>
        %mul3A_215 = arith.mulf %bitcast3A_210, %bitcast3A_214 : vector<32xbf16>
        %get3A_216 = arith.index_cast %add3A_206 : i32 to index
        %get3A_217 = arith.constant 16 : index
        %get3A_218 = tpu.vector_load %arg10[%get3A_216, %get3A_217] {strides = array<i32>} : memref<80x64xi32, #tpu.memory_space<vmem>>, vector<16xi32>,
        %bitcast3A_219 = vector.bitcast %get3A_218 : vector<16xi32> to vector<32xbf16>
        %get3A_220 = arith.index_cast %add3A_206 : i32 to index
        %get3A_221 = arith.constant 16 : index
        %get3A_222 = tpu.vector_load %arg11[%get3A_220, %get3A_221] {strides = array<i32>} : memref<80x64xi32, #tpu.memory_space<vmem>>, vector<16xi32>,
        %bitcast3A_223 = vector.bitcast %get3A_222 : vector<16xi32> to vector<32xbf16>
        %mul3A_224 = arith.mulf %bitcast3A_219, %bitcast3A_223 : vector<32xbf16>
        %add3A_225 = arith.addf %mul3A_215, %mul3A_224 : vector<32xbf16>
        %get3A_226 = arith.index_cast %add3A_206 : i32 to index
        %get3A_227 = arith.constant 32 : index
        %get3A_228 = tpu.vector_load %arg10[%get3A_226, %get3A_227] {strides = array<i32>} : memref<80x64xi32, #tpu.memory_space<vmem>>, vector<16xi32>,
        %bitcast3A_229 = vector.bitcast %get3A_228 : vector<16xi32> to vector<32xbf16>
        %get3A_230 = arith.index_cast %add3A_206 : i32 to index
        %get3A_231 = arith.constant 32 : index
        %get3A_232 = tpu.vector_load %arg11[%get3A_230, %get3A_231] {strides = array<i32>} : memref<80x64xi32, #tpu.memory_space<vmem>>, vector<16xi32>,
        %bitcast3A_233 = vector.bitcast %get3A_232 : vector<16xi32> to vector<32xbf16>
        %mul3A_234 = arith.mulf %bitcast3A_229, %bitcast3A_233 : vector<32xbf16>
        %add3A_235 = arith.addf %add3A_225, %mul3A_234 : vector<32xbf16>
        %get3A_236 = arith.index_cast %add3A_206 : i32 to index
        %get3A_237 = arith.constant 48 : index
        %get3A_238 = tpu.vector_load %arg10[%get3A_236, %get3A_237] {strides = array<i32>} : memref<80x64xi32, #tpu.memory_space<vmem>>, vector<16xi32>,
        %bitcast3A_239 = vector.bitcast %get3A_238 : vector<16xi32> to vector<32xbf16>
        %get3A_240 = arith.index_cast %add3A_206 : i32 to index
        %get3A_241 = arith.constant 48 : index
        %get3A_242 = tpu.vector_load %arg11[%get3A_240, %get3A_241] {strides = array<i32>} : memref<80x64xi32, #tpu.memory_space<vmem>>, vector<16xi32>,
        %bitcast3A_243 = vector.bitcast %get3A_242 : vector<16xi32> to vector<32xbf16>
        %mul3A_244 = arith.mulf %bitcast3A_239, %bitcast3A_243 : vector<32xbf16>
        %add3A_245 = arith.addf %add3A_235, %mul3A_244 : vector<32xbf16>
        %unpack3A_246 = tpu.unpack_subelements %add3A_245, 0 {pack_format = #tpu.pack_format<interleaved>} : vector<32xbf16> -> vector<16xf32>
        %unpack3A_247 = tpu.unpack_subelements %add3A_245, 1 {pack_format = #tpu.pack_format<interleaved>} : vector<32xbf16> -> vector<16xf32>
        %add3A_248 = arith.addf %unpack3A_246, %unpack3A_247 : vector<16xf32>
        %swap3A_249 = arith.constant 3 : i32
        %swap3A_250 = arith.index_cast %swap3A_249 : i32 to index
        %swap3A_251 = arith.constant 0 : index
        %swap3A_252 = tpu.vector_load %arg15[%swap3A_250, %swap3A_251] {strides = array<i32>} : memref<16x16xf32, #tpu.memory_space<vmem>>, vector<16xf32>,
        tpu.vector_store %arg15[%swap3A_250, %swap3A_251], %add3A_248 {strides = array<i32>} : memref<16x16xf32, #tpu.memory_space<vmem>>, vector<16xf32>,
        %mul3A_253 = arith.constant 16 : i32
        %mul3A_254 = arith.muli %add3A_56, %mul3A_253 : i32
        %add3A_255 = arith.constant 4 : i32
        %add3A_256 = arith.addi %mul3A_254, %add3A_255 : i32
        %get3A_257 = arith.index_cast %add3A_256 : i32 to index
        %get3A_258 = arith.constant 0 : index
        %get3A_259 = tpu.vector_load %arg10[%get3A_257, %get3A_258] {strides = array<i32>} : memref<80x64xi32, #tpu.memory_space<vmem>>, vector<16xi32>,
        %bitcast3A_260 = vector.bitcast %get3A_259 : vector<16xi32> to vector<32xbf16>
        %get3A_261 = arith.index_cast %add3A_256 : i32 to index
        %get3A_262 = arith.constant 0 : index
        %get3A_263 = tpu.vector_load %arg11[%get3A_261, %get3A_262] {strides = array<i32>} : memref<80x64xi32, #tpu.memory_space<vmem>>, vector<16xi32>,
        %bitcast3A_264 = vector.bitcast %get3A_263 : vector<16xi32> to vector<32xbf16>
        %mul3A_265 = arith.mulf %bitcast3A_260, %bitcast3A_264 : vector<32xbf16>
        %get3A_266 = arith.index_cast %add3A_256 : i32 to index
        %get3A_267 = arith.constant 16 : index
        %get3A_268 = tpu.vector_load %arg10[%get3A_266, %get3A_267] {strides = array<i32>} : memref<80x64xi32, #tpu.memory_space<vmem>>, vector<16xi32>,
        %bitcast3A_269 = vector.bitcast %get3A_268 : vector<16xi32> to vector<32xbf16>
        %get3A_270 = arith.index_cast %add3A_256 : i32 to index
        %get3A_271 = arith.constant 16 : index
        %get3A_272 = tpu.vector_load %arg11[%get3A_270, %get3A_271] {strides = array<i32>} : memref<80x64xi32, #tpu.memory_space<vmem>>, vector<16xi32>,
        %bitcast3A_273 = vector.bitcast %get3A_272 : vector<16xi32> to vector<32xbf16>
        %mul3A_274 = arith.mulf %bitcast3A_269, %bitcast3A_273 : vector<32xbf16>
        %add3A_275 = arith.addf %mul3A_265, %mul3A_274 : vector<32xbf16>
        %get3A_276 = arith.index_cast %add3A_256 : i32 to index
        %get3A_277 = arith.constant 32 : index
        %get3A_278 = tpu.vector_load %arg10[%get3A_276, %get3A_277] {strides = array<i32>} : memref<80x64xi32, #tpu.memory_space<vmem>>, vector<16xi32>,
        %bitcast3A_279 = vector.bitcast %get3A_278 : vector<16xi32> to vector<32xbf16>
        %get3A_280 = arith.index_cast %add3A_256 : i32 to index
        %get3A_281 = arith.constant 32 : index
        %get3A_282 = tpu.vector_load %arg11[%get3A_280, %get3A_281] {strides = array<i32>} : memref<80x64xi32, #tpu.memory_space<vmem>>, vector<16xi32>,
        %bitcast3A_283 = vector.bitcast %get3A_282 : vector<16xi32> to vector<32xbf16>
        %mul3A_284 = arith.mulf %bitcast3A_279, %bitcast3A_283 : vector<32xbf16>
        %add3A_285 = arith.addf %add3A_275, %mul3A_284 : vector<32xbf16>
        %get3A_286 = arith.index_cast %add3A_256 : i32 to index
        %get3A_287 = arith.constant 48 : index
        %get3A_288 = tpu.vector_load %arg10[%get3A_286, %get3A_287] {strides = array<i32>} : memref<80x64xi32, #tpu.memory_space<vmem>>, vector<16xi32>,
        %bitcast3A_289 = vector.bitcast %get3A_288 : vector<16xi32> to vector<32xbf16>
        %get3A_290 = arith.index_cast %add3A_256 : i32 to index
        %get3A_291 = arith.constant 48 : index
        %get3A_292 = tpu.vector_load %arg11[%get3A_290, %get3A_291] {strides = array<i32>} : memref<80x64xi32, #tpu.memory_space<vmem>>, vector<16xi32>,
        %bitcast3A_293 = vector.bitcast %get3A_292 : vector<16xi32> to vector<32xbf16>
        %mul3A_294 = arith.mulf %bitcast3A_289, %bitcast3A_293 : vector<32xbf16>
        %add3A_295 = arith.addf %add3A_285, %mul3A_294 : vector<32xbf16>
        %unpack3A_296 = tpu.unpack_subelements %add3A_295, 0 {pack_format = #tpu.pack_format<interleaved>} : vector<32xbf16> -> vector<16xf32>
        %unpack3A_297 = tpu.unpack_subelements %add3A_295, 1 {pack_format = #tpu.pack_format<interleaved>} : vector<32xbf16> -> vector<16xf32>
        %add3A_298 = arith.addf %unpack3A_296, %unpack3A_297 : vector<16xf32>
        %swap3A_299 = arith.constant 4 : i32
        %swap3A_300 = arith.index_cast %swap3A_299 : i32 to index
        %swap3A_301 = arith.constant 0 : index
        %swap3A_302 = tpu.vector_load %arg15[%swap3A_300, %swap3A_301] {strides = array<i32>} : memref<16x16xf32, #tpu.memory_space<vmem>>, vector<16xf32>,
        tpu.vector_store %arg15[%swap3A_300, %swap3A_301], %add3A_298 {strides = array<i32>} : memref<16x16xf32, #tpu.memory_space<vmem>>, vector<16xf32>,
        %mul3A_303 = arith.constant 16 : i32
        %mul3A_304 = arith.muli %add3A_56, %mul3A_303 : i32
        %add3A_305 = arith.constant 5 : i32
        %add3A_306 = arith.addi %mul3A_304, %add3A_305 : i32
        %get3A_307 = arith.index_cast %add3A_306 : i32 to index
        %get3A_308 = arith.constant 0 : index
        %get3A_309 = tpu.vector_load %arg10[%get3A_307, %get3A_308] {strides = array<i32>} : memref<80x64xi32, #tpu.memory_space<vmem>>, vector<16xi32>,
        %bitcast3A_310 = vector.bitcast %get3A_309 : vector<16xi32> to vector<32xbf16>
        %get3A_311 = arith.index_cast %add3A_306 : i32 to index
        %get3A_312 = arith.constant 0 : index
        %get3A_313 = tpu.vector_load %arg11[%get3A_311, %get3A_312] {strides = array<i32>} : memref<80x64xi32, #tpu.memory_space<vmem>>, vector<16xi32>,
        %bitcast3A_314 = vector.bitcast %get3A_313 : vector<16xi32> to vector<32xbf16>
        %mul3A_315 = arith.mulf %bitcast3A_310, %bitcast3A_314 : vector<32xbf16>
        %get3A_316 = arith.index_cast %add3A_306 : i32 to index
        %get3A_317 = arith.constant 16 : index
        %get3A_318 = tpu.vector_load %arg10[%get3A_316, %get3A_317] {strides = array<i32>} : memref<80x64xi32, #tpu.memory_space<vmem>>, vector<16xi32>,
        %bitcast3A_319 = vector.bitcast %get3A_318 : vector<16xi32> to vector<32xbf16>
        %get3A_320 = arith.index_cast %add3A_306 : i32 to index
        %get3A_321 = arith.constant 16 : index
        %get3A_322 = tpu.vector_load %arg11[%get3A_320, %get3A_321] {strides = array<i32>} : memref<80x64xi32, #tpu.memory_space<vmem>>, vector<16xi32>,
        %bitcast3A_323 = vector.bitcast %get3A_322 : vector<16xi32> to vector<32xbf16>
        %mul3A_324 = arith.mulf %bitcast3A_319, %bitcast3A_323 : vector<32xbf16>
        %add3A_325 = arith.addf %mul3A_315, %mul3A_324 : vector<32xbf16>
        %get3A_326 = arith.index_cast %add3A_306 : i32 to index
        %get3A_327 = arith.constant 32 : index
        %get3A_328 = tpu.vector_load %arg10[%get3A_326, %get3A_327] {strides = array<i32>} : memref<80x64xi32, #tpu.memory_space<vmem>>, vector<16xi32>,
        %bitcast3A_329 = vector.bitcast %get3A_328 : vector<16xi32> to vector<32xbf16>
        %get3A_330 = arith.index_cast %add3A_306 : i32 to index
        %get3A_331 = arith.constant 32 : index
        %get3A_332 = tpu.vector_load %arg11[%get3A_330, %get3A_331] {strides = array<i32>} : memref<80x64xi32, #tpu.memory_space<vmem>>, vector<16xi32>,
        %bitcast3A_333 = vector.bitcast %get3A_332 : vector<16xi32> to vector<32xbf16>
        %mul3A_334 = arith.mulf %bitcast3A_329, %bitcast3A_333 : vector<32xbf16>
        %add3A_335 = arith.addf %add3A_325, %mul3A_334 : vector<32xbf16>
        %get3A_336 = arith.index_cast %add3A_306 : i32 to index
        %get3A_337 = arith.constant 48 : index
        %get3A_338 = tpu.vector_load %arg10[%get3A_336, %get3A_337] {strides = array<i32>} : memref<80x64xi32, #tpu.memory_space<vmem>>, vector<16xi32>,
        %bitcast3A_339 = vector.bitcast %get3A_338 : vector<16xi32> to vector<32xbf16>
        %get3A_340 = arith.index_cast %add3A_306 : i32 to index
        %get3A_341 = arith.constant 48 : index
        %get3A_342 = tpu.vector_load %arg11[%get3A_340, %get3A_341] {strides = array<i32>} : memref<80x64xi32, #tpu.memory_space<vmem>>, vector<16xi32>,
        %bitcast3A_343 = vector.bitcast %get3A_342 : vector<16xi32> to vector<32xbf16>
        %mul3A_344 = arith.mulf %bitcast3A_339, %bitcast3A_343 : vector<32xbf16>
        %add3A_345 = arith.addf %add3A_335, %mul3A_344 : vector<32xbf16>
        %unpack3A_346 = tpu.unpack_subelements %add3A_345, 0 {pack_format = #tpu.pack_format<interleaved>} : vector<32xbf16> -> vector<16xf32>
        %unpack3A_347 = tpu.unpack_subelements %add3A_345, 1 {pack_format = #tpu.pack_format<interleaved>} : vector<32xbf16> -> vector<16xf32>
        %add3A_348 = arith.addf %unpack3A_346, %unpack3A_347 : vector<16xf32>
        %swap3A_349 = arith.constant 5 : i32
        %swap3A_350 = arith.index_cast %swap3A_349 : i32 to index
        %swap3A_351 = arith.constant 0 : index
        %swap3A_352 = tpu.vector_load %arg15[%swap3A_350, %swap3A_351] {strides = array<i32>} : memref<16x16xf32, #tpu.memory_space<vmem>>, vector<16xf32>,
        tpu.vector_store %arg15[%swap3A_350, %swap3A_351], %add3A_348 {strides = array<i32>} : memref<16x16xf32, #tpu.memory_space<vmem>>, vector<16xf32>,
        %mul3A_353 = arith.constant 16 : i32
        %mul3A_354 = arith.muli %add3A_56, %mul3A_353 : i32
        %add3A_355 = arith.constant 6 : i32
        %add3A_356 = arith.addi %mul3A_354, %add3A_355 : i32
        %get3A_357 = arith.index_cast %add3A_356 : i32 to index
        %get3A_358 = arith.constant 0 : index
        %get3A_359 = tpu.vector_load %arg10[%get3A_357, %get3A_358] {strides = array<i32>} : memref<80x64xi32, #tpu.memory_space<vmem>>, vector<16xi32>,
        %bitcast3A_360 = vector.bitcast %get3A_359 : vector<16xi32> to vector<32xbf16>
        %get3A_361 = arith.index_cast %add3A_356 : i32 to index
        %get3A_362 = arith.constant 0 : index
        %get3A_363 = tpu.vector_load %arg11[%get3A_361, %get3A_362] {strides = array<i32>} : memref<80x64xi32, #tpu.memory_space<vmem>>, vector<16xi32>,
        %bitcast3A_364 = vector.bitcast %get3A_363 : vector<16xi32> to vector<32xbf16>
        %mul3A_365 = arith.mulf %bitcast3A_360, %bitcast3A_364 : vector<32xbf16>
        %get3A_366 = arith.index_cast %add3A_356 : i32 to index
        %get3A_367 = arith.constant 16 : index
        %get3A_368 = tpu.vector_load %arg10[%get3A_366, %get3A_367] {strides = array<i32>} : memref<80x64xi32, #tpu.memory_space<vmem>>, vector<16xi32>,
        %bitcast3A_369 = vector.bitcast %get3A_368 : vector<16xi32> to vector<32xbf16>
        %get3A_370 = arith.index_cast %add3A_356 : i32 to index
        %get3A_371 = arith.constant 16 : index
        %get3A_372 = tpu.vector_load %arg11[%get3A_370, %get3A_371] {strides = array<i32>} : memref<80x64xi32, #tpu.memory_space<vmem>>, vector<16xi32>,
        %bitcast3A_373 = vector.bitcast %get3A_372 : vector<16xi32> to vector<32xbf16>
        %mul3A_374 = arith.mulf %bitcast3A_369, %bitcast3A_373 : vector<32xbf16>
        %add3A_375 = arith.addf %mul3A_365, %mul3A_374 : vector<32xbf16>
        %get3A_376 = arith.index_cast %add3A_356 : i32 to index
        %get3A_377 = arith.constant 32 : index
        %get3A_378 = tpu.vector_load %arg10[%get3A_376, %get3A_377] {strides = array<i32>} : memref<80x64xi32, #tpu.memory_space<vmem>>, vector<16xi32>,
        %bitcast3A_379 = vector.bitcast %get3A_378 : vector<16xi32> to vector<32xbf16>
        %get3A_380 = arith.index_cast %add3A_356 : i32 to index
        %get3A_381 = arith.constant 32 : index
        %get3A_382 = tpu.vector_load %arg11[%get3A_380, %get3A_381] {strides = array<i32>} : memref<80x64xi32, #tpu.memory_space<vmem>>, vector<16xi32>,
        %bitcast3A_383 = vector.bitcast %get3A_382 : vector<16xi32> to vector<32xbf16>
        %mul3A_384 = arith.mulf %bitcast3A_379, %bitcast3A_383 : vector<32xbf16>
        %add3A_385 = arith.addf %add3A_375, %mul3A_384 : vector<32xbf16>
        %get3A_386 = arith.index_cast %add3A_356 : i32 to index
        %get3A_387 = arith.constant 48 : index
        %get3A_388 = tpu.vector_load %arg10[%get3A_386, %get3A_387] {strides = array<i32>} : memref<80x64xi32, #tpu.memory_space<vmem>>, vector<16xi32>,
        %bitcast3A_389 = vector.bitcast %get3A_388 : vector<16xi32> to vector<32xbf16>
        %get3A_390 = arith.index_cast %add3A_356 : i32 to index
        %get3A_391 = arith.constant 48 : index
        %get3A_392 = tpu.vector_load %arg11[%get3A_390, %get3A_391] {strides = array<i32>} : memref<80x64xi32, #tpu.memory_space<vmem>>, vector<16xi32>,
        %bitcast3A_393 = vector.bitcast %get3A_392 : vector<16xi32> to vector<32xbf16>
        %mul3A_394 = arith.mulf %bitcast3A_389, %bitcast3A_393 : vector<32xbf16>
        %add3A_395 = arith.addf %add3A_385, %mul3A_394 : vector<32xbf16>
        %unpack3A_396 = tpu.unpack_subelements %add3A_395, 0 {pack_format = #tpu.pack_format<interleaved>} : vector<32xbf16> -> vector<16xf32>
        %unpack3A_397 = tpu.unpack_subelements %add3A_395, 1 {pack_format = #tpu.pack_format<interleaved>} : vector<32xbf16> -> vector<16xf32>
        %add3A_398 = arith.addf %unpack3A_396, %unpack3A_397 : vector<16xf32>
        %swap3A_399 = arith.constant 6 : i32
        %swap3A_400 = arith.index_cast %swap3A_399 : i32 to index
        %swap3A_401 = arith.constant 0 : index
        %swap3A_402 = tpu.vector_load %arg15[%swap3A_400, %swap3A_401] {strides = array<i32>} : memref<16x16xf32, #tpu.memory_space<vmem>>, vector<16xf32>,
        tpu.vector_store %arg15[%swap3A_400, %swap3A_401], %add3A_398 {strides = array<i32>} : memref<16x16xf32, #tpu.memory_space<vmem>>, vector<16xf32>,
        %mul3A_403 = arith.constant 16 : i32
        %mul3A_404 = arith.muli %add3A_56, %mul3A_403 : i32
        %add3A_405 = arith.constant 7 : i32
        %add3A_406 = arith.addi %mul3A_404, %add3A_405 : i32
        %get3A_407 = arith.index_cast %add3A_406 : i32 to index
        %get3A_408 = arith.constant 0 : index
        %get3A_409 = tpu.vector_load %arg10[%get3A_407, %get3A_408] {strides = array<i32>} : memref<80x64xi32, #tpu.memory_space<vmem>>, vector<16xi32>,
        %bitcast3A_410 = vector.bitcast %get3A_409 : vector<16xi32> to vector<32xbf16>
        %get3A_411 = arith.index_cast %add3A_406 : i32 to index
        %get3A_412 = arith.constant 0 : index
        %get3A_413 = tpu.vector_load %arg11[%get3A_411, %get3A_412] {strides = array<i32>} : memref<80x64xi32, #tpu.memory_space<vmem>>, vector<16xi32>,
        %bitcast3A_414 = vector.bitcast %get3A_413 : vector<16xi32> to vector<32xbf16>
        %mul3A_415 = arith.mulf %bitcast3A_410, %bitcast3A_414 : vector<32xbf16>
        %get3A_416 = arith.index_cast %add3A_406 : i32 to index
        %get3A_417 = arith.constant 16 : index
        %get3A_418 = tpu.vector_load %arg10[%get3A_416, %get3A_417] {strides = array<i32>} : memref<80x64xi32, #tpu.memory_space<vmem>>, vector<16xi32>,
        %bitcast3A_419 = vector.bitcast %get3A_418 : vector<16xi32> to vector<32xbf16>
        %get3A_420 = arith.index_cast %add3A_406 : i32 to index
        %get3A_421 = arith.constant 16 : index
        %get3A_422 = tpu.vector_load %arg11[%get3A_420, %get3A_421] {strides = array<i32>} : memref<80x64xi32, #tpu.memory_space<vmem>>, vector<16xi32>,
        %bitcast3A_423 = vector.bitcast %get3A_422 : vector<16xi32> to vector<32xbf16>
        %mul3A_424 = arith.mulf %bitcast3A_419, %bitcast3A_423 : vector<32xbf16>
        %add3A_425 = arith.addf %mul3A_415, %mul3A_424 : vector<32xbf16>
        %get3A_426 = arith.index_cast %add3A_406 : i32 to index
        %get3A_427 = arith.constant 32 : index
        %get3A_428 = tpu.vector_load %arg10[%get3A_426, %get3A_427] {strides = array<i32>} : memref<80x64xi32, #tpu.memory_space<vmem>>, vector<16xi32>,
        %bitcast3A_429 = vector.bitcast %get3A_428 : vector<16xi32> to vector<32xbf16>
        %get3A_430 = arith.index_cast %add3A_406 : i32 to index
        %get3A_431 = arith.constant 32 : index
        %get3A_432 = tpu.vector_load %arg11[%get3A_430, %get3A_431] {strides = array<i32>} : memref<80x64xi32, #tpu.memory_space<vmem>>, vector<16xi32>,
        %bitcast3A_433 = vector.bitcast %get3A_432 : vector<16xi32> to vector<32xbf16>
        %mul3A_434 = arith.mulf %bitcast3A_429, %bitcast3A_433 : vector<32xbf16>
        %add3A_435 = arith.addf %add3A_425, %mul3A_434 : vector<32xbf16>
        %get3A_436 = arith.index_cast %add3A_406 : i32 to index
        %get3A_437 = arith.constant 48 : index
        %get3A_438 = tpu.vector_load %arg10[%get3A_436, %get3A_437] {strides = array<i32>} : memref<80x64xi32, #tpu.memory_space<vmem>>, vector<16xi32>,
        %bitcast3A_439 = vector.bitcast %get3A_438 : vector<16xi32> to vector<32xbf16>
        %get3A_440 = arith.index_cast %add3A_406 : i32 to index
        %get3A_441 = arith.constant 48 : index
        %get3A_442 = tpu.vector_load %arg11[%get3A_440, %get3A_441] {strides = array<i32>} : memref<80x64xi32, #tpu.memory_space<vmem>>, vector<16xi32>,
        %bitcast3A_443 = vector.bitcast %get3A_442 : vector<16xi32> to vector<32xbf16>
        %mul3A_444 = arith.mulf %bitcast3A_439, %bitcast3A_443 : vector<32xbf16>
        %add3A_445 = arith.addf %add3A_435, %mul3A_444 : vector<32xbf16>
        %unpack3A_446 = tpu.unpack_subelements %add3A_445, 0 {pack_format = #tpu.pack_format<interleaved>} : vector<32xbf16> -> vector<16xf32>
        %unpack3A_447 = tpu.unpack_subelements %add3A_445, 1 {pack_format = #tpu.pack_format<interleaved>} : vector<32xbf16> -> vector<16xf32>
        %add3A_448 = arith.addf %unpack3A_446, %unpack3A_447 : vector<16xf32>
        %swap3A_449 = arith.constant 7 : i32
        %swap3A_450 = arith.index_cast %swap3A_449 : i32 to index
        %swap3A_451 = arith.constant 0 : index
        %swap3A_452 = tpu.vector_load %arg15[%swap3A_450, %swap3A_451] {strides = array<i32>} : memref<16x16xf32, #tpu.memory_space<vmem>>, vector<16xf32>,
        tpu.vector_store %arg15[%swap3A_450, %swap3A_451], %add3A_448 {strides = array<i32>} : memref<16x16xf32, #tpu.memory_space<vmem>>, vector<16xf32>,
        %mul3A_453 = arith.constant 16 : i32
        %mul3A_454 = arith.muli %add3A_56, %mul3A_453 : i32
        %add3A_455 = arith.constant 8 : i32
        %add3A_456 = arith.addi %mul3A_454, %add3A_455 : i32
        %get3A_457 = arith.index_cast %add3A_456 : i32 to index
        %get3A_458 = arith.constant 0 : index
        %get3A_459 = tpu.vector_load %arg10[%get3A_457, %get3A_458] {strides = array<i32>} : memref<80x64xi32, #tpu.memory_space<vmem>>, vector<16xi32>,
        %bitcast3A_460 = vector.bitcast %get3A_459 : vector<16xi32> to vector<32xbf16>
        %get3A_461 = arith.index_cast %add3A_456 : i32 to index
        %get3A_462 = arith.constant 0 : index
        %get3A_463 = tpu.vector_load %arg11[%get3A_461, %get3A_462] {strides = array<i32>} : memref<80x64xi32, #tpu.memory_space<vmem>>, vector<16xi32>,
        %bitcast3A_464 = vector.bitcast %get3A_463 : vector<16xi32> to vector<32xbf16>
        %mul3A_465 = arith.mulf %bitcast3A_460, %bitcast3A_464 : vector<32xbf16>
        %get3A_466 = arith.index_cast %add3A_456 : i32 to index
        %get3A_467 = arith.constant 16 : index
        %get3A_468 = tpu.vector_load %arg10[%get3A_466, %get3A_467] {strides = array<i32>} : memref<80x64xi32, #tpu.memory_space<vmem>>, vector<16xi32>,
        %bitcast3A_469 = vector.bitcast %get3A_468 : vector<16xi32> to vector<32xbf16>
        %get3A_470 = arith.index_cast %add3A_456 : i32 to index
        %get3A_471 = arith.constant 16 : index
        %get3A_472 = tpu.vector_load %arg11[%get3A_470, %get3A_471] {strides = array<i32>} : memref<80x64xi32, #tpu.memory_space<vmem>>, vector<16xi32>,
        %bitcast3A_473 = vector.bitcast %get3A_472 : vector<16xi32> to vector<32xbf16>
        %mul3A_474 = arith.mulf %bitcast3A_469, %bitcast3A_473 : vector<32xbf16>
        %add3A_475 = arith.addf %mul3A_465, %mul3A_474 : vector<32xbf16>
        %get3A_476 = arith.index_cast %add3A_456 : i32 to index
        %get3A_477 = arith.constant 32 : index
        %get3A_478 = tpu.vector_load %arg10[%get3A_476, %get3A_477] {strides = array<i32>} : memref<80x64xi32, #tpu.memory_space<vmem>>, vector<16xi32>,
        %bitcast3A_479 = vector.bitcast %get3A_478 : vector<16xi32> to vector<32xbf16>
        %get3A_480 = arith.index_cast %add3A_456 : i32 to index
        %get3A_481 = arith.constant 32 : index
        %get3A_482 = tpu.vector_load %arg11[%get3A_480, %get3A_481] {strides = array<i32>} : memref<80x64xi32, #tpu.memory_space<vmem>>, vector<16xi32>,
        %bitcast3A_483 = vector.bitcast %get3A_482 : vector<16xi32> to vector<32xbf16>
        %mul3A_484 = arith.mulf %bitcast3A_479, %bitcast3A_483 : vector<32xbf16>
        %add3A_485 = arith.addf %add3A_475, %mul3A_484 : vector<32xbf16>
        %get3A_486 = arith.index_cast %add3A_456 : i32 to index
        %get3A_487 = arith.constant 48 : index
        %get3A_488 = tpu.vector_load %arg10[%get3A_486, %get3A_487] {strides = array<i32>} : memref<80x64xi32, #tpu.memory_space<vmem>>, vector<16xi32>,
        %bitcast3A_489 = vector.bitcast %get3A_488 : vector<16xi32> to vector<32xbf16>
        %get3A_490 = arith.index_cast %add3A_456 : i32 to index
        %get3A_491 = arith.constant 48 : index
        %get3A_492 = tpu.vector_load %arg11[%get3A_490, %get3A_491] {strides = array<i32>} : memref<80x64xi32, #tpu.memory_space<vmem>>, vector<16xi32>,
        %bitcast3A_493 = vector.bitcast %get3A_492 : vector<16xi32> to vector<32xbf16>
        %mul3A_494 = arith.mulf %bitcast3A_489, %bitcast3A_493 : vector<32xbf16>
        %add3A_495 = arith.addf %add3A_485, %mul3A_494 : vector<32xbf16>
        %unpack3A_496 = tpu.unpack_subelements %add3A_495, 0 {pack_format = #tpu.pack_format<interleaved>} : vector<32xbf16> -> vector<16xf32>
        %unpack3A_497 = tpu.unpack_subelements %add3A_495, 1 {pack_format = #tpu.pack_format<interleaved>} : vector<32xbf16> -> vector<16xf32>
        %add3A_498 = arith.addf %unpack3A_496, %unpack3A_497 : vector<16xf32>
        %swap3A_499 = arith.constant 8 : i32
        %swap3A_500 = arith.index_cast %swap3A_499 : i32 to index
        %swap3A_501 = arith.constant 0 : index
        %swap3A_502 = tpu.vector_load %arg15[%swap3A_500, %swap3A_501] {strides = array<i32>} : memref<16x16xf32, #tpu.memory_space<vmem>>, vector<16xf32>,
        tpu.vector_store %arg15[%swap3A_500, %swap3A_501], %add3A_498 {strides = array<i32>} : memref<16x16xf32, #tpu.memory_space<vmem>>, vector<16xf32>,
        %mul3A_503 = arith.constant 16 : i32
        %mul3A_504 = arith.muli %add3A_56, %mul3A_503 : i32
        %add3A_505 = arith.constant 9 : i32
        %add3A_506 = arith.addi %mul3A_504, %add3A_505 : i32
        %get3A_507 = arith.index_cast %add3A_506 : i32 to index
        %get3A_508 = arith.constant 0 : index
        %get3A_509 = tpu.vector_load %arg10[%get3A_507, %get3A_508] {strides = array<i32>} : memref<80x64xi32, #tpu.memory_space<vmem>>, vector<16xi32>,
        %bitcast3A_510 = vector.bitcast %get3A_509 : vector<16xi32> to vector<32xbf16>
        %get3A_511 = arith.index_cast %add3A_506 : i32 to index
        %get3A_512 = arith.constant 0 : index
        %get3A_513 = tpu.vector_load %arg11[%get3A_511, %get3A_512] {strides = array<i32>} : memref<80x64xi32, #tpu.memory_space<vmem>>, vector<16xi32>,
        %bitcast3A_514 = vector.bitcast %get3A_513 : vector<16xi32> to vector<32xbf16>
        %mul3A_515 = arith.mulf %bitcast3A_510, %bitcast3A_514 : vector<32xbf16>
        %get3A_516 = arith.index_cast %add3A_506 : i32 to index
        %get3A_517 = arith.constant 16 : index
        %get3A_518 = tpu.vector_load %arg10[%get3A_516, %get3A_517] {strides = array<i32>} : memref<80x64xi32, #tpu.memory_space<vmem>>, vector<16xi32>,
        %bitcast3A_519 = vector.bitcast %get3A_518 : vector<16xi32> to vector<32xbf16>
        %get3A_520 = arith.index_cast %add3A_506 : i32 to index
        %get3A_521 = arith.constant 16 : index
        %get3A_522 = tpu.vector_load %arg11[%get3A_520, %get3A_521] {strides = array<i32>} : memref<80x64xi32, #tpu.memory_space<vmem>>, vector<16xi32>,
        %bitcast3A_523 = vector.bitcast %get3A_522 : vector<16xi32> to vector<32xbf16>
        %mul3A_524 = arith.mulf %bitcast3A_519, %bitcast3A_523 : vector<32xbf16>
        %add3A_525 = arith.addf %mul3A_515, %mul3A_524 : vector<32xbf16>
        %get3A_526 = arith.index_cast %add3A_506 : i32 to index
        %get3A_527 = arith.constant 32 : index
        %get3A_528 = tpu.vector_load %arg10[%get3A_526, %get3A_527] {strides = array<i32>} : memref<80x64xi32, #tpu.memory_space<vmem>>, vector<16xi32>,
        %bitcast3A_529 = vector.bitcast %get3A_528 : vector<16xi32> to vector<32xbf16>
        %get3A_530 = arith.index_cast %add3A_506 : i32 to index
        %get3A_531 = arith.constant 32 : index
        %get3A_532 = tpu.vector_load %arg11[%get3A_530, %get3A_531] {strides = array<i32>} : memref<80x64xi32, #tpu.memory_space<vmem>>, vector<16xi32>,
        %bitcast3A_533 = vector.bitcast %get3A_532 : vector<16xi32> to vector<32xbf16>
        %mul3A_534 = arith.mulf %bitcast3A_529, %bitcast3A_533 : vector<32xbf16>
        %add3A_535 = arith.addf %add3A_525, %mul3A_534 : vector<32xbf16>
        %get3A_536 = arith.index_cast %add3A_506 : i32 to index
        %get3A_537 = arith.constant 48 : index
        %get3A_538 = tpu.vector_load %arg10[%get3A_536, %get3A_537] {strides = array<i32>} : memref<80x64xi32, #tpu.memory_space<vmem>>, vector<16xi32>,
        %bitcast3A_539 = vector.bitcast %get3A_538 : vector<16xi32> to vector<32xbf16>
        %get3A_540 = arith.index_cast %add3A_506 : i32 to index
        %get3A_541 = arith.constant 48 : index
        %get3A_542 = tpu.vector_load %arg11[%get3A_540, %get3A_541] {strides = array<i32>} : memref<80x64xi32, #tpu.memory_space<vmem>>, vector<16xi32>,
        %bitcast3A_543 = vector.bitcast %get3A_542 : vector<16xi32> to vector<32xbf16>
        %mul3A_544 = arith.mulf %bitcast3A_539, %bitcast3A_543 : vector<32xbf16>
        %add3A_545 = arith.addf %add3A_535, %mul3A_544 : vector<32xbf16>
        %unpack3A_546 = tpu.unpack_subelements %add3A_545, 0 {pack_format = #tpu.pack_format<interleaved>} : vector<32xbf16> -> vector<16xf32>
        %unpack3A_547 = tpu.unpack_subelements %add3A_545, 1 {pack_format = #tpu.pack_format<interleaved>} : vector<32xbf16> -> vector<16xf32>
        %add3A_548 = arith.addf %unpack3A_546, %unpack3A_547 : vector<16xf32>
        %swap3A_549 = arith.constant 9 : i32
        %swap3A_550 = arith.index_cast %swap3A_549 : i32 to index
        %swap3A_551 = arith.constant 0 : index
        %swap3A_552 = tpu.vector_load %arg15[%swap3A_550, %swap3A_551] {strides = array<i32>} : memref<16x16xf32, #tpu.memory_space<vmem>>, vector<16xf32>,
        tpu.vector_store %arg15[%swap3A_550, %swap3A_551], %add3A_548 {strides = array<i32>} : memref<16x16xf32, #tpu.memory_space<vmem>>, vector<16xf32>,
        %mul3A_553 = arith.constant 16 : i32
        %mul3A_554 = arith.muli %add3A_56, %mul3A_553 : i32
        %add3A_555 = arith.constant 10 : i32
        %add3A_556 = arith.addi %mul3A_554, %add3A_555 : i32
        %get3A_557 = arith.index_cast %add3A_556 : i32 to index
        %get3A_558 = arith.constant 0 : index
        %get3A_559 = tpu.vector_load %arg10[%get3A_557, %get3A_558] {strides = array<i32>} : memref<80x64xi32, #tpu.memory_space<vmem>>, vector<16xi32>,
        %bitcast3A_560 = vector.bitcast %get3A_559 : vector<16xi32> to vector<32xbf16>
        %get3A_561 = arith.index_cast %add3A_556 : i32 to index
        %get3A_562 = arith.constant 0 : index
        %get3A_563 = tpu.vector_load %arg11[%get3A_561, %get3A_562] {strides = array<i32>} : memref<80x64xi32, #tpu.memory_space<vmem>>, vector<16xi32>,
        %bitcast3A_564 = vector.bitcast %get3A_563 : vector<16xi32> to vector<32xbf16>
        %mul3A_565 = arith.mulf %bitcast3A_560, %bitcast3A_564 : vector<32xbf16>
        %get3A_566 = arith.index_cast %add3A_556 : i32 to index
        %get3A_567 = arith.constant 16 : index
        %get3A_568 = tpu.vector_load %arg10[%get3A_566, %get3A_567] {strides = array<i32>} : memref<80x64xi32, #tpu.memory_space<vmem>>, vector<16xi32>,
        %bitcast3A_569 = vector.bitcast %get3A_568 : vector<16xi32> to vector<32xbf16>
        %get3A_570 = arith.index_cast %add3A_556 : i32 to index
        %get3A_571 = arith.constant 16 : index
        %get3A_572 = tpu.vector_load %arg11[%get3A_570, %get3A_571] {strides = array<i32>} : memref<80x64xi32, #tpu.memory_space<vmem>>, vector<16xi32>,
        %bitcast3A_573 = vector.bitcast %get3A_572 : vector<16xi32> to vector<32xbf16>
        %mul3A_574 = arith.mulf %bitcast3A_569, %bitcast3A_573 : vector<32xbf16>
        %add3A_575 = arith.addf %mul3A_565, %mul3A_574 : vector<32xbf16>
        %get3A_576 = arith.index_cast %add3A_556 : i32 to index
        %get3A_577 = arith.constant 32 : index
        %get3A_578 = tpu.vector_load %arg10[%get3A_576, %get3A_577] {strides = array<i32>} : memref<80x64xi32, #tpu.memory_space<vmem>>, vector<16xi32>,
        %bitcast3A_579 = vector.bitcast %get3A_578 : vector<16xi32> to vector<32xbf16>
        %get3A_580 = arith.index_cast %add3A_556 : i32 to index
        %get3A_581 = arith.constant 32 : index
        %get3A_582 = tpu.vector_load %arg11[%get3A_580, %get3A_581] {strides = array<i32>} : memref<80x64xi32, #tpu.memory_space<vmem>>, vector<16xi32>,
        %bitcast3A_583 = vector.bitcast %get3A_582 : vector<16xi32> to vector<32xbf16>
        %mul3A_584 = arith.mulf %bitcast3A_579, %bitcast3A_583 : vector<32xbf16>
        %add3A_585 = arith.addf %add3A_575, %mul3A_584 : vector<32xbf16>
        %get3A_586 = arith.index_cast %add3A_556 : i32 to index
        %get3A_587 = arith.constant 48 : index
        %get3A_588 = tpu.vector_load %arg10[%get3A_586, %get3A_587] {strides = array<i32>} : memref<80x64xi32, #tpu.memory_space<vmem>>, vector<16xi32>,
        %bitcast3A_589 = vector.bitcast %get3A_588 : vector<16xi32> to vector<32xbf16>
        %get3A_590 = arith.index_cast %add3A_556 : i32 to index
        %get3A_591 = arith.constant 48 : index
        %get3A_592 = tpu.vector_load %arg11[%get3A_590, %get3A_591] {strides = array<i32>} : memref<80x64xi32, #tpu.memory_space<vmem>>, vector<16xi32>,
        %bitcast3A_593 = vector.bitcast %get3A_592 : vector<16xi32> to vector<32xbf16>
        %mul3A_594 = arith.mulf %bitcast3A_589, %bitcast3A_593 : vector<32xbf16>
        %add3A_595 = arith.addf %add3A_585, %mul3A_594 : vector<32xbf16>
        %unpack3A_596 = tpu.unpack_subelements %add3A_595, 0 {pack_format = #tpu.pack_format<interleaved>} : vector<32xbf16> -> vector<16xf32>
        %unpack3A_597 = tpu.unpack_subelements %add3A_595, 1 {pack_format = #tpu.pack_format<interleaved>} : vector<32xbf16> -> vector<16xf32>
        %add3A_598 = arith.addf %unpack3A_596, %unpack3A_597 : vector<16xf32>
        %swap3A_599 = arith.constant 10 : i32
        %swap3A_600 = arith.index_cast %swap3A_599 : i32 to index
        %swap3A_601 = arith.constant 0 : index
        %swap3A_602 = tpu.vector_load %arg15[%swap3A_600, %swap3A_601] {strides = array<i32>} : memref<16x16xf32, #tpu.memory_space<vmem>>, vector<16xf32>,
        tpu.vector_store %arg15[%swap3A_600, %swap3A_601], %add3A_598 {strides = array<i32>} : memref<16x16xf32, #tpu.memory_space<vmem>>, vector<16xf32>,
        %mul3A_603 = arith.constant 16 : i32
        %mul3A_604 = arith.muli %add3A_56, %mul3A_603 : i32
        %add3A_605 = arith.constant 11 : i32
        %add3A_606 = arith.addi %mul3A_604, %add3A_605 : i32
        %get3A_607 = arith.index_cast %add3A_606 : i32 to index
        %get3A_608 = arith.constant 0 : index
        %get3A_609 = tpu.vector_load %arg10[%get3A_607, %get3A_608] {strides = array<i32>} : memref<80x64xi32, #tpu.memory_space<vmem>>, vector<16xi32>,
        %bitcast3A_610 = vector.bitcast %get3A_609 : vector<16xi32> to vector<32xbf16>
        %get3A_611 = arith.index_cast %add3A_606 : i32 to index
        %get3A_612 = arith.constant 0 : index
        %get3A_613 = tpu.vector_load %arg11[%get3A_611, %get3A_612] {strides = array<i32>} : memref<80x64xi32, #tpu.memory_space<vmem>>, vector<16xi32>,
        %bitcast3A_614 = vector.bitcast %get3A_613 : vector<16xi32> to vector<32xbf16>
        %mul3A_615 = arith.mulf %bitcast3A_610, %bitcast3A_614 : vector<32xbf16>
        %get3A_616 = arith.index_cast %add3A_606 : i32 to index
        %get3A_617 = arith.constant 16 : index
        %get3A_618 = tpu.vector_load %arg10[%get3A_616, %get3A_617] {strides = array<i32>} : memref<80x64xi32, #tpu.memory_space<vmem>>, vector<16xi32>,
        %bitcast3A_619 = vector.bitcast %get3A_618 : vector<16xi32> to vector<32xbf16>
        %get3A_620 = arith.index_cast %add3A_606 : i32 to index
        %get3A_621 = arith.constant 16 : index
        %get3A_622 = tpu.vector_load %arg11[%get3A_620, %get3A_621] {strides = array<i32>} : memref<80x64xi32, #tpu.memory_space<vmem>>, vector<16xi32>,
        %bitcast3A_623 = vector.bitcast %get3A_622 : vector<16xi32> to vector<32xbf16>
        %mul3A_624 = arith.mulf %bitcast3A_619, %bitcast3A_623 : vector<32xbf16>
        %add3A_625 = arith.addf %mul3A_615, %mul3A_624 : vector<32xbf16>
        %get3A_626 = arith.index_cast %add3A_606 : i32 to index
        %get3A_627 = arith.constant 32 : index
        %get3A_628 = tpu.vector_load %arg10[%get3A_626, %get3A_627] {strides = array<i32>} : memref<80x64xi32, #tpu.memory_space<vmem>>, vector<16xi32>,
        %bitcast3A_629 = vector.bitcast %get3A_628 : vector<16xi32> to vector<32xbf16>
        %get3A_630 = arith.index_cast %add3A_606 : i32 to index
        %get3A_631 = arith.constant 32 : index
        %get3A_632 = tpu.vector_load %arg11[%get3A_630, %get3A_631] {strides = array<i32>} : memref<80x64xi32, #tpu.memory_space<vmem>>, vector<16xi32>,
        %bitcast3A_633 = vector.bitcast %get3A_632 : vector<16xi32> to vector<32xbf16>
        %mul3A_634 = arith.mulf %bitcast3A_629, %bitcast3A_633 : vector<32xbf16>
        %add3A_635 = arith.addf %add3A_625, %mul3A_634 : vector<32xbf16>
        %get3A_636 = arith.index_cast %add3A_606 : i32 to index
        %get3A_637 = arith.constant 48 : index
        %get3A_638 = tpu.vector_load %arg10[%get3A_636, %get3A_637] {strides = array<i32>} : memref<80x64xi32, #tpu.memory_space<vmem>>, vector<16xi32>,
        %bitcast3A_639 = vector.bitcast %get3A_638 : vector<16xi32> to vector<32xbf16>
        %get3A_640 = arith.index_cast %add3A_606 : i32 to index
        %get3A_641 = arith.constant 48 : index
        %get3A_642 = tpu.vector_load %arg11[%get3A_640, %get3A_641] {strides = array<i32>} : memref<80x64xi32, #tpu.memory_space<vmem>>, vector<16xi32>,
        %bitcast3A_643 = vector.bitcast %get3A_642 : vector<16xi32> to vector<32xbf16>
        %mul3A_644 = arith.mulf %bitcast3A_639, %bitcast3A_643 : vector<32xbf16>
        %add3A_645 = arith.addf %add3A_635, %mul3A_644 : vector<32xbf16>
        %unpack3A_646 = tpu.unpack_subelements %add3A_645, 0 {pack_format = #tpu.pack_format<interleaved>} : vector<32xbf16> -> vector<16xf32>
        %unpack3A_647 = tpu.unpack_subelements %add3A_645, 1 {pack_format = #tpu.pack_format<interleaved>} : vector<32xbf16> -> vector<16xf32>
        %add3A_648 = arith.addf %unpack3A_646, %unpack3A_647 : vector<16xf32>
        %swap3A_649 = arith.constant 11 : i32
        %swap3A_650 = arith.index_cast %swap3A_649 : i32 to index
        %swap3A_651 = arith.constant 0 : index
        %swap3A_652 = tpu.vector_load %arg15[%swap3A_650, %swap3A_651] {strides = array<i32>} : memref<16x16xf32, #tpu.memory_space<vmem>>, vector<16xf32>,
        tpu.vector_store %arg15[%swap3A_650, %swap3A_651], %add3A_648 {strides = array<i32>} : memref<16x16xf32, #tpu.memory_space<vmem>>, vector<16xf32>,
        %mul3A_653 = arith.constant 16 : i32
        %mul3A_654 = arith.muli %add3A_56, %mul3A_653 : i32
        %add3A_655 = arith.constant 12 : i32
        %add3A_656 = arith.addi %mul3A_654, %add3A_655 : i32
        %get3A_657 = arith.index_cast %add3A_656 : i32 to index
        %get3A_658 = arith.constant 0 : index
        %get3A_659 = tpu.vector_load %arg10[%get3A_657, %get3A_658] {strides = array<i32>} : memref<80x64xi32, #tpu.memory_space<vmem>>, vector<16xi32>,
        %bitcast3A_660 = vector.bitcast %get3A_659 : vector<16xi32> to vector<32xbf16>
        %get3A_661 = arith.index_cast %add3A_656 : i32 to index
        %get3A_662 = arith.constant 0 : index
        %get3A_663 = tpu.vector_load %arg11[%get3A_661, %get3A_662] {strides = array<i32>} : memref<80x64xi32, #tpu.memory_space<vmem>>, vector<16xi32>,
        %bitcast3A_664 = vector.bitcast %get3A_663 : vector<16xi32> to vector<32xbf16>
        %mul3A_665 = arith.mulf %bitcast3A_660, %bitcast3A_664 : vector<32xbf16>
        %get3A_666 = arith.index_cast %add3A_656 : i32 to index
        %get3A_667 = arith.constant 16 : index
        %get3A_668 = tpu.vector_load %arg10[%get3A_666, %get3A_667] {strides = array<i32>} : memref<80x64xi32, #tpu.memory_space<vmem>>, vector<16xi32>,
        %bitcast3A_669 = vector.bitcast %get3A_668 : vector<16xi32> to vector<32xbf16>
        %get3A_670 = arith.index_cast %add3A_656 : i32 to index
        %get3A_671 = arith.constant 16 : index
        %get3A_672 = tpu.vector_load %arg11[%get3A_670, %get3A_671] {strides = array<i32>} : memref<80x64xi32, #tpu.memory_space<vmem>>, vector<16xi32>,
        %bitcast3A_673 = vector.bitcast %get3A_672 : vector<16xi32> to vector<32xbf16>
        %mul3A_674 = arith.mulf %bitcast3A_669, %bitcast3A_673 : vector<32xbf16>
        %add3A_675 = arith.addf %mul3A_665, %mul3A_674 : vector<32xbf16>
        %get3A_676 = arith.index_cast %add3A_656 : i32 to index
        %get3A_677 = arith.constant 32 : index
        %get3A_678 = tpu.vector_load %arg10[%get3A_676, %get3A_677] {strides = array<i32>} : memref<80x64xi32, #tpu.memory_space<vmem>>, vector<16xi32>,
        %bitcast3A_679 = vector.bitcast %get3A_678 : vector<16xi32> to vector<32xbf16>
        %get3A_680 = arith.index_cast %add3A_656 : i32 to index
        %get3A_681 = arith.constant 32 : index
        %get3A_682 = tpu.vector_load %arg11[%get3A_680, %get3A_681] {strides = array<i32>} : memref<80x64xi32, #tpu.memory_space<vmem>>, vector<16xi32>,
        %bitcast3A_683 = vector.bitcast %get3A_682 : vector<16xi32> to vector<32xbf16>
        %mul3A_684 = arith.mulf %bitcast3A_679, %bitcast3A_683 : vector<32xbf16>
        %add3A_685 = arith.addf %add3A_675, %mul3A_684 : vector<32xbf16>
        %get3A_686 = arith.index_cast %add3A_656 : i32 to index
        %get3A_687 = arith.constant 48 : index
        %get3A_688 = tpu.vector_load %arg10[%get3A_686, %get3A_687] {strides = array<i32>} : memref<80x64xi32, #tpu.memory_space<vmem>>, vector<16xi32>,
        %bitcast3A_689 = vector.bitcast %get3A_688 : vector<16xi32> to vector<32xbf16>
        %get3A_690 = arith.index_cast %add3A_656 : i32 to index
        %get3A_691 = arith.constant 48 : index
        %get3A_692 = tpu.vector_load %arg11[%get3A_690, %get3A_691] {strides = array<i32>} : memref<80x64xi32, #tpu.memory_space<vmem>>, vector<16xi32>,
        %bitcast3A_693 = vector.bitcast %get3A_692 : vector<16xi32> to vector<32xbf16>
        %mul3A_694 = arith.mulf %bitcast3A_689, %bitcast3A_693 : vector<32xbf16>
        %add3A_695 = arith.addf %add3A_685, %mul3A_694 : vector<32xbf16>
        %unpack3A_696 = tpu.unpack_subelements %add3A_695, 0 {pack_format = #tpu.pack_format<interleaved>} : vector<32xbf16> -> vector<16xf32>
        %unpack3A_697 = tpu.unpack_subelements %add3A_695, 1 {pack_format = #tpu.pack_format<interleaved>} : vector<32xbf16> -> vector<16xf32>
        %add3A_698 = arith.addf %unpack3A_696, %unpack3A_697 : vector<16xf32>
        %swap3A_699 = arith.constant 12 : i32
        %swap3A_700 = arith.index_cast %swap3A_699 : i32 to index
        %swap3A_701 = arith.constant 0 : index
        %swap3A_702 = tpu.vector_load %arg15[%swap3A_700, %swap3A_701] {strides = array<i32>} : memref<16x16xf32, #tpu.memory_space<vmem>>, vector<16xf32>,
        tpu.vector_store %arg15[%swap3A_700, %swap3A_701], %add3A_698 {strides = array<i32>} : memref<16x16xf32, #tpu.memory_space<vmem>>, vector<16xf32>,
        %mul3A_703 = arith.constant 16 : i32
        %mul3A_704 = arith.muli %add3A_56, %mul3A_703 : i32
        %add3A_705 = arith.constant 13 : i32
        %add3A_706 = arith.addi %mul3A_704, %add3A_705 : i32
        %get3A_707 = arith.index_cast %add3A_706 : i32 to index
        %get3A_708 = arith.constant 0 : index
        %get3A_709 = tpu.vector_load %arg10[%get3A_707, %get3A_708] {strides = array<i32>} : memref<80x64xi32, #tpu.memory_space<vmem>>, vector<16xi32>,
        %bitcast3A_710 = vector.bitcast %get3A_709 : vector<16xi32> to vector<32xbf16>
        %get3A_711 = arith.index_cast %add3A_706 : i32 to index
        %get3A_712 = arith.constant 0 : index
        %get3A_713 = tpu.vector_load %arg11[%get3A_711, %get3A_712] {strides = array<i32>} : memref<80x64xi32, #tpu.memory_space<vmem>>, vector<16xi32>,
        %bitcast3A_714 = vector.bitcast %get3A_713 : vector<16xi32> to vector<32xbf16>
        %mul3A_715 = arith.mulf %bitcast3A_710, %bitcast3A_714 : vector<32xbf16>
        %get3A_716 = arith.index_cast %add3A_706 : i32 to index
        %get3A_717 = arith.constant 16 : index
        %get3A_718 = tpu.vector_load %arg10[%get3A_716, %get3A_717] {strides = array<i32>} : memref<80x64xi32, #tpu.memory_space<vmem>>, vector<16xi32>,
        %bitcast3A_719 = vector.bitcast %get3A_718 : vector<16xi32> to vector<32xbf16>
        %get3A_720 = arith.index_cast %add3A_706 : i32 to index
        %get3A_721 = arith.constant 16 : index
        %get3A_722 = tpu.vector_load %arg11[%get3A_720, %get3A_721] {strides = array<i32>} : memref<80x64xi32, #tpu.memory_space<vmem>>, vector<16xi32>,
        %bitcast3A_723 = vector.bitcast %get3A_722 : vector<16xi32> to vector<32xbf16>
        %mul3A_724 = arith.mulf %bitcast3A_719, %bitcast3A_723 : vector<32xbf16>
        %add3A_725 = arith.addf %mul3A_715, %mul3A_724 : vector<32xbf16>
        %get3A_726 = arith.index_cast %add3A_706 : i32 to index
        %get3A_727 = arith.constant 32 : index
        %get3A_728 = tpu.vector_load %arg10[%get3A_726, %get3A_727] {strides = array<i32>} : memref<80x64xi32, #tpu.memory_space<vmem>>, vector<16xi32>,
        %bitcast3A_729 = vector.bitcast %get3A_728 : vector<16xi32> to vector<32xbf16>
        %get3A_730 = arith.index_cast %add3A_706 : i32 to index
        %get3A_731 = arith.constant 32 : index
        %get3A_732 = tpu.vector_load %arg11[%get3A_730, %get3A_731] {strides = array<i32>} : memref<80x64xi32, #tpu.memory_space<vmem>>, vector<16xi32>,
        %bitcast3A_733 = vector.bitcast %get3A_732 : vector<16xi32> to vector<32xbf16>
        %mul3A_734 = arith.mulf %bitcast3A_729, %bitcast3A_733 : vector<32xbf16>
        %add3A_735 = arith.addf %add3A_725, %mul3A_734 : vector<32xbf16>
        %get3A_736 = arith.index_cast %add3A_706 : i32 to index
        %get3A_737 = arith.constant 48 : index
        %get3A_738 = tpu.vector_load %arg10[%get3A_736, %get3A_737] {strides = array<i32>} : memref<80x64xi32, #tpu.memory_space<vmem>>, vector<16xi32>,
        %bitcast3A_739 = vector.bitcast %get3A_738 : vector<16xi32> to vector<32xbf16>
        %get3A_740 = arith.index_cast %add3A_706 : i32 to index
        %get3A_741 = arith.constant 48 : index
        %get3A_742 = tpu.vector_load %arg11[%get3A_740, %get3A_741] {strides = array<i32>} : memref<80x64xi32, #tpu.memory_space<vmem>>, vector<16xi32>,
        %bitcast3A_743 = vector.bitcast %get3A_742 : vector<16xi32> to vector<32xbf16>
        %mul3A_744 = arith.mulf %bitcast3A_739, %bitcast3A_743 : vector<32xbf16>
        %add3A_745 = arith.addf %add3A_735, %mul3A_744 : vector<32xbf16>
        %unpack3A_746 = tpu.unpack_subelements %add3A_745, 0 {pack_format = #tpu.pack_format<interleaved>} : vector<32xbf16> -> vector<16xf32>
        %unpack3A_747 = tpu.unpack_subelements %add3A_745, 1 {pack_format = #tpu.pack_format<interleaved>} : vector<32xbf16> -> vector<16xf32>
        %add3A_748 = arith.addf %unpack3A_746, %unpack3A_747 : vector<16xf32>
        %swap3A_749 = arith.constant 13 : i32
        %swap3A_750 = arith.index_cast %swap3A_749 : i32 to index
        %swap3A_751 = arith.constant 0 : index
        %swap3A_752 = tpu.vector_load %arg15[%swap3A_750, %swap3A_751] {strides = array<i32>} : memref<16x16xf32, #tpu.memory_space<vmem>>, vector<16xf32>,
        tpu.vector_store %arg15[%swap3A_750, %swap3A_751], %add3A_748 {strides = array<i32>} : memref<16x16xf32, #tpu.memory_space<vmem>>, vector<16xf32>,
        %mul3A_753 = arith.constant 16 : i32
        %mul3A_754 = arith.muli %add3A_56, %mul3A_753 : i32
        %add3A_755 = arith.constant 14 : i32
        %add3A_756 = arith.addi %mul3A_754, %add3A_755 : i32
        %get3A_757 = arith.index_cast %add3A_756 : i32 to index
        %get3A_758 = arith.constant 0 : index
        %get3A_759 = tpu.vector_load %arg10[%get3A_757, %get3A_758] {strides = array<i32>} : memref<80x64xi32, #tpu.memory_space<vmem>>, vector<16xi32>,
        %bitcast3A_760 = vector.bitcast %get3A_759 : vector<16xi32> to vector<32xbf16>
        %get3A_761 = arith.index_cast %add3A_756 : i32 to index
        %get3A_762 = arith.constant 0 : index
        %get3A_763 = tpu.vector_load %arg11[%get3A_761, %get3A_762] {strides = array<i32>} : memref<80x64xi32, #tpu.memory_space<vmem>>, vector<16xi32>,
        %bitcast3A_764 = vector.bitcast %get3A_763 : vector<16xi32> to vector<32xbf16>
        %mul3A_765 = arith.mulf %bitcast3A_760, %bitcast3A_764 : vector<32xbf16>
        %get3A_766 = arith.index_cast %add3A_756 : i32 to index
        %get3A_767 = arith.constant 16 : index
        %get3A_768 = tpu.vector_load %arg10[%get3A_766, %get3A_767] {strides = array<i32>} : memref<80x64xi32, #tpu.memory_space<vmem>>, vector<16xi32>,
        %bitcast3A_769 = vector.bitcast %get3A_768 : vector<16xi32> to vector<32xbf16>
        %get3A_770 = arith.index_cast %add3A_756 : i32 to index
        %get3A_771 = arith.constant 16 : index
        %get3A_772 = tpu.vector_load %arg11[%get3A_770, %get3A_771] {strides = array<i32>} : memref<80x64xi32, #tpu.memory_space<vmem>>, vector<16xi32>,
        %bitcast3A_773 = vector.bitcast %get3A_772 : vector<16xi32> to vector<32xbf16>
        %mul3A_774 = arith.mulf %bitcast3A_769, %bitcast3A_773 : vector<32xbf16>
        %add3A_775 = arith.addf %mul3A_765, %mul3A_774 : vector<32xbf16>
        %get3A_776 = arith.index_cast %add3A_756 : i32 to index
        %get3A_777 = arith.constant 32 : index
        %get3A_778 = tpu.vector_load %arg10[%get3A_776, %get3A_777] {strides = array<i32>} : memref<80x64xi32, #tpu.memory_space<vmem>>, vector<16xi32>,
        %bitcast3A_779 = vector.bitcast %get3A_778 : vector<16xi32> to vector<32xbf16>
        %get3A_780 = arith.index_cast %add3A_756 : i32 to index
        %get3A_781 = arith.constant 32 : index
        %get3A_782 = tpu.vector_load %arg11[%get3A_780, %get3A_781] {strides = array<i32>} : memref<80x64xi32, #tpu.memory_space<vmem>>, vector<16xi32>,
        %bitcast3A_783 = vector.bitcast %get3A_782 : vector<16xi32> to vector<32xbf16>
        %mul3A_784 = arith.mulf %bitcast3A_779, %bitcast3A_783 : vector<32xbf16>
        %add3A_785 = arith.addf %add3A_775, %mul3A_784 : vector<32xbf16>
        %get3A_786 = arith.index_cast %add3A_756 : i32 to index
        %get3A_787 = arith.constant 48 : index
        %get3A_788 = tpu.vector_load %arg10[%get3A_786, %get3A_787] {strides = array<i32>} : memref<80x64xi32, #tpu.memory_space<vmem>>, vector<16xi32>,
        %bitcast3A_789 = vector.bitcast %get3A_788 : vector<16xi32> to vector<32xbf16>
        %get3A_790 = arith.index_cast %add3A_756 : i32 to index
        %get3A_791 = arith.constant 48 : index
        %get3A_792 = tpu.vector_load %arg11[%get3A_790, %get3A_791] {strides = array<i32>} : memref<80x64xi32, #tpu.memory_space<vmem>>, vector<16xi32>,
        %bitcast3A_793 = vector.bitcast %get3A_792 : vector<16xi32> to vector<32xbf16>
        %mul3A_794 = arith.mulf %bitcast3A_789, %bitcast3A_793 : vector<32xbf16>
        %add3A_795 = arith.addf %add3A_785, %mul3A_794 : vector<32xbf16>
        %unpack3A_796 = tpu.unpack_subelements %add3A_795, 0 {pack_format = #tpu.pack_format<interleaved>} : vector<32xbf16> -> vector<16xf32>
        %unpack3A_797 = tpu.unpack_subelements %add3A_795, 1 {pack_format = #tpu.pack_format<interleaved>} : vector<32xbf16> -> vector<16xf32>
        %add3A_798 = arith.addf %unpack3A_796, %unpack3A_797 : vector<16xf32>
        %swap3A_799 = arith.constant 14 : i32
        %swap3A_800 = arith.index_cast %swap3A_799 : i32 to index
        %swap3A_801 = arith.constant 0 : index
        %swap3A_802 = tpu.vector_load %arg15[%swap3A_800, %swap3A_801] {strides = array<i32>} : memref<16x16xf32, #tpu.memory_space<vmem>>, vector<16xf32>,
        tpu.vector_store %arg15[%swap3A_800, %swap3A_801], %add3A_798 {strides = array<i32>} : memref<16x16xf32, #tpu.memory_space<vmem>>, vector<16xf32>,
        %mul3A_803 = arith.constant 16 : i32
        %mul3A_804 = arith.muli %add3A_56, %mul3A_803 : i32
        %add3A_805 = arith.constant 15 : i32
        %add3A_806 = arith.addi %mul3A_804, %add3A_805 : i32
        %get3A_807 = arith.index_cast %add3A_806 : i32 to index
        %get3A_808 = arith.constant 0 : index
        %get3A_809 = tpu.vector_load %arg10[%get3A_807, %get3A_808] {strides = array<i32>} : memref<80x64xi32, #tpu.memory_space<vmem>>, vector<16xi32>,
        %bitcast3A_810 = vector.bitcast %get3A_809 : vector<16xi32> to vector<32xbf16>
        %get3A_811 = arith.index_cast %add3A_806 : i32 to index
        %get3A_812 = arith.constant 0 : index
        %get3A_813 = tpu.vector_load %arg11[%get3A_811, %get3A_812] {strides = array<i32>} : memref<80x64xi32, #tpu.memory_space<vmem>>, vector<16xi32>,
        %bitcast3A_814 = vector.bitcast %get3A_813 : vector<16xi32> to vector<32xbf16>
        %mul3A_815 = arith.mulf %bitcast3A_810, %bitcast3A_814 : vector<32xbf16>
        %get3A_816 = arith.index_cast %add3A_806 : i32 to index
        %get3A_817 = arith.constant 16 : index
        %get3A_818 = tpu.vector_load %arg10[%get3A_816, %get3A_817] {strides = array<i32>} : memref<80x64xi32, #tpu.memory_space<vmem>>, vector<16xi32>,
        %bitcast3A_819 = vector.bitcast %get3A_818 : vector<16xi32> to vector<32xbf16>
        %get3A_820 = arith.index_cast %add3A_806 : i32 to index
        %get3A_821 = arith.constant 16 : index
        %get3A_822 = tpu.vector_load %arg11[%get3A_820, %get3A_821] {strides = array<i32>} : memref<80x64xi32, #tpu.memory_space<vmem>>, vector<16xi32>,
        %bitcast3A_823 = vector.bitcast %get3A_822 : vector<16xi32> to vector<32xbf16>
        %mul3A_824 = arith.mulf %bitcast3A_819, %bitcast3A_823 : vector<32xbf16>
        %add3A_825 = arith.addf %mul3A_815, %mul3A_824 : vector<32xbf16>
        %get3A_826 = arith.index_cast %add3A_806 : i32 to index
        %get3A_827 = arith.constant 32 : index
        %get3A_828 = tpu.vector_load %arg10[%get3A_826, %get3A_827] {strides = array<i32>} : memref<80x64xi32, #tpu.memory_space<vmem>>, vector<16xi32>,
        %bitcast3A_829 = vector.bitcast %get3A_828 : vector<16xi32> to vector<32xbf16>
        %get3A_830 = arith.index_cast %add3A_806 : i32 to index
        %get3A_831 = arith.constant 32 : index
        %get3A_832 = tpu.vector_load %arg11[%get3A_830, %get3A_831] {strides = array<i32>} : memref<80x64xi32, #tpu.memory_space<vmem>>, vector<16xi32>,
        %bitcast3A_833 = vector.bitcast %get3A_832 : vector<16xi32> to vector<32xbf16>
        %mul3A_834 = arith.mulf %bitcast3A_829, %bitcast3A_833 : vector<32xbf16>
        %add3A_835 = arith.addf %add3A_825, %mul3A_834 : vector<32xbf16>
        %get3A_836 = arith.index_cast %add3A_806 : i32 to index
        %get3A_837 = arith.constant 48 : index
        %get3A_838 = tpu.vector_load %arg10[%get3A_836, %get3A_837] {strides = array<i32>} : memref<80x64xi32, #tpu.memory_space<vmem>>, vector<16xi32>,
        %bitcast3A_839 = vector.bitcast %get3A_838 : vector<16xi32> to vector<32xbf16>
        %get3A_840 = arith.index_cast %add3A_806 : i32 to index
        %get3A_841 = arith.constant 48 : index
        %get3A_842 = tpu.vector_load %arg11[%get3A_840, %get3A_841] {strides = array<i32>} : memref<80x64xi32, #tpu.memory_space<vmem>>, vector<16xi32>,
        %bitcast3A_843 = vector.bitcast %get3A_842 : vector<16xi32> to vector<32xbf16>
        %mul3A_844 = arith.mulf %bitcast3A_839, %bitcast3A_843 : vector<32xbf16>
        %add3A_845 = arith.addf %add3A_835, %mul3A_844 : vector<32xbf16>
        %unpack3A_846 = tpu.unpack_subelements %add3A_845, 0 {pack_format = #tpu.pack_format<interleaved>} : vector<32xbf16> -> vector<16xf32>
        %unpack3A_847 = tpu.unpack_subelements %add3A_845, 1 {pack_format = #tpu.pack_format<interleaved>} : vector<32xbf16> -> vector<16xf32>
        %add3A_848 = arith.addf %unpack3A_846, %unpack3A_847 : vector<16xf32>
        %swap3A_849 = arith.constant 15 : i32
        %swap3A_850 = arith.index_cast %swap3A_849 : i32 to index
        %swap3A_851 = arith.constant 0 : index
        %swap3A_852 = tpu.vector_load %arg15[%swap3A_850, %swap3A_851] {strides = array<i32>} : memref<16x16xf32, #tpu.memory_space<vmem>>, vector<16xf32>,
        tpu.vector_store %arg15[%swap3A_850, %swap3A_851], %add3A_848 {strides = array<i32>} : memref<16x16xf32, #tpu.memory_space<vmem>>, vector<16xf32>,
        %broadcast_in_dim3A = arith.constant 0 : i32
        %broadcast_in_dim3A_853 = vector.broadcast %broadcast_in_dim3A : i32 to vector<16xi32>
        %gather3A = tpu.vector_load_idx %arg15[%iota3A, %broadcast_in_dim3A_853] : memref<16x16xf32, #tpu.memory_space<vmem>>[vector<16xi32>, vector<16xi32>], vector<16xf32>,
        %broadcast_in_dim3A_854 = arith.constant 1 : i32
        %broadcast_in_dim3A_855 = vector.broadcast %broadcast_in_dim3A_854 : i32 to vector<16xi32>
        %gather3A_856 = tpu.vector_load_idx %arg15[%iota3A, %broadcast_in_dim3A_855] : memref<16x16xf32, #tpu.memory_space<vmem>>[vector<16xi32>, vector<16xi32>], vector<16xf32>,
        %broadcast_in_dim3A_857 = arith.constant 2 : i32
        %broadcast_in_dim3A_858 = vector.broadcast %broadcast_in_dim3A_857 : i32 to vector<16xi32>
        %gather3A_859 = tpu.vector_load_idx %arg15[%iota3A, %broadcast_in_dim3A_858] : memref<16x16xf32, #tpu.memory_space<vmem>>[vector<16xi32>, vector<16xi32>], vector<16xf32>,
        %broadcast_in_dim3A_860 = arith.constant 3 : i32
        %broadcast_in_dim3A_861 = vector.broadcast %broadcast_in_dim3A_860 : i32 to vector<16xi32>
        %gather3A_862 = tpu.vector_load_idx %arg15[%iota3A, %broadcast_in_dim3A_861] : memref<16x16xf32, #tpu.memory_space<vmem>>[vector<16xi32>, vector<16xi32>], vector<16xf32>,
        %broadcast_in_dim3A_863 = arith.constant 4 : i32
        %broadcast_in_dim3A_864 = vector.broadcast %broadcast_in_dim3A_863 : i32 to vector<16xi32>
        %gather3A_865 = tpu.vector_load_idx %arg15[%iota3A, %broadcast_in_dim3A_864] : memref<16x16xf32, #tpu.memory_space<vmem>>[vector<16xi32>, vector<16xi32>], vector<16xf32>,
        %broadcast_in_dim3A_866 = arith.constant 5 : i32
        %broadcast_in_dim3A_867 = vector.broadcast %broadcast_in_dim3A_866 : i32 to vector<16xi32>
        %gather3A_868 = tpu.vector_load_idx %arg15[%iota3A, %broadcast_in_dim3A_867] : memref<16x16xf32, #tpu.memory_space<vmem>>[vector<16xi32>, vector<16xi32>], vector<16xf32>,
        %broadcast_in_dim3A_869 = arith.constant 6 : i32
        %broadcast_in_dim3A_870 = vector.broadcast %broadcast_in_dim3A_869 : i32 to vector<16xi32>
        %gather3A_871 = tpu.vector_load_idx %arg15[%iota3A, %broadcast_in_dim3A_870] : memref<16x16xf32, #tpu.memory_space<vmem>>[vector<16xi32>, vector<16xi32>], vector<16xf32>,
        %broadcast_in_dim3A_872 = arith.constant 7 : i32
        %broadcast_in_dim3A_873 = vector.broadcast %broadcast_in_dim3A_872 : i32 to vector<16xi32>
        %gather3A_874 = tpu.vector_load_idx %arg15[%iota3A, %broadcast_in_dim3A_873] : memref<16x16xf32, #tpu.memory_space<vmem>>[vector<16xi32>, vector<16xi32>], vector<16xf32>,
        %broadcast_in_dim3A_875 = arith.constant 8 : i32
        %broadcast_in_dim3A_876 = vector.broadcast %broadcast_in_dim3A_875 : i32 to vector<16xi32>
        %gather3A_877 = tpu.vector_load_idx %arg15[%iota3A, %broadcast_in_dim3A_876] : memref<16x16xf32, #tpu.memory_space<vmem>>[vector<16xi32>, vector<16xi32>], vector<16xf32>,
        %broadcast_in_dim3A_878 = arith.constant 9 : i32
        %broadcast_in_dim3A_879 = vector.broadcast %broadcast_in_dim3A_878 : i32 to vector<16xi32>
        %gather3A_880 = tpu.vector_load_idx %arg15[%iota3A, %broadcast_in_dim3A_879] : memref<16x16xf32, #tpu.memory_space<vmem>>[vector<16xi32>, vector<16xi32>], vector<16xf32>,
        %broadcast_in_dim3A_881 = arith.constant 10 : i32
        %broadcast_in_dim3A_882 = vector.broadcast %broadcast_in_dim3A_881 : i32 to vector<16xi32>
        %gather3A_883 = tpu.vector_load_idx %arg15[%iota3A, %broadcast_in_dim3A_882] : memref<16x16xf32, #tpu.memory_space<vmem>>[vector<16xi32>, vector<16xi32>], vector<16xf32>,
        %broadcast_in_dim3A_884 = arith.constant 11 : i32
        %broadcast_in_dim3A_885 = vector.broadcast %broadcast_in_dim3A_884 : i32 to vector<16xi32>
        %gather3A_886 = tpu.vector_load_idx %arg15[%iota3A, %broadcast_in_dim3A_885] : memref<16x16xf32, #tpu.memory_space<vmem>>[vector<16xi32>, vector<16xi32>], vector<16xf32>,
        %broadcast_in_dim3A_887 = arith.constant 12 : i32
        %broadcast_in_dim3A_888 = vector.broadcast %broadcast_in_dim3A_887 : i32 to vector<16xi32>
        %gather3A_889 = tpu.vector_load_idx %arg15[%iota3A, %broadcast_in_dim3A_888] : memref<16x16xf32, #tpu.memory_space<vmem>>[vector<16xi32>, vector<16xi32>], vector<16xf32>,
        %broadcast_in_dim3A_890 = arith.constant 13 : i32
        %broadcast_in_dim3A_891 = vector.broadcast %broadcast_in_dim3A_890 : i32 to vector<16xi32>
        %gather3A_892 = tpu.vector_load_idx %arg15[%iota3A, %broadcast_in_dim3A_891] : memref<16x16xf32, #tpu.memory_space<vmem>>[vector<16xi32>, vector<16xi32>], vector<16xf32>,
        %broadcast_in_dim3A_893 = arith.constant 14 : i32
        %broadcast_in_dim3A_894 = vector.broadcast %broadcast_in_dim3A_893 : i32 to vector<16xi32>
        %gather3A_895 = tpu.vector_load_idx %arg15[%iota3A, %broadcast_in_dim3A_894] : memref<16x16xf32, #tpu.memory_space<vmem>>[vector<16xi32>, vector<16xi32>], vector<16xf32>,
        %broadcast_in_dim3A_896 = arith.constant 15 : i32
        %broadcast_in_dim3A_897 = vector.broadcast %broadcast_in_dim3A_896 : i32 to vector<16xi32>
        %gather3A_898 = tpu.vector_load_idx %arg15[%iota3A, %broadcast_in_dim3A_897] : memref<16x16xf32, #tpu.memory_space<vmem>>[vector<16xi32>, vector<16xi32>], vector<16xf32>,
        %add3A_899 = arith.addf %gather3A, %gather3A_856 : vector<16xf32>
        %add3A_900 = arith.addf %gather3A_859, %gather3A_862 : vector<16xf32>
        %add3A_901 = arith.addf %gather3A_865, %gather3A_868 : vector<16xf32>
        %add3A_902 = arith.addf %gather3A_871, %gather3A_874 : vector<16xf32>
        %add3A_903 = arith.addf %gather3A_877, %gather3A_880 : vector<16xf32>
        %add3A_904 = arith.addf %gather3A_883, %gather3A_886 : vector<16xf32>
        %add3A_905 = arith.addf %gather3A_889, %gather3A_892 : vector<16xf32>
        %add3A_906 = arith.addf %gather3A_895, %gather3A_898 : vector<16xf32>
        %add3A_907 = arith.addf %add3A_899, %add3A_900 : vector<16xf32>
        %add3A_908 = arith.addf %add3A_901, %add3A_902 : vector<16xf32>
        %add3A_909 = arith.addf %add3A_903, %add3A_904 : vector<16xf32>
        %add3A_910 = arith.addf %add3A_905, %add3A_906 : vector<16xf32>
        %add3A_911 = arith.addf %add3A_907, %add3A_908 : vector<16xf32>
        %add3A_912 = arith.addf %add3A_909, %add3A_910 : vector<16xf32>
        %add3A_913 = arith.addf %add3A_911, %add3A_912 : vector<16xf32>
        %mul3A_914 = arith.constant 2.000000e+00 : f32
        %mul3A_915 = vector.broadcast %mul3A_914 : f32 to vector<16xf32>
        %mul3A_916 = arith.mulf %mul3A_915, %add3A_913 : vector<16xf32>
        %sub3A = arith.constant 2.000000e+00 : f32
        %sub3A_917 = vector.broadcast %sub3A : f32 to vector<16xf32>
        %sub3A_918 = arith.subf %mul3A_916, %sub3A_917 : vector<16xf32>
        %exp3A = math.exp %sub3A_918 : vector<16xf32>
        %mul3A_919 = arith.constant 16 : i32
        %mul3A_920 = arith.muli %add3A_56, %mul3A_919 : i32
        %add3A_921 = arith.constant 320 : i32
        %add3A_922 = arith.addi %add3A_921, %mul3A_920 : i32
        %swap3A_923 = arith.index_cast %add3A_922 : i32 to index
        %swap3A_924 = tpu.vector_load %arg14[%swap3A_923] {strides = array<i32>} : memref<400xf32, #tpu.memory_space<vmem>>, vector<16xf32>,
        tpu.vector_store %arg14[%swap3A_923], %exp3A {strides = array<i32>} : memref<400xf32, #tpu.memory_space<vmem>>, vector<16xf32>,
      }
      %scan3A_51 = arith.constant 5 : i32
      "tpu.region"() ({
        %run_scoped3A = tpu.sem_alloc : memref<!tpu.dma_semaphore, #tpu.memory_space<semaphore_mem>>
        %dma_start3A_52 = tpu.memref_slice %arg6[%add3A_21] : memref<320000xf32, #tpu.memory_space<hbm>> -> memref<400xf32, #tpu.memory_space<hbm>>
        %dma_start3A_53 = tpu.memref_slice %arg6[%add3A_21] : memref<320000xf32, #tpu.memory_space<hbm>> -> memref<400xf32, #tpu.memory_space<hbm>>
        tpu.enqueue_dma source(%arg14 : memref<400xf32, #tpu.memory_space<vmem>>) target(%dma_start3A_53 : memref<400xf32, #tpu.memory_space<hbm>>) target_semaphore(%run_scoped3A : memref<!tpu.dma_semaphore, #tpu.memory_space<semaphore_mem>>)
        %dma_wait3A_54 = tpu.memref_slice %arg6[%add3A_21] : memref<320000xf32, #tpu.memory_space<hbm>> -> memref<400xf32, #tpu.memory_space<hbm>>
        %dma_wait3A_55 = tpu.memref_slice %arg6[%add3A_21] : memref<320000xf32, #tpu.memory_space<hbm>> -> memref<400xf32, #tpu.memory_space<hbm>>
        tpu.wait_dma2 semaphore(%run_scoped3A : memref<!tpu.dma_semaphore, #tpu.memory_space<semaphore_mem>>) src(%arg14 : memref<400xf32, #tpu.memory_space<vmem>>) dst(%dma_wait3A_55 : memref<400xf32, #tpu.memory_space<hbm>>)
        tpu.yield
      }) : () -> ()
    }
    %scan3A_13 = arith.constant 25 : i32
    return
  }
}

module attributes {stable_mosaic.version = 14 : i64} {
  func.func @_normalize_body(%arg0: memref<10000x128xf32, #tpu.memory_space<vmem>>, %arg1: memref<10000x128xbf16, #tpu.memory_space<vmem>>) attributes {dimension_semantics = [], scalar_prefetch = 0 : i64, scratch_operands = 0 : i64, tpu.core_type = #tpu.core_type<tc>} {
    %get3A = arith.constant 0 : index
    %get3A_0 = arith.constant 0 : index
    %get3A_1 = vector.load %arg0[%get3A, %get3A_0] : memref<10000x128xf32, #tpu.memory_space<vmem>>, vector<10000x128xf32>
    %mul3A = arith.mulf %get3A_1, %get3A_1 : vector<10000x128xf32>
    %reduce_sum3A = arith.constant dense<0.000000e+00> : vector<10000xf32>
    %reduce_sum3A_2 = vector.multi_reduction <add>, %mul3A, %reduce_sum3A [1] : vector<10000x128xf32> to vector<10000xf32>
    %broadcast_in_dim3A = vector.shape_cast %reduce_sum3A_2 : vector<10000xf32> to vector<10000x1xf32>
    %sqrt3A = math.sqrt %broadcast_in_dim3A : vector<10000x1xf32>
    %max3A = arith.constant 9.99999996E-13 : f32
    %max3A_3 = vector.broadcast %max3A : f32 to vector<10000x1xf32>
    %max3A_4 = arith.maximumf %sqrt3A, %max3A_3 : vector<10000x1xf32>
    %div3A = vector.broadcast %max3A_4 : vector<10000x1xf32> to vector<10000x128xf32>
    %div3A_5 = arith.divf %get3A_1, %div3A : vector<10000x128xf32>
    %convert_element_type3A = arith.truncf %div3A_5 : vector<10000x128xf32> to vector<10000x128xbf16>
    %swap3A = arith.constant 0 : index
    %swap3A_6 = arith.constant 0 : index
    %swap3A_7 = vector.load %arg1[%swap3A, %swap3A_6] : memref<10000x128xbf16, #tpu.memory_space<vmem>>, vector<10000x128xbf16>
    tpu.vector_store %arg1[%swap3A, %swap3A_6], %convert_element_type3A {strides = array<i32>} : memref<10000x128xbf16, #tpu.memory_space<vmem>>, vector<10000x128xbf16>,
    return
  }
}

</mosaic_0001>

<sc_bundles>
// kernel: kernel.4.cloned.1.call-start
scs
__scs_entry_jumppad:
0x0: {  	(pc) =	sbr.rel $0x88, $3  }
0x1: {  	(tag) =	ssettag $0x0;
	lr =	simm.s32 $0x1  }
0x2: {  	[smem:$0x3F9F] =	sst lr;
	_ =	strace $0xD0000000  }
0x3: {  	_ = 	snop  }
0x4: {  	_ = 	snop  }
0x5: {  	_ = 	snop  }
0x6: {  	_ = 	snop  }
0x7: {  	_ = 	snop  }
__scs_overlays_trampoline_lowered:
0x8: {  	[smem:$0x3FAE] =	sst s0  }
0x9: {  	[smem:$0x3FAF] =	sst s1  }
0xa: {  	[smem:$0x3FB0] =	sst s2  }
0xb: {  	[smem:$0x3FB1] =	sst s3  }
0xc: {  	[smem:$0x3FB2] =	sst s4  }
0xd: {  	[smem:$0x3FB3] =	sst s5  }
0xe: {  	[smem:$0x3FB4] =	sst s6  }
0xf: {  	[smem:$0x3FB5] =	sst s7  }
0x10: {  	[smem:$0x3FB6] =	sst s8  }
0x11: {  	[smem:$0x3FB7] =	sst s9;
	s0 =	simm.s32 @!p0 $0x0  }
0x12: {  	s1 =	sld [smem:$0x3F9D];
	s0 =	simm.s32 @p0 $0x1  }
0x13: {  	[smem:$0x3FB8] =	sst s0;
	s0 =	simm.s32 @!p1 $0x0  }
0x14: {  	s2 =	sld [smem:$0x3F9C];
	s0 =	simm.s32 @p1 $0x1  }
0x15: {  	[smem:$0x3FB9] =	sst s0;
	s0 =	simm.s32 @!p2 $0x0  }
0x16: {  	s3 =	sld [smem:$0x3FDB];
	s0 =	simm.s32 @p2 $0x1  }
0x17: {  	s4 =	simm.s32 $0x1BF5;
	[smem:$0x3FBB] =	sst s0  }
0x18: {  	s0 =	sld [smem:$0x3F9E];
	_ =	swait.ge [sflag:s4], $0x0  }
0x19: {  	s7 =	sld [smem:$0x3F9F]  }
0x1a: {  	s8 =	sadd.s32 $0xFFFFE003, lr  }
0x1b: {  	s9 =	sadd.s32 $0xFFFFFEF7, lr;
	s5 =	simm.s32 $0xFFFFFFFF;
	p2 =	slt.u32 s8, $0xFFFFF086  }
0x1c: {  	p1 =	slt.u32 s9, $0xF7A;
	s5 =	simm.s32 @!p2 $0x0  }
0x1d: {  	s5 =	simm.s32 @p1 $0x1;
	p0 =	seq.s32 s7, s2  }
0x1e: {  	s7 =	smul.u32 @!p0 $0xF7A, s2;
	p2 =	seq.s32 @!p0 s5, $0x0  }
0x1f: {  	s9 =	smul.u32 $0xF7A, s1;
	s8 =	simm.s32 @!p0 $0x1BF5;
	p2 =	por !p2, p0  }
0x20: {  	[sflag:s8] =	ssyncset.s32 @!p0 $0xFFFFF086;
	s6 =	sadd.s32 @!p0 s3, s7;
	s7 =	simm.s32 @!p0 $0x108  }
0x21: {  	s3 =	sadd.s32 s3, s9;
	s6 =	sadd.s32 @!p0 $0x88, s6;
	s7 =	simm.s32 @p2 $0x1082  }
0x22: {  	[simem:s7], [sflag:s8] =	dma.local @!p0 [hbm:s6], $0xF7A  }
0x23: {  	s9 =	sor.u32 $0xD0000000, s2;
	s6 =	simm.s32 $0x108;
	_ =	swait.ge @!p0 [sflag:s8], $0x0  }
0x24: {  	s3 =	sadd.s32 $0x88, s3;
	s6 =	simm.s32 @!p1 $0x1082;
	[sflag:s4] =	ssyncset.s32 $0xFFFFF086  }
0x25: {  	[simem:s6], [sflag:s4] =	dma.local [hbm:s3], $0xF7A  }
0x26: {  	[smem:$0x3F9F] =	sst s1;
	(tag) =	ssettag s2;
	_ =	strace s9  }
0x27: {  	s1 =	sld [smem:$0x3FAF]  }
0x28: {  	s2 =	sld [smem:$0x3FB0]  }
0x29: {  	s4 =	sld [smem:$0x3FB2]  }
0x2a: {  	p0 =	seq.s32 s5, $0x0;
	s5 =	sld [smem:$0x3FB3]  }
0x2b: {  	s6 =	sld [smem:$0x3FB4]  }
0x2c: {  	s7 =	sld [smem:$0x3FB5]  }
0x2d: {  	s3 =	simm.s32 $0x108;
	s8 =	sld [smem:$0x3FB6]  }
0x2e: {  	s3 =	simm.s32 @!p0 $0x1082;
	s9 =	sld [smem:$0x3FB7]  }
0x2f: {  	lr =	sadd.s32 s0, s3;
	s0 =	sld [smem:$0x3FAE]  }
0x30: {  	s3 =	sld [smem:$0x3FB1]  }
0x31: {  	[smem:$0x3FBA] =	sst s10  }
0x32: {  	s10 =	sld [smem:$0x3FB8];
	_ =	sdelay $0x3  }
0x33: {  	p0 =	seq.s32 s10, $0x1;
	s10 =	sld [smem:$0x3FBA];
	_ =	sdelay $0x3  }
0x34: {  	[smem:$0x3FBA] =	sst s10  }
0x35: {  	s10 =	sld [smem:$0x3FB9];
	_ =	sdelay $0x3  }
0x36: {  	p1 =	seq.s32 s10, $0x1;
	s10 =	sld [smem:$0x3FBA];
	_ =	sdelay $0x3  }
0x37: {  	[smem:$0x3FBA] =	sst s10  }
0x38: {  	s10 =	sld [smem:$0x3FBB]  }
0x39: {  	_ = 	snop;
	(pc) =	sbr.ind lr, $3  }
0x3a: {  	_ = 	snop  }
0x3b: {  	_ = 	snop  }
0x3c: {  	p2 =	seq.s32 s10, $0x1;
	s10 =	sld [smem:$0x3FBA]  }
0x3d: {  	_ =	shalt  }
0x3e: {  	_ =	shalt  }
0x3f: {  	_ =	shalt  }
0x40: {  	_ =	shalt  }
0x41: {  	_ =	shalt  }
0x42: {  	_ =	shalt  }
0x43: {  	_ =	shalt  }
0x44: {  	_ =	shalt  }
0x45: {  	_ =	shalt  }
0x46: {  	_ =	shalt  }
0x47: {  	_ =	shalt  }
0x48: {  	_ =	shalt  }
0x49: {  	_ =	shalt  }
0x4a: {  	_ =	shalt  }
0x4b: {  	_ =	shalt  }
0x4c: {  	_ =	shalt  }
0x4d: {  	_ =	shalt  }
0x4e: {  	_ =	shalt  }
0x4f: {  	_ =	shalt  }
0x50: {  	_ =	shalt  }
0x51: {  	_ =	shalt  }
0x52: {  	_ =	shalt  }
0x53: {  	_ =	shalt  }
0x54: {  	_ =	shalt  }
0x55: {  	_ =	shalt  }
0x56: {  	_ =	shalt  }
0x57: {  	_ =	shalt  }
0x58: {  	_ =	shalt  }
0x59: {  	_ =	shalt  }
0x5a: {  	_ =	shalt  }
0x5b: {  	_ =	shalt  }
0x5c: {  	_ =	shalt  }
0x5d: {  	_ =	shalt  }
0x5e: {  	_ =	shalt  }
0x5f: {  	_ =	shalt  }
0x60: {  	_ =	shalt  }
0x61: {  	_ =	shalt  }
0x62: {  	_ =	shalt  }
0x63: {  	_ =	shalt  }
0x64: {  	_ =	shalt  }
0x65: {  	_ =	shalt  }
0x66: {  	_ =	shalt  }
0x67: {  	_ =	shalt  }
0x68: {  	_ =	shalt  }
0x69: {  	_ =	shalt  }
0x6a: {  	_ =	shalt  }
0x6b: {  	_ =	shalt  }
0x6c: {  	_ =	shalt  }
0x6d: {  	_ =	shalt  }
0x6e: {  	_ =	shalt  }
0x6f: {  	_ =	shalt  }
0x70: {  	_ =	shalt  }
0x71: {  	_ =	shalt  }
0x72: {  	_ =	shalt  }
0x73: {  	_ =	shalt  }
0x74: {  	_ =	shalt  }
0x75: {  	_ =	shalt  }
0x76: {  	_ =	shalt  }
0x77: {  	_ =	shalt  }
0x78: {  	_ =	shalt  }
0x79: {  	_ =	shalt  }
0x7a: {  	_ =	shalt  }
0x7b: {  	_ =	shalt  }
0x7c: {  	_ =	shalt  }
0x7d: {  	_ =	shalt  }
0x7e: {  	_ =	shalt  }
0x7f: {  	_ =	shalt  }
0x80: {  	_ =	shalt  }
0x81: {  	_ =	shalt  }
0x82: {  	_ =	shalt  }
0x83: {  	_ =	shalt  }
0x84: {  	_ =	shalt  }
0x85: {  	_ =	shalt  }
0x86: {  	_ =	shalt  }
0x87: {  	_ =	shalt  }
.Lfunc_end0:
.L_simem_size_0:
called_computation_lowered:
.L_overlay_start_0:
0x88: {  	s2 =	sld [smem:$0x3FD9]  }
0x89: {  	s3 =	sld [smem:$0x3FFE];
	_ =	sdelay $0x1  }
0x8a: {  	s1 =	srdreg.scid  }
0x8b: {  	s0 =	sand.u32 $0x1, s1  }
0x8c: {  	s17 =	sshll.u32 s0, $0xA;
	s2 =	sadd.s32 s3, s2  }
0x8d: {  	s2 =	sadd.s32 s2, s17  }
0x8e: {  	[smem:$0x3FC6] =	sst s2  }
0x8f: {  	_ = 	snop  }
0x90: {  	s2 =	sld [smem:$0x3FD0];
	(tm) =	ssettm $0x1  }
0x91: {  	s18 =	sld [smem:$0x3FFB];
	_ =	sdelay $0x3  }
0x92: {  	_ =	strace s18  }
0x93: {  	s3 =	sld [smem:$0x3FFC];
	_ =	sdelay $0x3  }
0x94: {  	_ =	strace s3  }
0x95: {  	s3 =	sld [smem:$0x3FFD];
	_ =	sdelay $0x3  }
0x96: {  	_ =	strace s3  }
0x97: {  	_ =	strace $0x8FFFFFFF  }
0x98: {  	s19 =	sld [smem:$0x3FDB];
	_ =	sdelay $0x1  }
0x99: {  	s4 =	simm.s32 $_scs_section_size  }
0x9a: {  	s5 =	simm.s32 $_size__tile_overlayer_lowered;
	s6 =	simm.s32 $_tile_overlayer_lowered  }
0x9b: {  	s22 =	simm.s32 $0x1BFF;
	s21 =	sshll.u32 s6, $0x1;
	s3 =	sadd.s32 s4, s19  }
0x9c: {  	s7 =	simm.s32 $0x0;
	s20 =	sshll.u32 s5, $0x1;
	s5 =	sadd.s32 s21, s3  }
0x9d: {  	[timem:s7], [sflag:s22] =	dma.local [hbm:s5], s20  }
0x9e: {  	_ =	swait.ge [sflag:s22], s20  }
0x9f: {  	s4 =	ssub.s32 $0x0, s20;
	[sflag:s22] =	ssyncset.done $0x0  }
0xa0: {  	[sflag:s22] =	ssyncadd.s32 s4;
	_ =	sdelay $0x1  }
0xa1: {  	s23 =	simm.s32 $0x1B8B  }
0xa2: {  	_ =	swait.ge [sflag:s23], $0x1  }
0xa3: {  	[sflag:s23] =	ssyncset.done $0x0  }
0xa4: {  	s25 =	simm.s32 $0x1B8E;
	s24 =	sld [smem:$0x3FFE];
	[sflag:s23] =	ssyncadd.s32 $0xFFFFFFFF  }
0xa5: {  	s26 =	simm.s32 $execute0_lowered;
	[smem:$0x3FD2] =	sst s25  }
0xa6: {  	s5 =	sshll.u32 s26, $0x1;
	_ =	strace $0x80000046;
	[dreg:$0x1] =	wrdreg $0xFFFFFFFF  }
0xa7: {  	s28 =	simm.s32 $_size_execute0_lowered;
	s3 =	sadd.s32 s3, s5;
	[dreg:$0x0] =	wrdreg $0x0  }
0xa8: {  	s5 =	sshll.u32 s28, $0x1;
	[dreg:$0x2] =	wrdreg s3  }
0xa9: {  	[dreg:$0x3] =	wrdreg s5  }
0xaa: {  	[dreg:$0x4] =	wrdreg $0xC0  }
0xab: {  	_ =	task [dreg:s7], $0x5FFFF  }
0xac: {  	[dreg:$0x1] =	wrdreg $0xFFFFFFFF  }
0xad: {  	[dreg:$0x0] =	wrdreg $0x60  }
0xae: {  	[dreg:$0x2] =	wrdreg s24  }
0xaf: {  	[dreg:$0x3] =	wrdreg s2  }
0xb0: {  	[dreg:$0x4] =	wrdreg $0x0  }
0xb1: {  	[dreg:$0x5] =	wrdreg $0x9  }
0xb2: {  	_ =	task.clear_ibuf [dreg:s7], $0x6FFFF;
	_ =	strace $0x90000046  }
0xb3: {  	s29 =	simm.s32 $0x9;
	_ =	strace $0x80000048  }
0xb4: {  	_ =	swait.ge [sflag:s29], $0x1  }
0xb5: {  	[sflag:s29] =	ssyncadd.s32 $0xFFFFFFFF  }
0xb6: {  	_ =	strace $0x90000048  }
0xb7: {  	_ =	sfence  }
0xb8: {  	s30 =	sld [smem:$0x0];
	_ =	sdelay $0x2  }
0xb9: {  	s31 =	sshll.u32 s1, $0xD;
	s1 =	sshrl.u32 s1, $0x2  }
0xba: {  	s3 =	sand.u32 $0x4000, s31;
	s1 =	sadd.s32 s1, s30  }
0xbb: {  	s0 =	sor.u32 s3, s0;
	s1 =	sshll.u32 s1, $0x11  }
0xbc: {  	s0 =	sor.u32 s1, s0  }
0xbd: {  	s0 =	sadd.s32 $0x8F2B, s0  }
0xbe: {  	[sflag:s0] =	ssyncadd.remote.s32 $0x1  }
0xbf: {  	_ =	sfence.sel $0xFFFF  }
0xc0: {  	[dreg:$0x0] =	wrdreg $0xFFFFFFFF;
	(pc) =	sbr.abs _section_cstart, $3  }
0xc1: {  	[dreg:$0x1] =	wrdreg $0xFFFFFFFF  }
0xc2: {  	_ =	task.clear_ibuf [dreg:s7], $0x2FFFF;
	_ =	strace $0x9FFFFFFF  }
0xc3: {  	(tm) =	ssettm $0x7FFFFFFF  }
tec
execute0_lowered:
.L_overlay_start_1:
0x0: {  	(tag) =	ssettag $0x1  }
0x1: {  	s0 =	rddreg [dreg:$0x0]  }
0x2: {  	s1 =	rddreg [dreg:$0x1]  }
0x3: {  	s2 =	rddreg [dreg:$0x2];
	s4 =	simm.s32 $0x0  }
0x4: {  	s3 =	srdreg.scid;
	s10 =	stileid.u32;
	s11 =	simm.s32 $0xF1F0  }
0x5: {  	s12 =	simm.s32 $0x4;
	s13 =	simm.s32 $0x105F0;
	s14 =	simm.s32 $0x3  }
0x6: {  	s15 =	simm.s32 $0x9C40;
	s16 =	simm.s32 $0x9DD0;
	s17 =	simm.s32 $0x50  }
0x7: {  	v0 =	vlaneseq.u32;
	s18 =	simm.s32 $0x9F60;
	s19 =	simm.s32 $0xB360;
	s20 =	simm.s32 $0xC760  }
0x8: {  	s21 =	simm.s32 $0xDB60;
	s22 =	simm.s32 $0x1;
	s23 =	simm.s32 $0xF0F0;
	v0 =	vmul.u32 $0x10, v0  }
0x9: {  	s24 =	simm.s32 $0x2;
	s25 =	simm.s32 $0xEF60;
	s3 =	sand.u32 $0x1, s3  }
0xa: {  	[smem:$0x7FF] =	sst s4;
	s5 =	sadd.s32 $0x13A00, s0;
	s8 =	ssub.s32 $0x2, s3;
	v1 =	vor.u32 $0x1, v0;
	v2 =	vor.u32 $0x2, v0;
	v3 =	vor.u32 $0x3, v0  }
0xb: {  	s7 =	sshll.u32 s10, $0x1;
	s6 =	sadd.s32 $0x31200, s0;
	s9 =	sshrl.u32 s8, $0x1;
	v4 =	vor.u32 $0x4, v0;
	v5 =	vor.u32 $0x5, v0;
	v6 =	vor.u32 $0x6, v0  }
0xc: {  	_ =	strace $0x80000047;
	s3 =	sor.u32 s3, s7;
	v7 =	vor.u32 $0x7, v0;
	v8 =	vor.u32 $0x8, v0;
	v9 =	vor.u32 $0x9, v0;
	s31 =	ssub.s32 s8, s9  }
0xd: {  	s7 =	sadd.s32 $0x27400, s0;
	v10 =	vor.u32 $0xA, v0;
	v11 =	vor.u32 $0xB, v0;
	v12 =	vor.u32 $0xC, v0;
	s8 =	smul.u32 $0x2710, s3;
	s0 =	smax.u32 s31, $0x1  }
0xe: {  	v13 =	vor.u32 $0xD, v0;
	v14 =	vor.u32 $0xE, v0;
	v15 =	vor.u32 $0xF, v0;
	s9 =	smul.u32 $0x280, s10;
	s3 =	simm.s32 $0x0;
	[dreg:$0x4] =	wrdreg s0  }
.LBB2_1:
.Ltmp0:
0xf: {  	(pc) =	sbr.rel .LBB2_2-.Ltmp0, $2  }
0x10: {  	_ =	sdelay $0x2  }
0x11: {  	[dreg:$0x5] =	wrdreg s3;
	s0 =	simm.s32 $0x0  }
.LBB2_5:
0x12: {  	[tilespmem:s10+$0x10620] =	vst v17  }
0x13: {  	[tilespmem:s10+$0x105F0] =	vst v18;
	s3 =	sshll.u32 s3, $0x6  }
0x14: {  	[tilespmem:s10+$0x10600] =	vst v16;
	s3 =	sand.u32 $0x3FFFFFC0, s3  }
0x15: {  	[tilespmem:s10+$0x10610] =	vst v19;
	s3 =	sadd.s32 s3, s2  }
0x16: {  	[spmem:s3] =	stream.linear.scatter [tilespmem:s13], [sflag:$0x3], $0x1400, $0x38;
	[tilespmem:$0x119F0] =	vst v63  }
0x17: {  	_ =	swait.ge [sflag:s14], $0x1400  }
0x18: {  	[sflag:s14] =	ssyncset.done $0x0  }
0x19: {  	[sflag:s14] =	ssyncadd.s32 $0xFFFFEC00  }
.LBB2_6:
0x1a: {  	s0 =	sadd.s32 $0x1, s0  }
0x1b: {  	p0 =	sne.s32 s0, $0x8  }
.Ltmp1:
0x1c: {  	_ = 	snop;
	(pc) =	sbr.rel @!p0 .LBB2_7-.Ltmp1, $1  }
0x1d: {  	_ =	sdelay $0x3  }
.LBB2_2:
0x1e: {  	s3 =	smul.u32 $0x50, s0;
	_ =	sdelay $0x1  }
0x1f: {  	s3 =	sadd.s32 s9, s3  }
0x20: {  	p0 =	sgt.u32 s3, $0x270F  }
.Ltmp2:
0x21: {  	_ = 	snop;
	(pc) =	sbr.rel @p0 .LBB2_6-.Ltmp2, $1  }
0x22: {  	_ =	sdelay $0x3  }
0x23: {  	s10 =	sshll.u32 s3, $0x3  }
0x24: {  	s26 =	simm.s32 $0x0;
	s10 =	sadd.s32 s5, s10  }
0x25: {  	[tilespmem:s11], [sflag:$0x4] =	stream.linear.gather [hbm4b:s10+s26], $0x1400, $0x38;
	[tilespmem:$0x119F0] =	vst v63  }
0x26: {  	_ =	swait.ge [sflag:s12], $0x1400  }
0x27: {  	[sflag:s12] =	ssyncset.done $0x0  }
0x28: {  	s10 =	simm.s32 $0x0;
	[sflag:s12] =	ssyncadd.s32 $0xFFFFEC00  }
0x29: {  	v17 =	vld [tilespmem:s10+$0xF220]  }
0x2a: {  	v18 =	vld [tilespmem:s10+$0xF1F0]  }
0x2b: {  	v16 =	vld [tilespmem:s10+$0xF200]  }
0x2c: {  	s26 =	simm.s32 $0x100;
	v19 =	vld [tilespmem:s10+$0xF210]  }
.LBB2_4:
0x2d: {  	p0 =	sne.s32 s26, $0x4F00  }
.Ltmp3:
0x2e: {  	s28 =	sshra.s32 s26, $0x2;
	s26 =	sadd.s32 $0x100, s26;
	[tilespmem:s10+$0x10620] =	vst v17;
	(pc) =	sbr.rel @p0 .LBB2_4-.Ltmp3, $4  }
0x2f: {  	v17 =	vld [tilespmem:s28+$0xF220];
	[tilespmem:s10+$0x105F0] =	vst v18  }
0x30: {  	v18 =	vld [tilespmem:s28+$0xF1F0];
	[tilespmem:s10+$0x10600] =	vst v16  }
0x31: {  	v16 =	vld [tilespmem:s28+$0xF200];
	[tilespmem:s10+$0x10610] =	vst v19;
	s10 =	smov.u32 s28  }
0x32: {  	v19 =	vld [tilespmem:s10+$0xF210]  }
.Ltmp4:
0x33: {  	_ = 	snop;
	(pc) =	sbr.rel .LBB2_5-.Ltmp4, $1  }
0x34: {  	_ =	sdelay $0x3  }
.LBB2_7:
0x35: {  	[bflag:$0x0] =	sbarrier.arrive $0xFFFF;
	s28 =	simm.s32 $0x0;
	s29 =	simm.s32 $0x0  }
.LBB2_8:
0x36: {  	s0 =	smul.u32 $0x190, s29;
	_ =	sdelay $0x1  }
0x37: {  	s0 =	sadd.s32 s8, s0  }
0x38: {  	s30 =	sshrl.u32 s0, $0x3  }
0x39: {  	s0 =	sadd.s32 s6, s30  }
0x3a: {  	[tilespmem:s15], [sflag:$0x3] =	stream.linear.gather [hbm4b:s0+s28], $0x190, $0x38;
	[tilespmem:$0x119F0] =	vst v63  }
0x3b: {  	_ =	swait.ge [sflag:s14], $0x190  }
0x3c: {  	[sflag:s14] =	ssyncset.done $0x0  }
0x3d: {  	s31 =	sadd.s32 s7, s30;
	[sflag:s14] =	ssyncadd.s32 $0xFFFFFE70  }
0x3e: {  	[tilespmem:s16], [sflag:$0x3] =	stream.linear.gather [hbm4b:s31+s28], $0x190, $0x38;
	[tilespmem:$0x119F0] =	vst v63  }
0x3f: {  	_ =	swait.ge [sflag:s14], $0x190  }
0x40: {  	[sflag:s14] =	ssyncset.done $0x0  }
0x41: {  	[sflag:s14] =	ssyncadd.s32 $0xFFFFFE70  }
0x42: {  	[tilespmem:s18], [sflag:$0x1] =	stream.indirect.gather [spmem:s2], $0x40, s15, s17, $0xb8;
	[tilespmem:$0x119F0] =	vst v63  }
0x43: {  	p1 =	por $0x1, $0x1;
	s0 =	simm.s32 $0x0  }
0x44: {  	[tilespmem:s19], [sflag:$0x1] =	stream.indirect.gather [spmem:s2], $0x40, s16, s17, $0xb8;
	[tilespmem:$0x119F0] =	vst v63  }
.LBB2_9:
0x45: {  	s31 =	smul.u32 $0xA0, s0;
	_ =	sdelay $0x1  }
0x46: {  	s3 =	sadd.s32 $0x9C90, s31  }
0x47: {  	[tilespmem:s20], [sflag:$0x2] =	stream.indirect.gather [spmem:s2], $0x40, s3, s17, $0xb8;
	[tilespmem:$0x119F0] =	vst v63  }
0x48: {  	s10 =	sadd.s32 $0x9E20, s31  }
0x49: {  	[tilespmem:s21], [sflag:$0x2] =	stream.indirect.gather [spmem:s2], $0x40, s10, s17, $0xb8;
	[tilespmem:$0x119F0] =	vst v63  }
0x4a: {  	_ =	swait.ge [sflag:s22], $0x1400  }
0x4b: {  	[sflag:s22] =	ssyncset.done $0x0  }
0x4c: {  	s26 =	smul.u32 $0x280, s0;
	[sflag:s22] =	ssyncadd.s32 $0xFFFFEC00  }
0x4d: {  	p0 =	por p1, p1;
	_ =	swait.ge [sflag:s22], $0x1400  }
0x4e: {  	s0 =	sadd.s32 $0x50, s31;
	s3 =	sshra.s32 s26, $0x2;
	[sflag:s22] =	ssyncset.done $0x0  }
0x4f: {  	s3 =	sadd.s32 $0xEF60, s3;
	s10 =	simm.s32 $0xFC0;
	[sflag:s22] =	ssyncadd.s32 $0xFFFFEC00  }
.LBB2_10:
0x50: {  	s26 =	sshra.s32 s10, $0x2  }
0x51: {  	v16 =	vld [tilespmem:s26+$0x9B70]  }
0x52: {  	v17 =	vld [tilespmem:s26+$0xAF70]  }
0x53: {  	v18 =	vld [tilespmem:s26+$0x9B80]  }
0x54: {  	v19 =	vld [tilespmem:s26+$0xAF80]  }
0x55: {  	v20 =	vld [tilespmem:s26+$0x9B90]  }
0x56: {  	v21 =	vld [tilespmem:s26+$0xAF90]  }
0x57: {  	v22 =	vld [tilespmem:s26+$0x9BA0]  }
0x58: {  	v23 =	vld [tilespmem:s26+$0xAFA0]  }
0x59: {  	v16 =	vmul.bf16 v17, v16;
	v17 =	vmul.bf16 v19, v18;
	_ =	sdelay $0x1  }
0x5a: {  	v16 =	vadd.bf16 v17, v16;
	v17 =	vmul.bf16 v21, v20;
	_ =	sdelay $0x1  }
0x5b: {  	v16 =	vadd.bf16 v17, v16;
	v17 =	vmul.bf16 v23, v22;
	_ =	sdelay $0x1  }
0x5c: {  	v16 =	vadd.bf16 v17, v16;
	_ =	sdelay $0x1  }
0x5d: {  	v17 =	vunpack.i.u.bf16.f32 v16;
	v16 =	vunpack.i.l.bf16.f32 v16  }
0x5e: {  	v16 =	vadd.f32 v16, v17;
	_ =	sdelay $0x1  }
0x5f: {  	[tilespmem:$0xF0F0] =	vst v16  }
0x60: {  	v16 =	vld [tilespmem:s26+$0x9BB0]  }
0x61: {  	v17 =	vld [tilespmem:s26+$0xAFB0]  }
0x62: {  	v40 =	vld [tilespmem:s26+$0x9BC0]  }
0x63: {  	v41 =	vld [tilespmem:s26+$0xAFC0]  }
0x64: {  	v42 =	vld [tilespmem:s26+$0x9BD0]  }
0x65: {  	v43 =	vld [tilespmem:s26+$0xAFD0]  }
0x66: {  	v44 =	vld [tilespmem:s26+$0x9BE0]  }
0x67: {  	v45 =	vld [tilespmem:s26+$0xAFE0]  }
0x68: {  	v16 =	vmul.bf16 v17, v16;
	v17 =	vmul.bf16 v41, v40;
	_ =	sdelay $0x1  }
0x69: {  	v16 =	vadd.bf16 v17, v16;
	v17 =	vmul.bf16 v43, v42;
	_ =	sdelay $0x1  }
0x6a: {  	v16 =	vadd.bf16 v17, v16;
	v17 =	vmul.bf16 v45, v44;
	_ =	sdelay $0x1  }
0x6b: {  	v16 =	vadd.bf16 v17, v16;
	_ =	sdelay $0x1  }
0x6c: {  	v17 =	vunpack.i.u.bf16.f32 v16;
	v16 =	vunpack.i.l.bf16.f32 v16  }
0x6d: {  	v16 =	vadd.f32 v16, v17;
	_ =	sdelay $0x1  }
0x6e: {  	[tilespmem:$0xF100] =	vst v16  }
0x6f: {  	v16 =	vld [tilespmem:s26+$0x9BF0]  }
0x70: {  	v17 =	vld [tilespmem:s26+$0xAFF0]  }
0x71: {  	v46 =	vld [tilespmem:s26+$0x9C00]  }
0x72: {  	v47 =	vld [tilespmem:s26+$0xB000]  }
0x73: {  	v48 =	vld [tilespmem:s26+$0x9C10]  }
0x74: {  	v49 =	vld [tilespmem:s26+$0xB010]  }
0x75: {  	v50 =	vld [tilespmem:s26+$0x9C20]  }
0x76: {  	v51 =	vld [tilespmem:s26+$0xB020]  }
0x77: {  	v16 =	vmul.bf16 v17, v16;
	v17 =	vmul.bf16 v47, v46;
	_ =	sdelay $0x1  }
0x78: {  	v16 =	vadd.bf16 v17, v16;
	v17 =	vmul.bf16 v49, v48;
	_ =	sdelay $0x1  }
0x79: {  	v16 =	vadd.bf16 v17, v16;
	v17 =	vmul.bf16 v51, v50;
	_ =	sdelay $0x1  }
0x7a: {  	v16 =	vadd.bf16 v17, v16;
	_ =	sdelay $0x1  }
0x7b: {  	v17 =	vunpack.i.u.bf16.f32 v16;
	v16 =	vunpack.i.l.bf16.f32 v16  }
0x7c: {  	v16 =	vadd.f32 v16, v17;
	_ =	sdelay $0x1  }
0x7d: {  	[tilespmem:$0xF110] =	vst v16  }
0x7e: {  	v16 =	vld [tilespmem:s26+$0x9C30]  }
0x7f: {  	v17 =	vld [tilespmem:s26+$0xB030]  }
0x80: {  	v52 =	vld [tilespmem:s26+$0x9C40]  }
0x81: {  	v53 =	vld [tilespmem:s26+$0xB040]  }
0x82: {  	v54 =	vld [tilespmem:s26+$0x9C50]  }
0x83: {  	v55 =	vld [tilespmem:s26+$0xB050]  }
0x84: {  	v56 =	vld [tilespmem:s26+$0x9C60]  }
0x85: {  	v57 =	vld [tilespmem:s26+$0xB060]  }
0x86: {  	v16 =	vmul.bf16 v17, v16;
	v17 =	vmul.bf16 v53, v52;
	_ =	sdelay $0x1  }
0x87: {  	v16 =	vadd.bf16 v17, v16;
	v17 =	vmul.bf16 v55, v54;
	_ =	sdelay $0x1  }
0x88: {  	v16 =	vadd.bf16 v17, v16;
	v17 =	vmul.bf16 v57, v56;
	_ =	sdelay $0x1  }
0x89: {  	v16 =	vadd.bf16 v17, v16;
	_ =	sdelay $0x1  }
0x8a: {  	v17 =	vunpack.i.u.bf16.f32 v16;
	v16 =	vunpack.i.l.bf16.f32 v16  }
0x8b: {  	v16 =	vadd.f32 v16, v17;
	_ =	sdelay $0x1  }
0x8c: {  	[tilespmem:$0xF120] =	vst v16  }
0x8d: {  	v16 =	vld [tilespmem:s26+$0x9C70]  }
0x8e: {  	v17 =	vld [tilespmem:s26+$0xB070]  }
0x8f: {  	v58 =	vld [tilespmem:s26+$0x9C80]  }
0x90: {  	v59 =	vld [tilespmem:s26+$0xB080]  }
0x91: {  	v60 =	vld [tilespmem:s26+$0x9C90]  }
0x92: {  	v61 =	vld [tilespmem:s26+$0xB090]  }
0x93: {  	v62 =	vld [tilespmem:s26+$0x9CA0]  }
0x94: {  	v63 =	vld [tilespmem:s26+$0xB0A0]  }
0x95: {  	v16 =	vmul.bf16 v17, v16;
	v17 =	vmul.bf16 v59, v58;
	_ =	sdelay $0x1  }
0x96: {  	v16 =	vadd.bf16 v17, v16;
	v17 =	vmul.bf16 v61, v60;
	_ =	sdelay $0x1  }
0x97: {  	v16 =	vadd.bf16 v17, v16;
	v17 =	vmul.bf16 v63, v62;
	_ =	sdelay $0x1  }
0x98: {  	v16 =	vadd.bf16 v17, v16;
	_ =	sdelay $0x1  }
0x99: {  	v17 =	vunpack.i.u.bf16.f32 v16;
	v16 =	vunpack.i.l.bf16.f32 v16  }
0x9a: {  	v16 =	vadd.f32 v16, v17;
	_ =	sdelay $0x1  }
0x9b: {  	[tilespmem:$0xF130] =	vst v16  }
0x9c: {  	v16 =	vld [tilespmem:s26+$0x9CB0]  }
0x9d: {  	v17 =	vld [tilespmem:s26+$0xB0B0]  }
0x9e: {  	v24 =	vld [tilespmem:s26+$0x9CC0]  }
0x9f: {  	v25 =	vld [tilespmem:s26+$0xB0C0]  }
0xa0: {  	v26 =	vld [tilespmem:s26+$0x9CD0]  }
0xa1: {  	v27 =	vld [tilespmem:s26+$0xB0D0]  }
0xa2: {  	v28 =	vld [tilespmem:s26+$0x9CE0]  }
0xa3: {  	v29 =	vld [tilespmem:s26+$0xB0E0]  }
0xa4: {  	v16 =	vmul.bf16 v17, v16;
	v17 =	vmul.bf16 v25, v24;
	_ =	sdelay $0x1  }
0xa5: {  	v16 =	vadd.bf16 v17, v16;
	v17 =	vmul.bf16 v27, v26;
	_ =	sdelay $0x1  }
0xa6: {  	v16 =	vadd.bf16 v17, v16;
	v17 =	vmul.bf16 v29, v28;
	_ =	sdelay $0x1  }
0xa7: {  	v16 =	vadd.bf16 v17, v16;
	_ =	sdelay $0x1  }
0xa8: {  	v17 =	vunpack.i.u.bf16.f32 v16;
	v16 =	vunpack.i.l.bf16.f32 v16  }
0xa9: {  	v16 =	vadd.f32 v16, v17;
	_ =	sdelay $0x1  }
0xaa: {  	[tilespmem:$0xF140] =	vst v16  }
0xab: {  	v16 =	vld [tilespmem:s26+$0x9CF0]  }
0xac: {  	v17 =	vld [tilespmem:s26+$0xB0F0]  }
0xad: {  	v30 =	vld [tilespmem:s26+$0x9D00]  }
0xae: {  	v31 =	vld [tilespmem:s26+$0xB100]  }
0xaf: {  	v32 =	vld [tilespmem:s26+$0x9D10]  }
0xb0: {  	v33 =	vld [tilespmem:s26+$0xB110]  }
0xb1: {  	v34 =	vld [tilespmem:s26+$0x9D20]  }
0xb2: {  	v35 =	vld [tilespmem:s26+$0xB120]  }
0xb3: {  	v16 =	vmul.bf16 v17, v16;
	v17 =	vmul.bf16 v31, v30;
	_ =	sdelay $0x1  }
0xb4: {  	v16 =	vadd.bf16 v17, v16;
	v17 =	vmul.bf16 v33, v32;
	_ =	sdelay $0x1  }
0xb5: {  	v16 =	vadd.bf16 v17, v16;
	v17 =	vmul.bf16 v35, v34;
	_ =	sdelay $0x1  }
0xb6: {  	v16 =	vadd.bf16 v17, v16;
	_ =	sdelay $0x1  }
0xb7: {  	v17 =	vunpack.i.u.bf16.f32 v16;
	v16 =	vunpack.i.l.bf16.f32 v16  }
0xb8: {  	v16 =	vadd.f32 v16, v17;
	_ =	sdelay $0x1  }
0xb9: {  	[tilespmem:$0xF150] =	vst v16  }
0xba: {  	v16 =	vld [tilespmem:s26+$0x9D30]  }
0xbb: {  	v17 =	vld [tilespmem:s26+$0xB130]  }
0xbc: {  	v36 =	vld [tilespmem:s26+$0x9D40]  }
0xbd: {  	v37 =	vld [tilespmem:s26+$0xB140]  }
0xbe: {  	v38 =	vld [tilespmem:s26+$0x9D50]  }
0xbf: {  	v39 =	vld [tilespmem:s26+$0xB150]  }
0xc0: {  	v40 =	vld [tilespmem:s26+$0x9D60]  }
0xc1: {  	v41 =	vld [tilespmem:s26+$0xB160]  }
0xc2: {  	v16 =	vmul.bf16 v17, v16;
	v17 =	vmul.bf16 v37, v36;
	_ =	sdelay $0x1  }
0xc3: {  	v16 =	vadd.bf16 v17, v16;
	v17 =	vmul.bf16 v39, v38;
	_ =	sdelay $0x1  }
0xc4: {  	v16 =	vadd.bf16 v17, v16;
	v17 =	vmul.bf16 v41, v40;
	_ =	sdelay $0x1  }
0xc5: {  	v16 =	vadd.bf16 v17, v16;
	_ =	sdelay $0x1  }
0xc6: {  	v17 =	vunpack.i.u.bf16.f32 v16;
	v16 =	vunpack.i.l.bf16.f32 v16  }
0xc7: {  	v16 =	vadd.f32 v16, v17;
	_ =	sdelay $0x1  }
0xc8: {  	[tilespmem:$0xF160] =	vst v16  }
0xc9: {  	v16 =	vld [tilespmem:s26+$0x9D70]  }
0xca: {  	v17 =	vld [tilespmem:s26+$0xB170]  }
0xcb: {  	v42 =	vld [tilespmem:s26+$0x9D80]  }
0xcc: {  	v43 =	vld [tilespmem:s26+$0xB180]  }
0xcd: {  	v44 =	vld [tilespmem:s26+$0x9D90]  }
0xce: {  	v45 =	vld [tilespmem:s26+$0xB190]  }
0xcf: {  	v46 =	vld [tilespmem:s26+$0x9DA0]  }
0xd0: {  	v47 =	vld [tilespmem:s26+$0xB1A0]  }
0xd1: {  	v16 =	vmul.bf16 v17, v16;
	v17 =	vmul.bf16 v43, v42;
	_ =	sdelay $0x1  }
0xd2: {  	v16 =	vadd.bf16 v17, v16;
	v17 =	vmul.bf16 v45, v44;
	_ =	sdelay $0x1  }
0xd3: {  	v16 =	vadd.bf16 v17, v16;
	v17 =	vmul.bf16 v47, v46;
	_ =	sdelay $0x1  }
0xd4: {  	v16 =	vadd.bf16 v17, v16;
	_ =	sdelay $0x1  }
0xd5: {  	v17 =	vunpack.i.u.bf16.f32 v16;
	v16 =	vunpack.i.l.bf16.f32 v16  }
0xd6: {  	v16 =	vadd.f32 v16, v17;
	_ =	sdelay $0x1  }
0xd7: {  	[tilespmem:$0xF170] =	vst v16  }
0xd8: {  	v16 =	vld [tilespmem:s26+$0x9DB0]  }
0xd9: {  	v17 =	vld [tilespmem:s26+$0xB1B0]  }
0xda: {  	v48 =	vld [tilespmem:s26+$0x9DC0]  }
0xdb: {  	v49 =	vld [tilespmem:s26+$0xB1C0]  }
0xdc: {  	v50 =	vld [tilespmem:s26+$0x9DD0]  }
0xdd: {  	v51 =	vld [tilespmem:s26+$0xB1D0]  }
0xde: {  	v52 =	vld [tilespmem:s26+$0x9DE0]  }
0xdf: {  	v53 =	vld [tilespmem:s26+$0xB1E0]  }
0xe0: {  	v16 =	vmul.bf16 v17, v16;
	v17 =	vmul.bf16 v49, v48;
	_ =	sdelay $0x1  }
0xe1: {  	v16 =	vadd.bf16 v17, v16;
	v17 =	vmul.bf16 v51, v50;
	_ =	sdelay $0x1  }
0xe2: {  	v16 =	vadd.bf16 v17, v16;
	v17 =	vmul.bf16 v53, v52;
	_ =	sdelay $0x1  }
0xe3: {  	v16 =	vadd.bf16 v17, v16;
	_ =	sdelay $0x1  }
0xe4: {  	v17 =	vunpack.i.u.bf16.f32 v16;
	v16 =	vunpack.i.l.bf16.f32 v16  }
0xe5: {  	v16 =	vadd.f32 v16, v17;
	_ =	sdelay $0x1  }
0xe6: {  	[tilespmem:$0xF180] =	vst v16  }
0xe7: {  	v16 =	vld [tilespmem:s26+$0x9DF0]  }
0xe8: {  	v17 =	vld [tilespmem:s26+$0xB1F0]  }
0xe9: {  	v54 =	vld [tilespmem:s26+$0x9E00]  }
0xea: {  	v55 =	vld [tilespmem:s26+$0xB200]  }
0xeb: {  	v56 =	vld [tilespmem:s26+$0x9E10]  }
0xec: {  	v57 =	vld [tilespmem:s26+$0xB210]  }
0xed: {  	v58 =	vld [tilespmem:s26+$0x9E20]  }
0xee: {  	v59 =	vld [tilespmem:s26+$0xB220]  }
0xef: {  	v16 =	vmul.bf16 v17, v16;
	v17 =	vmul.bf16 v55, v54;
	_ =	sdelay $0x1  }
0xf0: {  	v16 =	vadd.bf16 v17, v16;
	v17 =	vmul.bf16 v57, v56;
	_ =	sdelay $0x1  }
0xf1: {  	v16 =	vadd.bf16 v17, v16;
	v17 =	vmul.bf16 v59, v58;
	_ =	sdelay $0x1  }
0xf2: {  	v16 =	vadd.bf16 v17, v16;
	_ =	sdelay $0x1  }
0xf3: {  	v17 =	vunpack.i.u.bf16.f32 v16;
	v16 =	vunpack.i.l.bf16.f32 v16  }
0xf4: {  	v16 =	vadd.f32 v16, v17;
	_ =	sdelay $0x1  }
0xf5: {  	[tilespmem:$0xF190] =	vst v16  }
0xf6: {  	v16 =	vld [tilespmem:s26+$0x9E30]  }
0xf7: {  	v17 =	vld [tilespmem:s26+$0xB230]  }
0xf8: {  	v60 =	vld [tilespmem:s26+$0x9E40]  }
0xf9: {  	v61 =	vld [tilespmem:s26+$0xB240]  }
0xfa: {  	v62 =	vld [tilespmem:s26+$0x9E50]  }
0xfb: {  	v63 =	vld [tilespmem:s26+$0xB250]  }
0xfc: {  	v24 =	vld [tilespmem:s26+$0x9E60]  }
0xfd: {  	v25 =	vld [tilespmem:s26+$0xB260]  }
0xfe: {  	v16 =	vmul.bf16 v17, v16;
	v17 =	vmul.bf16 v61, v60;
	_ =	sdelay $0x1  }
0xff: {  	v16 =	vadd.bf16 v17, v16;
	v17 =	vmul.bf16 v63, v62;
	_ =	sdelay $0x1  }
0x100: {  	v16 =	vadd.bf16 v17, v16;
	v17 =	vmul.bf16 v25, v24;
	_ =	sdelay $0x1  }
0x101: {  	v16 =	vadd.bf16 v17, v16;
	_ =	sdelay $0x1  }
0x102: {  	v17 =	vunpack.i.u.bf16.f32 v16;
	v16 =	vunpack.i.l.bf16.f32 v16  }
0x103: {  	v16 =	vadd.f32 v16, v17;
	_ =	sdelay $0x1  }
0x104: {  	[tilespmem:$0xF1A0] =	vst v16  }
0x105: {  	v16 =	vld [tilespmem:s26+$0x9E70]  }
0x106: {  	v17 =	vld [tilespmem:s26+$0xB270]  }
0x107: {  	v26 =	vld [tilespmem:s26+$0x9E80]  }
0x108: {  	v27 =	vld [tilespmem:s26+$0xB280]  }
0x109: {  	v28 =	vld [tilespmem:s26+$0x9E90]  }
0x10a: {  	v29 =	vld [tilespmem:s26+$0xB290]  }
0x10b: {  	v30 =	vld [tilespmem:s26+$0x9EA0]  }
0x10c: {  	v31 =	vld [tilespmem:s26+$0xB2A0]  }
0x10d: {  	v16 =	vmul.bf16 v17, v16;
	v17 =	vmul.bf16 v27, v26;
	_ =	sdelay $0x1  }
0x10e: {  	v16 =	vadd.bf16 v17, v16;
	v17 =	vmul.bf16 v29, v28;
	_ =	sdelay $0x1  }
0x10f: {  	v16 =	vadd.bf16 v17, v16;
	v17 =	vmul.bf16 v31, v30;
	_ =	sdelay $0x1  }
0x110: {  	v16 =	vadd.bf16 v17, v16;
	_ =	sdelay $0x1  }
0x111: {  	v17 =	vunpack.i.u.bf16.f32 v16;
	v16 =	vunpack.i.l.bf16.f32 v16  }
0x112: {  	v16 =	vadd.f32 v16, v17;
	_ =	sdelay $0x1  }
0x113: {  	[tilespmem:$0xF1B0] =	vst v16  }
0x114: {  	v16 =	vld [tilespmem:s26+$0x9EB0]  }
0x115: {  	v17 =	vld [tilespmem:s26+$0xB2B0]  }
0x116: {  	v32 =	vld [tilespmem:s26+$0x9EC0]  }
0x117: {  	v33 =	vld [tilespmem:s26+$0xB2C0]  }
0x118: {  	v34 =	vld [tilespmem:s26+$0x9ED0]  }
0x119: {  	v35 =	vld [tilespmem:s26+$0xB2D0]  }
0x11a: {  	v36 =	vld [tilespmem:s26+$0x9EE0]  }
0x11b: {  	v37 =	vld [tilespmem:s26+$0xB2E0]  }
0x11c: {  	v16 =	vmul.bf16 v17, v16;
	v17 =	vmul.bf16 v33, v32;
	_ =	sdelay $0x1  }
0x11d: {  	v16 =	vadd.bf16 v17, v16;
	v17 =	vmul.bf16 v35, v34;
	_ =	sdelay $0x1  }
0x11e: {  	v16 =	vadd.bf16 v17, v16;
	v17 =	vmul.bf16 v37, v36;
	_ =	sdelay $0x1  }
0x11f: {  	v16 =	vadd.bf16 v17, v16;
	_ =	sdelay $0x1  }
0x120: {  	v17 =	vunpack.i.u.bf16.f32 v16;
	v16 =	vunpack.i.l.bf16.f32 v16  }
0x121: {  	v16 =	vadd.f32 v16, v17;
	_ =	sdelay $0x1  }
0x122: {  	[tilespmem:$0xF1C0] =	vst v16  }
0x123: {  	v16 =	vld [tilespmem:s26+$0x9EF0]  }
0x124: {  	v17 =	vld [tilespmem:s26+$0xB2F0]  }
0x125: {  	v38 =	vld [tilespmem:s26+$0x9F00]  }
0x126: {  	v39 =	vld [tilespmem:s26+$0xB300]  }
0x127: {  	v40 =	vld [tilespmem:s26+$0x9F10]  }
0x128: {  	v41 =	vld [tilespmem:s26+$0xB310]  }
0x129: {  	v42 =	vld [tilespmem:s26+$0x9F20]  }
0x12a: {  	v43 =	vld [tilespmem:s26+$0xB320]  }
0x12b: {  	v16 =	vmul.bf16 v17, v16;
	v17 =	vmul.bf16 v39, v38;
	_ =	sdelay $0x1  }
0x12c: {  	v16 =	vadd.bf16 v17, v16;
	v17 =	vmul.bf16 v41, v40;
	_ =	sdelay $0x1  }
0x12d: {  	v16 =	vadd.bf16 v17, v16;
	v17 =	vmul.bf16 v43, v42;
	_ =	sdelay $0x1  }
0x12e: {  	v16 =	vadd.bf16 v17, v16;
	_ =	sdelay $0x1  }
0x12f: {  	v17 =	vunpack.i.u.bf16.f32 v16;
	v16 =	vunpack.i.l.bf16.f32 v16  }
0x130: {  	v16 =	vadd.f32 v16, v17;
	_ =	sdelay $0x1  }
0x131: {  	[tilespmem:$0xF1D0] =	vst v16  }
0x132: {  	v16 =	vld [tilespmem:s26+$0x9F30]  }
0x133: {  	v17 =	vld [tilespmem:s26+$0xB330]  }
0x134: {  	v44 =	vld [tilespmem:s26+$0x9F40]  }
0x135: {  	v45 =	vld [tilespmem:s26+$0xB340]  }
0x136: {  	v46 =	vld [tilespmem:s26+$0x9F50]  }
0x137: {  	v47 =	vld [tilespmem:s26+$0xB350]  }
0x138: {  	v48 =	vld [tilespmem:s26+$0x9F60]  }
0x139: {  	v49 =	vld [tilespmem:s26+$0xB360]  }
0x13a: {  	v16 =	vmul.bf16 v17, v16;
	v17 =	vmul.bf16 v45, v44;
	_ =	sdelay $0x1  }
0x13b: {  	v16 =	vadd.bf16 v17, v16;
	v17 =	vmul.bf16 v47, v46;
	_ =	sdelay $0x1  }
0x13c: {  	v16 =	vadd.bf16 v17, v16;
	v17 =	vmul.bf16 v49, v48;
	_ =	sdelay $0x1  }
0x13d: {  	v16 =	vadd.bf16 v17, v16;
	_ =	sdelay $0x1  }
0x13e: {  	v17 =	vunpack.i.u.bf16.f32 v16;
	v16 =	vunpack.i.l.bf16.f32 v16  }
0x13f: {  	v16 =	vadd.f32 v16, v17;
	_ =	sdelay $0x1  }
0x140: {  	[tilespmem:$0xF1E0] =	vst v16  }
0x141: {  	v16 =	vld.idx.msk [tilespmem:v0+s23+$0x0], $0xffff  }
0x142: {  	v17 =	vld.idx.msk [tilespmem:v1+s23+$0x0], $0xffff  }
0x143: {  	v50 =	vld.idx.msk [tilespmem:v2+s23+$0x0], $0xffff  }
0x144: {  	v51 =	vld.idx.msk [tilespmem:v3+s23+$0x0], $0xffff  }
0x145: {  	v52 =	vld.idx.msk [tilespmem:v4+s23+$0x0], $0xffff  }
0x146: {  	v53 =	vld.idx.msk [tilespmem:v5+s23+$0x0], $0xffff  }
0x147: {  	v54 =	vld.idx.msk [tilespmem:v6+s23+$0x0], $0xffff  }
0x148: {  	v55 =	vld.idx.msk [tilespmem:v7+s23+$0x0], $0xffff  }
0x149: {  	v24 =	vld.idx.msk [tilespmem:v8+s23+$0x0], $0xffff  }
0x14a: {  	v25 =	vld.idx.msk [tilespmem:v9+s23+$0x0], $0xffff  }
0x14b: {  	v26 =	vld.idx.msk [tilespmem:v10+s23+$0x0], $0xffff  }
0x14c: {  	v27 =	vld.idx.msk [tilespmem:v11+s23+$0x0], $0xffff  }
0x14d: {  	v28 =	vld.idx.msk [tilespmem:v12+s23+$0x0], $0xffff  }
0x14e: {  	v29 =	vld.idx.msk [tilespmem:v13+s23+$0x0], $0xffff  }
0x14f: {  	v30 =	vld.idx.msk [tilespmem:v14+s23+$0x0], $0xffff  }
0x150: {  	v31 =	vld.idx.msk [tilespmem:v15+s23+$0x0], $0xffff;
	_ =	sdelay $0x1  }
0x151: {  	v16 =	vadd.f32 v17, v16;
	v17 =	vadd.f32 v51, v50  }
0x152: {  	v56 =	vadd.f32 v53, v52;
	v57 =	vadd.f32 v55, v54  }
0x153: {  	v58 =	vadd.f32 v25, v24;
	v59 =	vadd.f32 v27, v26  }
0x154: {  	v60 =	vadd.f32 v29, v28;
	v61 =	vadd.f32 v31, v30  }
0x155: {  	v16 =	vadd.f32 v17, v16;
	v17 =	vadd.f32 v57, v56  }
0x156: {  	v62 =	vadd.f32 v59, v58;
	v63 =	vadd.f32 v61, v60;
	_ =	sdelay $0x1  }
0x157: {  	v16 =	vadd.f32 v17, v16;
	v17 =	vadd.f32 v63, v62;
	_ =	sdelay $0x1  }
0x158: {  	v16 =	vadd.f32 v17, v16;
	_ =	sdelay $0x1  }
0x159: {  	v16 =	vadd.f32 v16, v16;
	_ =	sdelay $0x1  }
0x15a: {  	v16 =	vadd.f32 $-2.000000000e+00, v16;
	_ =	sdelay $0x1  }
0x15b: {  	v16 =	vmul.f32 $1.442695020e+00, v16;
	_ =	sdelay $0x1  }
0x15c: {  	(erf) = vpow2.f32 v16;
	_ =	sdelay $0x4  }
0x15d: {  	p1 =	sne.s32 s10, $0x4FC0  }
.Ltmp5:
0x15e: {  	_ = 	snop;
	(pc) =	sbr.rel @p1 .LBB2_10-.Ltmp5, $3  }
0x15f: {  	_ =	sdelay $0x1  }
0x160: {  	v16 =	vpop (erf)  }
0x161: {  	s10 =	sadd.s32 $0x1000, s10;
	[tilespmem:s3+$0x0] =	vst v16;
	s3 =	sadd.s32 $0x10, s3  }
0x162: {  	s3 =	sadd.s32 $0x9CE0, s31  }
0x163: {  	[tilespmem:s18], [sflag:$0x1] =	stream.indirect.gather [spmem:s2], $0x40, s3, s17, $0xb8;
	[tilespmem:$0x119F0] =	vst v63  }
0x164: {  	s31 =	sadd.s32 $0x9E70, s31  }
0x165: {  	[tilespmem:s19], [sflag:$0x1] =	stream.indirect.gather [spmem:s2], $0x40, s31, s17, $0xb8;
	[tilespmem:$0x119F0] =	vst v63  }
0x166: {  	_ =	swait.ge [sflag:s24], $0x1400  }
0x167: {  	[sflag:s24] =	ssyncset.done $0x0  }
0x168: {  	[sflag:s24] =	ssyncadd.s32 $0xFFFFEC00  }
0x169: {  	_ =	swait.ge [sflag:s24], $0x1400  }
0x16a: {  	[sflag:s24] =	ssyncset.done $0x0  }
0x16b: {  	s0 =	sadd.s32 $0xEF60, s0;
	s3 =	simm.s32 $0xFC0;
	[sflag:s24] =	ssyncadd.s32 $0xFFFFEC00  }
.LBB2_12:
0x16c: {  	s10 =	sshra.s32 s3, $0x2  }
0x16d: {  	v16 =	vld [tilespmem:s10+$0xC370]  }
0x16e: {  	v17 =	vld [tilespmem:s10+$0xD770]  }
0x16f: {  	v18 =	vld [tilespmem:s10+$0xC380]  }
0x170: {  	v19 =	vld [tilespmem:s10+$0xD780]  }
0x171: {  	v20 =	vld [tilespmem:s10+$0xC390]  }
0x172: {  	v21 =	vld [tilespmem:s10+$0xD790]  }
0x173: {  	v22 =	vld [tilespmem:s10+$0xC3A0]  }
0x174: {  	v23 =	vld [tilespmem:s10+$0xD7A0]  }
0x175: {  	v16 =	vmul.bf16 v17, v16;
	v17 =	vmul.bf16 v19, v18;
	_ =	sdelay $0x1  }
0x176: {  	v16 =	vadd.bf16 v17, v16;
	v17 =	vmul.bf16 v21, v20;
	_ =	sdelay $0x1  }
0x177: {  	v16 =	vadd.bf16 v17, v16;
	v17 =	vmul.bf16 v23, v22;
	_ =	sdelay $0x1  }
0x178: {  	v16 =	vadd.bf16 v17, v16;
	_ =	sdelay $0x1  }
0x179: {  	v17 =	vunpack.i.u.bf16.f32 v16;
	v16 =	vunpack.i.l.bf16.f32 v16  }
0x17a: {  	v16 =	vadd.f32 v16, v17;
	_ =	sdelay $0x1  }
0x17b: {  	[tilespmem:$0xF0F0] =	vst v16  }
0x17c: {  	v16 =	vld [tilespmem:s10+$0xC3B0]  }
0x17d: {  	v17 =	vld [tilespmem:s10+$0xD7B0]  }
0x17e: {  	v40 =	vld [tilespmem:s10+$0xC3C0]  }
0x17f: {  	v41 =	vld [tilespmem:s10+$0xD7C0]  }
0x180: {  	v42 =	vld [tilespmem:s10+$0xC3D0]  }
0x181: {  	v43 =	vld [tilespmem:s10+$0xD7D0]  }
0x182: {  	v44 =	vld [tilespmem:s10+$0xC3E0]  }
0x183: {  	v45 =	vld [tilespmem:s10+$0xD7E0]  }
0x184: {  	v16 =	vmul.bf16 v17, v16;
	v17 =	vmul.bf16 v41, v40;
	_ =	sdelay $0x1  }
0x185: {  	v16 =	vadd.bf16 v17, v16;
	v17 =	vmul.bf16 v43, v42;
	_ =	sdelay $0x1  }
0x186: {  	v16 =	vadd.bf16 v17, v16;
	v17 =	vmul.bf16 v45, v44;
	_ =	sdelay $0x1  }
0x187: {  	v16 =	vadd.bf16 v17, v16;
	_ =	sdelay $0x1  }
0x188: {  	v17 =	vunpack.i.u.bf16.f32 v16;
	v16 =	vunpack.i.l.bf16.f32 v16  }
0x189: {  	v16 =	vadd.f32 v16, v17;
	_ =	sdelay $0x1  }
0x18a: {  	[tilespmem:$0xF100] =	vst v16  }
0x18b: {  	v16 =	vld [tilespmem:s10+$0xC3F0]  }
0x18c: {  	v17 =	vld [tilespmem:s10+$0xD7F0]  }
0x18d: {  	v46 =	vld [tilespmem:s10+$0xC400]  }
0x18e: {  	v47 =	vld [tilespmem:s10+$0xD800]  }
0x18f: {  	v48 =	vld [tilespmem:s10+$0xC410]  }
0x190: {  	v49 =	vld [tilespmem:s10+$0xD810]  }
0x191: {  	v50 =	vld [tilespmem:s10+$0xC420]  }
0x192: {  	v51 =	vld [tilespmem:s10+$0xD820]  }
0x193: {  	v16 =	vmul.bf16 v17, v16;
	v17 =	vmul.bf16 v47, v46;
	_ =	sdelay $0x1  }
0x194: {  	v16 =	vadd.bf16 v17, v16;
	v17 =	vmul.bf16 v49, v48;
	_ =	sdelay $0x1  }
0x195: {  	v16 =	vadd.bf16 v17, v16;
	v17 =	vmul.bf16 v51, v50;
	_ =	sdelay $0x1  }
0x196: {  	v16 =	vadd.bf16 v17, v16;
	_ =	sdelay $0x1  }
0x197: {  	v17 =	vunpack.i.u.bf16.f32 v16;
	v16 =	vunpack.i.l.bf16.f32 v16  }
0x198: {  	v16 =	vadd.f32 v16, v17;
	_ =	sdelay $0x1  }
0x199: {  	[tilespmem:$0xF110] =	vst v16  }
0x19a: {  	v16 =	vld [tilespmem:s10+$0xC430]  }
0x19b: {  	v17 =	vld [tilespmem:s10+$0xD830]  }
0x19c: {  	v52 =	vld [tilespmem:s10+$0xC440]  }
0x19d: {  	v53 =	vld [tilespmem:s10+$0xD840]  }
0x19e: {  	v54 =	vld [tilespmem:s10+$0xC450]  }
0x19f: {  	v55 =	vld [tilespmem:s10+$0xD850]  }
0x1a0: {  	v56 =	vld [tilespmem:s10+$0xC460]  }
0x1a1: {  	v57 =	vld [tilespmem:s10+$0xD860]  }
0x1a2: {  	v16 =	vmul.bf16 v17, v16;
	v17 =	vmul.bf16 v53, v52;
	_ =	sdelay $0x1  }
0x1a3: {  	v16 =	vadd.bf16 v17, v16;
	v17 =	vmul.bf16 v55, v54;
	_ =	sdelay $0x1  }
0x1a4: {  	v16 =	vadd.bf16 v17, v16;
	v17 =	vmul.bf16 v57, v56;
	_ =	sdelay $0x1  }
0x1a5: {  	v16 =	vadd.bf16 v17, v16;
	_ =	sdelay $0x1  }
0x1a6: {  	v17 =	vunpack.i.u.bf16.f32 v16;
	v16 =	vunpack.i.l.bf16.f32 v16  }
0x1a7: {  	v16 =	vadd.f32 v16, v17;
	_ =	sdelay $0x1  }
0x1a8: {  	[tilespmem:$0xF120] =	vst v16  }
0x1a9: {  	v16 =	vld [tilespmem:s10+$0xC470]  }
0x1aa: {  	v17 =	vld [tilespmem:s10+$0xD870]  }
0x1ab: {  	v58 =	vld [tilespmem:s10+$0xC480]  }
0x1ac: {  	v59 =	vld [tilespmem:s10+$0xD880]  }
0x1ad: {  	v60 =	vld [tilespmem:s10+$0xC490]  }
0x1ae: {  	v61 =	vld [tilespmem:s10+$0xD890]  }
0x1af: {  	v62 =	vld [tilespmem:s10+$0xC4A0]  }
0x1b0: {  	v63 =	vld [tilespmem:s10+$0xD8A0]  }
0x1b1: {  	v16 =	vmul.bf16 v17, v16;
	v17 =	vmul.bf16 v59, v58;
	_ =	sdelay $0x1  }
0x1b2: {  	v16 =	vadd.bf16 v17, v16;
	v17 =	vmul.bf16 v61, v60;
	_ =	sdelay $0x1  }
0x1b3: {  	v16 =	vadd.bf16 v17, v16;
	v17 =	vmul.bf16 v63, v62;
	_ =	sdelay $0x1  }
0x1b4: {  	v16 =	vadd.bf16 v17, v16;
	_ =	sdelay $0x1  }
0x1b5: {  	v17 =	vunpack.i.u.bf16.f32 v16;
	v16 =	vunpack.i.l.bf16.f32 v16  }
0x1b6: {  	v16 =	vadd.f32 v16, v17;
	_ =	sdelay $0x1  }
0x1b7: {  	[tilespmem:$0xF130] =	vst v16  }
0x1b8: {  	v16 =	vld [tilespmem:s10+$0xC4B0]  }
0x1b9: {  	v17 =	vld [tilespmem:s10+$0xD8B0]  }
0x1ba: {  	v24 =	vld [tilespmem:s10+$0xC4C0]  }
0x1bb: {  	v25 =	vld [tilespmem:s10+$0xD8C0]  }
0x1bc: {  	v26 =	vld [tilespmem:s10+$0xC4D0]  }
0x1bd: {  	v27 =	vld [tilespmem:s10+$0xD8D0]  }
0x1be: {  	v28 =	vld [tilespmem:s10+$0xC4E0]  }
0x1bf: {  	v29 =	vld [tilespmem:s10+$0xD8E0]  }
0x1c0: {  	v16 =	vmul.bf16 v17, v16;
	v17 =	vmul.bf16 v25, v24;
	_ =	sdelay $0x1  }
0x1c1: {  	v16 =	vadd.bf16 v17, v16;
	v17 =	vmul.bf16 v27, v26;
	_ =	sdelay $0x1  }
0x1c2: {  	v16 =	vadd.bf16 v17, v16;
	v17 =	vmul.bf16 v29, v28;
	_ =	sdelay $0x1  }
0x1c3: {  	v16 =	vadd.bf16 v17, v16;
	_ =	sdelay $0x1  }
0x1c4: {  	v17 =	vunpack.i.u.bf16.f32 v16;
	v16 =	vunpack.i.l.bf16.f32 v16  }
0x1c5: {  	v16 =	vadd.f32 v16, v17;
	_ =	sdelay $0x1  }
0x1c6: {  	[tilespmem:$0xF140] =	vst v16  }
0x1c7: {  	v16 =	vld [tilespmem:s10+$0xC4F0]  }
0x1c8: {  	v17 =	vld [tilespmem:s10+$0xD8F0]  }
0x1c9: {  	v30 =	vld [tilespmem:s10+$0xC500]  }
0x1ca: {  	v31 =	vld [tilespmem:s10+$0xD900]  }
0x1cb: {  	v32 =	vld [tilespmem:s10+$0xC510]  }
0x1cc: {  	v33 =	vld [tilespmem:s10+$0xD910]  }
0x1cd: {  	v34 =	vld [tilespmem:s10+$0xC520]  }
0x1ce: {  	v35 =	vld [tilespmem:s10+$0xD920]  }
0x1cf: {  	v16 =	vmul.bf16 v17, v16;
	v17 =	vmul.bf16 v31, v30;
	_ =	sdelay $0x1  }
0x1d0: {  	v16 =	vadd.bf16 v17, v16;
	v17 =	vmul.bf16 v33, v32;
	_ =	sdelay $0x1  }
0x1d1: {  	v16 =	vadd.bf16 v17, v16;
	v17 =	vmul.bf16 v35, v34;
	_ =	sdelay $0x1  }
0x1d2: {  	v16 =	vadd.bf16 v17, v16;
	_ =	sdelay $0x1  }
0x1d3: {  	v17 =	vunpack.i.u.bf16.f32 v16;
	v16 =	vunpack.i.l.bf16.f32 v16  }
0x1d4: {  	v16 =	vadd.f32 v16, v17;
	_ =	sdelay $0x1  }
0x1d5: {  	[tilespmem:$0xF150] =	vst v16  }
0x1d6: {  	v16 =	vld [tilespmem:s10+$0xC530]  }
0x1d7: {  	v17 =	vld [tilespmem:s10+$0xD930]  }
0x1d8: {  	v36 =	vld [tilespmem:s10+$0xC540]  }
0x1d9: {  	v37 =	vld [tilespmem:s10+$0xD940]  }
0x1da: {  	v38 =	vld [tilespmem:s10+$0xC550]  }
0x1db: {  	v39 =	vld [tilespmem:s10+$0xD950]  }
0x1dc: {  	v40 =	vld [tilespmem:s10+$0xC560]  }
0x1dd: {  	v41 =	vld [tilespmem:s10+$0xD960]  }
0x1de: {  	v16 =	vmul.bf16 v17, v16;
	v17 =	vmul.bf16 v37, v36;
	_ =	sdelay $0x1  }
0x1df: {  	v16 =	vadd.bf16 v17, v16;
	v17 =	vmul.bf16 v39, v38;
	_ =	sdelay $0x1  }
0x1e0: {  	v16 =	vadd.bf16 v17, v16;
	v17 =	vmul.bf16 v41, v40;
	_ =	sdelay $0x1  }
0x1e1: {  	v16 =	vadd.bf16 v17, v16;
	_ =	sdelay $0x1  }
0x1e2: {  	v17 =	vunpack.i.u.bf16.f32 v16;
	v16 =	vunpack.i.l.bf16.f32 v16  }
0x1e3: {  	v16 =	vadd.f32 v16, v17;
	_ =	sdelay $0x1  }
0x1e4: {  	[tilespmem:$0xF160] =	vst v16  }
0x1e5: {  	v16 =	vld [tilespmem:s10+$0xC570]  }
0x1e6: {  	v17 =	vld [tilespmem:s10+$0xD970]  }
0x1e7: {  	v42 =	vld [tilespmem:s10+$0xC580]  }
0x1e8: {  	v43 =	vld [tilespmem:s10+$0xD980]  }
0x1e9: {  	v44 =	vld [tilespmem:s10+$0xC590]  }
0x1ea: {  	v45 =	vld [tilespmem:s10+$0xD990]  }
0x1eb: {  	v46 =	vld [tilespmem:s10+$0xC5A0]  }
0x1ec: {  	v47 =	vld [tilespmem:s10+$0xD9A0]  }
0x1ed: {  	v16 =	vmul.bf16 v17, v16;
	v17 =	vmul.bf16 v43, v42;
	_ =	sdelay $0x1  }
0x1ee: {  	v16 =	vadd.bf16 v17, v16;
	v17 =	vmul.bf16 v45, v44;
	_ =	sdelay $0x1  }
0x1ef: {  	v16 =	vadd.bf16 v17, v16;
	v17 =	vmul.bf16 v47, v46;
	_ =	sdelay $0x1  }
0x1f0: {  	v16 =	vadd.bf16 v17, v16;
	_ =	sdelay $0x1  }
0x1f1: {  	v17 =	vunpack.i.u.bf16.f32 v16;
	v16 =	vunpack.i.l.bf16.f32 v16  }
0x1f2: {  	v16 =	vadd.f32 v16, v17;
	_ =	sdelay $0x1  }
0x1f3: {  	[tilespmem:$0xF170] =	vst v16  }
0x1f4: {  	v16 =	vld [tilespmem:s10+$0xC5B0]  }
0x1f5: {  	v17 =	vld [tilespmem:s10+$0xD9B0]  }
0x1f6: {  	v48 =	vld [tilespmem:s10+$0xC5C0]  }
0x1f7: {  	v49 =	vld [tilespmem:s10+$0xD9C0]  }
0x1f8: {  	v50 =	vld [tilespmem:s10+$0xC5D0]  }
0x1f9: {  	v51 =	vld [tilespmem:s10+$0xD9D0]  }
0x1fa: {  	v52 =	vld [tilespmem:s10+$0xC5E0]  }
0x1fb: {  	v53 =	vld [tilespmem:s10+$0xD9E0]  }
0x1fc: {  	v16 =	vmul.bf16 v17, v16;
	v17 =	vmul.bf16 v49, v48;
	_ =	sdelay $0x1  }
0x1fd: {  	v16 =	vadd.bf16 v17, v16;
	v17 =	vmul.bf16 v51, v50;
	_ =	sdelay $0x1  }
0x1fe: {  	v16 =	vadd.bf16 v17, v16;
	v17 =	vmul.bf16 v53, v52;
	_ =	sdelay $0x1  }
0x1ff: {  	v16 =	vadd.bf16 v17, v16;
	_ =	sdelay $0x1  }
0x200: {  	v17 =	vunpack.i.u.bf16.f32 v16;
	v16 =	vunpack.i.l.bf16.f32 v16  }
0x201: {  	v16 =	vadd.f32 v16, v17;
	_ =	sdelay $0x1  }
0x202: {  	[tilespmem:$0xF180] =	vst v16  }
0x203: {  	v16 =	vld [tilespmem:s10+$0xC5F0]  }
0x204: {  	v17 =	vld [tilespmem:s10+$0xD9F0]  }
0x205: {  	v54 =	vld [tilespmem:s10+$0xC600]  }
0x206: {  	v55 =	vld [tilespmem:s10+$0xDA00]  }
0x207: {  	v56 =	vld [tilespmem:s10+$0xC610]  }
0x208: {  	v57 =	vld [tilespmem:s10+$0xDA10]  }
0x209: {  	v58 =	vld [tilespmem:s10+$0xC620]  }
0x20a: {  	v59 =	vld [tilespmem:s10+$0xDA20]  }
0x20b: {  	v16 =	vmul.bf16 v17, v16;
	v17 =	vmul.bf16 v55, v54;
	_ =	sdelay $0x1  }
0x20c: {  	v16 =	vadd.bf16 v17, v16;
	v17 =	vmul.bf16 v57, v56;
	_ =	sdelay $0x1  }
0x20d: {  	v16 =	vadd.bf16 v17, v16;
	v17 =	vmul.bf16 v59, v58;
	_ =	sdelay $0x1  }
0x20e: {  	v16 =	vadd.bf16 v17, v16;
	_ =	sdelay $0x1  }
0x20f: {  	v17 =	vunpack.i.u.bf16.f32 v16;
	v16 =	vunpack.i.l.bf16.f32 v16  }
0x210: {  	v16 =	vadd.f32 v16, v17;
	_ =	sdelay $0x1  }
0x211: {  	[tilespmem:$0xF190] =	vst v16  }
0x212: {  	v16 =	vld [tilespmem:s10+$0xC630]  }
0x213: {  	v17 =	vld [tilespmem:s10+$0xDA30]  }
0x214: {  	v60 =	vld [tilespmem:s10+$0xC640]  }
0x215: {  	v61 =	vld [tilespmem:s10+$0xDA40]  }
0x216: {  	v62 =	vld [tilespmem:s10+$0xC650]  }
0x217: {  	v63 =	vld [tilespmem:s10+$0xDA50]  }
0x218: {  	v24 =	vld [tilespmem:s10+$0xC660]  }
0x219: {  	v25 =	vld [tilespmem:s10+$0xDA60]  }
0x21a: {  	v16 =	vmul.bf16 v17, v16;
	v17 =	vmul.bf16 v61, v60;
	_ =	sdelay $0x1  }
0x21b: {  	v16 =	vadd.bf16 v17, v16;
	v17 =	vmul.bf16 v63, v62;
	_ =	sdelay $0x1  }
0x21c: {  	v16 =	vadd.bf16 v17, v16;
	v17 =	vmul.bf16 v25, v24;
	_ =	sdelay $0x1  }
0x21d: {  	v16 =	vadd.bf16 v17, v16;
	_ =	sdelay $0x1  }
0x21e: {  	v17 =	vunpack.i.u.bf16.f32 v16;
	v16 =	vunpack.i.l.bf16.f32 v16  }
0x21f: {  	v16 =	vadd.f32 v16, v17;
	_ =	sdelay $0x1  }
0x220: {  	[tilespmem:$0xF1A0] =	vst v16  }
0x221: {  	v16 =	vld [tilespmem:s10+$0xC670]  }
0x222: {  	v17 =	vld [tilespmem:s10+$0xDA70]  }
0x223: {  	v26 =	vld [tilespmem:s10+$0xC680]  }
0x224: {  	v27 =	vld [tilespmem:s10+$0xDA80]  }
0x225: {  	v28 =	vld [tilespmem:s10+$0xC690]  }
0x226: {  	v29 =	vld [tilespmem:s10+$0xDA90]  }
0x227: {  	v30 =	vld [tilespmem:s10+$0xC6A0]  }
0x228: {  	v31 =	vld [tilespmem:s10+$0xDAA0]  }
0x229: {  	v16 =	vmul.bf16 v17, v16;
	v17 =	vmul.bf16 v27, v26;
	_ =	sdelay $0x1  }
0x22a: {  	v16 =	vadd.bf16 v17, v16;
	v17 =	vmul.bf16 v29, v28;
	_ =	sdelay $0x1  }
0x22b: {  	v16 =	vadd.bf16 v17, v16;
	v17 =	vmul.bf16 v31, v30;
	_ =	sdelay $0x1  }
0x22c: {  	v16 =	vadd.bf16 v17, v16;
	_ =	sdelay $0x1  }
0x22d: {  	v17 =	vunpack.i.u.bf16.f32 v16;
	v16 =	vunpack.i.l.bf16.f32 v16  }
0x22e: {  	v16 =	vadd.f32 v16, v17;
	_ =	sdelay $0x1  }
0x22f: {  	[tilespmem:$0xF1B0] =	vst v16  }
0x230: {  	v16 =	vld [tilespmem:s10+$0xC6B0]  }
0x231: {  	v17 =	vld [tilespmem:s10+$0xDAB0]  }
0x232: {  	v32 =	vld [tilespmem:s10+$0xC6C0]  }
0x233: {  	v33 =	vld [tilespmem:s10+$0xDAC0]  }
0x234: {  	v34 =	vld [tilespmem:s10+$0xC6D0]  }
0x235: {  	v35 =	vld [tilespmem:s10+$0xDAD0]  }
0x236: {  	v36 =	vld [tilespmem:s10+$0xC6E0]  }
0x237: {  	v37 =	vld [tilespmem:s10+$0xDAE0]  }
0x238: {  	v16 =	vmul.bf16 v17, v16;
	v17 =	vmul.bf16 v33, v32;
	_ =	sdelay $0x1  }
0x239: {  	v16 =	vadd.bf16 v17, v16;
	v17 =	vmul.bf16 v35, v34;
	_ =	sdelay $0x1  }
0x23a: {  	v16 =	vadd.bf16 v17, v16;
	v17 =	vmul.bf16 v37, v36;
	_ =	sdelay $0x1  }
0x23b: {  	v16 =	vadd.bf16 v17, v16;
	_ =	sdelay $0x1  }
0x23c: {  	v17 =	vunpack.i.u.bf16.f32 v16;
	v16 =	vunpack.i.l.bf16.f32 v16  }
0x23d: {  	v16 =	vadd.f32 v16, v17;
	_ =	sdelay $0x1  }
0x23e: {  	[tilespmem:$0xF1C0] =	vst v16  }
0x23f: {  	v16 =	vld [tilespmem:s10+$0xC6F0]  }
0x240: {  	v17 =	vld [tilespmem:s10+$0xDAF0]  }
0x241: {  	v38 =	vld [tilespmem:s10+$0xC700]  }
0x242: {  	v39 =	vld [tilespmem:s10+$0xDB00]  }
0x243: {  	v40 =	vld [tilespmem:s10+$0xC710]  }
0x244: {  	v41 =	vld [tilespmem:s10+$0xDB10]  }
0x245: {  	v42 =	vld [tilespmem:s10+$0xC720]  }
0x246: {  	v43 =	vld [tilespmem:s10+$0xDB20]  }
0x247: {  	v16 =	vmul.bf16 v17, v16;
	v17 =	vmul.bf16 v39, v38;
	_ =	sdelay $0x1  }
0x248: {  	v16 =	vadd.bf16 v17, v16;
	v17 =	vmul.bf16 v41, v40;
	_ =	sdelay $0x1  }
0x249: {  	v16 =	vadd.bf16 v17, v16;
	v17 =	vmul.bf16 v43, v42;
	_ =	sdelay $0x1  }
0x24a: {  	v16 =	vadd.bf16 v17, v16;
	_ =	sdelay $0x1  }
0x24b: {  	v17 =	vunpack.i.u.bf16.f32 v16;
	v16 =	vunpack.i.l.bf16.f32 v16  }
0x24c: {  	v16 =	vadd.f32 v16, v17;
	_ =	sdelay $0x1  }
0x24d: {  	[tilespmem:$0xF1D0] =	vst v16  }
0x24e: {  	v16 =	vld [tilespmem:s10+$0xC730]  }
0x24f: {  	v17 =	vld [tilespmem:s10+$0xDB30]  }
0x250: {  	v44 =	vld [tilespmem:s10+$0xC740]  }
0x251: {  	v45 =	vld [tilespmem:s10+$0xDB40]  }
0x252: {  	v46 =	vld [tilespmem:s10+$0xC750]  }
0x253: {  	v47 =	vld [tilespmem:s10+$0xDB50]  }
0x254: {  	v48 =	vld [tilespmem:s10+$0xC760]  }
0x255: {  	v49 =	vld [tilespmem:s10+$0xDB60]  }
0x256: {  	v16 =	vmul.bf16 v17, v16;
	v17 =	vmul.bf16 v45, v44;
	_ =	sdelay $0x1  }
0x257: {  	v16 =	vadd.bf16 v17, v16;
	v17 =	vmul.bf16 v47, v46;
	_ =	sdelay $0x1  }
0x258: {  	v16 =	vadd.bf16 v17, v16;
	v17 =	vmul.bf16 v49, v48;
	_ =	sdelay $0x1  }
0x259: {  	v16 =	vadd.bf16 v17, v16;
	_ =	sdelay $0x1  }
0x25a: {  	v17 =	vunpack.i.u.bf16.f32 v16;
	v16 =	vunpack.i.l.bf16.f32 v16  }
0x25b: {  	v16 =	vadd.f32 v16, v17;
	_ =	sdelay $0x1  }
0x25c: {  	[tilespmem:$0xF1E0] =	vst v16  }
0x25d: {  	v16 =	vld.idx.msk [tilespmem:v0+s23+$0x0], $0xffff  }
0x25e: {  	v17 =	vld.idx.msk [tilespmem:v1+s23+$0x0], $0xffff  }
0x25f: {  	v50 =	vld.idx.msk [tilespmem:v2+s23+$0x0], $0xffff  }
0x260: {  	v51 =	vld.idx.msk [tilespmem:v3+s23+$0x0], $0xffff  }
0x261: {  	v52 =	vld.idx.msk [tilespmem:v4+s23+$0x0], $0xffff  }
0x262: {  	v53 =	vld.idx.msk [tilespmem:v5+s23+$0x0], $0xffff  }
0x263: {  	v54 =	vld.idx.msk [tilespmem:v6+s23+$0x0], $0xffff  }
0x264: {  	v55 =	vld.idx.msk [tilespmem:v7+s23+$0x0], $0xffff  }
0x265: {  	v24 =	vld.idx.msk [tilespmem:v8+s23+$0x0], $0xffff  }
0x266: {  	v25 =	vld.idx.msk [tilespmem:v9+s23+$0x0], $0xffff  }
0x267: {  	v26 =	vld.idx.msk [tilespmem:v10+s23+$0x0], $0xffff  }
0x268: {  	v27 =	vld.idx.msk [tilespmem:v11+s23+$0x0], $0xffff  }
0x269: {  	v28 =	vld.idx.msk [tilespmem:v12+s23+$0x0], $0xffff  }
0x26a: {  	v29 =	vld.idx.msk [tilespmem:v13+s23+$0x0], $0xffff  }
0x26b: {  	v30 =	vld.idx.msk [tilespmem:v14+s23+$0x0], $0xffff  }
0x26c: {  	v31 =	vld.idx.msk [tilespmem:v15+s23+$0x0], $0xffff;
	_ =	sdelay $0x1  }
0x26d: {  	v16 =	vadd.f32 v17, v16;
	v17 =	vadd.f32 v51, v50  }
0x26e: {  	v56 =	vadd.f32 v53, v52;
	v57 =	vadd.f32 v55, v54  }
0x26f: {  	v58 =	vadd.f32 v25, v24;
	v59 =	vadd.f32 v27, v26  }
0x270: {  	v60 =	vadd.f32 v29, v28;
	v61 =	vadd.f32 v31, v30  }
0x271: {  	v16 =	vadd.f32 v17, v16;
	v17 =	vadd.f32 v57, v56  }
0x272: {  	v62 =	vadd.f32 v59, v58;
	v63 =	vadd.f32 v61, v60;
	_ =	sdelay $0x1  }
0x273: {  	v16 =	vadd.f32 v17, v16;
	v17 =	vadd.f32 v63, v62;
	_ =	sdelay $0x1  }
0x274: {  	v16 =	vadd.f32 v17, v16;
	_ =	sdelay $0x1  }
0x275: {  	v16 =	vadd.f32 v16, v16;
	_ =	sdelay $0x1  }
0x276: {  	v16 =	vadd.f32 $-2.000000000e+00, v16;
	_ =	sdelay $0x1  }
0x277: {  	v16 =	vmul.f32 $1.442695020e+00, v16;
	_ =	sdelay $0x1  }
0x278: {  	(erf) = vpow2.f32 v16;
	_ =	sdelay $0x4  }
0x279: {  	p1 =	sne.s32 s3, $0x4FC0  }
.Ltmp6:
0x27a: {  	_ = 	snop;
	(pc) =	sbr.rel @p1 .LBB2_12-.Ltmp6, $3  }
0x27b: {  	_ =	sdelay $0x1  }
0x27c: {  	v16 =	vpop (erf)  }
0x27d: {  	s3 =	sadd.s32 $0x1000, s3;
	[tilespmem:s0+$0x0] =	vst v16;
	s0 =	sadd.s32 $0x10, s0  }
.Ltmp7:
0x27e: {  	(pc) =	sbr.rel @p0 .LBB2_9-.Ltmp7, $2  }
0x27f: {  	_ =	sdelay $0x2  }
0x280: {  	s0 =	simm.s32 $0x1;
	p1 =	por $0x0, $0x0  }
0x281: {  	_ =	swait.ge [sflag:s22], $0x1400  }
0x282: {  	[sflag:s22] =	ssyncset.done $0x0  }
0x283: {  	[sflag:s22] =	ssyncadd.s32 $0xFFFFEC00  }
0x284: {  	_ =	swait.ge [sflag:s22], $0x1400  }
0x285: {  	[sflag:s22] =	ssyncset.done $0x0  }
0x286: {  	s0 =	simm.s32 $0xFC0;
	s3 =	simm.s32 $0xF0A0;
	[sflag:s22] =	ssyncadd.s32 $0xFFFFEC00  }
.LBB2_15:
0x287: {  	s10 =	sshra.s32 s0, $0x2  }
0x288: {  	v16 =	vld [tilespmem:s10+$0x9B70]  }
0x289: {  	v17 =	vld [tilespmem:s10+$0xAF70]  }
0x28a: {  	v18 =	vld [tilespmem:s10+$0x9B80]  }
0x28b: {  	v19 =	vld [tilespmem:s10+$0xAF80]  }
0x28c: {  	v20 =	vld [tilespmem:s10+$0x9B90]  }
0x28d: {  	v21 =	vld [tilespmem:s10+$0xAF90]  }
0x28e: {  	v22 =	vld [tilespmem:s10+$0x9BA0]  }
0x28f: {  	v23 =	vld [tilespmem:s10+$0xAFA0]  }
0x290: {  	v16 =	vmul.bf16 v17, v16;
	v17 =	vmul.bf16 v19, v18;
	_ =	sdelay $0x1  }
0x291: {  	v16 =	vadd.bf16 v17, v16;
	v17 =	vmul.bf16 v21, v20;
	_ =	sdelay $0x1  }
0x292: {  	v16 =	vadd.bf16 v17, v16;
	v17 =	vmul.bf16 v23, v22;
	_ =	sdelay $0x1  }
0x293: {  	v16 =	vadd.bf16 v17, v16;
	_ =	sdelay $0x1  }
0x294: {  	v17 =	vunpack.i.u.bf16.f32 v16;
	v16 =	vunpack.i.l.bf16.f32 v16  }
0x295: {  	v16 =	vadd.f32 v16, v17;
	_ =	sdelay $0x1  }
0x296: {  	[tilespmem:$0xF0F0] =	vst v16  }
0x297: {  	v16 =	vld [tilespmem:s10+$0x9BB0]  }
0x298: {  	v17 =	vld [tilespmem:s10+$0xAFB0]  }
0x299: {  	v40 =	vld [tilespmem:s10+$0x9BC0]  }
0x29a: {  	v41 =	vld [tilespmem:s10+$0xAFC0]  }
0x29b: {  	v42 =	vld [tilespmem:s10+$0x9BD0]  }
0x29c: {  	v43 =	vld [tilespmem:s10+$0xAFD0]  }
0x29d: {  	v44 =	vld [tilespmem:s10+$0x9BE0]  }
0x29e: {  	v45 =	vld [tilespmem:s10+$0xAFE0]  }
0x29f: {  	v16 =	vmul.bf16 v17, v16;
	v17 =	vmul.bf16 v41, v40;
	_ =	sdelay $0x1  }
0x2a0: {  	v16 =	vadd.bf16 v17, v16;
	v17 =	vmul.bf16 v43, v42;
	_ =	sdelay $0x1  }
0x2a1: {  	v16 =	vadd.bf16 v17, v16;
	v17 =	vmul.bf16 v45, v44;
	_ =	sdelay $0x1  }
0x2a2: {  	v16 =	vadd.bf16 v17, v16;
	_ =	sdelay $0x1  }
0x2a3: {  	v17 =	vunpack.i.u.bf16.f32 v16;
	v16 =	vunpack.i.l.bf16.f32 v16  }
0x2a4: {  	v16 =	vadd.f32 v16, v17;
	_ =	sdelay $0x1  }
0x2a5: {  	[tilespmem:$0xF100] =	vst v16  }
0x2a6: {  	v16 =	vld [tilespmem:s10+$0x9BF0]  }
0x2a7: {  	v17 =	vld [tilespmem:s10+$0xAFF0]  }
0x2a8: {  	v46 =	vld [tilespmem:s10+$0x9C00]  }
0x2a9: {  	v47 =	vld [tilespmem:s10+$0xB000]  }
0x2aa: {  	v48 =	vld [tilespmem:s10+$0x9C10]  }
0x2ab: {  	v49 =	vld [tilespmem:s10+$0xB010]  }
0x2ac: {  	v50 =	vld [tilespmem:s10+$0x9C20]  }
0x2ad: {  	v51 =	vld [tilespmem:s10+$0xB020]  }
0x2ae: {  	v16 =	vmul.bf16 v17, v16;
	v17 =	vmul.bf16 v47, v46;
	_ =	sdelay $0x1  }
0x2af: {  	v16 =	vadd.bf16 v17, v16;
	v17 =	vmul.bf16 v49, v48;
	_ =	sdelay $0x1  }
0x2b0: {  	v16 =	vadd.bf16 v17, v16;
	v17 =	vmul.bf16 v51, v50;
	_ =	sdelay $0x1  }
0x2b1: {  	v16 =	vadd.bf16 v17, v16;
	_ =	sdelay $0x1  }
0x2b2: {  	v17 =	vunpack.i.u.bf16.f32 v16;
	v16 =	vunpack.i.l.bf16.f32 v16  }
0x2b3: {  	v16 =	vadd.f32 v16, v17;
	_ =	sdelay $0x1  }
0x2b4: {  	[tilespmem:$0xF110] =	vst v16  }
0x2b5: {  	v16 =	vld [tilespmem:s10+$0x9C30]  }
0x2b6: {  	v17 =	vld [tilespmem:s10+$0xB030]  }
0x2b7: {  	v52 =	vld [tilespmem:s10+$0x9C40]  }
0x2b8: {  	v53 =	vld [tilespmem:s10+$0xB040]  }
0x2b9: {  	v54 =	vld [tilespmem:s10+$0x9C50]  }
0x2ba: {  	v55 =	vld [tilespmem:s10+$0xB050]  }
0x2bb: {  	v56 =	vld [tilespmem:s10+$0x9C60]  }
0x2bc: {  	v57 =	vld [tilespmem:s10+$0xB060]  }
0x2bd: {  	v16 =	vmul.bf16 v17, v16;
	v17 =	vmul.bf16 v53, v52;
	_ =	sdelay $0x1  }
0x2be: {  	v16 =	vadd.bf16 v17, v16;
	v17 =	vmul.bf16 v55, v54;
	_ =	sdelay $0x1  }
0x2bf: {  	v16 =	vadd.bf16 v17, v16;
	v17 =	vmul.bf16 v57, v56;
	_ =	sdelay $0x1  }
0x2c0: {  	v16 =	vadd.bf16 v17, v16;
	_ =	sdelay $0x1  }
0x2c1: {  	v17 =	vunpack.i.u.bf16.f32 v16;
	v16 =	vunpack.i.l.bf16.f32 v16  }
0x2c2: {  	v16 =	vadd.f32 v16, v17;
	_ =	sdelay $0x1  }
0x2c3: {  	[tilespmem:$0xF120] =	vst v16  }
0x2c4: {  	v16 =	vld [tilespmem:s10+$0x9C70]  }
0x2c5: {  	v17 =	vld [tilespmem:s10+$0xB070]  }
0x2c6: {  	v58 =	vld [tilespmem:s10+$0x9C80]  }
0x2c7: {  	v59 =	vld [tilespmem:s10+$0xB080]  }
0x2c8: {  	v60 =	vld [tilespmem:s10+$0x9C90]  }
0x2c9: {  	v61 =	vld [tilespmem:s10+$0xB090]  }
0x2ca: {  	v62 =	vld [tilespmem:s10+$0x9CA0]  }
0x2cb: {  	v63 =	vld [tilespmem:s10+$0xB0A0]  }
0x2cc: {  	v16 =	vmul.bf16 v17, v16;
	v17 =	vmul.bf16 v59, v58;
	_ =	sdelay $0x1  }
0x2cd: {  	v16 =	vadd.bf16 v17, v16;
	v17 =	vmul.bf16 v61, v60;
	_ =	sdelay $0x1  }
0x2ce: {  	v16 =	vadd.bf16 v17, v16;
	v17 =	vmul.bf16 v63, v62;
	_ =	sdelay $0x1  }
0x2cf: {  	v16 =	vadd.bf16 v17, v16;
	_ =	sdelay $0x1  }
0x2d0: {  	v17 =	vunpack.i.u.bf16.f32 v16;
	v16 =	vunpack.i.l.bf16.f32 v16  }
0x2d1: {  	v16 =	vadd.f32 v16, v17;
	_ =	sdelay $0x1  }
0x2d2: {  	[tilespmem:$0xF130] =	vst v16  }
0x2d3: {  	v16 =	vld [tilespmem:s10+$0x9CB0]  }
0x2d4: {  	v17 =	vld [tilespmem:s10+$0xB0B0]  }
0x2d5: {  	v24 =	vld [tilespmem:s10+$0x9CC0]  }
0x2d6: {  	v25 =	vld [tilespmem:s10+$0xB0C0]  }
0x2d7: {  	v26 =	vld [tilespmem:s10+$0x9CD0]  }
0x2d8: {  	v27 =	vld [tilespmem:s10+$0xB0D0]  }
0x2d9: {  	v28 =	vld [tilespmem:s10+$0x9CE0]  }
0x2da: {  	v29 =	vld [tilespmem:s10+$0xB0E0]  }
0x2db: {  	v16 =	vmul.bf16 v17, v16;
	v17 =	vmul.bf16 v25, v24;
	_ =	sdelay $0x1  }
0x2dc: {  	v16 =	vadd.bf16 v17, v16;
	v17 =	vmul.bf16 v27, v26;
	_ =	sdelay $0x1  }
0x2dd: {  	v16 =	vadd.bf16 v17, v16;
	v17 =	vmul.bf16 v29, v28;
	_ =	sdelay $0x1  }
0x2de: {  	v16 =	vadd.bf16 v17, v16;
	_ =	sdelay $0x1  }
0x2df: {  	v17 =	vunpack.i.u.bf16.f32 v16;
	v16 =	vunpack.i.l.bf16.f32 v16  }
0x2e0: {  	v16 =	vadd.f32 v16, v17;
	_ =	sdelay $0x1  }
0x2e1: {  	[tilespmem:$0xF140] =	vst v16  }
0x2e2: {  	v16 =	vld [tilespmem:s10+$0x9CF0]  }
0x2e3: {  	v17 =	vld [tilespmem:s10+$0xB0F0]  }
0x2e4: {  	v30 =	vld [tilespmem:s10+$0x9D00]  }
0x2e5: {  	v31 =	vld [tilespmem:s10+$0xB100]  }
0x2e6: {  	v32 =	vld [tilespmem:s10+$0x9D10]  }
0x2e7: {  	v33 =	vld [tilespmem:s10+$0xB110]  }
0x2e8: {  	v34 =	vld [tilespmem:s10+$0x9D20]  }
0x2e9: {  	v35 =	vld [tilespmem:s10+$0xB120]  }
0x2ea: {  	v16 =	vmul.bf16 v17, v16;
	v17 =	vmul.bf16 v31, v30;
	_ =	sdelay $0x1  }
0x2eb: {  	v16 =	vadd.bf16 v17, v16;
	v17 =	vmul.bf16 v33, v32;
	_ =	sdelay $0x1  }
0x2ec: {  	v16 =	vadd.bf16 v17, v16;
	v17 =	vmul.bf16 v35, v34;
	_ =	sdelay $0x1  }
0x2ed: {  	v16 =	vadd.bf16 v17, v16;
	_ =	sdelay $0x1  }
0x2ee: {  	v17 =	vunpack.i.u.bf16.f32 v16;
	v16 =	vunpack.i.l.bf16.f32 v16  }
0x2ef: {  	v16 =	vadd.f32 v16, v17;
	_ =	sdelay $0x1  }
0x2f0: {  	[tilespmem:$0xF150] =	vst v16  }
0x2f1: {  	v16 =	vld [tilespmem:s10+$0x9D30]  }
0x2f2: {  	v17 =	vld [tilespmem:s10+$0xB130]  }
0x2f3: {  	v36 =	vld [tilespmem:s10+$0x9D40]  }
0x2f4: {  	v37 =	vld [tilespmem:s10+$0xB140]  }
0x2f5: {  	v38 =	vld [tilespmem:s10+$0x9D50]  }
0x2f6: {  	v39 =	vld [tilespmem:s10+$0xB150]  }
0x2f7: {  	v40 =	vld [tilespmem:s10+$0x9D60]  }
0x2f8: {  	v41 =	vld [tilespmem:s10+$0xB160]  }
0x2f9: {  	v16 =	vmul.bf16 v17, v16;
	v17 =	vmul.bf16 v37, v36;
	_ =	sdelay $0x1  }
0x2fa: {  	v16 =	vadd.bf16 v17, v16;
	v17 =	vmul.bf16 v39, v38;
	_ =	sdelay $0x1  }
0x2fb: {  	v16 =	vadd.bf16 v17, v16;
	v17 =	vmul.bf16 v41, v40;
	_ =	sdelay $0x1  }
0x2fc: {  	v16 =	vadd.bf16 v17, v16;
	_ =	sdelay $0x1  }
0x2fd: {  	v17 =	vunpack.i.u.bf16.f32 v16;
	v16 =	vunpack.i.l.bf16.f32 v16  }
0x2fe: {  	v16 =	vadd.f32 v16, v17;
	_ =	sdelay $0x1  }
0x2ff: {  	[tilespmem:$0xF160] =	vst v16  }
0x300: {  	v16 =	vld [tilespmem:s10+$0x9D70]  }
0x301: {  	v17 =	vld [tilespmem:s10+$0xB170]  }
0x302: {  	v42 =	vld [tilespmem:s10+$0x9D80]  }
0x303: {  	v43 =	vld [tilespmem:s10+$0xB180]  }
0x304: {  	v44 =	vld [tilespmem:s10+$0x9D90]  }
0x305: {  	v45 =	vld [tilespmem:s10+$0xB190]  }
0x306: {  	v46 =	vld [tilespmem:s10+$0x9DA0]  }
0x307: {  	v47 =	vld [tilespmem:s10+$0xB1A0]  }
0x308: {  	v16 =	vmul.bf16 v17, v16;
	v17 =	vmul.bf16 v43, v42;
	_ =	sdelay $0x1  }
0x309: {  	v16 =	vadd.bf16 v17, v16;
	v17 =	vmul.bf16 v45, v44;
	_ =	sdelay $0x1  }
0x30a: {  	v16 =	vadd.bf16 v17, v16;
	v17 =	vmul.bf16 v47, v46;
	_ =	sdelay $0x1  }
0x30b: {  	v16 =	vadd.bf16 v17, v16;
	_ =	sdelay $0x1  }
0x30c: {  	v17 =	vunpack.i.u.bf16.f32 v16;
	v16 =	vunpack.i.l.bf16.f32 v16  }
0x30d: {  	v16 =	vadd.f32 v16, v17;
	_ =	sdelay $0x1  }
0x30e: {  	[tilespmem:$0xF170] =	vst v16  }
0x30f: {  	v16 =	vld [tilespmem:s10+$0x9DB0]  }
0x310: {  	v17 =	vld [tilespmem:s10+$0xB1B0]  }
0x311: {  	v48 =	vld [tilespmem:s10+$0x9DC0]  }
0x312: {  	v49 =	vld [tilespmem:s10+$0xB1C0]  }
0x313: {  	v50 =	vld [tilespmem:s10+$0x9DD0]  }
0x314: {  	v51 =	vld [tilespmem:s10+$0xB1D0]  }
0x315: {  	v52 =	vld [tilespmem:s10+$0x9DE0]  }
0x316: {  	v53 =	vld [tilespmem:s10+$0xB1E0]  }
0x317: {  	v16 =	vmul.bf16 v17, v16;
	v17 =	vmul.bf16 v49, v48;
	_ =	sdelay $0x1  }
0x318: {  	v16 =	vadd.bf16 v17, v16;
	v17 =	vmul.bf16 v51, v50;
	_ =	sdelay $0x1  }
0x319: {  	v16 =	vadd.bf16 v17, v16;
	v17 =	vmul.bf16 v53, v52;
	_ =	sdelay $0x1  }
0x31a: {  	v16 =	vadd.bf16 v17, v16;
	_ =	sdelay $0x1  }
0x31b: {  	v17 =	vunpack.i.u.bf16.f32 v16;
	v16 =	vunpack.i.l.bf16.f32 v16  }
0x31c: {  	v16 =	vadd.f32 v16, v17;
	_ =	sdelay $0x1  }
0x31d: {  	[tilespmem:$0xF180] =	vst v16  }
0x31e: {  	v16 =	vld [tilespmem:s10+$0x9DF0]  }
0x31f: {  	v17 =	vld [tilespmem:s10+$0xB1F0]  }
0x320: {  	v54 =	vld [tilespmem:s10+$0x9E00]  }
0x321: {  	v55 =	vld [tilespmem:s10+$0xB200]  }
0x322: {  	v56 =	vld [tilespmem:s10+$0x9E10]  }
0x323: {  	v57 =	vld [tilespmem:s10+$0xB210]  }
0x324: {  	v58 =	vld [tilespmem:s10+$0x9E20]  }
0x325: {  	v59 =	vld [tilespmem:s10+$0xB220]  }
0x326: {  	v16 =	vmul.bf16 v17, v16;
	v17 =	vmul.bf16 v55, v54;
	_ =	sdelay $0x1  }
0x327: {  	v16 =	vadd.bf16 v17, v16;
	v17 =	vmul.bf16 v57, v56;
	_ =	sdelay $0x1  }
0x328: {  	v16 =	vadd.bf16 v17, v16;
	v17 =	vmul.bf16 v59, v58;
	_ =	sdelay $0x1  }
0x329: {  	v16 =	vadd.bf16 v17, v16;
	_ =	sdelay $0x1  }
0x32a: {  	v17 =	vunpack.i.u.bf16.f32 v16;
	v16 =	vunpack.i.l.bf16.f32 v16  }
0x32b: {  	v16 =	vadd.f32 v16, v17;
	_ =	sdelay $0x1  }
0x32c: {  	[tilespmem:$0xF190] =	vst v16  }
0x32d: {  	v16 =	vld [tilespmem:s10+$0x9E30]  }
0x32e: {  	v17 =	vld [tilespmem:s10+$0xB230]  }
0x32f: {  	v60 =	vld [tilespmem:s10+$0x9E40]  }
0x330: {  	v61 =	vld [tilespmem:s10+$0xB240]  }
0x331: {  	v62 =	vld [tilespmem:s10+$0x9E50]  }
0x332: {  	v63 =	vld [tilespmem:s10+$0xB250]  }
0x333: {  	v24 =	vld [tilespmem:s10+$0x9E60]  }
0x334: {  	v25 =	vld [tilespmem:s10+$0xB260]  }
0x335: {  	v16 =	vmul.bf16 v17, v16;
	v17 =	vmul.bf16 v61, v60;
	_ =	sdelay $0x1  }
0x336: {  	v16 =	vadd.bf16 v17, v16;
	v17 =	vmul.bf16 v63, v62;
	_ =	sdelay $0x1  }
0x337: {  	v16 =	vadd.bf16 v17, v16;
	v17 =	vmul.bf16 v25, v24;
	_ =	sdelay $0x1  }
0x338: {  	v16 =	vadd.bf16 v17, v16;
	_ =	sdelay $0x1  }
0x339: {  	v17 =	vunpack.i.u.bf16.f32 v16;
	v16 =	vunpack.i.l.bf16.f32 v16  }
0x33a: {  	v16 =	vadd.f32 v16, v17;
	_ =	sdelay $0x1  }
0x33b: {  	[tilespmem:$0xF1A0] =	vst v16  }
0x33c: {  	v16 =	vld [tilespmem:s10+$0x9E70]  }
0x33d: {  	v17 =	vld [tilespmem:s10+$0xB270]  }
0x33e: {  	v26 =	vld [tilespmem:s10+$0x9E80]  }
0x33f: {  	v27 =	vld [tilespmem:s10+$0xB280]  }
0x340: {  	v28 =	vld [tilespmem:s10+$0x9E90]  }
0x341: {  	v29 =	vld [tilespmem:s10+$0xB290]  }
0x342: {  	v30 =	vld [tilespmem:s10+$0x9EA0]  }
0x343: {  	v31 =	vld [tilespmem:s10+$0xB2A0]  }
0x344: {  	v16 =	vmul.bf16 v17, v16;
	v17 =	vmul.bf16 v27, v26;
	_ =	sdelay $0x1  }
0x345: {  	v16 =	vadd.bf16 v17, v16;
	v17 =	vmul.bf16 v29, v28;
	_ =	sdelay $0x1  }
0x346: {  	v16 =	vadd.bf16 v17, v16;
	v17 =	vmul.bf16 v31, v30;
	_ =	sdelay $0x1  }
0x347: {  	v16 =	vadd.bf16 v17, v16;
	_ =	sdelay $0x1  }
0x348: {  	v17 =	vunpack.i.u.bf16.f32 v16;
	v16 =	vunpack.i.l.bf16.f32 v16  }
0x349: {  	v16 =	vadd.f32 v16, v17;
	_ =	sdelay $0x1  }
0x34a: {  	[tilespmem:$0xF1B0] =	vst v16  }
0x34b: {  	v16 =	vld [tilespmem:s10+$0x9EB0]  }
0x34c: {  	v17 =	vld [tilespmem:s10+$0xB2B0]  }
0x34d: {  	v32 =	vld [tilespmem:s10+$0x9EC0]  }
0x34e: {  	v33 =	vld [tilespmem:s10+$0xB2C0]  }
0x34f: {  	v34 =	vld [tilespmem:s10+$0x9ED0]  }
0x350: {  	v35 =	vld [tilespmem:s10+$0xB2D0]  }
0x351: {  	v36 =	vld [tilespmem:s10+$0x9EE0]  }
0x352: {  	v37 =	vld [tilespmem:s10+$0xB2E0]  }
0x353: {  	v16 =	vmul.bf16 v17, v16;
	v17 =	vmul.bf16 v33, v32;
	_ =	sdelay $0x1  }
0x354: {  	v16 =	vadd.bf16 v17, v16;
	v17 =	vmul.bf16 v35, v34;
	_ =	sdelay $0x1  }
0x355: {  	v16 =	vadd.bf16 v17, v16;
	v17 =	vmul.bf16 v37, v36;
	_ =	sdelay $0x1  }
0x356: {  	v16 =	vadd.bf16 v17, v16;
	_ =	sdelay $0x1  }
0x357: {  	v17 =	vunpack.i.u.bf16.f32 v16;
	v16 =	vunpack.i.l.bf16.f32 v16  }
0x358: {  	v16 =	vadd.f32 v16, v17;
	_ =	sdelay $0x1  }
0x359: {  	[tilespmem:$0xF1C0] =	vst v16  }
0x35a: {  	v16 =	vld [tilespmem:s10+$0x9EF0]  }
0x35b: {  	v17 =	vld [tilespmem:s10+$0xB2F0]  }
0x35c: {  	v38 =	vld [tilespmem:s10+$0x9F00]  }
0x35d: {  	v39 =	vld [tilespmem:s10+$0xB300]  }
0x35e: {  	v40 =	vld [tilespmem:s10+$0x9F10]  }
0x35f: {  	v41 =	vld [tilespmem:s10+$0xB310]  }
0x360: {  	v42 =	vld [tilespmem:s10+$0x9F20]  }
0x361: {  	v43 =	vld [tilespmem:s10+$0xB320]  }
0x362: {  	v16 =	vmul.bf16 v17, v16;
	v17 =	vmul.bf16 v39, v38;
	_ =	sdelay $0x1  }
0x363: {  	v16 =	vadd.bf16 v17, v16;
	v17 =	vmul.bf16 v41, v40;
	_ =	sdelay $0x1  }
0x364: {  	v16 =	vadd.bf16 v17, v16;
	v17 =	vmul.bf16 v43, v42;
	_ =	sdelay $0x1  }
0x365: {  	v16 =	vadd.bf16 v17, v16;
	_ =	sdelay $0x1  }
0x366: {  	v17 =	vunpack.i.u.bf16.f32 v16;
	v16 =	vunpack.i.l.bf16.f32 v16  }
0x367: {  	v16 =	vadd.f32 v16, v17;
	_ =	sdelay $0x1  }
0x368: {  	[tilespmem:$0xF1D0] =	vst v16  }
0x369: {  	v16 =	vld [tilespmem:s10+$0x9F30]  }
0x36a: {  	v17 =	vld [tilespmem:s10+$0xB330]  }
0x36b: {  	v44 =	vld [tilespmem:s10+$0x9F40]  }
0x36c: {  	v45 =	vld [tilespmem:s10+$0xB340]  }
0x36d: {  	v46 =	vld [tilespmem:s10+$0x9F50]  }
0x36e: {  	v47 =	vld [tilespmem:s10+$0xB350]  }
0x36f: {  	v48 =	vld [tilespmem:s10+$0x9F60]  }
0x370: {  	v49 =	vld [tilespmem:s10+$0xB360]  }
0x371: {  	v16 =	vmul.bf16 v17, v16;
	v17 =	vmul.bf16 v45, v44;
	_ =	sdelay $0x1  }
0x372: {  	v16 =	vadd.bf16 v17, v16;
	v17 =	vmul.bf16 v47, v46;
	_ =	sdelay $0x1  }
0x373: {  	v16 =	vadd.bf16 v17, v16;
	v17 =	vmul.bf16 v49, v48;
	_ =	sdelay $0x1  }
0x374: {  	v16 =	vadd.bf16 v17, v16;
	_ =	sdelay $0x1  }
0x375: {  	v17 =	vunpack.i.u.bf16.f32 v16;
	v16 =	vunpack.i.l.bf16.f32 v16  }
0x376: {  	v16 =	vadd.f32 v16, v17;
	_ =	sdelay $0x1  }
0x377: {  	[tilespmem:$0xF1E0] =	vst v16  }
0x378: {  	v16 =	vld.idx.msk [tilespmem:v0+s23+$0x0], $0xffff  }
0x379: {  	v17 =	vld.idx.msk [tilespmem:v1+s23+$0x0], $0xffff  }
0x37a: {  	v50 =	vld.idx.msk [tilespmem:v2+s23+$0x0], $0xffff  }
0x37b: {  	v51 =	vld.idx.msk [tilespmem:v3+s23+$0x0], $0xffff  }
0x37c: {  	v52 =	vld.idx.msk [tilespmem:v4+s23+$0x0], $0xffff  }
0x37d: {  	v53 =	vld.idx.msk [tilespmem:v5+s23+$0x0], $0xffff  }
0x37e: {  	v54 =	vld.idx.msk [tilespmem:v6+s23+$0x0], $0xffff  }
0x37f: {  	v55 =	vld.idx.msk [tilespmem:v7+s23+$0x0], $0xffff  }
0x380: {  	v24 =	vld.idx.msk [tilespmem:v8+s23+$0x0], $0xffff  }
0x381: {  	v25 =	vld.idx.msk [tilespmem:v9+s23+$0x0], $0xffff  }
0x382: {  	v26 =	vld.idx.msk [tilespmem:v10+s23+$0x0], $0xffff  }
0x383: {  	v27 =	vld.idx.msk [tilespmem:v11+s23+$0x0], $0xffff  }
0x384: {  	v28 =	vld.idx.msk [tilespmem:v12+s23+$0x0], $0xffff  }
0x385: {  	v29 =	vld.idx.msk [tilespmem:v13+s23+$0x0], $0xffff  }
0x386: {  	v30 =	vld.idx.msk [tilespmem:v14+s23+$0x0], $0xffff  }
0x387: {  	v31 =	vld.idx.msk [tilespmem:v15+s23+$0x0], $0xffff;
	_ =	sdelay $0x1  }
0x388: {  	v16 =	vadd.f32 v17, v16;
	v17 =	vadd.f32 v51, v50  }
0x389: {  	v56 =	vadd.f32 v53, v52;
	v57 =	vadd.f32 v55, v54  }
0x38a: {  	v58 =	vadd.f32 v25, v24;
	v59 =	vadd.f32 v27, v26  }
0x38b: {  	v60 =	vadd.f32 v29, v28;
	v61 =	vadd.f32 v31, v30  }
0x38c: {  	v16 =	vadd.f32 v17, v16;
	v17 =	vadd.f32 v57, v56  }
0x38d: {  	v62 =	vadd.f32 v59, v58;
	v63 =	vadd.f32 v61, v60;
	_ =	sdelay $0x1  }
0x38e: {  	v16 =	vadd.f32 v17, v16;
	v17 =	vadd.f32 v63, v62;
	_ =	sdelay $0x1  }
0x38f: {  	v16 =	vadd.f32 v17, v16;
	_ =	sdelay $0x1  }
0x390: {  	v16 =	vadd.f32 v16, v16;
	_ =	sdelay $0x1  }
0x391: {  	v16 =	vadd.f32 $-2.000000000e+00, v16;
	_ =	sdelay $0x1  }
0x392: {  	v16 =	vmul.f32 $1.442695020e+00, v16;
	_ =	sdelay $0x1  }
0x393: {  	(erf) = vpow2.f32 v16;
	_ =	sdelay $0x4  }
0x394: {  	p0 =	sne.s32 s0, $0x4FC0  }
.Ltmp8:
0x395: {  	_ = 	snop;
	(pc) =	sbr.rel @p0 .LBB2_15-.Ltmp8, $3  }
0x396: {  	_ =	sdelay $0x1  }
0x397: {  	v16 =	vpop (erf)  }
0x398: {  	s0 =	sadd.s32 $0x1000, s0;
	[tilespmem:s3+$0x0] =	vst v16;
	s3 =	sadd.s32 $0x10, s3  }
0x399: {  	s29 =	sadd.s32 $0x1, s29  }
0x39a: {  	p0 =	sne.s32 s29, $0x19  }
.Ltmp9:
0x39b: {  	s0 =	sadd.s32 s1, s30;
	(pc) =	sbr.rel @p0 .LBB2_8-.Ltmp9, $4  }
0x39c: {  	[hbm4b:s0+s4] =	stream.linear.scatter [tilespmem:s25], [sflag:$0x3], $0x190, $0x38;
	[tilespmem:$0x119F0] =	vst v63  }
0x39d: {  	_ =	swait.ge [sflag:s14], $0x190  }
0x39e: {  	[sflag:s14] =	ssyncset.done $0x0  }
0x39f: {  	[sflag:s14] =	ssyncadd.s32 $0xFFFFFE70  }
0x3a0: {  	s3 =	rddreg [dreg:$0x5]  }
0x3a1: {  	s0 =	rddreg [dreg:$0x4];
	s3 =	sadd.s32 $0x1, s3  }
0x3a2: {  	p0 =	sne.s32 s3, s0  }
.Ltmp10:
0x3a3: {  	_ = 	snop;
	(pc) =	sbr.rel @p0 .LBB2_1-.Ltmp10, $1  }
0x3a4: {  	_ =	sdelay $0x3  }
0x3a5: {  	_ =	sfence.sel $0x180000  }
0x3a6: {  	[bflag:$0x0] =	sbarrier.arrive $0xFFFF  }
0x3a7: {  	_ =	strace $0x90000047  }
0x3a8: {  	s0 =	stileid.u32;
	[bflag:$0x2] =	sbarrier.arrive $0xFFFF  }
0x3a9: {  	p0 =	sne.s32 s0, $0x0;
	s0 =	rddreg [dreg:$0x3]  }
0x3aa: {  	s0 =	sadd.s32 @!p0 $0x100000, s0  }
0x3ab: {  	[sflag:s0] =	ssyncadd.tile.s32 @!p0 $0x1;
	_ =	shalt  }
.Lfunc_end2:
_tile_overlayer_lowered:
.L_overlay_start_2:
0x3ac: {  	(tag) =	ssettag $0x2  }
0x3ad: {  	s0 =	rddreg [dreg:$0x0];
	s2 =	stileid.u32  }
0x3ae: {  	s1 =	rddreg [dreg:$0x1];
	p0 =	sne.s32 s2, $0x0  }
0x3af: {  	s3 =	rddreg [dreg:$0x2];
	[bflag:$0x3] =	sbarrier.arrive $0xFFFF;
	s2 =	simm.s32 @!p0 $0x1C03  }
0x3b0: {  	[timem:s3], [sflag:s2] =	dma.local @!p0 [hbm:s0], s1  }
0x3b1: {  	s0 =	simm.s32 @!p0 $0x3  }
0x3b2: {  	_ =	swait.ge @!p0 [sflag:s0], s1  }
0x3b3: {  	s1 =	ssub.s32 @!p0 $0x0, s1;
	[sflag:s0] =	ssyncset.done @!p0 $0x0  }
0x3b4: {  	[sflag:s0] =	ssyncadd.s32 @!p0 s1  }
0x3b5: {  	[bflag:$0x3] =	sbarrier.arrive $0xFFFF  }
0x3b6: {  	_ =	shalt  }

</sc_bundles>
